<compile_context>
chip_gen: v7x
topology: tpu7x:2x2x1
jax: 0.10.2.dev20260603
libtpu: 0.0.44.dev20260713+nightly
codegen_flags: <defaults>
</compile_context>

<pallas_src>
import functools

import jax
import jax.numpy as jnp
from jax import lax
from jax.experimental import pallas as pl
from jax.experimental.pallas import tpu as pltpu
from jax.experimental.pallas import tpu_sc as plsc

N = 10000
NP = 10240
C = 128
EP = 331776
CH = 128
L = 16
BN = 1024


def _leaky(v):
    return jnp.where(v >= 0, v, 0.2 * v)


def _make_edge_kernel(heads):
    n_workers = 16 if heads == 2 else 32
    et = EP // n_workers
    n_chunks = et // CH
    rpt = NP // 16

    mesh = plsc.VectorSubcoreMesh(core_axis_name="c", subcore_axis_name="s",
                                  num_cores=2, num_subcores=16)

    @functools.partial(
        pl.kernel, mesh=mesh,
        compiler_params=pltpu.CompilerParams(needs_layout_passes=False),
        out_type=[jax.ShapeDtypeStruct((2 * NP, C), jnp.float32),
                  jax.ShapeDtypeStruct((32 * NP,), jnp.float32)],
        scratch_types=[
            pltpu.VMEM((NP,), jnp.float32),
            pltpu.VMEM((NP,), jnp.float32),
            pltpu.VMEM((NP,), jnp.float32),
            pltpu.VMEM((CH,), jnp.int32),
            pltpu.VMEM((CH,), jnp.int32),
            pltpu.VMEM((CH,), jnp.int32),
            pltpu.VMEM((CH,), jnp.float32),
            pltpu.VMEM((CH, C), jnp.float32),
            pltpu.VMEM_SHARED((NP, C), jnp.float32),
            pltpu.SemaphoreType.DMA,
            pltpu.SemaphoreType.DMA,
        ])
    def edge_kernel(h_hbm, as_hbm, ad_hbm, src_hbm, dst_hbm,
                    acc_hbm, den_hbm,
                    as_v, ad_v, den_v, src_v, dst_v, gidx_v, w_v, rows_v,
                    acc_s, sem_g, sem_s):
        cid = lax.axis_index("c")
        sid = lax.axis_index("s")
        wid = cid * 16 + sid
        if heads == 2:
            hoff = cid * NP
            base_e = sid * et
        else:
            hoff = 0
            base_e = wid * et

        pltpu.sync_copy(as_hbm.at[pl.ds(hoff, NP)], as_v)
        pltpu.sync_copy(ad_hbm.at[pl.ds(hoff, NP)], ad_v)

        zeros16 = jnp.zeros((L,), jnp.float32)

        def zden(j, carry):
            den_v[pl.ds(j * L, L)] = zeros16
            return carry
        lax.fori_loop(0, NP // L, zden, 0)

        def zrow(r, carry):
            for kk in range(C // L):
                rows_v[r, pl.ds(kk * L, L)] = zeros16
            return carry
        lax.fori_loop(0, CH, zrow, 0)

        def zacc(k, carry):
            pltpu.sync_copy(rows_v, acc_s.at[pl.ds(sid * rpt + k * CH, CH)])
            return carry
        lax.fori_loop(0, rpt // CH, zacc, 0)
        plsc.subcore_barrier()

        def mred(j, m):
            return jnp.maximum(m, as_v[pl.ds(j * L, L)])
        mvec = lax.fori_loop(0, NP // L, mred,
                             jnp.full((L,), -1e30, jnp.float32))
        iot = lax.iota(jnp.int32, L)
        w_v[pl.ds(0, L)] = mvec
        for mbit in (1, 2, 4, 8):
            cur = w_v[pl.ds(0, L)]
            part = plsc.load_gather(w_v, [iot ^ mbit])
            w_v[pl.ds(0, L)] = jnp.maximum(cur, part)
        ms = w_v[pl.ds(0, L)]

        def chunk_body(ch, carry):
            be = base_e + ch * CH
            pltpu.sync_copy(src_hbm.at[pl.ds(be, CH)], src_v)
            pltpu.sync_copy(dst_hbm.at[pl.ds(be, CH)], dst_v)
            for j in range(CH // L):
                s16 = src_v[pl.ds(j * L, L)]
                d16 = dst_v[pl.ds(j * L, L)]
                a_s = plsc.load_gather(as_v, [s16])
                a_d = plsc.load_gather(ad_v, [d16])
                w = jnp.exp(_leaky(a_s + a_d) - _leaky(ms + a_d))
                plsc.addupdate_scatter(den_v, [d16], w)
                w_v[pl.ds(j * L, L)] = w
                if heads == 2:
                    gidx_v[pl.ds(j * L, L)] = s16 + hoff
            idx_ref = gidx_v if heads == 2 else src_v
            pltpu.async_copy(h_hbm.at[idx_ref], rows_v, sem_g).wait()

            def scale(gb, c2):
                w16 = w_v[pl.ds(gb * L, L)]
                for r in range(L):
                    wb = w16[r]
                    b = gb * L + r
                    for kk in range(C // L):
                        rows_v[b, pl.ds(kk * L, L)] = rows_v[b, pl.ds(kk * L, L)] * wb
                return c2
            lax.fori_loop(0, CH // L, scale, 0)
            pltpu.async_copy(rows_v, acc_s.at[dst_v], sem_s, add=True).wait()
            return carry
        lax.fori_loop(0, n_chunks, chunk_body, 0)

        plsc.subcore_barrier()
        pltpu.sync_copy(den_v, den_hbm.at[pl.ds(wid * NP, NP)])
        pltpu.sync_copy(acc_s.at[pl.ds(sid * rpt, rpt)],
                        acc_hbm.at[pl.ds(cid * NP + sid * rpt, rpt)])

    return edge_kernel


_edge2 = _make_edge_kernel(2)
_edge1 = _make_edge_kernel(1)


def _prep1_body(x_ref, w_ref, asr_ref, adr_ref, h_ref, as_ref, ad_ref):
    x = x_ref[...]
    h0 = jnp.dot(x, w_ref[:, :C], preferred_element_type=jnp.float32)
    h1 = jnp.dot(x, w_ref[:, C:], preferred_element_type=jnp.float32)
    h_ref[0] = h0
    h_ref[1] = h1
    as_ref[0, :] = jnp.sum(h0 * asr_ref[0][None, :], axis=1)
    as_ref[1, :] = jnp.sum(h1 * asr_ref[1][None, :], axis=1)
    ad_ref[0, :] = jnp.sum(h0 * adr_ref[0][None, :], axis=1)
    ad_ref[1, :] = jnp.sum(h1 * adr_ref[1][None, :], axis=1)


def _prep1(x_pad, W1, a_src1, a_dst1):
    return pl.pallas_call(
        _prep1_body,
        grid=(NP // BN,),
        in_specs=[pl.BlockSpec((BN, C), lambda i: (i, 0)),
                  pl.BlockSpec((C, 2 * C), lambda i: (0, 0)),
                  pl.BlockSpec((2, C), lambda i: (0, 0)),
                  pl.BlockSpec((2, C), lambda i: (0, 0))],
        out_specs=[pl.BlockSpec((2, BN, C), lambda i: (0, i, 0)),
                   pl.BlockSpec((2, BN), lambda i: (0, i)),
                   pl.BlockSpec((2, BN), lambda i: (0, i))],
        out_shape=[jax.ShapeDtypeStruct((2, NP, C), jnp.float32),
                   jax.ShapeDtypeStruct((2, NP), jnp.float32),
                   jax.ShapeDtypeStruct((2, NP), jnp.float32)],
    )(x_pad, W1, a_src1, a_dst1)


def _mid_body(acc_ref, den_ref, b_ref, w_ref, asr_ref, adr_ref,
              h_ref, as_ref, ad_ref):
    d0 = jnp.sum(den_ref[0], axis=0)
    d1 = jnp.sum(den_ref[1], axis=0)
    x0 = jnp.maximum(acc_ref[0] / (d0[:, None] + 1e-16) + b_ref[0, :C][None, :], 0.0)
    x1 = jnp.maximum(acc_ref[1] / (d1[:, None] + 1e-16) + b_ref[0, C:][None, :], 0.0)
    h2 = (jnp.dot(x0, w_ref[:C, :], preferred_element_type=jnp.float32)
          + jnp.dot(x1, w_ref[C:, :], preferred_element_type=jnp.float32))
    h_ref[...] = h2
    as_ref[0, :] = jnp.sum(h2 * asr_ref[0][None, :], axis=1)
    ad_ref[0, :] = jnp.sum(h2 * adr_ref[0][None, :], axis=1)


def _mid(acc1, den1, b1, W2, a_src2, a_dst2):
    return pl.pallas_call(
        _mid_body,
        grid=(NP // BN,),
        in_specs=[pl.BlockSpec((2, BN, C), lambda i: (0, i, 0)),
                  pl.BlockSpec((2, 16, BN), lambda i: (0, 0, i)),
                  pl.BlockSpec((1, 2 * C), lambda i: (0, 0)),
                  pl.BlockSpec((2 * C, C), lambda i: (0, 0)),
                  pl.BlockSpec((1, C), lambda i: (0, 0)),
                  pl.BlockSpec((1, C), lambda i: (0, 0))],
        out_specs=[pl.BlockSpec((BN, C), lambda i: (i, 0)),
                   pl.BlockSpec((1, BN), lambda i: (0, i)),
                   pl.BlockSpec((1, BN), lambda i: (0, i))],
        out_shape=[jax.ShapeDtypeStruct((NP, C), jnp.float32),
                   jax.ShapeDtypeStruct((1, NP), jnp.float32),
                   jax.ShapeDtypeStruct((1, NP), jnp.float32)],
    )(acc1, den1, b1, W2, a_src2, a_dst2)


def _final_body(acc_ref, den_ref, b_ref, wl_ref, bl_ref, out_ref, sum_ref):
    i = pl.program_id(0)

    @pl.when(i == 0)
    def _():
        sum_ref[...] = jnp.zeros_like(sum_ref)

    d = jnp.sum(den_ref[0], axis=0) + jnp.sum(den_ref[1], axis=0)
    h = jnp.maximum((acc_ref[0] + acc_ref[1]) / (d[:, None] + 1e-16)
                    + b_ref[0][None, :], 0.0)
    rid = i * BN + lax.broadcasted_iota(jnp.int32, (BN, 1), 0)
    h = jnp.where(rid < N, h, 0.0)
    sum_ref[...] += jnp.sum(h, axis=0, keepdims=True)

    @pl.when(i == pl.num_programs(0) - 1)
    def _():
        g = sum_ref[...] / N
        g = jnp.dot(g, wl_ref[...], preferred_element_type=jnp.float32) + bl_ref[...]
        nrm = jnp.sqrt(jnp.sum(g * g))
        out_ref[...] = g / jnp.maximum(nrm, 1e-12)


def _final(acc2, den2, b2, Wl, bl):
    return pl.pallas_call(
        _final_body,
        grid=(NP // BN,),
        in_specs=[pl.BlockSpec((2, BN, C), lambda i: (0, i, 0)),
                  pl.BlockSpec((2, 16, BN), lambda i: (0, 0, i)),
                  pl.BlockSpec((1, C), lambda i: (0, 0)),
                  pl.BlockSpec((C, C), lambda i: (0, 0)),
                  pl.BlockSpec((1, C), lambda i: (0, 0))],
        out_specs=pl.BlockSpec((1, C), lambda i: (0, 0)),
        out_shape=jax.ShapeDtypeStruct((1, C), jnp.float32),
        scratch_shapes=[pltpu.VMEM((1, C), jnp.float32)],
    )(acc2, den2, b2, Wl, bl)


def kernel(x, edge_index, W1, a_src1, a_dst1, b1, W2, a_src2, a_dst2, b2, Wl, bl):
    loops = jnp.arange(N, dtype=edge_index.dtype)
    src = jnp.concatenate([edge_index[0], loops])
    dst = jnp.concatenate([edge_index[1], loops])
    pad = EP - src.shape[0]
    src = jnp.concatenate([src, jnp.zeros((pad,), jnp.int32)])
    dst = jnp.concatenate([dst, jnp.full((pad,), N, jnp.int32)])
    x_pad = jnp.pad(x, ((0, NP - N), (0, 0)))

    h_cat, as1, ad1 = _prep1(x_pad, W1, a_src1, a_dst1)
    acc1, den1 = _edge2(h_cat.reshape(2 * NP, C), as1.reshape(-1),
                        ad1.reshape(-1), src, dst)
    h2, as2, ad2 = _mid(acc1.reshape(2, NP, C), den1.reshape(2, 16, NP),
                        b1.reshape(1, -1), W2, a_src2, a_dst2)
    acc2, den2 = _edge1(h2, as2.reshape(-1), ad2.reshape(-1), src, dst)
    out = _final(acc2.reshape(2, NP, C), den2.reshape(2, 16, NP),
                 b2.reshape(1, -1), Wl, bl.reshape(1, -1))
    return out.reshape(C)

# --- scband reference (transcript-rebuilt; emitter-appended) ---
"""Pipeline reference for scband-graph-trans-41669772706028 (READ-ONLY COPY).

The authoritative reference and input builder live on the scoring server;
editing this copy changes nothing except your own understanding.
"""

import jax, jax.numpy as jnp
import numpy as np

N_NODES = 10000
N_EDGES = 320000
IN_DIM = 128
HID = 128
OUT_DIM = 128
HEADS = 2


def setup_inputs(seed: int = 0) -> dict:
    key = jax.random.key(seed)
    ks = jax.random.split(key, 12)
    x = jax.random.normal(ks[0], (N_NODES, IN_DIM), dtype=jnp.float32)
    edge_index = jax.random.randint(ks[1], (2, N_EDGES), 0, N_NODES, dtype=jnp.int32)

    def glorot(k, shape, fan_in):
        return jax.random.normal(k, shape, dtype=jnp.float32) * (1.0 / np.sqrt(fan_in))

    # GATConv 1: in=IN_DIM, out=HID, heads=HEADS, concat=True
    W1 = glorot(ks[2], (IN_DIM, HEADS * HID), IN_DIM)
    a_src1 = glorot(ks[3], (HEADS, HID), HID)
    a_dst1 = glorot(ks[4], (HEADS, HID), HID)
    b1 = jnp.zeros((HEADS * HID,), dtype=jnp.float32)
    # GATConv 2: in=HEADS*HID, out=OUT_DIM, heads=1, concat=True
    W2 = glorot(ks[5], (HEADS * HID, OUT_DIM), HEADS * HID)
    a_src2 = glorot(ks[6], (1, OUT_DIM), OUT_DIM)
    a_dst2 = glorot(ks[7], (1, OUT_DIM), OUT_DIM)
    b2 = jnp.zeros((OUT_DIM,), dtype=jnp.float32)
    # final linear
    Wl = glorot(ks[8], (OUT_DIM, OUT_DIM), OUT_DIM)
    bl = jnp.zeros((OUT_DIM,), dtype=jnp.float32)
    return {"x": x, "edge_index": edge_index, "W1": W1, "a_src1": a_src1,
            "a_dst1": a_dst1, "b1": b1, "W2": W2, "a_src2": a_src2,
            "a_dst2": a_dst2, "b2": b2, "Wl": Wl, "bl": bl}


def gat_conv(x, edge_index, W, a_src, a_dst, bias, heads, out_ch):
    N = x.shape[0]
    loops = jnp.arange(N, dtype=edge_index.dtype)
    src = jnp.concatenate([edge_index[0], loops])
    dst = jnp.concatenate([edge_index[1], loops])
    h = (x @ W).reshape(N, heads, out_ch)
    alpha_src = jnp.sum(h * a_src[None, :, :], axis=-1)  # [N, H]
    alpha_dst = jnp.sum(h * a_dst[None, :, :], axis=-1)  # [N, H]
    e = alpha_src[src] + alpha_dst[dst]                  # [E, H]
    e = jax.nn.leaky_relu(e, 0.2)
    e_max = jax.ops.segment_max(e, dst, num_segments=N)
    e_max = jax.lax.stop_gradient(e_max)
    e_exp = jnp.exp(e - e_max[dst])
    denom = jax.ops.segment_sum(e_exp, dst, num_segments=N)
    alpha = e_exp / (denom[dst] + 1e-16)
    msg = h[src] * alpha[:, :, None]                     # [E, H, C]
    out = jax.ops.segment_sum(msg, dst, num_segments=N)  # [N, H, C]
    out = out.reshape(N, heads * out_ch)
    return out + bias


def reference(x, edge_index, W1, a_src1, a_dst1, b1, W2, a_src2, a_dst2, b2, Wl, bl):
    h = jax.nn.relu(gat_conv(x, edge_index, W1, a_src1, a_dst1, b1, HEADS, HID))
    h = jax.nn.relu(gat_conv(h, edge_index, W2, a_src2, a_dst2, b2, 1, OUT_DIM))
    # global_mean_pool with batch = all zeros -> mean over all nodes -> [1, OUT_DIM]
    g = jnp.mean(h, axis=0, keepdims=True)
    g = g @ Wl + bl
    norm = jnp.maximum(jnp.linalg.norm(g, ord=2, axis=1, keepdims=True), 1e-12)
    g = g / norm
    return g.squeeze(0)

if __name__ == "__main__":
    import jax
    _d = setup_inputs()
    print(jax.jit(kernel)(*tuple(_d.values())))

</pallas_src>

<mosaic_0001>
#map = affine_map<(d0, d1) -> (0, 0)>
#map1 = affine_map<(d0, d1) -> (0)>
module attributes {stable_mosaic.version = 14 : i64} {
  func.func @edge_kernel(%arg0: i32, %arg1: i32, %arg2: memref<20480x128xf32, #tpu.memory_space<hbm>>, %arg3: memref<20480xf32, #tpu.memory_space<hbm>>, %arg4: memref<20480xf32, #tpu.memory_space<hbm>>, %arg5: memref<331776xi32, #tpu.memory_space<hbm>>, %arg6: memref<331776xi32, #tpu.memory_space<hbm>>, %arg7: memref<20480x128xf32, #tpu.memory_space<hbm>>, %arg8: memref<327680xf32, #tpu.memory_space<hbm>>, %arg9: memref<10240xf32, #tpu.memory_space<vmem>>, %arg10: memref<10240xf32, #tpu.memory_space<vmem>>, %arg11: memref<10240xf32, #tpu.memory_space<vmem>>, %arg12: memref<128xi32, #tpu.memory_space<vmem>>, %arg13: memref<128xi32, #tpu.memory_space<vmem>>, %arg14: memref<128xi32, #tpu.memory_space<vmem>>, %arg15: memref<128xf32, #tpu.memory_space<vmem>>, %arg16: memref<128x128xf32, #tpu.memory_space<vmem>>, %arg17: memref<10240x128xf32, #tpu.memory_space<vmem_shared>>, %arg18: memref<!tpu.dma_semaphore, #tpu.memory_space<semaphore_mem>>, %arg19: memref<!tpu.dma_semaphore, #tpu.memory_space<semaphore_mem>>) attributes {dimension_semantics = [#tpu.dimension_semantics<core_parallel>, #tpu.dimension_semantics<subcore_parallel>], iteration_bounds = array<i64: 2, 16>, scalar_prefetch = 0 : i64, scratch_operands = 11 : i64, tpu.core_type = #tpu.core_type<sc_vector_subcore>, window_params = [{transform_indices = #map}, {transform_indices = #map1}, {transform_indices = #map1}, {transform_indices = #map1}, {transform_indices = #map1}, {transform_indices = #map}, {transform_indices = #map1}]} {
    %mul3A = arith.constant 16 : i32
    %mul3A_0 = arith.muli %arg0, %mul3A : i32
    %add3A = arith.addi %mul3A_0, %arg1 : i32
    %mul3A_1 = arith.constant 10240 : i32
    %mul3A_2 = arith.muli %arg0, %mul3A_1 : i32
    %mul3A_3 = arith.constant 20736 : i32
    %mul3A_4 = arith.muli %arg1, %mul3A_3 : i32
    "tpu.region"() ({
      %run_scoped3A = tpu.sem_alloc : memref<!tpu.dma_semaphore, #tpu.memory_space<semaphore_mem>>
      %dma_start3A = tpu.memref_slice %arg3[%mul3A_2] : memref<20480xf32, #tpu.memory_space<hbm>> -> memref<10240xf32, #tpu.memory_space<hbm>>
      %dma_start3A_82 = tpu.memref_slice %arg3[%mul3A_2] : memref<20480xf32, #tpu.memory_space<hbm>> -> memref<10240xf32, #tpu.memory_space<hbm>>
      tpu.enqueue_dma source(%dma_start3A_82 : memref<10240xf32, #tpu.memory_space<hbm>>) target(%arg9 : memref<10240xf32, #tpu.memory_space<vmem>>) target_semaphore(%run_scoped3A : memref<!tpu.dma_semaphore, #tpu.memory_space<semaphore_mem>>)
      %dma_wait3A = tpu.memref_slice %arg3[%mul3A_2] : memref<20480xf32, #tpu.memory_space<hbm>> -> memref<10240xf32, #tpu.memory_space<hbm>>
      %dma_wait3A_83 = tpu.memref_slice %arg3[%mul3A_2] : memref<20480xf32, #tpu.memory_space<hbm>> -> memref<10240xf32, #tpu.memory_space<hbm>>
      tpu.wait_dma2 semaphore(%run_scoped3A : memref<!tpu.dma_semaphore, #tpu.memory_space<semaphore_mem>>) src(%dma_wait3A_83 : memref<10240xf32, #tpu.memory_space<hbm>>) dst(%arg9 : memref<10240xf32, #tpu.memory_space<vmem>>)
      tpu.yield
    }) : () -> ()
    "tpu.region"() ({
      %run_scoped3A = tpu.sem_alloc : memref<!tpu.dma_semaphore, #tpu.memory_space<semaphore_mem>>
      %dma_start3A = tpu.memref_slice %arg4[%mul3A_2] : memref<20480xf32, #tpu.memory_space<hbm>> -> memref<10240xf32, #tpu.memory_space<hbm>>
      %dma_start3A_82 = tpu.memref_slice %arg4[%mul3A_2] : memref<20480xf32, #tpu.memory_space<hbm>> -> memref<10240xf32, #tpu.memory_space<hbm>>
      tpu.enqueue_dma source(%dma_start3A_82 : memref<10240xf32, #tpu.memory_space<hbm>>) target(%arg10 : memref<10240xf32, #tpu.memory_space<vmem>>) target_semaphore(%run_scoped3A : memref<!tpu.dma_semaphore, #tpu.memory_space<semaphore_mem>>)
      %dma_wait3A = tpu.memref_slice %arg4[%mul3A_2] : memref<20480xf32, #tpu.memory_space<hbm>> -> memref<10240xf32, #tpu.memory_space<hbm>>
      %dma_wait3A_83 = tpu.memref_slice %arg4[%mul3A_2] : memref<20480xf32, #tpu.memory_space<hbm>> -> memref<10240xf32, #tpu.memory_space<hbm>>
      tpu.wait_dma2 semaphore(%run_scoped3A : memref<!tpu.dma_semaphore, #tpu.memory_space<semaphore_mem>>) src(%dma_wait3A_83 : memref<10240xf32, #tpu.memory_space<hbm>>) dst(%arg10 : memref<10240xf32, #tpu.memory_space<vmem>>)
      tpu.yield
    }) : () -> ()
    %broadcast_in_dim3A = arith.constant 0.000000e+00 : f32
    %broadcast_in_dim3A_5 = vector.broadcast %broadcast_in_dim3A : f32 to vector<16xf32>
    %scan3A = arith.constant 0 : i32
    %scan3A_6 = arith.constant 0 : i32
    %scan3A_7 = arith.constant 640 : i32
    %scan3A_8 = arith.addi %scan3A_6, %scan3A_7 : i32
    %scan3A_9 = arith.constant 1 : i32
    scf.for %scan3A_82 = %scan3A_6 to %scan3A_8 step %scan3A_9  : i32 {
      %mul3A_83 = arith.constant 16 : i32
      %mul3A_84 = arith.muli %scan3A_82, %mul3A_83 : i32
      %swap3A_85 = arith.index_cast %mul3A_84 : i32 to index
      %swap3A_86 = tpu.vector_load %arg11[%swap3A_85] {strides = array<i32>} : memref<10240xf32, #tpu.memory_space<vmem>>, vector<16xf32>,
      tpu.vector_store %arg11[%swap3A_85], %broadcast_in_dim3A_5 {strides = array<i32>} : memref<10240xf32, #tpu.memory_space<vmem>>, vector<16xf32>,
    }
    %scan3A_10 = arith.constant 640 : i32
    %scan3A_11 = arith.constant 0 : i32
    %scan3A_12 = arith.constant 0 : i32
    %scan3A_13 = arith.constant 128 : i32
    %scan3A_14 = arith.addi %scan3A_12, %scan3A_13 : i32
    %scan3A_15 = arith.constant 1 : i32
    scf.for %scan3A_82 = %scan3A_12 to %scan3A_14 step %scan3A_15  : i32 {
      %swap3A_83 = arith.index_cast %scan3A_82 : i32 to index
      %swap3A_84 = arith.constant 0 : index
      %swap3A_85 = tpu.vector_load %arg16[%swap3A_83, %swap3A_84] {strides = array<i32>} : memref<128x128xf32, #tpu.memory_space<vmem>>, vector<16xf32>,
      tpu.vector_store %arg16[%swap3A_83, %swap3A_84], %broadcast_in_dim3A_5 {strides = array<i32>} : memref<128x128xf32, #tpu.memory_space<vmem>>, vector<16xf32>,
      %swap3A_86 = arith.index_cast %scan3A_82 : i32 to index
      %swap3A_87 = arith.constant 16 : index
      %swap3A_88 = tpu.vector_load %arg16[%swap3A_86, %swap3A_87] {strides = array<i32>} : memref<128x128xf32, #tpu.memory_space<vmem>>, vector<16xf32>,
      tpu.vector_store %arg16[%swap3A_86, %swap3A_87], %broadcast_in_dim3A_5 {strides = array<i32>} : memref<128x128xf32, #tpu.memory_space<vmem>>, vector<16xf32>,
      %swap3A_89 = arith.index_cast %scan3A_82 : i32 to index
      %swap3A_90 = arith.constant 32 : index
      %swap3A_91 = tpu.vector_load %arg16[%swap3A_89, %swap3A_90] {strides = array<i32>} : memref<128x128xf32, #tpu.memory_space<vmem>>, vector<16xf32>,
      tpu.vector_store %arg16[%swap3A_89, %swap3A_90], %broadcast_in_dim3A_5 {strides = array<i32>} : memref<128x128xf32, #tpu.memory_space<vmem>>, vector<16xf32>,
      %swap3A_92 = arith.index_cast %scan3A_82 : i32 to index
      %swap3A_93 = arith.constant 48 : index
      %swap3A_94 = tpu.vector_load %arg16[%swap3A_92, %swap3A_93] {strides = array<i32>} : memref<128x128xf32, #tpu.memory_space<vmem>>, vector<16xf32>,
      tpu.vector_store %arg16[%swap3A_92, %swap3A_93], %broadcast_in_dim3A_5 {strides = array<i32>} : memref<128x128xf32, #tpu.memory_space<vmem>>, vector<16xf32>,
      %swap3A_95 = arith.index_cast %scan3A_82 : i32 to index
      %swap3A_96 = arith.constant 64 : index
      %swap3A_97 = tpu.vector_load %arg16[%swap3A_95, %swap3A_96] {strides = array<i32>} : memref<128x128xf32, #tpu.memory_space<vmem>>, vector<16xf32>,
      tpu.vector_store %arg16[%swap3A_95, %swap3A_96], %broadcast_in_dim3A_5 {strides = array<i32>} : memref<128x128xf32, #tpu.memory_space<vmem>>, vector<16xf32>,
      %swap3A_98 = arith.index_cast %scan3A_82 : i32 to index
      %swap3A_99 = arith.constant 80 : index
      %swap3A_100 = tpu.vector_load %arg16[%swap3A_98, %swap3A_99] {strides = array<i32>} : memref<128x128xf32, #tpu.memory_space<vmem>>, vector<16xf32>,
      tpu.vector_store %arg16[%swap3A_98, %swap3A_99], %broadcast_in_dim3A_5 {strides = array<i32>} : memref<128x128xf32, #tpu.memory_space<vmem>>, vector<16xf32>,
      %swap3A_101 = arith.index_cast %scan3A_82 : i32 to index
      %swap3A_102 = arith.constant 96 : index
      %swap3A_103 = tpu.vector_load %arg16[%swap3A_101, %swap3A_102] {strides = array<i32>} : memref<128x128xf32, #tpu.memory_space<vmem>>, vector<16xf32>,
      tpu.vector_store %arg16[%swap3A_101, %swap3A_102], %broadcast_in_dim3A_5 {strides = array<i32>} : memref<128x128xf32, #tpu.memory_space<vmem>>, vector<16xf32>,
      %swap3A_104 = arith.index_cast %scan3A_82 : i32 to index
      %swap3A_105 = arith.constant 112 : index
      %swap3A_106 = tpu.vector_load %arg16[%swap3A_104, %swap3A_105] {strides = array<i32>} : memref<128x128xf32, #tpu.memory_space<vmem>>, vector<16xf32>,
      tpu.vector_store %arg16[%swap3A_104, %swap3A_105], %broadcast_in_dim3A_5 {strides = array<i32>} : memref<128x128xf32, #tpu.memory_space<vmem>>, vector<16xf32>,
    }
    %scan3A_16 = arith.constant 128 : i32
    %scan3A_17 = arith.constant 0 : i32
    %scan3A_18 = arith.constant 0 : i32
    %scan3A_19 = arith.constant 5 : i32
    %scan3A_20 = arith.addi %scan3A_18, %scan3A_19 : i32
    %scan3A_21 = arith.constant 1 : i32
    scf.for %scan3A_82 = %scan3A_18 to %scan3A_20 step %scan3A_21  : i32 {
      %mul3A_83 = arith.constant 640 : i32
      %mul3A_84 = arith.muli %arg1, %mul3A_83 : i32
      %mul3A_85 = arith.constant 128 : i32
      %mul3A_86 = arith.muli %scan3A_82, %mul3A_85 : i32
      %add3A_87 = arith.addi %mul3A_84, %mul3A_86 : i32
      "tpu.region"() ({
        %run_scoped3A = tpu.sem_alloc : memref<!tpu.dma_semaphore, #tpu.memory_space<semaphore_mem>>
        %dma_start3A = arith.constant 0 : i32
        %dma_start3A_88 = tpu.memref_slice %arg17[%add3A_87, %dma_start3A] : memref<10240x128xf32, #tpu.memory_space<vmem_shared>> -> memref<128x128xf32, #tpu.memory_space<vmem_shared>>
        %dma_start3A_89 = arith.constant 0 : i32
        %dma_start3A_90 = tpu.memref_slice %arg17[%add3A_87, %dma_start3A_89] : memref<10240x128xf32, #tpu.memory_space<vmem_shared>> -> memref<128x128xf32, #tpu.memory_space<vmem_shared>>
        tpu.enqueue_dma source(%arg16 : memref<128x128xf32, #tpu.memory_space<vmem>>) target(%dma_start3A_90 : memref<128x128xf32, #tpu.memory_space<vmem_shared>>) target_semaphore(%run_scoped3A : memref<!tpu.dma_semaphore, #tpu.memory_space<semaphore_mem>>)
        %dma_wait3A = arith.constant 0 : i32
        %dma_wait3A_91 = tpu.memref_slice %arg17[%add3A_87, %dma_wait3A] : memref<10240x128xf32, #tpu.memory_space<vmem_shared>> -> memref<128x128xf32, #tpu.memory_space<vmem_shared>>
        %dma_wait3A_92 = arith.constant 0 : i32
        %dma_wait3A_93 = tpu.memref_slice %arg17[%add3A_87, %dma_wait3A_92] : memref<10240x128xf32, #tpu.memory_space<vmem_shared>> -> memref<128x128xf32, #tpu.memory_space<vmem_shared>>
        tpu.wait_dma2 semaphore(%run_scoped3A : memref<!tpu.dma_semaphore, #tpu.memory_space<semaphore_mem>>) src(%arg16 : memref<128x128xf32, #tpu.memory_space<vmem>>) dst(%dma_wait3A_93 : memref<128x128xf32, #tpu.memory_space<vmem_shared>>)
        tpu.yield
      }) : () -> ()
    }
    %scan3A_22 = arith.constant 5 : i32
    %barrier3A = arith.constant 0 : index
    tpu.barrier barrier_id(%barrier3A)
    %broadcast_in_dim3A_23 = arith.constant -1.000000e+30 : f32
    %broadcast_in_dim3A_24 = vector.broadcast %broadcast_in_dim3A_23 : f32 to vector<16xf32>
    %scan3A_25 = arith.constant 0 : i32
    %scan3A_26 = arith.constant 640 : i32
    %scan3A_27 = arith.addi %scan3A_25, %scan3A_26 : i32
    %scan3A_28 = arith.constant 1 : i32
    %scan3A_29 = scf.for %scan3A_82 = %scan3A_25 to %scan3A_27 step %scan3A_28 iter_args(%scan3A_83 = %broadcast_in_dim3A_24) -> (vector<16xf32>)  : i32 {
      %mul3A_84 = arith.constant 16 : i32
      %mul3A_85 = arith.muli %scan3A_82, %mul3A_84 : i32
      %get3A_86 = arith.index_cast %mul3A_85 : i32 to index
      %get3A_87 = tpu.vector_load %arg9[%get3A_86] {strides = array<i32>} : memref<10240xf32, #tpu.memory_space<vmem>>, vector<16xf32>,
      %max3A_88 = arith.maximumf %scan3A_83, %get3A_87 : vector<16xf32>
      scf.yield %max3A_88 : vector<16xf32>
    }
    %scan3A_30 = arith.constant 640 : i32
    %iota3A = tpu.iota {dimensions = array<i32: 0>} : vector<16xi32>
    %swap3A = arith.constant 0 : index
    %swap3A_31 = tpu.vector_load %arg15[%swap3A] {strides = array<i32>} : memref<128xf32, #tpu.memory_space<vmem>>, vector<16xf32>,
    tpu.vector_store %arg15[%swap3A], %scan3A_29 {strides = array<i32>} : memref<128xf32, #tpu.memory_space<vmem>>, vector<16xf32>,
    %get3A = arith.constant 0 : index
    %get3A_32 = tpu.vector_load %arg15[%get3A] {strides = array<i32>} : memref<128xf32, #tpu.memory_space<vmem>>, vector<16xf32>,
    %xor3A = arith.constant 1 : i32
    %xor3A_33 = vector.broadcast %xor3A : i32 to vector<16xi32>
    %xor3A_34 = arith.xori %iota3A, %xor3A_33 : vector<16xi32>
    %gather3A = tpu.vector_load_idx %arg15[%xor3A_34] : memref<128xf32, #tpu.memory_space<vmem>>[vector<16xi32>], vector<16xf32>,
    %max3A = arith.maximumf %get3A_32, %gather3A : vector<16xf32>
    %swap3A_35 = arith.constant 0 : index
    %swap3A_36 = tpu.vector_load %arg15[%swap3A_35] {strides = array<i32>} : memref<128xf32, #tpu.memory_space<vmem>>, vector<16xf32>,
    tpu.vector_store %arg15[%swap3A_35], %max3A {strides = array<i32>} : memref<128xf32, #tpu.memory_space<vmem>>, vector<16xf32>,
    %get3A_37 = arith.constant 0 : index
    %get3A_38 = tpu.vector_load %arg15[%get3A_37] {strides = array<i32>} : memref<128xf32, #tpu.memory_space<vmem>>, vector<16xf32>,
    %xor3A_39 = arith.constant 2 : i32
    %xor3A_40 = vector.broadcast %xor3A_39 : i32 to vector<16xi32>
    %xor3A_41 = arith.xori %iota3A, %xor3A_40 : vector<16xi32>
    %gather3A_42 = tpu.vector_load_idx %arg15[%xor3A_41] : memref<128xf32, #tpu.memory_space<vmem>>[vector<16xi32>], vector<16xf32>,
    %max3A_43 = arith.maximumf %get3A_38, %gather3A_42 : vector<16xf32>
    %swap3A_44 = arith.constant 0 : index
    %swap3A_45 = tpu.vector_load %arg15[%swap3A_44] {strides = array<i32>} : memref<128xf32, #tpu.memory_space<vmem>>, vector<16xf32>,
    tpu.vector_store %arg15[%swap3A_44], %max3A_43 {strides = array<i32>} : memref<128xf32, #tpu.memory_space<vmem>>, vector<16xf32>,
    %get3A_46 = arith.constant 0 : index
    %get3A_47 = tpu.vector_load %arg15[%get3A_46] {strides = array<i32>} : memref<128xf32, #tpu.memory_space<vmem>>, vector<16xf32>,
    %xor3A_48 = arith.constant 4 : i32
    %xor3A_49 = vector.broadcast %xor3A_48 : i32 to vector<16xi32>
    %xor3A_50 = arith.xori %iota3A, %xor3A_49 : vector<16xi32>
    %gather3A_51 = tpu.vector_load_idx %arg15[%xor3A_50] : memref<128xf32, #tpu.memory_space<vmem>>[vector<16xi32>], vector<16xf32>,
    %max3A_52 = arith.maximumf %get3A_47, %gather3A_51 : vector<16xf32>
    %swap3A_53 = arith.constant 0 : index
    %swap3A_54 = tpu.vector_load %arg15[%swap3A_53] {strides = array<i32>} : memref<128xf32, #tpu.memory_space<vmem>>, vector<16xf32>,
    tpu.vector_store %arg15[%swap3A_53], %max3A_52 {strides = array<i32>} : memref<128xf32, #tpu.memory_space<vmem>>, vector<16xf32>,
    %get3A_55 = arith.constant 0 : index
    %get3A_56 = tpu.vector_load %arg15[%get3A_55] {strides = array<i32>} : memref<128xf32, #tpu.memory_space<vmem>>, vector<16xf32>,
    %xor3A_57 = arith.constant 8 : i32
    %xor3A_58 = vector.broadcast %xor3A_57 : i32 to vector<16xi32>
    %xor3A_59 = arith.xori %iota3A, %xor3A_58 : vector<16xi32>
    %gather3A_60 = tpu.vector_load_idx %arg15[%xor3A_59] : memref<128xf32, #tpu.memory_space<vmem>>[vector<16xi32>], vector<16xf32>,
    %max3A_61 = arith.maximumf %get3A_56, %gather3A_60 : vector<16xf32>
    %swap3A_62 = arith.constant 0 : index
    %swap3A_63 = tpu.vector_load %arg15[%swap3A_62] {strides = array<i32>} : memref<128xf32, #tpu.memory_space<vmem>>, vector<16xf32>,
    tpu.vector_store %arg15[%swap3A_62], %max3A_61 {strides = array<i32>} : memref<128xf32, #tpu.memory_space<vmem>>, vector<16xf32>,
    %get3A_64 = arith.constant 0 : index
    %get3A_65 = tpu.vector_load %arg15[%get3A_64] {strides = array<i32>} : memref<128xf32, #tpu.memory_space<vmem>>, vector<16xf32>,
    %scan3A_66 = arith.constant 0 : i32
    %scan3A_67 = arith.constant 0 : i32
    %scan3A_68 = arith.constant 162 : i32
    %scan3A_69 = arith.addi %scan3A_67, %scan3A_68 : i32
    %scan3A_70 = arith.constant 1 : i32
    scf.for %scan3A_82 = %scan3A_67 to %scan3A_69 step %scan3A_70  : i32 {
      %mul3A_83 = arith.constant 128 : i32
      %mul3A_84 = arith.muli %scan3A_82, %mul3A_83 : i32
      %add3A_85 = arith.addi %mul3A_4, %mul3A_84 : i32
      "tpu.region"() ({
        %run_scoped3A = tpu.sem_alloc : memref<!tpu.dma_semaphore, #tpu.memory_space<semaphore_mem>>
        %dma_start3A_338 = tpu.memref_slice %arg5[%add3A_85] : memref<331776xi32, #tpu.memory_space<hbm>> -> memref<128xi32, #tpu.memory_space<hbm>>
        %dma_start3A_339 = tpu.memref_slice %arg5[%add3A_85] : memref<331776xi32, #tpu.memory_space<hbm>> -> memref<128xi32, #tpu.memory_space<hbm>>
        tpu.enqueue_dma source(%dma_start3A_339 : memref<128xi32, #tpu.memory_space<hbm>>) target(%arg12 : memref<128xi32, #tpu.memory_space<vmem>>) target_semaphore(%run_scoped3A : memref<!tpu.dma_semaphore, #tpu.memory_space<semaphore_mem>>)
        %dma_wait3A_340 = tpu.memref_slice %arg5[%add3A_85] : memref<331776xi32, #tpu.memory_space<hbm>> -> memref<128xi32, #tpu.memory_space<hbm>>
        %dma_wait3A_341 = tpu.memref_slice %arg5[%add3A_85] : memref<331776xi32, #tpu.memory_space<hbm>> -> memref<128xi32, #tpu.memory_space<hbm>>
        tpu.wait_dma2 semaphore(%run_scoped3A : memref<!tpu.dma_semaphore, #tpu.memory_space<semaphore_mem>>) src(%dma_wait3A_341 : memref<128xi32, #tpu.memory_space<hbm>>) dst(%arg12 : memref<128xi32, #tpu.memory_space<vmem>>)
        tpu.yield
      }) : () -> ()
      "tpu.region"() ({
        %run_scoped3A = tpu.sem_alloc : memref<!tpu.dma_semaphore, #tpu.memory_space<semaphore_mem>>
        %dma_start3A_338 = tpu.memref_slice %arg6[%add3A_85] : memref<331776xi32, #tpu.memory_space<hbm>> -> memref<128xi32, #tpu.memory_space<hbm>>
        %dma_start3A_339 = tpu.memref_slice %arg6[%add3A_85] : memref<331776xi32, #tpu.memory_space<hbm>> -> memref<128xi32, #tpu.memory_space<hbm>>
        tpu.enqueue_dma source(%dma_start3A_339 : memref<128xi32, #tpu.memory_space<hbm>>) target(%arg13 : memref<128xi32, #tpu.memory_space<vmem>>) target_semaphore(%run_scoped3A : memref<!tpu.dma_semaphore, #tpu.memory_space<semaphore_mem>>)
        %dma_wait3A_340 = tpu.memref_slice %arg6[%add3A_85] : memref<331776xi32, #tpu.memory_space<hbm>> -> memref<128xi32, #tpu.memory_space<hbm>>
        %dma_wait3A_341 = tpu.memref_slice %arg6[%add3A_85] : memref<331776xi32, #tpu.memory_space<hbm>> -> memref<128xi32, #tpu.memory_space<hbm>>
        tpu.wait_dma2 semaphore(%run_scoped3A : memref<!tpu.dma_semaphore, #tpu.memory_space<semaphore_mem>>) src(%dma_wait3A_341 : memref<128xi32, #tpu.memory_space<hbm>>) dst(%arg13 : memref<128xi32, #tpu.memory_space<vmem>>)
        tpu.yield
      }) : () -> ()
      %get3A_86 = arith.constant 0 : index
      %get3A_87 = tpu.vector_load %arg12[%get3A_86] {strides = array<i32>} : memref<128xi32, #tpu.memory_space<vmem>>, vector<16xi32>,
      %get3A_88 = arith.constant 0 : index
      %get3A_89 = tpu.vector_load %arg13[%get3A_88] {strides = array<i32>} : memref<128xi32, #tpu.memory_space<vmem>>, vector<16xi32>,
      %gather3A_90 = tpu.vector_load_idx %arg9[%get3A_87] : memref<10240xf32, #tpu.memory_space<vmem>>[vector<16xi32>], vector<16xf32>,
      %gather3A_91 = tpu.vector_load_idx %arg10[%get3A_89] : memref<10240xf32, #tpu.memory_space<vmem>>[vector<16xi32>], vector<16xf32>,
      %add3A_92 = arith.addf %gather3A_90, %gather3A_91 : vector<16xf32>
      %ge3A = arith.constant 0.000000e+00 : f32
      %ge3A_93 = vector.broadcast %ge3A : f32 to vector<16xf32>
      %ge3A_94 = arith.cmpf oge, %add3A_92, %ge3A_93 : vector<16xf32>
      %mul3A_95 = arith.constant 2.000000e-01 : f32
      %mul3A_96 = vector.broadcast %mul3A_95 : f32 to vector<16xf32>
      %mul3A_97 = arith.mulf %mul3A_96, %add3A_92 : vector<16xf32>
      %select_n3A = arith.select %ge3A_94, %add3A_92, %mul3A_97 : vector<16xi1>, vector<16xf32>
      %add3A_98 = arith.addf %get3A_65, %gather3A_91 : vector<16xf32>
      %ge3A_99 = arith.constant 0.000000e+00 : f32
      %ge3A_100 = vector.broadcast %ge3A_99 : f32 to vector<16xf32>
      %ge3A_101 = arith.cmpf oge, %add3A_98, %ge3A_100 : vector<16xf32>
      %mul3A_102 = arith.constant 2.000000e-01 : f32
      %mul3A_103 = vector.broadcast %mul3A_102 : f32 to vector<16xf32>
      %mul3A_104 = arith.mulf %mul3A_103, %add3A_98 : vector<16xf32>
      %select_n3A_105 = arith.select %ge3A_101, %add3A_98, %mul3A_104 : vector<16xi1>, vector<16xf32>
      %sub3A = arith.subf %select_n3A, %select_n3A_105 : vector<16xf32>
      %exp3A = math.exp %sub3A : vector<16xf32>
      tpu.vector_store_idx %arg11[%get3A_89], %exp3A {add = true} : memref<10240xf32, #tpu.memory_space<vmem>>[vector<16xi32>], vector<16xf32>,
      %swap3A_106 = arith.constant 0 : index
      %swap3A_107 = tpu.vector_load %arg15[%swap3A_106] {strides = array<i32>} : memref<128xf32, #tpu.memory_space<vmem>>, vector<16xf32>,
      tpu.vector_store %arg15[%swap3A_106], %exp3A {strides = array<i32>} : memref<128xf32, #tpu.memory_space<vmem>>, vector<16xf32>,
      %add3A_108 = vector.broadcast %mul3A_2 : i32 to vector<16xi32>
      %add3A_109 = arith.addi %get3A_87, %add3A_108 : vector<16xi32>
      %swap3A_110 = arith.constant 0 : index
      %swap3A_111 = tpu.vector_load %arg14[%swap3A_110] {strides = array<i32>} : memref<128xi32, #tpu.memory_space<vmem>>, vector<16xi32>,
      tpu.vector_store %arg14[%swap3A_110], %add3A_109 {strides = array<i32>} : memref<128xi32, #tpu.memory_space<vmem>>, vector<16xi32>,
      %get3A_112 = arith.constant 16 : index
      %get3A_113 = tpu.vector_load %arg12[%get3A_112] {strides = array<i32>} : memref<128xi32, #tpu.memory_space<vmem>>, vector<16xi32>,
      %get3A_114 = arith.constant 16 : index
      %get3A_115 = tpu.vector_load %arg13[%get3A_114] {strides = array<i32>} : memref<128xi32, #tpu.memory_space<vmem>>, vector<16xi32>,
      %gather3A_116 = tpu.vector_load_idx %arg9[%get3A_113] : memref<10240xf32, #tpu.memory_space<vmem>>[vector<16xi32>], vector<16xf32>,
      %gather3A_117 = tpu.vector_load_idx %arg10[%get3A_115] : memref<10240xf32, #tpu.memory_space<vmem>>[vector<16xi32>], vector<16xf32>,
      %add3A_118 = arith.addf %gather3A_116, %gather3A_117 : vector<16xf32>
      %ge3A_119 = arith.constant 0.000000e+00 : f32
      %ge3A_120 = vector.broadcast %ge3A_119 : f32 to vector<16xf32>
      %ge3A_121 = arith.cmpf oge, %add3A_118, %ge3A_120 : vector<16xf32>
      %mul3A_122 = arith.constant 2.000000e-01 : f32
      %mul3A_123 = vector.broadcast %mul3A_122 : f32 to vector<16xf32>
      %mul3A_124 = arith.mulf %mul3A_123, %add3A_118 : vector<16xf32>
      %select_n3A_125 = arith.select %ge3A_121, %add3A_118, %mul3A_124 : vector<16xi1>, vector<16xf32>
      %add3A_126 = arith.addf %get3A_65, %gather3A_117 : vector<16xf32>
      %ge3A_127 = arith.constant 0.000000e+00 : f32
      %ge3A_128 = vector.broadcast %ge3A_127 : f32 to vector<16xf32>
      %ge3A_129 = arith.cmpf oge, %add3A_126, %ge3A_128 : vector<16xf32>
      %mul3A_130 = arith.constant 2.000000e-01 : f32
      %mul3A_131 = vector.broadcast %mul3A_130 : f32 to vector<16xf32>
      %mul3A_132 = arith.mulf %mul3A_131, %add3A_126 : vector<16xf32>
      %select_n3A_133 = arith.select %ge3A_129, %add3A_126, %mul3A_132 : vector<16xi1>, vector<16xf32>
      %sub3A_134 = arith.subf %select_n3A_125, %select_n3A_133 : vector<16xf32>
      %exp3A_135 = math.exp %sub3A_134 : vector<16xf32>
      tpu.vector_store_idx %arg11[%get3A_115], %exp3A_135 {add = true} : memref<10240xf32, #tpu.memory_space<vmem>>[vector<16xi32>], vector<16xf32>,
      %swap3A_136 = arith.constant 16 : index
      %swap3A_137 = tpu.vector_load %arg15[%swap3A_136] {strides = array<i32>} : memref<128xf32, #tpu.memory_space<vmem>>, vector<16xf32>,
      tpu.vector_store %arg15[%swap3A_136], %exp3A_135 {strides = array<i32>} : memref<128xf32, #tpu.memory_space<vmem>>, vector<16xf32>,
      %add3A_138 = vector.broadcast %mul3A_2 : i32 to vector<16xi32>
      %add3A_139 = arith.addi %get3A_113, %add3A_138 : vector<16xi32>
      %swap3A_140 = arith.constant 16 : index
      %swap3A_141 = tpu.vector_load %arg14[%swap3A_140] {strides = array<i32>} : memref<128xi32, #tpu.memory_space<vmem>>, vector<16xi32>,
      tpu.vector_store %arg14[%swap3A_140], %add3A_139 {strides = array<i32>} : memref<128xi32, #tpu.memory_space<vmem>>, vector<16xi32>,
      %get3A_142 = arith.constant 32 : index
      %get3A_143 = tpu.vector_load %arg12[%get3A_142] {strides = array<i32>} : memref<128xi32, #tpu.memory_space<vmem>>, vector<16xi32>,
      %get3A_144 = arith.constant 32 : index
      %get3A_145 = tpu.vector_load %arg13[%get3A_144] {strides = array<i32>} : memref<128xi32, #tpu.memory_space<vmem>>, vector<16xi32>,
      %gather3A_146 = tpu.vector_load_idx %arg9[%get3A_143] : memref<10240xf32, #tpu.memory_space<vmem>>[vector<16xi32>], vector<16xf32>,
      %gather3A_147 = tpu.vector_load_idx %arg10[%get3A_145] : memref<10240xf32, #tpu.memory_space<vmem>>[vector<16xi32>], vector<16xf32>,
      %add3A_148 = arith.addf %gather3A_146, %gather3A_147 : vector<16xf32>
      %ge3A_149 = arith.constant 0.000000e+00 : f32
      %ge3A_150 = vector.broadcast %ge3A_149 : f32 to vector<16xf32>
      %ge3A_151 = arith.cmpf oge, %add3A_148, %ge3A_150 : vector<16xf32>
      %mul3A_152 = arith.constant 2.000000e-01 : f32
      %mul3A_153 = vector.broadcast %mul3A_152 : f32 to vector<16xf32>
      %mul3A_154 = arith.mulf %mul3A_153, %add3A_148 : vector<16xf32>
      %select_n3A_155 = arith.select %ge3A_151, %add3A_148, %mul3A_154 : vector<16xi1>, vector<16xf32>
      %add3A_156 = arith.addf %get3A_65, %gather3A_147 : vector<16xf32>
      %ge3A_157 = arith.constant 0.000000e+00 : f32
      %ge3A_158 = vector.broadcast %ge3A_157 : f32 to vector<16xf32>
      %ge3A_159 = arith.cmpf oge, %add3A_156, %ge3A_158 : vector<16xf32>
      %mul3A_160 = arith.constant 2.000000e-01 : f32
      %mul3A_161 = vector.broadcast %mul3A_160 : f32 to vector<16xf32>
      %mul3A_162 = arith.mulf %mul3A_161, %add3A_156 : vector<16xf32>
      %select_n3A_163 = arith.select %ge3A_159, %add3A_156, %mul3A_162 : vector<16xi1>, vector<16xf32>
      %sub3A_164 = arith.subf %select_n3A_155, %select_n3A_163 : vector<16xf32>
      %exp3A_165 = math.exp %sub3A_164 : vector<16xf32>
      tpu.vector_store_idx %arg11[%get3A_145], %exp3A_165 {add = true} : memref<10240xf32, #tpu.memory_space<vmem>>[vector<16xi32>], vector<16xf32>,
      %swap3A_166 = arith.constant 32 : index
      %swap3A_167 = tpu.vector_load %arg15[%swap3A_166] {strides = array<i32>} : memref<128xf32, #tpu.memory_space<vmem>>, vector<16xf32>,
      tpu.vector_store %arg15[%swap3A_166], %exp3A_165 {strides = array<i32>} : memref<128xf32, #tpu.memory_space<vmem>>, vector<16xf32>,
      %add3A_168 = vector.broadcast %mul3A_2 : i32 to vector<16xi32>
      %add3A_169 = arith.addi %get3A_143, %add3A_168 : vector<16xi32>
      %swap3A_170 = arith.constant 32 : index
      %swap3A_171 = tpu.vector_load %arg14[%swap3A_170] {strides = array<i32>} : memref<128xi32, #tpu.memory_space<vmem>>, vector<16xi32>,
      tpu.vector_store %arg14[%swap3A_170], %add3A_169 {strides = array<i32>} : memref<128xi32, #tpu.memory_space<vmem>>, vector<16xi32>,
      %get3A_172 = arith.constant 48 : index
      %get3A_173 = tpu.vector_load %arg12[%get3A_172] {strides = array<i32>} : memref<128xi32, #tpu.memory_space<vmem>>, vector<16xi32>,
      %get3A_174 = arith.constant 48 : index
      %get3A_175 = tpu.vector_load %arg13[%get3A_174] {strides = array<i32>} : memref<128xi32, #tpu.memory_space<vmem>>, vector<16xi32>,
      %gather3A_176 = tpu.vector_load_idx %arg9[%get3A_173] : memref<10240xf32, #tpu.memory_space<vmem>>[vector<16xi32>], vector<16xf32>,
      %gather3A_177 = tpu.vector_load_idx %arg10[%get3A_175] : memref<10240xf32, #tpu.memory_space<vmem>>[vector<16xi32>], vector<16xf32>,
      %add3A_178 = arith.addf %gather3A_176, %gather3A_177 : vector<16xf32>
      %ge3A_179 = arith.constant 0.000000e+00 : f32
      %ge3A_180 = vector.broadcast %ge3A_179 : f32 to vector<16xf32>
      %ge3A_181 = arith.cmpf oge, %add3A_178, %ge3A_180 : vector<16xf32>
      %mul3A_182 = arith.constant 2.000000e-01 : f32
      %mul3A_183 = vector.broadcast %mul3A_182 : f32 to vector<16xf32>
      %mul3A_184 = arith.mulf %mul3A_183, %add3A_178 : vector<16xf32>
      %select_n3A_185 = arith.select %ge3A_181, %add3A_178, %mul3A_184 : vector<16xi1>, vector<16xf32>
      %add3A_186 = arith.addf %get3A_65, %gather3A_177 : vector<16xf32>
      %ge3A_187 = arith.constant 0.000000e+00 : f32
      %ge3A_188 = vector.broadcast %ge3A_187 : f32 to vector<16xf32>
      %ge3A_189 = arith.cmpf oge, %add3A_186, %ge3A_188 : vector<16xf32>
      %mul3A_190 = arith.constant 2.000000e-01 : f32
      %mul3A_191 = vector.broadcast %mul3A_190 : f32 to vector<16xf32>
      %mul3A_192 = arith.mulf %mul3A_191, %add3A_186 : vector<16xf32>
      %select_n3A_193 = arith.select %ge3A_189, %add3A_186, %mul3A_192 : vector<16xi1>, vector<16xf32>
      %sub3A_194 = arith.subf %select_n3A_185, %select_n3A_193 : vector<16xf32>
      %exp3A_195 = math.exp %sub3A_194 : vector<16xf32>
      tpu.vector_store_idx %arg11[%get3A_175], %exp3A_195 {add = true} : memref<10240xf32, #tpu.memory_space<vmem>>[vector<16xi32>], vector<16xf32>,
      %swap3A_196 = arith.constant 48 : index
      %swap3A_197 = tpu.vector_load %arg15[%swap3A_196] {strides = array<i32>} : memref<128xf32, #tpu.memory_space<vmem>>, vector<16xf32>,
      tpu.vector_store %arg15[%swap3A_196], %exp3A_195 {strides = array<i32>} : memref<128xf32, #tpu.memory_space<vmem>>, vector<16xf32>,
      %add3A_198 = vector.broadcast %mul3A_2 : i32 to vector<16xi32>
      %add3A_199 = arith.addi %get3A_173, %add3A_198 : vector<16xi32>
      %swap3A_200 = arith.constant 48 : index
      %swap3A_201 = tpu.vector_load %arg14[%swap3A_200] {strides = array<i32>} : memref<128xi32, #tpu.memory_space<vmem>>, vector<16xi32>,
      tpu.vector_store %arg14[%swap3A_200], %add3A_199 {strides = array<i32>} : memref<128xi32, #tpu.memory_space<vmem>>, vector<16xi32>,
      %get3A_202 = arith.constant 64 : index
      %get3A_203 = tpu.vector_load %arg12[%get3A_202] {strides = array<i32>} : memref<128xi32, #tpu.memory_space<vmem>>, vector<16xi32>,
      %get3A_204 = arith.constant 64 : index
      %get3A_205 = tpu.vector_load %arg13[%get3A_204] {strides = array<i32>} : memref<128xi32, #tpu.memory_space<vmem>>, vector<16xi32>,
      %gather3A_206 = tpu.vector_load_idx %arg9[%get3A_203] : memref<10240xf32, #tpu.memory_space<vmem>>[vector<16xi32>], vector<16xf32>,
      %gather3A_207 = tpu.vector_load_idx %arg10[%get3A_205] : memref<10240xf32, #tpu.memory_space<vmem>>[vector<16xi32>], vector<16xf32>,
      %add3A_208 = arith.addf %gather3A_206, %gather3A_207 : vector<16xf32>
      %ge3A_209 = arith.constant 0.000000e+00 : f32
      %ge3A_210 = vector.broadcast %ge3A_209 : f32 to vector<16xf32>
      %ge3A_211 = arith.cmpf oge, %add3A_208, %ge3A_210 : vector<16xf32>
      %mul3A_212 = arith.constant 2.000000e-01 : f32
      %mul3A_213 = vector.broadcast %mul3A_212 : f32 to vector<16xf32>
      %mul3A_214 = arith.mulf %mul3A_213, %add3A_208 : vector<16xf32>
      %select_n3A_215 = arith.select %ge3A_211, %add3A_208, %mul3A_214 : vector<16xi1>, vector<16xf32>
      %add3A_216 = arith.addf %get3A_65, %gather3A_207 : vector<16xf32>
      %ge3A_217 = arith.constant 0.000000e+00 : f32
      %ge3A_218 = vector.broadcast %ge3A_217 : f32 to vector<16xf32>
      %ge3A_219 = arith.cmpf oge, %add3A_216, %ge3A_218 : vector<16xf32>
      %mul3A_220 = arith.constant 2.000000e-01 : f32
      %mul3A_221 = vector.broadcast %mul3A_220 : f32 to vector<16xf32>
      %mul3A_222 = arith.mulf %mul3A_221, %add3A_216 : vector<16xf32>
      %select_n3A_223 = arith.select %ge3A_219, %add3A_216, %mul3A_222 : vector<16xi1>, vector<16xf32>
      %sub3A_224 = arith.subf %select_n3A_215, %select_n3A_223 : vector<16xf32>
      %exp3A_225 = math.exp %sub3A_224 : vector<16xf32>
      tpu.vector_store_idx %arg11[%get3A_205], %exp3A_225 {add = true} : memref<10240xf32, #tpu.memory_space<vmem>>[vector<16xi32>], vector<16xf32>,
      %swap3A_226 = arith.constant 64 : index
      %swap3A_227 = tpu.vector_load %arg15[%swap3A_226] {strides = array<i32>} : memref<128xf32, #tpu.memory_space<vmem>>, vector<16xf32>,
      tpu.vector_store %arg15[%swap3A_226], %exp3A_225 {strides = array<i32>} : memref<128xf32, #tpu.memory_space<vmem>>, vector<16xf32>,
      %add3A_228 = vector.broadcast %mul3A_2 : i32 to vector<16xi32>
      %add3A_229 = arith.addi %get3A_203, %add3A_228 : vector<16xi32>
      %swap3A_230 = arith.constant 64 : index
      %swap3A_231 = tpu.vector_load %arg14[%swap3A_230] {strides = array<i32>} : memref<128xi32, #tpu.memory_space<vmem>>, vector<16xi32>,
      tpu.vector_store %arg14[%swap3A_230], %add3A_229 {strides = array<i32>} : memref<128xi32, #tpu.memory_space<vmem>>, vector<16xi32>,
      %get3A_232 = arith.constant 80 : index
      %get3A_233 = tpu.vector_load %arg12[%get3A_232] {strides = array<i32>} : memref<128xi32, #tpu.memory_space<vmem>>, vector<16xi32>,
      %get3A_234 = arith.constant 80 : index
      %get3A_235 = tpu.vector_load %arg13[%get3A_234] {strides = array<i32>} : memref<128xi32, #tpu.memory_space<vmem>>, vector<16xi32>,
      %gather3A_236 = tpu.vector_load_idx %arg9[%get3A_233] : memref<10240xf32, #tpu.memory_space<vmem>>[vector<16xi32>], vector<16xf32>,
      %gather3A_237 = tpu.vector_load_idx %arg10[%get3A_235] : memref<10240xf32, #tpu.memory_space<vmem>>[vector<16xi32>], vector<16xf32>,
      %add3A_238 = arith.addf %gather3A_236, %gather3A_237 : vector<16xf32>
      %ge3A_239 = arith.constant 0.000000e+00 : f32
      %ge3A_240 = vector.broadcast %ge3A_239 : f32 to vector<16xf32>
      %ge3A_241 = arith.cmpf oge, %add3A_238, %ge3A_240 : vector<16xf32>
      %mul3A_242 = arith.constant 2.000000e-01 : f32
      %mul3A_243 = vector.broadcast %mul3A_242 : f32 to vector<16xf32>
      %mul3A_244 = arith.mulf %mul3A_243, %add3A_238 : vector<16xf32>
      %select_n3A_245 = arith.select %ge3A_241, %add3A_238, %mul3A_244 : vector<16xi1>, vector<16xf32>
      %add3A_246 = arith.addf %get3A_65, %gather3A_237 : vector<16xf32>
      %ge3A_247 = arith.constant 0.000000e+00 : f32
      %ge3A_248 = vector.broadcast %ge3A_247 : f32 to vector<16xf32>
      %ge3A_249 = arith.cmpf oge, %add3A_246, %ge3A_248 : vector<16xf32>
      %mul3A_250 = arith.constant 2.000000e-01 : f32
      %mul3A_251 = vector.broadcast %mul3A_250 : f32 to vector<16xf32>
      %mul3A_252 = arith.mulf %mul3A_251, %add3A_246 : vector<16xf32>
      %select_n3A_253 = arith.select %ge3A_249, %add3A_246, %mul3A_252 : vector<16xi1>, vector<16xf32>
      %sub3A_254 = arith.subf %select_n3A_245, %select_n3A_253 : vector<16xf32>
      %exp3A_255 = math.exp %sub3A_254 : vector<16xf32>
      tpu.vector_store_idx %arg11[%get3A_235], %exp3A_255 {add = true} : memref<10240xf32, #tpu.memory_space<vmem>>[vector<16xi32>], vector<16xf32>,
      %swap3A_256 = arith.constant 80 : index
      %swap3A_257 = tpu.vector_load %arg15[%swap3A_256] {strides = array<i32>} : memref<128xf32, #tpu.memory_space<vmem>>, vector<16xf32>,
      tpu.vector_store %arg15[%swap3A_256], %exp3A_255 {strides = array<i32>} : memref<128xf32, #tpu.memory_space<vmem>>, vector<16xf32>,
      %add3A_258 = vector.broadcast %mul3A_2 : i32 to vector<16xi32>
      %add3A_259 = arith.addi %get3A_233, %add3A_258 : vector<16xi32>
      %swap3A_260 = arith.constant 80 : index
      %swap3A_261 = tpu.vector_load %arg14[%swap3A_260] {strides = array<i32>} : memref<128xi32, #tpu.memory_space<vmem>>, vector<16xi32>,
      tpu.vector_store %arg14[%swap3A_260], %add3A_259 {strides = array<i32>} : memref<128xi32, #tpu.memory_space<vmem>>, vector<16xi32>,
      %get3A_262 = arith.constant 96 : index
      %get3A_263 = tpu.vector_load %arg12[%get3A_262] {strides = array<i32>} : memref<128xi32, #tpu.memory_space<vmem>>, vector<16xi32>,
      %get3A_264 = arith.constant 96 : index
      %get3A_265 = tpu.vector_load %arg13[%get3A_264] {strides = array<i32>} : memref<128xi32, #tpu.memory_space<vmem>>, vector<16xi32>,
      %gather3A_266 = tpu.vector_load_idx %arg9[%get3A_263] : memref<10240xf32, #tpu.memory_space<vmem>>[vector<16xi32>], vector<16xf32>,
      %gather3A_267 = tpu.vector_load_idx %arg10[%get3A_265] : memref<10240xf32, #tpu.memory_space<vmem>>[vector<16xi32>], vector<16xf32>,
      %add3A_268 = arith.addf %gather3A_266, %gather3A_267 : vector<16xf32>
      %ge3A_269 = arith.constant 0.000000e+00 : f32
      %ge3A_270 = vector.broadcast %ge3A_269 : f32 to vector<16xf32>
      %ge3A_271 = arith.cmpf oge, %add3A_268, %ge3A_270 : vector<16xf32>
      %mul3A_272 = arith.constant 2.000000e-01 : f32
      %mul3A_273 = vector.broadcast %mul3A_272 : f32 to vector<16xf32>
      %mul3A_274 = arith.mulf %mul3A_273, %add3A_268 : vector<16xf32>
      %select_n3A_275 = arith.select %ge3A_271, %add3A_268, %mul3A_274 : vector<16xi1>, vector<16xf32>
      %add3A_276 = arith.addf %get3A_65, %gather3A_267 : vector<16xf32>
      %ge3A_277 = arith.constant 0.000000e+00 : f32
      %ge3A_278 = vector.broadcast %ge3A_277 : f32 to vector<16xf32>
      %ge3A_279 = arith.cmpf oge, %add3A_276, %ge3A_278 : vector<16xf32>
      %mul3A_280 = arith.constant 2.000000e-01 : f32
      %mul3A_281 = vector.broadcast %mul3A_280 : f32 to vector<16xf32>
      %mul3A_282 = arith.mulf %mul3A_281, %add3A_276 : vector<16xf32>
      %select_n3A_283 = arith.select %ge3A_279, %add3A_276, %mul3A_282 : vector<16xi1>, vector<16xf32>
      %sub3A_284 = arith.subf %select_n3A_275, %select_n3A_283 : vector<16xf32>
      %exp3A_285 = math.exp %sub3A_284 : vector<16xf32>
      tpu.vector_store_idx %arg11[%get3A_265], %exp3A_285 {add = true} : memref<10240xf32, #tpu.memory_space<vmem>>[vector<16xi32>], vector<16xf32>,
      %swap3A_286 = arith.constant 96 : index
      %swap3A_287 = tpu.vector_load %arg15[%swap3A_286] {strides = array<i32>} : memref<128xf32, #tpu.memory_space<vmem>>, vector<16xf32>,
      tpu.vector_store %arg15[%swap3A_286], %exp3A_285 {strides = array<i32>} : memref<128xf32, #tpu.memory_space<vmem>>, vector<16xf32>,
      %add3A_288 = vector.broadcast %mul3A_2 : i32 to vector<16xi32>
      %add3A_289 = arith.addi %get3A_263, %add3A_288 : vector<16xi32>
      %swap3A_290 = arith.constant 96 : index
      %swap3A_291 = tpu.vector_load %arg14[%swap3A_290] {strides = array<i32>} : memref<128xi32, #tpu.memory_space<vmem>>, vector<16xi32>,
      tpu.vector_store %arg14[%swap3A_290], %add3A_289 {strides = array<i32>} : memref<128xi32, #tpu.memory_space<vmem>>, vector<16xi32>,
      %get3A_292 = arith.constant 112 : index
      %get3A_293 = tpu.vector_load %arg12[%get3A_292] {strides = array<i32>} : memref<128xi32, #tpu.memory_space<vmem>>, vector<16xi32>,
      %get3A_294 = arith.constant 112 : index
      %get3A_295 = tpu.vector_load %arg13[%get3A_294] {strides = array<i32>} : memref<128xi32, #tpu.memory_space<vmem>>, vector<16xi32>,
      %gather3A_296 = tpu.vector_load_idx %arg9[%get3A_293] : memref<10240xf32, #tpu.memory_space<vmem>>[vector<16xi32>], vector<16xf32>,
      %gather3A_297 = tpu.vector_load_idx %arg10[%get3A_295] : memref<10240xf32, #tpu.memory_space<vmem>>[vector<16xi32>], vector<16xf32>,
      %add3A_298 = arith.addf %gather3A_296, %gather3A_297 : vector<16xf32>
      %ge3A_299 = arith.constant 0.000000e+00 : f32
      %ge3A_300 = vector.broadcast %ge3A_299 : f32 to vector<16xf32>
      %ge3A_301 = arith.cmpf oge, %add3A_298, %ge3A_300 : vector<16xf32>
      %mul3A_302 = arith.constant 2.000000e-01 : f32
      %mul3A_303 = vector.broadcast %mul3A_302 : f32 to vector<16xf32>
      %mul3A_304 = arith.mulf %mul3A_303, %add3A_298 : vector<16xf32>
      %select_n3A_305 = arith.select %ge3A_301, %add3A_298, %mul3A_304 : vector<16xi1>, vector<16xf32>
      %add3A_306 = arith.addf %get3A_65, %gather3A_297 : vector<16xf32>
      %ge3A_307 = arith.constant 0.000000e+00 : f32
      %ge3A_308 = vector.broadcast %ge3A_307 : f32 to vector<16xf32>
      %ge3A_309 = arith.cmpf oge, %add3A_306, %ge3A_308 : vector<16xf32>
      %mul3A_310 = arith.constant 2.000000e-01 : f32
      %mul3A_311 = vector.broadcast %mul3A_310 : f32 to vector<16xf32>
      %mul3A_312 = arith.mulf %mul3A_311, %add3A_306 : vector<16xf32>
      %select_n3A_313 = arith.select %ge3A_309, %add3A_306, %mul3A_312 : vector<16xi1>, vector<16xf32>
      %sub3A_314 = arith.subf %select_n3A_305, %select_n3A_313 : vector<16xf32>
      %exp3A_315 = math.exp %sub3A_314 : vector<16xf32>
      tpu.vector_store_idx %arg11[%get3A_295], %exp3A_315 {add = true} : memref<10240xf32, #tpu.memory_space<vmem>>[vector<16xi32>], vector<16xf32>,
      %swap3A_316 = arith.constant 112 : index
      %swap3A_317 = tpu.vector_load %arg15[%swap3A_316] {strides = array<i32>} : memref<128xf32, #tpu.memory_space<vmem>>, vector<16xf32>,
      tpu.vector_store %arg15[%swap3A_316], %exp3A_315 {strides = array<i32>} : memref<128xf32, #tpu.memory_space<vmem>>, vector<16xf32>,
      %add3A_318 = vector.broadcast %mul3A_2 : i32 to vector<16xi32>
      %add3A_319 = arith.addi %get3A_293, %add3A_318 : vector<16xi32>
      %swap3A_320 = arith.constant 112 : index
      %swap3A_321 = tpu.vector_load %arg14[%swap3A_320] {strides = array<i32>} : memref<128xi32, #tpu.memory_space<vmem>>, vector<16xi32>,
      tpu.vector_store %arg14[%swap3A_320], %add3A_319 {strides = array<i32>} : memref<128xi32, #tpu.memory_space<vmem>>, vector<16xi32>,
      %dma_start3A = arith.constant 0 : i32
      %dma_start3A_322 = arith.constant 0 : i32
      %dma_start3A_323 = tpu.memref_slice %arg2[%dma_start3A, %dma_start3A_322] : memref<20480x128xf32, #tpu.memory_space<hbm>> -> memref<20480x128xf32, #tpu.memory_space<hbm>>
      tpu.enqueue_indirect_dma source(%dma_start3A_323 : memref<20480x128xf32, #tpu.memory_space<hbm>>) target(%arg16 : memref<128x128xf32, #tpu.memory_space<vmem>>) offsets(%arg14 : memref<128xi32, #tpu.memory_space<vmem>>) semaphore(%arg18 : memref<!tpu.dma_semaphore, #tpu.memory_space<semaphore_mem>>)
      %dma_wait3A = arith.constant 0 : i32
      %dma_wait3A_324 = arith.constant 0 : i32
      %dma_wait3A_325 = tpu.memref_slice %arg2[%dma_wait3A, %dma_wait3A_324] : memref<20480x128xf32, #tpu.memory_space<hbm>> -> memref<20480x128xf32, #tpu.memory_space<hbm>>
      tpu.wait_indirect_dma semaphore(%arg18 : memref<!tpu.dma_semaphore, #tpu.memory_space<semaphore_mem>>) src(%dma_wait3A_325 : memref<20480x128xf32, #tpu.memory_space<hbm>>) dst(%arg16 : memref<128x128xf32, #tpu.memory_space<vmem>>)
      %scan3A_326 = arith.constant 0 : i32
      %scan3A_327 = arith.constant 0 : i32
      %scan3A_328 = arith.constant 8 : i32
      %scan3A_329 = arith.addi %scan3A_327, %scan3A_328 : i32
      %scan3A_330 = arith.constant 1 : i32
      scf.for %scan3A_338 = %scan3A_327 to %scan3A_329 step %scan3A_330  : i32 {
        %mul3A_339 = arith.constant 16 : i32
        %mul3A_340 = arith.muli %scan3A_338, %mul3A_339 : i32
        %get3A_341 = arith.index_cast %mul3A_340 : i32 to index
        %get3A_342 = tpu.vector_load %arg15[%get3A_341] {strides = array<i32>} : memref<128xf32, #tpu.memory_space<vmem>>, vector<16xf32>,
        %slice3A = vector.extract_strided_slice %get3A_342 {offsets = [0], sizes = [1], strides = [1]} : vector<16xf32> to vector<1xf32>
        %squeeze3A = vector.extract %slice3A[0] : f32 from vector<1xf32>
        %mul3A_343 = arith.constant 16 : i32
        %mul3A_344 = arith.muli %scan3A_338, %mul3A_343 : i32
        %add3A_345 = arith.constant 0 : i32
        %add3A_346 = arith.addi %mul3A_344, %add3A_345 : i32
        %get3A_347 = arith.index_cast %add3A_346 : i32 to index
        %get3A_348 = arith.constant 0 : index
        %get3A_349 = tpu.vector_load %arg16[%get3A_347, %get3A_348] {strides = array<i32>} : memref<128x128xf32, #tpu.memory_space<vmem>>, vector<16xf32>,
        %mul3A_350 = vector.broadcast %squeeze3A : f32 to vector<16xf32>
        %mul3A_351 = arith.mulf %get3A_349, %mul3A_350 : vector<16xf32>
        %swap3A_352 = arith.index_cast %add3A_346 : i32 to index
        %swap3A_353 = arith.constant 0 : index
        %swap3A_354 = tpu.vector_load %arg16[%swap3A_352, %swap3A_353] {strides = array<i32>} : memref<128x128xf32, #tpu.memory_space<vmem>>, vector<16xf32>,
        tpu.vector_store %arg16[%swap3A_352, %swap3A_353], %mul3A_351 {strides = array<i32>} : memref<128x128xf32, #tpu.memory_space<vmem>>, vector<16xf32>,
        %get3A_355 = arith.index_cast %add3A_346 : i32 to index
        %get3A_356 = arith.constant 16 : index
        %get3A_357 = tpu.vector_load %arg16[%get3A_355, %get3A_356] {strides = array<i32>} : memref<128x128xf32, #tpu.memory_space<vmem>>, vector<16xf32>,
        %mul3A_358 = vector.broadcast %squeeze3A : f32 to vector<16xf32>
        %mul3A_359 = arith.mulf %get3A_357, %mul3A_358 : vector<16xf32>
        %swap3A_360 = arith.index_cast %add3A_346 : i32 to index
        %swap3A_361 = arith.constant 16 : index
        %swap3A_362 = tpu.vector_load %arg16[%swap3A_360, %swap3A_361] {strides = array<i32>} : memref<128x128xf32, #tpu.memory_space<vmem>>, vector<16xf32>,
        tpu.vector_store %arg16[%swap3A_360, %swap3A_361], %mul3A_359 {strides = array<i32>} : memref<128x128xf32, #tpu.memory_space<vmem>>, vector<16xf32>,
        %get3A_363 = arith.index_cast %add3A_346 : i32 to index
        %get3A_364 = arith.constant 32 : index
        %get3A_365 = tpu.vector_load %arg16[%get3A_363, %get3A_364] {strides = array<i32>} : memref<128x128xf32, #tpu.memory_space<vmem>>, vector<16xf32>,
        %mul3A_366 = vector.broadcast %squeeze3A : f32 to vector<16xf32>
        %mul3A_367 = arith.mulf %get3A_365, %mul3A_366 : vector<16xf32>
        %swap3A_368 = arith.index_cast %add3A_346 : i32 to index
        %swap3A_369 = arith.constant 32 : index
        %swap3A_370 = tpu.vector_load %arg16[%swap3A_368, %swap3A_369] {strides = array<i32>} : memref<128x128xf32, #tpu.memory_space<vmem>>, vector<16xf32>,
        tpu.vector_store %arg16[%swap3A_368, %swap3A_369], %mul3A_367 {strides = array<i32>} : memref<128x128xf32, #tpu.memory_space<vmem>>, vector<16xf32>,
        %get3A_371 = arith.index_cast %add3A_346 : i32 to index
        %get3A_372 = arith.constant 48 : index
        %get3A_373 = tpu.vector_load %arg16[%get3A_371, %get3A_372] {strides = array<i32>} : memref<128x128xf32, #tpu.memory_space<vmem>>, vector<16xf32>,
        %mul3A_374 = vector.broadcast %squeeze3A : f32 to vector<16xf32>
        %mul3A_375 = arith.mulf %get3A_373, %mul3A_374 : vector<16xf32>
        %swap3A_376 = arith.index_cast %add3A_346 : i32 to index
        %swap3A_377 = arith.constant 48 : index
        %swap3A_378 = tpu.vector_load %arg16[%swap3A_376, %swap3A_377] {strides = array<i32>} : memref<128x128xf32, #tpu.memory_space<vmem>>, vector<16xf32>,
        tpu.vector_store %arg16[%swap3A_376, %swap3A_377], %mul3A_375 {strides = array<i32>} : memref<128x128xf32, #tpu.memory_space<vmem>>, vector<16xf32>,
        %get3A_379 = arith.index_cast %add3A_346 : i32 to index
        %get3A_380 = arith.constant 64 : index
        %get3A_381 = tpu.vector_load %arg16[%get3A_379, %get3A_380] {strides = array<i32>} : memref<128x128xf32, #tpu.memory_space<vmem>>, vector<16xf32>,
        %mul3A_382 = vector.broadcast %squeeze3A : f32 to vector<16xf32>
        %mul3A_383 = arith.mulf %get3A_381, %mul3A_382 : vector<16xf32>
        %swap3A_384 = arith.index_cast %add3A_346 : i32 to index
        %swap3A_385 = arith.constant 64 : index
        %swap3A_386 = tpu.vector_load %arg16[%swap3A_384, %swap3A_385] {strides = array<i32>} : memref<128x128xf32, #tpu.memory_space<vmem>>, vector<16xf32>,
        tpu.vector_store %arg16[%swap3A_384, %swap3A_385], %mul3A_383 {strides = array<i32>} : memref<128x128xf32, #tpu.memory_space<vmem>>, vector<16xf32>,
        %get3A_387 = arith.index_cast %add3A_346 : i32 to index
        %get3A_388 = arith.constant 80 : index
        %get3A_389 = tpu.vector_load %arg16[%get3A_387, %get3A_388] {strides = array<i32>} : memref<128x128xf32, #tpu.memory_space<vmem>>, vector<16xf32>,
        %mul3A_390 = vector.broadcast %squeeze3A : f32 to vector<16xf32>
        %mul3A_391 = arith.mulf %get3A_389, %mul3A_390 : vector<16xf32>
        %swap3A_392 = arith.index_cast %add3A_346 : i32 to index
        %swap3A_393 = arith.constant 80 : index
        %swap3A_394 = tpu.vector_load %arg16[%swap3A_392, %swap3A_393] {strides = array<i32>} : memref<128x128xf32, #tpu.memory_space<vmem>>, vector<16xf32>,
        tpu.vector_store %arg16[%swap3A_392, %swap3A_393], %mul3A_391 {strides = array<i32>} : memref<128x128xf32, #tpu.memory_space<vmem>>, vector<16xf32>,
        %get3A_395 = arith.index_cast %add3A_346 : i32 to index
        %get3A_396 = arith.constant 96 : index
        %get3A_397 = tpu.vector_load %arg16[%get3A_395, %get3A_396] {strides = array<i32>} : memref<128x128xf32, #tpu.memory_space<vmem>>, vector<16xf32>,
        %mul3A_398 = vector.broadcast %squeeze3A : f32 to vector<16xf32>
        %mul3A_399 = arith.mulf %get3A_397, %mul3A_398 : vector<16xf32>
        %swap3A_400 = arith.index_cast %add3A_346 : i32 to index
        %swap3A_401 = arith.constant 96 : index
        %swap3A_402 = tpu.vector_load %arg16[%swap3A_400, %swap3A_401] {strides = array<i32>} : memref<128x128xf32, #tpu.memory_space<vmem>>, vector<16xf32>,
        tpu.vector_store %arg16[%swap3A_400, %swap3A_401], %mul3A_399 {strides = array<i32>} : memref<128x128xf32, #tpu.memory_space<vmem>>, vector<16xf32>,
        %get3A_403 = arith.index_cast %add3A_346 : i32 to index
        %get3A_404 = arith.constant 112 : index
        %get3A_405 = tpu.vector_load %arg16[%get3A_403, %get3A_404] {strides = array<i32>} : memref<128x128xf32, #tpu.memory_space<vmem>>, vector<16xf32>,
        %mul3A_406 = vector.broadcast %squeeze3A : f32 to vector<16xf32>
        %mul3A_407 = arith.mulf %get3A_405, %mul3A_406 : vector<16xf32>
        %swap3A_408 = arith.index_cast %add3A_346 : i32 to index
        %swap3A_409 = arith.constant 112 : index
        %swap3A_410 = tpu.vector_load %arg16[%swap3A_408, %swap3A_409] {strides = array<i32>} : memref<128x128xf32, #tpu.memory_space<vmem>>, vector<16xf32>,
        tpu.vector_store %arg16[%swap3A_408, %swap3A_409], %mul3A_407 {strides = array<i32>} : memref<128x128xf32, #tpu.memory_space<vmem>>, vector<16xf32>,
        %slice3A_411 = vector.extract_strided_slice %get3A_342 {offsets = [1], sizes = [1], strides = [1]} : vector<16xf32> to vector<1xf32>
        %squeeze3A_412 = vector.extract %slice3A_411[0] : f32 from vector<1xf32>
        %mul3A_413 = arith.constant 16 : i32
        %mul3A_414 = arith.muli %scan3A_338, %mul3A_413 : i32
        %add3A_415 = arith.constant 1 : i32
        %add3A_416 = arith.addi %mul3A_414, %add3A_415 : i32
        %get3A_417 = arith.index_cast %add3A_416 : i32 to index
        %get3A_418 = arith.constant 0 : index
        %get3A_419 = tpu.vector_load %arg16[%get3A_417, %get3A_418] {strides = array<i32>} : memref<128x128xf32, #tpu.memory_space<vmem>>, vector<16xf32>,
        %mul3A_420 = vector.broadcast %squeeze3A_412 : f32 to vector<16xf32>
        %mul3A_421 = arith.mulf %get3A_419, %mul3A_420 : vector<16xf32>
        %swap3A_422 = arith.index_cast %add3A_416 : i32 to index
        %swap3A_423 = arith.constant 0 : index
        %swap3A_424 = tpu.vector_load %arg16[%swap3A_422, %swap3A_423] {strides = array<i32>} : memref<128x128xf32, #tpu.memory_space<vmem>>, vector<16xf32>,
        tpu.vector_store %arg16[%swap3A_422, %swap3A_423], %mul3A_421 {strides = array<i32>} : memref<128x128xf32, #tpu.memory_space<vmem>>, vector<16xf32>,
        %get3A_425 = arith.index_cast %add3A_416 : i32 to index
        %get3A_426 = arith.constant 16 : index
        %get3A_427 = tpu.vector_load %arg16[%get3A_425, %get3A_426] {strides = array<i32>} : memref<128x128xf32, #tpu.memory_space<vmem>>, vector<16xf32>,
        %mul3A_428 = vector.broadcast %squeeze3A_412 : f32 to vector<16xf32>
        %mul3A_429 = arith.mulf %get3A_427, %mul3A_428 : vector<16xf32>
        %swap3A_430 = arith.index_cast %add3A_416 : i32 to index
        %swap3A_431 = arith.constant 16 : index
        %swap3A_432 = tpu.vector_load %arg16[%swap3A_430, %swap3A_431] {strides = array<i32>} : memref<128x128xf32, #tpu.memory_space<vmem>>, vector<16xf32>,
        tpu.vector_store %arg16[%swap3A_430, %swap3A_431], %mul3A_429 {strides = array<i32>} : memref<128x128xf32, #tpu.memory_space<vmem>>, vector<16xf32>,
        %get3A_433 = arith.index_cast %add3A_416 : i32 to index
        %get3A_434 = arith.constant 32 : index
        %get3A_435 = tpu.vector_load %arg16[%get3A_433, %get3A_434] {strides = array<i32>} : memref<128x128xf32, #tpu.memory_space<vmem>>, vector<16xf32>,
        %mul3A_436 = vector.broadcast %squeeze3A_412 : f32 to vector<16xf32>
        %mul3A_437 = arith.mulf %get3A_435, %mul3A_436 : vector<16xf32>
        %swap3A_438 = arith.index_cast %add3A_416 : i32 to index
        %swap3A_439 = arith.constant 32 : index
        %swap3A_440 = tpu.vector_load %arg16[%swap3A_438, %swap3A_439] {strides = array<i32>} : memref<128x128xf32, #tpu.memory_space<vmem>>, vector<16xf32>,
        tpu.vector_store %arg16[%swap3A_438, %swap3A_439], %mul3A_437 {strides = array<i32>} : memref<128x128xf32, #tpu.memory_space<vmem>>, vector<16xf32>,
        %get3A_441 = arith.index_cast %add3A_416 : i32 to index
        %get3A_442 = arith.constant 48 : index
        %get3A_443 = tpu.vector_load %arg16[%get3A_441, %get3A_442] {strides = array<i32>} : memref<128x128xf32, #tpu.memory_space<vmem>>, vector<16xf32>,
        %mul3A_444 = vector.broadcast %squeeze3A_412 : f32 to vector<16xf32>
        %mul3A_445 = arith.mulf %get3A_443, %mul3A_444 : vector<16xf32>
        %swap3A_446 = arith.index_cast %add3A_416 : i32 to index
        %swap3A_447 = arith.constant 48 : index
        %swap3A_448 = tpu.vector_load %arg16[%swap3A_446, %swap3A_447] {strides = array<i32>} : memref<128x128xf32, #tpu.memory_space<vmem>>, vector<16xf32>,
        tpu.vector_store %arg16[%swap3A_446, %swap3A_447], %mul3A_445 {strides = array<i32>} : memref<128x128xf32, #tpu.memory_space<vmem>>, vector<16xf32>,
        %get3A_449 = arith.index_cast %add3A_416 : i32 to index
        %get3A_450 = arith.constant 64 : index
        %get3A_451 = tpu.vector_load %arg16[%get3A_449, %get3A_450] {strides = array<i32>} : memref<128x128xf32, #tpu.memory_space<vmem>>, vector<16xf32>,
        %mul3A_452 = vector.broadcast %squeeze3A_412 : f32 to vector<16xf32>
        %mul3A_453 = arith.mulf %get3A_451, %mul3A_452 : vector<16xf32>
        %swap3A_454 = arith.index_cast %add3A_416 : i32 to index
        %swap3A_455 = arith.constant 64 : index
        %swap3A_456 = tpu.vector_load %arg16[%swap3A_454, %swap3A_455] {strides = array<i32>} : memref<128x128xf32, #tpu.memory_space<vmem>>, vector<16xf32>,
        tpu.vector_store %arg16[%swap3A_454, %swap3A_455], %mul3A_453 {strides = array<i32>} : memref<128x128xf32, #tpu.memory_space<vmem>>, vector<16xf32>,
        %get3A_457 = arith.index_cast %add3A_416 : i32 to index
        %get3A_458 = arith.constant 80 : index
        %get3A_459 = tpu.vector_load %arg16[%get3A_457, %get3A_458] {strides = array<i32>} : memref<128x128xf32, #tpu.memory_space<vmem>>, vector<16xf32>,
        %mul3A_460 = vector.broadcast %squeeze3A_412 : f32 to vector<16xf32>
        %mul3A_461 = arith.mulf %get3A_459, %mul3A_460 : vector<16xf32>
        %swap3A_462 = arith.index_cast %add3A_416 : i32 to index
        %swap3A_463 = arith.constant 80 : index
        %swap3A_464 = tpu.vector_load %arg16[%swap3A_462, %swap3A_463] {strides = array<i32>} : memref<128x128xf32, #tpu.memory_space<vmem>>, vector<16xf32>,
        tpu.vector_store %arg16[%swap3A_462, %swap3A_463], %mul3A_461 {strides = array<i32>} : memref<128x128xf32, #tpu.memory_space<vmem>>, vector<16xf32>,
        %get3A_465 = arith.index_cast %add3A_416 : i32 to index
        %get3A_466 = arith.constant 96 : index
        %get3A_467 = tpu.vector_load %arg16[%get3A_465, %get3A_466] {strides = array<i32>} : memref<128x128xf32, #tpu.memory_space<vmem>>, vector<16xf32>,
        %mul3A_468 = vector.broadcast %squeeze3A_412 : f32 to vector<16xf32>
        %mul3A_469 = arith.mulf %get3A_467, %mul3A_468 : vector<16xf32>
        %swap3A_470 = arith.index_cast %add3A_416 : i32 to index
        %swap3A_471 = arith.constant 96 : index
        %swap3A_472 = tpu.vector_load %arg16[%swap3A_470, %swap3A_471] {strides = array<i32>} : memref<128x128xf32, #tpu.memory_space<vmem>>, vector<16xf32>,
        tpu.vector_store %arg16[%swap3A_470, %swap3A_471], %mul3A_469 {strides = array<i32>} : memref<128x128xf32, #tpu.memory_space<vmem>>, vector<16xf32>,
        %get3A_473 = arith.index_cast %add3A_416 : i32 to index
        %get3A_474 = arith.constant 112 : index
        %get3A_475 = tpu.vector_load %arg16[%get3A_473, %get3A_474] {strides = array<i32>} : memref<128x128xf32, #tpu.memory_space<vmem>>, vector<16xf32>,
        %mul3A_476 = vector.broadcast %squeeze3A_412 : f32 to vector<16xf32>
        %mul3A_477 = arith.mulf %get3A_475, %mul3A_476 : vector<16xf32>
        %swap3A_478 = arith.index_cast %add3A_416 : i32 to index
        %swap3A_479 = arith.constant 112 : index
        %swap3A_480 = tpu.vector_load %arg16[%swap3A_478, %swap3A_479] {strides = array<i32>} : memref<128x128xf32, #tpu.memory_space<vmem>>, vector<16xf32>,
        tpu.vector_store %arg16[%swap3A_478, %swap3A_479], %mul3A_477 {strides = array<i32>} : memref<128x128xf32, #tpu.memory_space<vmem>>, vector<16xf32>,
        %slice3A_481 = vector.extract_strided_slice %get3A_342 {offsets = [2], sizes = [1], strides = [1]} : vector<16xf32> to vector<1xf32>
        %squeeze3A_482 = vector.extract %slice3A_481[0] : f32 from vector<1xf32>
        %mul3A_483 = arith.constant 16 : i32
        %mul3A_484 = arith.muli %scan3A_338, %mul3A_483 : i32
        %add3A_485 = arith.constant 2 : i32
        %add3A_486 = arith.addi %mul3A_484, %add3A_485 : i32
        %get3A_487 = arith.index_cast %add3A_486 : i32 to index
        %get3A_488 = arith.constant 0 : index
        %get3A_489 = tpu.vector_load %arg16[%get3A_487, %get3A_488] {strides = array<i32>} : memref<128x128xf32, #tpu.memory_space<vmem>>, vector<16xf32>,
        %mul3A_490 = vector.broadcast %squeeze3A_482 : f32 to vector<16xf32>
        %mul3A_491 = arith.mulf %get3A_489, %mul3A_490 : vector<16xf32>
        %swap3A_492 = arith.index_cast %add3A_486 : i32 to index
        %swap3A_493 = arith.constant 0 : index
        %swap3A_494 = tpu.vector_load %arg16[%swap3A_492, %swap3A_493] {strides = array<i32>} : memref<128x128xf32, #tpu.memory_space<vmem>>, vector<16xf32>,
        tpu.vector_store %arg16[%swap3A_492, %swap3A_493], %mul3A_491 {strides = array<i32>} : memref<128x128xf32, #tpu.memory_space<vmem>>, vector<16xf32>,
        %get3A_495 = arith.index_cast %add3A_486 : i32 to index
        %get3A_496 = arith.constant 16 : index
        %get3A_497 = tpu.vector_load %arg16[%get3A_495, %get3A_496] {strides = array<i32>} : memref<128x128xf32, #tpu.memory_space<vmem>>, vector<16xf32>,
        %mul3A_498 = vector.broadcast %squeeze3A_482 : f32 to vector<16xf32>
        %mul3A_499 = arith.mulf %get3A_497, %mul3A_498 : vector<16xf32>
        %swap3A_500 = arith.index_cast %add3A_486 : i32 to index
        %swap3A_501 = arith.constant 16 : index
        %swap3A_502 = tpu.vector_load %arg16[%swap3A_500, %swap3A_501] {strides = array<i32>} : memref<128x128xf32, #tpu.memory_space<vmem>>, vector<16xf32>,
        tpu.vector_store %arg16[%swap3A_500, %swap3A_501], %mul3A_499 {strides = array<i32>} : memref<128x128xf32, #tpu.memory_space<vmem>>, vector<16xf32>,
        %get3A_503 = arith.index_cast %add3A_486 : i32 to index
        %get3A_504 = arith.constant 32 : index
        %get3A_505 = tpu.vector_load %arg16[%get3A_503, %get3A_504] {strides = array<i32>} : memref<128x128xf32, #tpu.memory_space<vmem>>, vector<16xf32>,
        %mul3A_506 = vector.broadcast %squeeze3A_482 : f32 to vector<16xf32>
        %mul3A_507 = arith.mulf %get3A_505, %mul3A_506 : vector<16xf32>
        %swap3A_508 = arith.index_cast %add3A_486 : i32 to index
        %swap3A_509 = arith.constant 32 : index
        %swap3A_510 = tpu.vector_load %arg16[%swap3A_508, %swap3A_509] {strides = array<i32>} : memref<128x128xf32, #tpu.memory_space<vmem>>, vector<16xf32>,
        tpu.vector_store %arg16[%swap3A_508, %swap3A_509], %mul3A_507 {strides = array<i32>} : memref<128x128xf32, #tpu.memory_space<vmem>>, vector<16xf32>,
        %get3A_511 = arith.index_cast %add3A_486 : i32 to index
        %get3A_512 = arith.constant 48 : index
        %get3A_513 = tpu.vector_load %arg16[%get3A_511, %get3A_512] {strides = array<i32>} : memref<128x128xf32, #tpu.memory_space<vmem>>, vector<16xf32>,
        %mul3A_514 = vector.broadcast %squeeze3A_482 : f32 to vector<16xf32>
        %mul3A_515 = arith.mulf %get3A_513, %mul3A_514 : vector<16xf32>
        %swap3A_516 = arith.index_cast %add3A_486 : i32 to index
        %swap3A_517 = arith.constant 48 : index
        %swap3A_518 = tpu.vector_load %arg16[%swap3A_516, %swap3A_517] {strides = array<i32>} : memref<128x128xf32, #tpu.memory_space<vmem>>, vector<16xf32>,
        tpu.vector_store %arg16[%swap3A_516, %swap3A_517], %mul3A_515 {strides = array<i32>} : memref<128x128xf32, #tpu.memory_space<vmem>>, vector<16xf32>,
        %get3A_519 = arith.index_cast %add3A_486 : i32 to index
        %get3A_520 = arith.constant 64 : index
        %get3A_521 = tpu.vector_load %arg16[%get3A_519, %get3A_520] {strides = array<i32>} : memref<128x128xf32, #tpu.memory_space<vmem>>, vector<16xf32>,
        %mul3A_522 = vector.broadcast %squeeze3A_482 : f32 to vector<16xf32>
        %mul3A_523 = arith.mulf %get3A_521, %mul3A_522 : vector<16xf32>
        %swap3A_524 = arith.index_cast %add3A_486 : i32 to index
        %swap3A_525 = arith.constant 64 : index
        %swap3A_526 = tpu.vector_load %arg16[%swap3A_524, %swap3A_525] {strides = array<i32>} : memref<128x128xf32, #tpu.memory_space<vmem>>, vector<16xf32>,
        tpu.vector_store %arg16[%swap3A_524, %swap3A_525], %mul3A_523 {strides = array<i32>} : memref<128x128xf32, #tpu.memory_space<vmem>>, vector<16xf32>,
        %get3A_527 = arith.index_cast %add3A_486 : i32 to index
        %get3A_528 = arith.constant 80 : index
        %get3A_529 = tpu.vector_load %arg16[%get3A_527, %get3A_528] {strides = array<i32>} : memref<128x128xf32, #tpu.memory_space<vmem>>, vector<16xf32>,
        %mul3A_530 = vector.broadcast %squeeze3A_482 : f32 to vector<16xf32>
        %mul3A_531 = arith.mulf %get3A_529, %mul3A_530 : vector<16xf32>
        %swap3A_532 = arith.index_cast %add3A_486 : i32 to index
        %swap3A_533 = arith.constant 80 : index
        %swap3A_534 = tpu.vector_load %arg16[%swap3A_532, %swap3A_533] {strides = array<i32>} : memref<128x128xf32, #tpu.memory_space<vmem>>, vector<16xf32>,
        tpu.vector_store %arg16[%swap3A_532, %swap3A_533], %mul3A_531 {strides = array<i32>} : memref<128x128xf32, #tpu.memory_space<vmem>>, vector<16xf32>,
        %get3A_535 = arith.index_cast %add3A_486 : i32 to index
        %get3A_536 = arith.constant 96 : index
        %get3A_537 = tpu.vector_load %arg16[%get3A_535, %get3A_536] {strides = array<i32>} : memref<128x128xf32, #tpu.memory_space<vmem>>, vector<16xf32>,
        %mul3A_538 = vector.broadcast %squeeze3A_482 : f32 to vector<16xf32>
        %mul3A_539 = arith.mulf %get3A_537, %mul3A_538 : vector<16xf32>
        %swap3A_540 = arith.index_cast %add3A_486 : i32 to index
        %swap3A_541 = arith.constant 96 : index
        %swap3A_542 = tpu.vector_load %arg16[%swap3A_540, %swap3A_541] {strides = array<i32>} : memref<128x128xf32, #tpu.memory_space<vmem>>, vector<16xf32>,
        tpu.vector_store %arg16[%swap3A_540, %swap3A_541], %mul3A_539 {strides = array<i32>} : memref<128x128xf32, #tpu.memory_space<vmem>>, vector<16xf32>,
        %get3A_543 = arith.index_cast %add3A_486 : i32 to index
        %get3A_544 = arith.constant 112 : index
        %get3A_545 = tpu.vector_load %arg16[%get3A_543, %get3A_544] {strides = array<i32>} : memref<128x128xf32, #tpu.memory_space<vmem>>, vector<16xf32>,
        %mul3A_546 = vector.broadcast %squeeze3A_482 : f32 to vector<16xf32>
        %mul3A_547 = arith.mulf %get3A_545, %mul3A_546 : vector<16xf32>
        %swap3A_548 = arith.index_cast %add3A_486 : i32 to index
        %swap3A_549 = arith.constant 112 : index
        %swap3A_550 = tpu.vector_load %arg16[%swap3A_548, %swap3A_549] {strides = array<i32>} : memref<128x128xf32, #tpu.memory_space<vmem>>, vector<16xf32>,
        tpu.vector_store %arg16[%swap3A_548, %swap3A_549], %mul3A_547 {strides = array<i32>} : memref<128x128xf32, #tpu.memory_space<vmem>>, vector<16xf32>,
        %slice3A_551 = vector.extract_strided_slice %get3A_342 {offsets = [3], sizes = [1], strides = [1]} : vector<16xf32> to vector<1xf32>
        %squeeze3A_552 = vector.extract %slice3A_551[0] : f32 from vector<1xf32>
        %mul3A_553 = arith.constant 16 : i32
        %mul3A_554 = arith.muli %scan3A_338, %mul3A_553 : i32
        %add3A_555 = arith.constant 3 : i32
        %add3A_556 = arith.addi %mul3A_554, %add3A_555 : i32
        %get3A_557 = arith.index_cast %add3A_556 : i32 to index
        %get3A_558 = arith.constant 0 : index
        %get3A_559 = tpu.vector_load %arg16[%get3A_557, %get3A_558] {strides = array<i32>} : memref<128x128xf32, #tpu.memory_space<vmem>>, vector<16xf32>,
        %mul3A_560 = vector.broadcast %squeeze3A_552 : f32 to vector<16xf32>
        %mul3A_561 = arith.mulf %get3A_559, %mul3A_560 : vector<16xf32>
        %swap3A_562 = arith.index_cast %add3A_556 : i32 to index
        %swap3A_563 = arith.constant 0 : index
        %swap3A_564 = tpu.vector_load %arg16[%swap3A_562, %swap3A_563] {strides = array<i32>} : memref<128x128xf32, #tpu.memory_space<vmem>>, vector<16xf32>,
        tpu.vector_store %arg16[%swap3A_562, %swap3A_563], %mul3A_561 {strides = array<i32>} : memref<128x128xf32, #tpu.memory_space<vmem>>, vector<16xf32>,
        %get3A_565 = arith.index_cast %add3A_556 : i32 to index
        %get3A_566 = arith.constant 16 : index
        %get3A_567 = tpu.vector_load %arg16[%get3A_565, %get3A_566] {strides = array<i32>} : memref<128x128xf32, #tpu.memory_space<vmem>>, vector<16xf32>,
        %mul3A_568 = vector.broadcast %squeeze3A_552 : f32 to vector<16xf32>
        %mul3A_569 = arith.mulf %get3A_567, %mul3A_568 : vector<16xf32>
        %swap3A_570 = arith.index_cast %add3A_556 : i32 to index
        %swap3A_571 = arith.constant 16 : index
        %swap3A_572 = tpu.vector_load %arg16[%swap3A_570, %swap3A_571] {strides = array<i32>} : memref<128x128xf32, #tpu.memory_space<vmem>>, vector<16xf32>,
        tpu.vector_store %arg16[%swap3A_570, %swap3A_571], %mul3A_569 {strides = array<i32>} : memref<128x128xf32, #tpu.memory_space<vmem>>, vector<16xf32>,
        %get3A_573 = arith.index_cast %add3A_556 : i32 to index
        %get3A_574 = arith.constant 32 : index
        %get3A_575 = tpu.vector_load %arg16[%get3A_573, %get3A_574] {strides = array<i32>} : memref<128x128xf32, #tpu.memory_space<vmem>>, vector<16xf32>,
        %mul3A_576 = vector.broadcast %squeeze3A_552 : f32 to vector<16xf32>
        %mul3A_577 = arith.mulf %get3A_575, %mul3A_576 : vector<16xf32>
        %swap3A_578 = arith.index_cast %add3A_556 : i32 to index
        %swap3A_579 = arith.constant 32 : index
        %swap3A_580 = tpu.vector_load %arg16[%swap3A_578, %swap3A_579] {strides = array<i32>} : memref<128x128xf32, #tpu.memory_space<vmem>>, vector<16xf32>,
        tpu.vector_store %arg16[%swap3A_578, %swap3A_579], %mul3A_577 {strides = array<i32>} : memref<128x128xf32, #tpu.memory_space<vmem>>, vector<16xf32>,
        %get3A_581 = arith.index_cast %add3A_556 : i32 to index
        %get3A_582 = arith.constant 48 : index
        %get3A_583 = tpu.vector_load %arg16[%get3A_581, %get3A_582] {strides = array<i32>} : memref<128x128xf32, #tpu.memory_space<vmem>>, vector<16xf32>,
        %mul3A_584 = vector.broadcast %squeeze3A_552 : f32 to vector<16xf32>
        %mul3A_585 = arith.mulf %get3A_583, %mul3A_584 : vector<16xf32>
        %swap3A_586 = arith.index_cast %add3A_556 : i32 to index
        %swap3A_587 = arith.constant 48 : index
        %swap3A_588 = tpu.vector_load %arg16[%swap3A_586, %swap3A_587] {strides = array<i32>} : memref<128x128xf32, #tpu.memory_space<vmem>>, vector<16xf32>,
        tpu.vector_store %arg16[%swap3A_586, %swap3A_587], %mul3A_585 {strides = array<i32>} : memref<128x128xf32, #tpu.memory_space<vmem>>, vector<16xf32>,
        %get3A_589 = arith.index_cast %add3A_556 : i32 to index
        %get3A_590 = arith.constant 64 : index
        %get3A_591 = tpu.vector_load %arg16[%get3A_589, %get3A_590] {strides = array<i32>} : memref<128x128xf32, #tpu.memory_space<vmem>>, vector<16xf32>,
        %mul3A_592 = vector.broadcast %squeeze3A_552 : f32 to vector<16xf32>
        %mul3A_593 = arith.mulf %get3A_591, %mul3A_592 : vector<16xf32>
        %swap3A_594 = arith.index_cast %add3A_556 : i32 to index
        %swap3A_595 = arith.constant 64 : index
        %swap3A_596 = tpu.vector_load %arg16[%swap3A_594, %swap3A_595] {strides = array<i32>} : memref<128x128xf32, #tpu.memory_space<vmem>>, vector<16xf32>,
        tpu.vector_store %arg16[%swap3A_594, %swap3A_595], %mul3A_593 {strides = array<i32>} : memref<128x128xf32, #tpu.memory_space<vmem>>, vector<16xf32>,
        %get3A_597 = arith.index_cast %add3A_556 : i32 to index
        %get3A_598 = arith.constant 80 : index
        %get3A_599 = tpu.vector_load %arg16[%get3A_597, %get3A_598] {strides = array<i32>} : memref<128x128xf32, #tpu.memory_space<vmem>>, vector<16xf32>,
        %mul3A_600 = vector.broadcast %squeeze3A_552 : f32 to vector<16xf32>
        %mul3A_601 = arith.mulf %get3A_599, %mul3A_600 : vector<16xf32>
        %swap3A_602 = arith.index_cast %add3A_556 : i32 to index
        %swap3A_603 = arith.constant 80 : index
        %swap3A_604 = tpu.vector_load %arg16[%swap3A_602, %swap3A_603] {strides = array<i32>} : memref<128x128xf32, #tpu.memory_space<vmem>>, vector<16xf32>,
        tpu.vector_store %arg16[%swap3A_602, %swap3A_603], %mul3A_601 {strides = array<i32>} : memref<128x128xf32, #tpu.memory_space<vmem>>, vector<16xf32>,
        %get3A_605 = arith.index_cast %add3A_556 : i32 to index
        %get3A_606 = arith.constant 96 : index
        %get3A_607 = tpu.vector_load %arg16[%get3A_605, %get3A_606] {strides = array<i32>} : memref<128x128xf32, #tpu.memory_space<vmem>>, vector<16xf32>,
        %mul3A_608 = vector.broadcast %squeeze3A_552 : f32 to vector<16xf32>
        %mul3A_609 = arith.mulf %get3A_607, %mul3A_608 : vector<16xf32>
        %swap3A_610 = arith.index_cast %add3A_556 : i32 to index
        %swap3A_611 = arith.constant 96 : index
        %swap3A_612 = tpu.vector_load %arg16[%swap3A_610, %swap3A_611] {strides = array<i32>} : memref<128x128xf32, #tpu.memory_space<vmem>>, vector<16xf32>,
        tpu.vector_store %arg16[%swap3A_610, %swap3A_611], %mul3A_609 {strides = array<i32>} : memref<128x128xf32, #tpu.memory_space<vmem>>, vector<16xf32>,
        %get3A_613 = arith.index_cast %add3A_556 : i32 to index
        %get3A_614 = arith.constant 112 : index
        %get3A_615 = tpu.vector_load %arg16[%get3A_613, %get3A_614] {strides = array<i32>} : memref<128x128xf32, #tpu.memory_space<vmem>>, vector<16xf32>,
        %mul3A_616 = vector.broadcast %squeeze3A_552 : f32 to vector<16xf32>
        %mul3A_617 = arith.mulf %get3A_615, %mul3A_616 : vector<16xf32>
        %swap3A_618 = arith.index_cast %add3A_556 : i32 to index
        %swap3A_619 = arith.constant 112 : index
        %swap3A_620 = tpu.vector_load %arg16[%swap3A_618, %swap3A_619] {strides = array<i32>} : memref<128x128xf32, #tpu.memory_space<vmem>>, vector<16xf32>,
        tpu.vector_store %arg16[%swap3A_618, %swap3A_619], %mul3A_617 {strides = array<i32>} : memref<128x128xf32, #tpu.memory_space<vmem>>, vector<16xf32>,
        %slice3A_621 = vector.extract_strided_slice %get3A_342 {offsets = [4], sizes = [1], strides = [1]} : vector<16xf32> to vector<1xf32>
        %squeeze3A_622 = vector.extract %slice3A_621[0] : f32 from vector<1xf32>
        %mul3A_623 = arith.constant 16 : i32
        %mul3A_624 = arith.muli %scan3A_338, %mul3A_623 : i32
        %add3A_625 = arith.constant 4 : i32
        %add3A_626 = arith.addi %mul3A_624, %add3A_625 : i32
        %get3A_627 = arith.index_cast %add3A_626 : i32 to index
        %get3A_628 = arith.constant 0 : index
        %get3A_629 = tpu.vector_load %arg16[%get3A_627, %get3A_628] {strides = array<i32>} : memref<128x128xf32, #tpu.memory_space<vmem>>, vector<16xf32>,
        %mul3A_630 = vector.broadcast %squeeze3A_622 : f32 to vector<16xf32>
        %mul3A_631 = arith.mulf %get3A_629, %mul3A_630 : vector<16xf32>
        %swap3A_632 = arith.index_cast %add3A_626 : i32 to index
        %swap3A_633 = arith.constant 0 : index
        %swap3A_634 = tpu.vector_load %arg16[%swap3A_632, %swap3A_633] {strides = array<i32>} : memref<128x128xf32, #tpu.memory_space<vmem>>, vector<16xf32>,
        tpu.vector_store %arg16[%swap3A_632, %swap3A_633], %mul3A_631 {strides = array<i32>} : memref<128x128xf32, #tpu.memory_space<vmem>>, vector<16xf32>,
        %get3A_635 = arith.index_cast %add3A_626 : i32 to index
        %get3A_636 = arith.constant 16 : index
        %get3A_637 = tpu.vector_load %arg16[%get3A_635, %get3A_636] {strides = array<i32>} : memref<128x128xf32, #tpu.memory_space<vmem>>, vector<16xf32>,
        %mul3A_638 = vector.broadcast %squeeze3A_622 : f32 to vector<16xf32>
        %mul3A_639 = arith.mulf %get3A_637, %mul3A_638 : vector<16xf32>
        %swap3A_640 = arith.index_cast %add3A_626 : i32 to index
        %swap3A_641 = arith.constant 16 : index
        %swap3A_642 = tpu.vector_load %arg16[%swap3A_640, %swap3A_641] {strides = array<i32>} : memref<128x128xf32, #tpu.memory_space<vmem>>, vector<16xf32>,
        tpu.vector_store %arg16[%swap3A_640, %swap3A_641], %mul3A_639 {strides = array<i32>} : memref<128x128xf32, #tpu.memory_space<vmem>>, vector<16xf32>,
        %get3A_643 = arith.index_cast %add3A_626 : i32 to index
        %get3A_644 = arith.constant 32 : index
        %get3A_645 = tpu.vector_load %arg16[%get3A_643, %get3A_644] {strides = array<i32>} : memref<128x128xf32, #tpu.memory_space<vmem>>, vector<16xf32>,
        %mul3A_646 = vector.broadcast %squeeze3A_622 : f32 to vector<16xf32>
        %mul3A_647 = arith.mulf %get3A_645, %mul3A_646 : vector<16xf32>
        %swap3A_648 = arith.index_cast %add3A_626 : i32 to index
        %swap3A_649 = arith.constant 32 : index
        %swap3A_650 = tpu.vector_load %arg16[%swap3A_648, %swap3A_649] {strides = array<i32>} : memref<128x128xf32, #tpu.memory_space<vmem>>, vector<16xf32>,
        tpu.vector_store %arg16[%swap3A_648, %swap3A_649], %mul3A_647 {strides = array<i32>} : memref<128x128xf32, #tpu.memory_space<vmem>>, vector<16xf32>,
        %get3A_651 = arith.index_cast %add3A_626 : i32 to index
        %get3A_652 = arith.constant 48 : index
        %get3A_653 = tpu.vector_load %arg16[%get3A_651, %get3A_652] {strides = array<i32>} : memref<128x128xf32, #tpu.memory_space<vmem>>, vector<16xf32>,
        %mul3A_654 = vector.broadcast %squeeze3A_622 : f32 to vector<16xf32>
        %mul3A_655 = arith.mulf %get3A_653, %mul3A_654 : vector<16xf32>
        %swap3A_656 = arith.index_cast %add3A_626 : i32 to index
        %swap3A_657 = arith.constant 48 : index
        %swap3A_658 = tpu.vector_load %arg16[%swap3A_656, %swap3A_657] {strides = array<i32>} : memref<128x128xf32, #tpu.memory_space<vmem>>, vector<16xf32>,
        tpu.vector_store %arg16[%swap3A_656, %swap3A_657], %mul3A_655 {strides = array<i32>} : memref<128x128xf32, #tpu.memory_space<vmem>>, vector<16xf32>,
        %get3A_659 = arith.index_cast %add3A_626 : i32 to index
        %get3A_660 = arith.constant 64 : index
        %get3A_661 = tpu.vector_load %arg16[%get3A_659, %get3A_660] {strides = array<i32>} : memref<128x128xf32, #tpu.memory_space<vmem>>, vector<16xf32>,
        %mul3A_662 = vector.broadcast %squeeze3A_622 : f32 to vector<16xf32>
        %mul3A_663 = arith.mulf %get3A_661, %mul3A_662 : vector<16xf32>
        %swap3A_664 = arith.index_cast %add3A_626 : i32 to index
        %swap3A_665 = arith.constant 64 : index
        %swap3A_666 = tpu.vector_load %arg16[%swap3A_664, %swap3A_665] {strides = array<i32>} : memref<128x128xf32, #tpu.memory_space<vmem>>, vector<16xf32>,
        tpu.vector_store %arg16[%swap3A_664, %swap3A_665], %mul3A_663 {strides = array<i32>} : memref<128x128xf32, #tpu.memory_space<vmem>>, vector<16xf32>,
        %get3A_667 = arith.index_cast %add3A_626 : i32 to index
        %get3A_668 = arith.constant 80 : index
        %get3A_669 = tpu.vector_load %arg16[%get3A_667, %get3A_668] {strides = array<i32>} : memref<128x128xf32, #tpu.memory_space<vmem>>, vector<16xf32>,
        %mul3A_670 = vector.broadcast %squeeze3A_622 : f32 to vector<16xf32>
        %mul3A_671 = arith.mulf %get3A_669, %mul3A_670 : vector<16xf32>
        %swap3A_672 = arith.index_cast %add3A_626 : i32 to index
        %swap3A_673 = arith.constant 80 : index
        %swap3A_674 = tpu.vector_load %arg16[%swap3A_672, %swap3A_673] {strides = array<i32>} : memref<128x128xf32, #tpu.memory_space<vmem>>, vector<16xf32>,
        tpu.vector_store %arg16[%swap3A_672, %swap3A_673], %mul3A_671 {strides = array<i32>} : memref<128x128xf32, #tpu.memory_space<vmem>>, vector<16xf32>,
        %get3A_675 = arith.index_cast %add3A_626 : i32 to index
        %get3A_676 = arith.constant 96 : index
        %get3A_677 = tpu.vector_load %arg16[%get3A_675, %get3A_676] {strides = array<i32>} : memref<128x128xf32, #tpu.memory_space<vmem>>, vector<16xf32>,
        %mul3A_678 = vector.broadcast %squeeze3A_622 : f32 to vector<16xf32>
        %mul3A_679 = arith.mulf %get3A_677, %mul3A_678 : vector<16xf32>
        %swap3A_680 = arith.index_cast %add3A_626 : i32 to index
        %swap3A_681 = arith.constant 96 : index
        %swap3A_682 = tpu.vector_load %arg16[%swap3A_680, %swap3A_681] {strides = array<i32>} : memref<128x128xf32, #tpu.memory_space<vmem>>, vector<16xf32>,
        tpu.vector_store %arg16[%swap3A_680, %swap3A_681], %mul3A_679 {strides = array<i32>} : memref<128x128xf32, #tpu.memory_space<vmem>>, vector<16xf32>,
        %get3A_683 = arith.index_cast %add3A_626 : i32 to index
        %get3A_684 = arith.constant 112 : index
        %get3A_685 = tpu.vector_load %arg16[%get3A_683, %get3A_684] {strides = array<i32>} : memref<128x128xf32, #tpu.memory_space<vmem>>, vector<16xf32>,
        %mul3A_686 = vector.broadcast %squeeze3A_622 : f32 to vector<16xf32>
        %mul3A_687 = arith.mulf %get3A_685, %mul3A_686 : vector<16xf32>
        %swap3A_688 = arith.index_cast %add3A_626 : i32 to index
        %swap3A_689 = arith.constant 112 : index
        %swap3A_690 = tpu.vector_load %arg16[%swap3A_688, %swap3A_689] {strides = array<i32>} : memref<128x128xf32, #tpu.memory_space<vmem>>, vector<16xf32>,
        tpu.vector_store %arg16[%swap3A_688, %swap3A_689], %mul3A_687 {strides = array<i32>} : memref<128x128xf32, #tpu.memory_space<vmem>>, vector<16xf32>,
        %slice3A_691 = vector.extract_strided_slice %get3A_342 {offsets = [5], sizes = [1], strides = [1]} : vector<16xf32> to vector<1xf32>
        %squeeze3A_692 = vector.extract %slice3A_691[0] : f32 from vector<1xf32>
        %mul3A_693 = arith.constant 16 : i32
        %mul3A_694 = arith.muli %scan3A_338, %mul3A_693 : i32
        %add3A_695 = arith.constant 5 : i32
        %add3A_696 = arith.addi %mul3A_694, %add3A_695 : i32
        %get3A_697 = arith.index_cast %add3A_696 : i32 to index
        %get3A_698 = arith.constant 0 : index
        %get3A_699 = tpu.vector_load %arg16[%get3A_697, %get3A_698] {strides = array<i32>} : memref<128x128xf32, #tpu.memory_space<vmem>>, vector<16xf32>,
        %mul3A_700 = vector.broadcast %squeeze3A_692 : f32 to vector<16xf32>
        %mul3A_701 = arith.mulf %get3A_699, %mul3A_700 : vector<16xf32>
        %swap3A_702 = arith.index_cast %add3A_696 : i32 to index
        %swap3A_703 = arith.constant 0 : index
        %swap3A_704 = tpu.vector_load %arg16[%swap3A_702, %swap3A_703] {strides = array<i32>} : memref<128x128xf32, #tpu.memory_space<vmem>>, vector<16xf32>,
        tpu.vector_store %arg16[%swap3A_702, %swap3A_703], %mul3A_701 {strides = array<i32>} : memref<128x128xf32, #tpu.memory_space<vmem>>, vector<16xf32>,
        %get3A_705 = arith.index_cast %add3A_696 : i32 to index
        %get3A_706 = arith.constant 16 : index
        %get3A_707 = tpu.vector_load %arg16[%get3A_705, %get3A_706] {strides = array<i32>} : memref<128x128xf32, #tpu.memory_space<vmem>>, vector<16xf32>,
        %mul3A_708 = vector.broadcast %squeeze3A_692 : f32 to vector<16xf32>
        %mul3A_709 = arith.mulf %get3A_707, %mul3A_708 : vector<16xf32>
        %swap3A_710 = arith.index_cast %add3A_696 : i32 to index
        %swap3A_711 = arith.constant 16 : index
        %swap3A_712 = tpu.vector_load %arg16[%swap3A_710, %swap3A_711] {strides = array<i32>} : memref<128x128xf32, #tpu.memory_space<vmem>>, vector<16xf32>,
        tpu.vector_store %arg16[%swap3A_710, %swap3A_711], %mul3A_709 {strides = array<i32>} : memref<128x128xf32, #tpu.memory_space<vmem>>, vector<16xf32>,
        %get3A_713 = arith.index_cast %add3A_696 : i32 to index
        %get3A_714 = arith.constant 32 : index
        %get3A_715 = tpu.vector_load %arg16[%get3A_713, %get3A_714] {strides = array<i32>} : memref<128x128xf32, #tpu.memory_space<vmem>>, vector<16xf32>,
        %mul3A_716 = vector.broadcast %squeeze3A_692 : f32 to vector<16xf32>
        %mul3A_717 = arith.mulf %get3A_715, %mul3A_716 : vector<16xf32>
        %swap3A_718 = arith.index_cast %add3A_696 : i32 to index
        %swap3A_719 = arith.constant 32 : index
        %swap3A_720 = tpu.vector_load %arg16[%swap3A_718, %swap3A_719] {strides = array<i32>} : memref<128x128xf32, #tpu.memory_space<vmem>>, vector<16xf32>,
        tpu.vector_store %arg16[%swap3A_718, %swap3A_719], %mul3A_717 {strides = array<i32>} : memref<128x128xf32, #tpu.memory_space<vmem>>, vector<16xf32>,
        %get3A_721 = arith.index_cast %add3A_696 : i32 to index
        %get3A_722 = arith.constant 48 : index
        %get3A_723 = tpu.vector_load %arg16[%get3A_721, %get3A_722] {strides = array<i32>} : memref<128x128xf32, #tpu.memory_space<vmem>>, vector<16xf32>,
        %mul3A_724 = vector.broadcast %squeeze3A_692 : f32 to vector<16xf32>
        %mul3A_725 = arith.mulf %get3A_723, %mul3A_724 : vector<16xf32>
        %swap3A_726 = arith.index_cast %add3A_696 : i32 to index
        %swap3A_727 = arith.constant 48 : index
        %swap3A_728 = tpu.vector_load %arg16[%swap3A_726, %swap3A_727] {strides = array<i32>} : memref<128x128xf32, #tpu.memory_space<vmem>>, vector<16xf32>,
        tpu.vector_store %arg16[%swap3A_726, %swap3A_727], %mul3A_725 {strides = array<i32>} : memref<128x128xf32, #tpu.memory_space<vmem>>, vector<16xf32>,
        %get3A_729 = arith.index_cast %add3A_696 : i32 to index
        %get3A_730 = arith.constant 64 : index
        %get3A_731 = tpu.vector_load %arg16[%get3A_729, %get3A_730] {strides = array<i32>} : memref<128x128xf32, #tpu.memory_space<vmem>>, vector<16xf32>,
        %mul3A_732 = vector.broadcast %squeeze3A_692 : f32 to vector<16xf32>
        %mul3A_733 = arith.mulf %get3A_731, %mul3A_732 : vector<16xf32>
        %swap3A_734 = arith.index_cast %add3A_696 : i32 to index
        %swap3A_735 = arith.constant 64 : index
        %swap3A_736 = tpu.vector_load %arg16[%swap3A_734, %swap3A_735] {strides = array<i32>} : memref<128x128xf32, #tpu.memory_space<vmem>>, vector<16xf32>,
        tpu.vector_store %arg16[%swap3A_734, %swap3A_735], %mul3A_733 {strides = array<i32>} : memref<128x128xf32, #tpu.memory_space<vmem>>, vector<16xf32>,
        %get3A_737 = arith.index_cast %add3A_696 : i32 to index
        %get3A_738 = arith.constant 80 : index
        %get3A_739 = tpu.vector_load %arg16[%get3A_737, %get3A_738] {strides = array<i32>} : memref<128x128xf32, #tpu.memory_space<vmem>>, vector<16xf32>,
        %mul3A_740 = vector.broadcast %squeeze3A_692 : f32 to vector<16xf32>
        %mul3A_741 = arith.mulf %get3A_739, %mul3A_740 : vector<16xf32>
        %swap3A_742 = arith.index_cast %add3A_696 : i32 to index
        %swap3A_743 = arith.constant 80 : index
        %swap3A_744 = tpu.vector_load %arg16[%swap3A_742, %swap3A_743] {strides = array<i32>} : memref<128x128xf32, #tpu.memory_space<vmem>>, vector<16xf32>,
        tpu.vector_store %arg16[%swap3A_742, %swap3A_743], %mul3A_741 {strides = array<i32>} : memref<128x128xf32, #tpu.memory_space<vmem>>, vector<16xf32>,
        %get3A_745 = arith.index_cast %add3A_696 : i32 to index
        %get3A_746 = arith.constant 96 : index
        %get3A_747 = tpu.vector_load %arg16[%get3A_745, %get3A_746] {strides = array<i32>} : memref<128x128xf32, #tpu.memory_space<vmem>>, vector<16xf32>,
        %mul3A_748 = vector.broadcast %squeeze3A_692 : f32 to vector<16xf32>
        %mul3A_749 = arith.mulf %get3A_747, %mul3A_748 : vector<16xf32>
        %swap3A_750 = arith.index_cast %add3A_696 : i32 to index
        %swap3A_751 = arith.constant 96 : index
        %swap3A_752 = tpu.vector_load %arg16[%swap3A_750, %swap3A_751] {strides = array<i32>} : memref<128x128xf32, #tpu.memory_space<vmem>>, vector<16xf32>,
        tpu.vector_store %arg16[%swap3A_750, %swap3A_751], %mul3A_749 {strides = array<i32>} : memref<128x128xf32, #tpu.memory_space<vmem>>, vector<16xf32>,
        %get3A_753 = arith.index_cast %add3A_696 : i32 to index
        %get3A_754 = arith.constant 112 : index
        %get3A_755 = tpu.vector_load %arg16[%get3A_753, %get3A_754] {strides = array<i32>} : memref<128x128xf32, #tpu.memory_space<vmem>>, vector<16xf32>,
        %mul3A_756 = vector.broadcast %squeeze3A_692 : f32 to vector<16xf32>
        %mul3A_757 = arith.mulf %get3A_755, %mul3A_756 : vector<16xf32>
        %swap3A_758 = arith.index_cast %add3A_696 : i32 to index
        %swap3A_759 = arith.constant 112 : index
        %swap3A_760 = tpu.vector_load %arg16[%swap3A_758, %swap3A_759] {strides = array<i32>} : memref<128x128xf32, #tpu.memory_space<vmem>>, vector<16xf32>,
        tpu.vector_store %arg16[%swap3A_758, %swap3A_759], %mul3A_757 {strides = array<i32>} : memref<128x128xf32, #tpu.memory_space<vmem>>, vector<16xf32>,
        %slice3A_761 = vector.extract_strided_slice %get3A_342 {offsets = [6], sizes = [1], strides = [1]} : vector<16xf32> to vector<1xf32>
        %squeeze3A_762 = vector.extract %slice3A_761[0] : f32 from vector<1xf32>
        %mul3A_763 = arith.constant 16 : i32
        %mul3A_764 = arith.muli %scan3A_338, %mul3A_763 : i32
        %add3A_765 = arith.constant 6 : i32
        %add3A_766 = arith.addi %mul3A_764, %add3A_765 : i32
        %get3A_767 = arith.index_cast %add3A_766 : i32 to index
        %get3A_768 = arith.constant 0 : index
        %get3A_769 = tpu.vector_load %arg16[%get3A_767, %get3A_768] {strides = array<i32>} : memref<128x128xf32, #tpu.memory_space<vmem>>, vector<16xf32>,
        %mul3A_770 = vector.broadcast %squeeze3A_762 : f32 to vector<16xf32>
        %mul3A_771 = arith.mulf %get3A_769, %mul3A_770 : vector<16xf32>
        %swap3A_772 = arith.index_cast %add3A_766 : i32 to index
        %swap3A_773 = arith.constant 0 : index
        %swap3A_774 = tpu.vector_load %arg16[%swap3A_772, %swap3A_773] {strides = array<i32>} : memref<128x128xf32, #tpu.memory_space<vmem>>, vector<16xf32>,
        tpu.vector_store %arg16[%swap3A_772, %swap3A_773], %mul3A_771 {strides = array<i32>} : memref<128x128xf32, #tpu.memory_space<vmem>>, vector<16xf32>,
        %get3A_775 = arith.index_cast %add3A_766 : i32 to index
        %get3A_776 = arith.constant 16 : index
        %get3A_777 = tpu.vector_load %arg16[%get3A_775, %get3A_776] {strides = array<i32>} : memref<128x128xf32, #tpu.memory_space<vmem>>, vector<16xf32>,
        %mul3A_778 = vector.broadcast %squeeze3A_762 : f32 to vector<16xf32>
        %mul3A_779 = arith.mulf %get3A_777, %mul3A_778 : vector<16xf32>
        %swap3A_780 = arith.index_cast %add3A_766 : i32 to index
        %swap3A_781 = arith.constant 16 : index
        %swap3A_782 = tpu.vector_load %arg16[%swap3A_780, %swap3A_781] {strides = array<i32>} : memref<128x128xf32, #tpu.memory_space<vmem>>, vector<16xf32>,
        tpu.vector_store %arg16[%swap3A_780, %swap3A_781], %mul3A_779 {strides = array<i32>} : memref<128x128xf32, #tpu.memory_space<vmem>>, vector<16xf32>,
        %get3A_783 = arith.index_cast %add3A_766 : i32 to index
        %get3A_784 = arith.constant 32 : index
        %get3A_785 = tpu.vector_load %arg16[%get3A_783, %get3A_784] {strides = array<i32>} : memref<128x128xf32, #tpu.memory_space<vmem>>, vector<16xf32>,
        %mul3A_786 = vector.broadcast %squeeze3A_762 : f32 to vector<16xf32>
        %mul3A_787 = arith.mulf %get3A_785, %mul3A_786 : vector<16xf32>
        %swap3A_788 = arith.index_cast %add3A_766 : i32 to index
        %swap3A_789 = arith.constant 32 : index
        %swap3A_790 = tpu.vector_load %arg16[%swap3A_788, %swap3A_789] {strides = array<i32>} : memref<128x128xf32, #tpu.memory_space<vmem>>, vector<16xf32>,
        tpu.vector_store %arg16[%swap3A_788, %swap3A_789], %mul3A_787 {strides = array<i32>} : memref<128x128xf32, #tpu.memory_space<vmem>>, vector<16xf32>,
        %get3A_791 = arith.index_cast %add3A_766 : i32 to index
        %get3A_792 = arith.constant 48 : index
        %get3A_793 = tpu.vector_load %arg16[%get3A_791, %get3A_792] {strides = array<i32>} : memref<128x128xf32, #tpu.memory_space<vmem>>, vector<16xf32>,
        %mul3A_794 = vector.broadcast %squeeze3A_762 : f32 to vector<16xf32>
        %mul3A_795 = arith.mulf %get3A_793, %mul3A_794 : vector<16xf32>
        %swap3A_796 = arith.index_cast %add3A_766 : i32 to index
        %swap3A_797 = arith.constant 48 : index
        %swap3A_798 = tpu.vector_load %arg16[%swap3A_796, %swap3A_797] {strides = array<i32>} : memref<128x128xf32, #tpu.memory_space<vmem>>, vector<16xf32>,
        tpu.vector_store %arg16[%swap3A_796, %swap3A_797], %mul3A_795 {strides = array<i32>} : memref<128x128xf32, #tpu.memory_space<vmem>>, vector<16xf32>,
        %get3A_799 = arith.index_cast %add3A_766 : i32 to index
        %get3A_800 = arith.constant 64 : index
        %get3A_801 = tpu.vector_load %arg16[%get3A_799, %get3A_800] {strides = array<i32>} : memref<128x128xf32, #tpu.memory_space<vmem>>, vector<16xf32>,
        %mul3A_802 = vector.broadcast %squeeze3A_762 : f32 to vector<16xf32>
        %mul3A_803 = arith.mulf %get3A_801, %mul3A_802 : vector<16xf32>
        %swap3A_804 = arith.index_cast %add3A_766 : i32 to index
        %swap3A_805 = arith.constant 64 : index
        %swap3A_806 = tpu.vector_load %arg16[%swap3A_804, %swap3A_805] {strides = array<i32>} : memref<128x128xf32, #tpu.memory_space<vmem>>, vector<16xf32>,
        tpu.vector_store %arg16[%swap3A_804, %swap3A_805], %mul3A_803 {strides = array<i32>} : memref<128x128xf32, #tpu.memory_space<vmem>>, vector<16xf32>,
        %get3A_807 = arith.index_cast %add3A_766 : i32 to index
        %get3A_808 = arith.constant 80 : index
        %get3A_809 = tpu.vector_load %arg16[%get3A_807, %get3A_808] {strides = array<i32>} : memref<128x128xf32, #tpu.memory_space<vmem>>, vector<16xf32>,
        %mul3A_810 = vector.broadcast %squeeze3A_762 : f32 to vector<16xf32>
        %mul3A_811 = arith.mulf %get3A_809, %mul3A_810 : vector<16xf32>
        %swap3A_812 = arith.index_cast %add3A_766 : i32 to index
        %swap3A_813 = arith.constant 80 : index
        %swap3A_814 = tpu.vector_load %arg16[%swap3A_812, %swap3A_813] {strides = array<i32>} : memref<128x128xf32, #tpu.memory_space<vmem>>, vector<16xf32>,
        tpu.vector_store %arg16[%swap3A_812, %swap3A_813], %mul3A_811 {strides = array<i32>} : memref<128x128xf32, #tpu.memory_space<vmem>>, vector<16xf32>,
        %get3A_815 = arith.index_cast %add3A_766 : i32 to index
        %get3A_816 = arith.constant 96 : index
        %get3A_817 = tpu.vector_load %arg16[%get3A_815, %get3A_816] {strides = array<i32>} : memref<128x128xf32, #tpu.memory_space<vmem>>, vector<16xf32>,
        %mul3A_818 = vector.broadcast %squeeze3A_762 : f32 to vector<16xf32>
        %mul3A_819 = arith.mulf %get3A_817, %mul3A_818 : vector<16xf32>
        %swap3A_820 = arith.index_cast %add3A_766 : i32 to index
        %swap3A_821 = arith.constant 96 : index
        %swap3A_822 = tpu.vector_load %arg16[%swap3A_820, %swap3A_821] {strides = array<i32>} : memref<128x128xf32, #tpu.memory_space<vmem>>, vector<16xf32>,
        tpu.vector_store %arg16[%swap3A_820, %swap3A_821], %mul3A_819 {strides = array<i32>} : memref<128x128xf32, #tpu.memory_space<vmem>>, vector<16xf32>,
        %get3A_823 = arith.index_cast %add3A_766 : i32 to index
        %get3A_824 = arith.constant 112 : index
        %get3A_825 = tpu.vector_load %arg16[%get3A_823, %get3A_824] {strides = array<i32>} : memref<128x128xf32, #tpu.memory_space<vmem>>, vector<16xf32>,
        %mul3A_826 = vector.broadcast %squeeze3A_762 : f32 to vector<16xf32>
        %mul3A_827 = arith.mulf %get3A_825, %mul3A_826 : vector<16xf32>
        %swap3A_828 = arith.index_cast %add3A_766 : i32 to index
        %swap3A_829 = arith.constant 112 : index
        %swap3A_830 = tpu.vector_load %arg16[%swap3A_828, %swap3A_829] {strides = array<i32>} : memref<128x128xf32, #tpu.memory_space<vmem>>, vector<16xf32>,
        tpu.vector_store %arg16[%swap3A_828, %swap3A_829], %mul3A_827 {strides = array<i32>} : memref<128x128xf32, #tpu.memory_space<vmem>>, vector<16xf32>,
        %slice3A_831 = vector.extract_strided_slice %get3A_342 {offsets = [7], sizes = [1], strides = [1]} : vector<16xf32> to vector<1xf32>
        %squeeze3A_832 = vector.extract %slice3A_831[0] : f32 from vector<1xf32>
        %mul3A_833 = arith.constant 16 : i32
        %mul3A_834 = arith.muli %scan3A_338, %mul3A_833 : i32
        %add3A_835 = arith.constant 7 : i32
        %add3A_836 = arith.addi %mul3A_834, %add3A_835 : i32
        %get3A_837 = arith.index_cast %add3A_836 : i32 to index
        %get3A_838 = arith.constant 0 : index
        %get3A_839 = tpu.vector_load %arg16[%get3A_837, %get3A_838] {strides = array<i32>} : memref<128x128xf32, #tpu.memory_space<vmem>>, vector<16xf32>,
        %mul3A_840 = vector.broadcast %squeeze3A_832 : f32 to vector<16xf32>
        %mul3A_841 = arith.mulf %get3A_839, %mul3A_840 : vector<16xf32>
        %swap3A_842 = arith.index_cast %add3A_836 : i32 to index
        %swap3A_843 = arith.constant 0 : index
        %swap3A_844 = tpu.vector_load %arg16[%swap3A_842, %swap3A_843] {strides = array<i32>} : memref<128x128xf32, #tpu.memory_space<vmem>>, vector<16xf32>,
        tpu.vector_store %arg16[%swap3A_842, %swap3A_843], %mul3A_841 {strides = array<i32>} : memref<128x128xf32, #tpu.memory_space<vmem>>, vector<16xf32>,
        %get3A_845 = arith.index_cast %add3A_836 : i32 to index
        %get3A_846 = arith.constant 16 : index
        %get3A_847 = tpu.vector_load %arg16[%get3A_845, %get3A_846] {strides = array<i32>} : memref<128x128xf32, #tpu.memory_space<vmem>>, vector<16xf32>,
        %mul3A_848 = vector.broadcast %squeeze3A_832 : f32 to vector<16xf32>
        %mul3A_849 = arith.mulf %get3A_847, %mul3A_848 : vector<16xf32>
        %swap3A_850 = arith.index_cast %add3A_836 : i32 to index
        %swap3A_851 = arith.constant 16 : index
        %swap3A_852 = tpu.vector_load %arg16[%swap3A_850, %swap3A_851] {strides = array<i32>} : memref<128x128xf32, #tpu.memory_space<vmem>>, vector<16xf32>,
        tpu.vector_store %arg16[%swap3A_850, %swap3A_851], %mul3A_849 {strides = array<i32>} : memref<128x128xf32, #tpu.memory_space<vmem>>, vector<16xf32>,
        %get3A_853 = arith.index_cast %add3A_836 : i32 to index
        %get3A_854 = arith.constant 32 : index
        %get3A_855 = tpu.vector_load %arg16[%get3A_853, %get3A_854] {strides = array<i32>} : memref<128x128xf32, #tpu.memory_space<vmem>>, vector<16xf32>,
        %mul3A_856 = vector.broadcast %squeeze3A_832 : f32 to vector<16xf32>
        %mul3A_857 = arith.mulf %get3A_855, %mul3A_856 : vector<16xf32>
        %swap3A_858 = arith.index_cast %add3A_836 : i32 to index
        %swap3A_859 = arith.constant 32 : index
        %swap3A_860 = tpu.vector_load %arg16[%swap3A_858, %swap3A_859] {strides = array<i32>} : memref<128x128xf32, #tpu.memory_space<vmem>>, vector<16xf32>,
        tpu.vector_store %arg16[%swap3A_858, %swap3A_859], %mul3A_857 {strides = array<i32>} : memref<128x128xf32, #tpu.memory_space<vmem>>, vector<16xf32>,
        %get3A_861 = arith.index_cast %add3A_836 : i32 to index
        %get3A_862 = arith.constant 48 : index
        %get3A_863 = tpu.vector_load %arg16[%get3A_861, %get3A_862] {strides = array<i32>} : memref<128x128xf32, #tpu.memory_space<vmem>>, vector<16xf32>,
        %mul3A_864 = vector.broadcast %squeeze3A_832 : f32 to vector<16xf32>
        %mul3A_865 = arith.mulf %get3A_863, %mul3A_864 : vector<16xf32>
        %swap3A_866 = arith.index_cast %add3A_836 : i32 to index
        %swap3A_867 = arith.constant 48 : index
        %swap3A_868 = tpu.vector_load %arg16[%swap3A_866, %swap3A_867] {strides = array<i32>} : memref<128x128xf32, #tpu.memory_space<vmem>>, vector<16xf32>,
        tpu.vector_store %arg16[%swap3A_866, %swap3A_867], %mul3A_865 {strides = array<i32>} : memref<128x128xf32, #tpu.memory_space<vmem>>, vector<16xf32>,
        %get3A_869 = arith.index_cast %add3A_836 : i32 to index
        %get3A_870 = arith.constant 64 : index
        %get3A_871 = tpu.vector_load %arg16[%get3A_869, %get3A_870] {strides = array<i32>} : memref<128x128xf32, #tpu.memory_space<vmem>>, vector<16xf32>,
        %mul3A_872 = vector.broadcast %squeeze3A_832 : f32 to vector<16xf32>
        %mul3A_873 = arith.mulf %get3A_871, %mul3A_872 : vector<16xf32>
        %swap3A_874 = arith.index_cast %add3A_836 : i32 to index
        %swap3A_875 = arith.constant 64 : index
        %swap3A_876 = tpu.vector_load %arg16[%swap3A_874, %swap3A_875] {strides = array<i32>} : memref<128x128xf32, #tpu.memory_space<vmem>>, vector<16xf32>,
        tpu.vector_store %arg16[%swap3A_874, %swap3A_875], %mul3A_873 {strides = array<i32>} : memref<128x128xf32, #tpu.memory_space<vmem>>, vector<16xf32>,
        %get3A_877 = arith.index_cast %add3A_836 : i32 to index
        %get3A_878 = arith.constant 80 : index
        %get3A_879 = tpu.vector_load %arg16[%get3A_877, %get3A_878] {strides = array<i32>} : memref<128x128xf32, #tpu.memory_space<vmem>>, vector<16xf32>,
        %mul3A_880 = vector.broadcast %squeeze3A_832 : f32 to vector<16xf32>
        %mul3A_881 = arith.mulf %get3A_879, %mul3A_880 : vector<16xf32>
        %swap3A_882 = arith.index_cast %add3A_836 : i32 to index
        %swap3A_883 = arith.constant 80 : index
        %swap3A_884 = tpu.vector_load %arg16[%swap3A_882, %swap3A_883] {strides = array<i32>} : memref<128x128xf32, #tpu.memory_space<vmem>>, vector<16xf32>,
        tpu.vector_store %arg16[%swap3A_882, %swap3A_883], %mul3A_881 {strides = array<i32>} : memref<128x128xf32, #tpu.memory_space<vmem>>, vector<16xf32>,
        %get3A_885 = arith.index_cast %add3A_836 : i32 to index
        %get3A_886 = arith.constant 96 : index
        %get3A_887 = tpu.vector_load %arg16[%get3A_885, %get3A_886] {strides = array<i32>} : memref<128x128xf32, #tpu.memory_space<vmem>>, vector<16xf32>,
        %mul3A_888 = vector.broadcast %squeeze3A_832 : f32 to vector<16xf32>
        %mul3A_889 = arith.mulf %get3A_887, %mul3A_888 : vector<16xf32>
        %swap3A_890 = arith.index_cast %add3A_836 : i32 to index
        %swap3A_891 = arith.constant 96 : index
        %swap3A_892 = tpu.vector_load %arg16[%swap3A_890, %swap3A_891] {strides = array<i32>} : memref<128x128xf32, #tpu.memory_space<vmem>>, vector<16xf32>,
        tpu.vector_store %arg16[%swap3A_890, %swap3A_891], %mul3A_889 {strides = array<i32>} : memref<128x128xf32, #tpu.memory_space<vmem>>, vector<16xf32>,
        %get3A_893 = arith.index_cast %add3A_836 : i32 to index
        %get3A_894 = arith.constant 112 : index
        %get3A_895 = tpu.vector_load %arg16[%get3A_893, %get3A_894] {strides = array<i32>} : memref<128x128xf32, #tpu.memory_space<vmem>>, vector<16xf32>,
        %mul3A_896 = vector.broadcast %squeeze3A_832 : f32 to vector<16xf32>
        %mul3A_897 = arith.mulf %get3A_895, %mul3A_896 : vector<16xf32>
        %swap3A_898 = arith.index_cast %add3A_836 : i32 to index
        %swap3A_899 = arith.constant 112 : index
        %swap3A_900 = tpu.vector_load %arg16[%swap3A_898, %swap3A_899] {strides = array<i32>} : memref<128x128xf32, #tpu.memory_space<vmem>>, vector<16xf32>,
        tpu.vector_store %arg16[%swap3A_898, %swap3A_899], %mul3A_897 {strides = array<i32>} : memref<128x128xf32, #tpu.memory_space<vmem>>, vector<16xf32>,
        %slice3A_901 = vector.extract_strided_slice %get3A_342 {offsets = [8], sizes = [1], strides = [1]} : vector<16xf32> to vector<1xf32>
        %squeeze3A_902 = vector.extract %slice3A_901[0] : f32 from vector<1xf32>
        %mul3A_903 = arith.constant 16 : i32
        %mul3A_904 = arith.muli %scan3A_338, %mul3A_903 : i32
        %add3A_905 = arith.constant 8 : i32
        %add3A_906 = arith.addi %mul3A_904, %add3A_905 : i32
        %get3A_907 = arith.index_cast %add3A_906 : i32 to index
        %get3A_908 = arith.constant 0 : index
        %get3A_909 = tpu.vector_load %arg16[%get3A_907, %get3A_908] {strides = array<i32>} : memref<128x128xf32, #tpu.memory_space<vmem>>, vector<16xf32>,
        %mul3A_910 = vector.broadcast %squeeze3A_902 : f32 to vector<16xf32>
        %mul3A_911 = arith.mulf %get3A_909, %mul3A_910 : vector<16xf32>
        %swap3A_912 = arith.index_cast %add3A_906 : i32 to index
        %swap3A_913 = arith.constant 0 : index
        %swap3A_914 = tpu.vector_load %arg16[%swap3A_912, %swap3A_913] {strides = array<i32>} : memref<128x128xf32, #tpu.memory_space<vmem>>, vector<16xf32>,
        tpu.vector_store %arg16[%swap3A_912, %swap3A_913], %mul3A_911 {strides = array<i32>} : memref<128x128xf32, #tpu.memory_space<vmem>>, vector<16xf32>,
        %get3A_915 = arith.index_cast %add3A_906 : i32 to index
        %get3A_916 = arith.constant 16 : index
        %get3A_917 = tpu.vector_load %arg16[%get3A_915, %get3A_916] {strides = array<i32>} : memref<128x128xf32, #tpu.memory_space<vmem>>, vector<16xf32>,
        %mul3A_918 = vector.broadcast %squeeze3A_902 : f32 to vector<16xf32>
        %mul3A_919 = arith.mulf %get3A_917, %mul3A_918 : vector<16xf32>
        %swap3A_920 = arith.index_cast %add3A_906 : i32 to index
        %swap3A_921 = arith.constant 16 : index
        %swap3A_922 = tpu.vector_load %arg16[%swap3A_920, %swap3A_921] {strides = array<i32>} : memref<128x128xf32, #tpu.memory_space<vmem>>, vector<16xf32>,
        tpu.vector_store %arg16[%swap3A_920, %swap3A_921], %mul3A_919 {strides = array<i32>} : memref<128x128xf32, #tpu.memory_space<vmem>>, vector<16xf32>,
        %get3A_923 = arith.index_cast %add3A_906 : i32 to index
        %get3A_924 = arith.constant 32 : index
        %get3A_925 = tpu.vector_load %arg16[%get3A_923, %get3A_924] {strides = array<i32>} : memref<128x128xf32, #tpu.memory_space<vmem>>, vector<16xf32>,
        %mul3A_926 = vector.broadcast %squeeze3A_902 : f32 to vector<16xf32>
        %mul3A_927 = arith.mulf %get3A_925, %mul3A_926 : vector<16xf32>
        %swap3A_928 = arith.index_cast %add3A_906 : i32 to index
        %swap3A_929 = arith.constant 32 : index
        %swap3A_930 = tpu.vector_load %arg16[%swap3A_928, %swap3A_929] {strides = array<i32>} : memref<128x128xf32, #tpu.memory_space<vmem>>, vector<16xf32>,
        tpu.vector_store %arg16[%swap3A_928, %swap3A_929], %mul3A_927 {strides = array<i32>} : memref<128x128xf32, #tpu.memory_space<vmem>>, vector<16xf32>,
        %get3A_931 = arith.index_cast %add3A_906 : i32 to index
        %get3A_932 = arith.constant 48 : index
        %get3A_933 = tpu.vector_load %arg16[%get3A_931, %get3A_932] {strides = array<i32>} : memref<128x128xf32, #tpu.memory_space<vmem>>, vector<16xf32>,
        %mul3A_934 = vector.broadcast %squeeze3A_902 : f32 to vector<16xf32>
        %mul3A_935 = arith.mulf %get3A_933, %mul3A_934 : vector<16xf32>
        %swap3A_936 = arith.index_cast %add3A_906 : i32 to index
        %swap3A_937 = arith.constant 48 : index
        %swap3A_938 = tpu.vector_load %arg16[%swap3A_936, %swap3A_937] {strides = array<i32>} : memref<128x128xf32, #tpu.memory_space<vmem>>, vector<16xf32>,
        tpu.vector_store %arg16[%swap3A_936, %swap3A_937], %mul3A_935 {strides = array<i32>} : memref<128x128xf32, #tpu.memory_space<vmem>>, vector<16xf32>,
        %get3A_939 = arith.index_cast %add3A_906 : i32 to index
        %get3A_940 = arith.constant 64 : index
        %get3A_941 = tpu.vector_load %arg16[%get3A_939, %get3A_940] {strides = array<i32>} : memref<128x128xf32, #tpu.memory_space<vmem>>, vector<16xf32>,
        %mul3A_942 = vector.broadcast %squeeze3A_902 : f32 to vector<16xf32>
        %mul3A_943 = arith.mulf %get3A_941, %mul3A_942 : vector<16xf32>
        %swap3A_944 = arith.index_cast %add3A_906 : i32 to index
        %swap3A_945 = arith.constant 64 : index
        %swap3A_946 = tpu.vector_load %arg16[%swap3A_944, %swap3A_945] {strides = array<i32>} : memref<128x128xf32, #tpu.memory_space<vmem>>, vector<16xf32>,
        tpu.vector_store %arg16[%swap3A_944, %swap3A_945], %mul3A_943 {strides = array<i32>} : memref<128x128xf32, #tpu.memory_space<vmem>>, vector<16xf32>,
        %get3A_947 = arith.index_cast %add3A_906 : i32 to index
        %get3A_948 = arith.constant 80 : index
        %get3A_949 = tpu.vector_load %arg16[%get3A_947, %get3A_948] {strides = array<i32>} : memref<128x128xf32, #tpu.memory_space<vmem>>, vector<16xf32>,
        %mul3A_950 = vector.broadcast %squeeze3A_902 : f32 to vector<16xf32>
        %mul3A_951 = arith.mulf %get3A_949, %mul3A_950 : vector<16xf32>
        %swap3A_952 = arith.index_cast %add3A_906 : i32 to index
        %swap3A_953 = arith.constant 80 : index
        %swap3A_954 = tpu.vector_load %arg16[%swap3A_952, %swap3A_953] {strides = array<i32>} : memref<128x128xf32, #tpu.memory_space<vmem>>, vector<16xf32>,
        tpu.vector_store %arg16[%swap3A_952, %swap3A_953], %mul3A_951 {strides = array<i32>} : memref<128x128xf32, #tpu.memory_space<vmem>>, vector<16xf32>,
        %get3A_955 = arith.index_cast %add3A_906 : i32 to index
        %get3A_956 = arith.constant 96 : index
        %get3A_957 = tpu.vector_load %arg16[%get3A_955, %get3A_956] {strides = array<i32>} : memref<128x128xf32, #tpu.memory_space<vmem>>, vector<16xf32>,
        %mul3A_958 = vector.broadcast %squeeze3A_902 : f32 to vector<16xf32>
        %mul3A_959 = arith.mulf %get3A_957, %mul3A_958 : vector<16xf32>
        %swap3A_960 = arith.index_cast %add3A_906 : i32 to index
        %swap3A_961 = arith.constant 96 : index
        %swap3A_962 = tpu.vector_load %arg16[%swap3A_960, %swap3A_961] {strides = array<i32>} : memref<128x128xf32, #tpu.memory_space<vmem>>, vector<16xf32>,
        tpu.vector_store %arg16[%swap3A_960, %swap3A_961], %mul3A_959 {strides = array<i32>} : memref<128x128xf32, #tpu.memory_space<vmem>>, vector<16xf32>,
        %get3A_963 = arith.index_cast %add3A_906 : i32 to index
        %get3A_964 = arith.constant 112 : index
        %get3A_965 = tpu.vector_load %arg16[%get3A_963, %get3A_964] {strides = array<i32>} : memref<128x128xf32, #tpu.memory_space<vmem>>, vector<16xf32>,
        %mul3A_966 = vector.broadcast %squeeze3A_902 : f32 to vector<16xf32>
        %mul3A_967 = arith.mulf %get3A_965, %mul3A_966 : vector<16xf32>
        %swap3A_968 = arith.index_cast %add3A_906 : i32 to index
        %swap3A_969 = arith.constant 112 : index
        %swap3A_970 = tpu.vector_load %arg16[%swap3A_968, %swap3A_969] {strides = array<i32>} : memref<128x128xf32, #tpu.memory_space<vmem>>, vector<16xf32>,
        tpu.vector_store %arg16[%swap3A_968, %swap3A_969], %mul3A_967 {strides = array<i32>} : memref<128x128xf32, #tpu.memory_space<vmem>>, vector<16xf32>,
        %slice3A_971 = vector.extract_strided_slice %get3A_342 {offsets = [9], sizes = [1], strides = [1]} : vector<16xf32> to vector<1xf32>
        %squeeze3A_972 = vector.extract %slice3A_971[0] : f32 from vector<1xf32>
        %mul3A_973 = arith.constant 16 : i32
        %mul3A_974 = arith.muli %scan3A_338, %mul3A_973 : i32
        %add3A_975 = arith.constant 9 : i32
        %add3A_976 = arith.addi %mul3A_974, %add3A_975 : i32
        %get3A_977 = arith.index_cast %add3A_976 : i32 to index
        %get3A_978 = arith.constant 0 : index
        %get3A_979 = tpu.vector_load %arg16[%get3A_977, %get3A_978] {strides = array<i32>} : memref<128x128xf32, #tpu.memory_space<vmem>>, vector<16xf32>,
        %mul3A_980 = vector.broadcast %squeeze3A_972 : f32 to vector<16xf32>
        %mul3A_981 = arith.mulf %get3A_979, %mul3A_980 : vector<16xf32>
        %swap3A_982 = arith.index_cast %add3A_976 : i32 to index
        %swap3A_983 = arith.constant 0 : index
        %swap3A_984 = tpu.vector_load %arg16[%swap3A_982, %swap3A_983] {strides = array<i32>} : memref<128x128xf32, #tpu.memory_space<vmem>>, vector<16xf32>,
        tpu.vector_store %arg16[%swap3A_982, %swap3A_983], %mul3A_981 {strides = array<i32>} : memref<128x128xf32, #tpu.memory_space<vmem>>, vector<16xf32>,
        %get3A_985 = arith.index_cast %add3A_976 : i32 to index
        %get3A_986 = arith.constant 16 : index
        %get3A_987 = tpu.vector_load %arg16[%get3A_985, %get3A_986] {strides = array<i32>} : memref<128x128xf32, #tpu.memory_space<vmem>>, vector<16xf32>,
        %mul3A_988 = vector.broadcast %squeeze3A_972 : f32 to vector<16xf32>
        %mul3A_989 = arith.mulf %get3A_987, %mul3A_988 : vector<16xf32>
        %swap3A_990 = arith.index_cast %add3A_976 : i32 to index
        %swap3A_991 = arith.constant 16 : index
        %swap3A_992 = tpu.vector_load %arg16[%swap3A_990, %swap3A_991] {strides = array<i32>} : memref<128x128xf32, #tpu.memory_space<vmem>>, vector<16xf32>,
        tpu.vector_store %arg16[%swap3A_990, %swap3A_991], %mul3A_989 {strides = array<i32>} : memref<128x128xf32, #tpu.memory_space<vmem>>, vector<16xf32>,
        %get3A_993 = arith.index_cast %add3A_976 : i32 to index
        %get3A_994 = arith.constant 32 : index
        %get3A_995 = tpu.vector_load %arg16[%get3A_993, %get3A_994] {strides = array<i32>} : memref<128x128xf32, #tpu.memory_space<vmem>>, vector<16xf32>,
        %mul3A_996 = vector.broadcast %squeeze3A_972 : f32 to vector<16xf32>
        %mul3A_997 = arith.mulf %get3A_995, %mul3A_996 : vector<16xf32>
        %swap3A_998 = arith.index_cast %add3A_976 : i32 to index
        %swap3A_999 = arith.constant 32 : index
        %swap3A_1000 = tpu.vector_load %arg16[%swap3A_998, %swap3A_999] {strides = array<i32>} : memref<128x128xf32, #tpu.memory_space<vmem>>, vector<16xf32>,
        tpu.vector_store %arg16[%swap3A_998, %swap3A_999], %mul3A_997 {strides = array<i32>} : memref<128x128xf32, #tpu.memory_space<vmem>>, vector<16xf32>,
        %get3A_1001 = arith.index_cast %add3A_976 : i32 to index
        %get3A_1002 = arith.constant 48 : index
        %get3A_1003 = tpu.vector_load %arg16[%get3A_1001, %get3A_1002] {strides = array<i32>} : memref<128x128xf32, #tpu.memory_space<vmem>>, vector<16xf32>,
        %mul3A_1004 = vector.broadcast %squeeze3A_972 : f32 to vector<16xf32>
        %mul3A_1005 = arith.mulf %get3A_1003, %mul3A_1004 : vector<16xf32>
        %swap3A_1006 = arith.index_cast %add3A_976 : i32 to index
        %swap3A_1007 = arith.constant 48 : index
        %swap3A_1008 = tpu.vector_load %arg16[%swap3A_1006, %swap3A_1007] {strides = array<i32>} : memref<128x128xf32, #tpu.memory_space<vmem>>, vector<16xf32>,
        tpu.vector_store %arg16[%swap3A_1006, %swap3A_1007], %mul3A_1005 {strides = array<i32>} : memref<128x128xf32, #tpu.memory_space<vmem>>, vector<16xf32>,
        %get3A_1009 = arith.index_cast %add3A_976 : i32 to index
        %get3A_1010 = arith.constant 64 : index
        %get3A_1011 = tpu.vector_load %arg16[%get3A_1009, %get3A_1010] {strides = array<i32>} : memref<128x128xf32, #tpu.memory_space<vmem>>, vector<16xf32>,
        %mul3A_1012 = vector.broadcast %squeeze3A_972 : f32 to vector<16xf32>
        %mul3A_1013 = arith.mulf %get3A_1011, %mul3A_1012 : vector<16xf32>
        %swap3A_1014 = arith.index_cast %add3A_976 : i32 to index
        %swap3A_1015 = arith.constant 64 : index
        %swap3A_1016 = tpu.vector_load %arg16[%swap3A_1014, %swap3A_1015] {strides = array<i32>} : memref<128x128xf32, #tpu.memory_space<vmem>>, vector<16xf32>,
        tpu.vector_store %arg16[%swap3A_1014, %swap3A_1015], %mul3A_1013 {strides = array<i32>} : memref<128x128xf32, #tpu.memory_space<vmem>>, vector<16xf32>,
        %get3A_1017 = arith.index_cast %add3A_976 : i32 to index
        %get3A_1018 = arith.constant 80 : index
        %get3A_1019 = tpu.vector_load %arg16[%get3A_1017, %get3A_1018] {strides = array<i32>} : memref<128x128xf32, #tpu.memory_space<vmem>>, vector<16xf32>,
        %mul3A_1020 = vector.broadcast %squeeze3A_972 : f32 to vector<16xf32>
        %mul3A_1021 = arith.mulf %get3A_1019, %mul3A_1020 : vector<16xf32>
        %swap3A_1022 = arith.index_cast %add3A_976 : i32 to index
        %swap3A_1023 = arith.constant 80 : index
        %swap3A_1024 = tpu.vector_load %arg16[%swap3A_1022, %swap3A_1023] {strides = array<i32>} : memref<128x128xf32, #tpu.memory_space<vmem>>, vector<16xf32>,
        tpu.vector_store %arg16[%swap3A_1022, %swap3A_1023], %mul3A_1021 {strides = array<i32>} : memref<128x128xf32, #tpu.memory_space<vmem>>, vector<16xf32>,
        %get3A_1025 = arith.index_cast %add3A_976 : i32 to index
        %get3A_1026 = arith.constant 96 : index
        %get3A_1027 = tpu.vector_load %arg16[%get3A_1025, %get3A_1026] {strides = array<i32>} : memref<128x128xf32, #tpu.memory_space<vmem>>, vector<16xf32>,
        %mul3A_1028 = vector.broadcast %squeeze3A_972 : f32 to vector<16xf32>
        %mul3A_1029 = arith.mulf %get3A_1027, %mul3A_1028 : vector<16xf32>
        %swap3A_1030 = arith.index_cast %add3A_976 : i32 to index
        %swap3A_1031 = arith.constant 96 : index
        %swap3A_1032 = tpu.vector_load %arg16[%swap3A_1030, %swap3A_1031] {strides = array<i32>} : memref<128x128xf32, #tpu.memory_space<vmem>>, vector<16xf32>,
        tpu.vector_store %arg16[%swap3A_1030, %swap3A_1031], %mul3A_1029 {strides = array<i32>} : memref<128x128xf32, #tpu.memory_space<vmem>>, vector<16xf32>,
        %get3A_1033 = arith.index_cast %add3A_976 : i32 to index
        %get3A_1034 = arith.constant 112 : index
        %get3A_1035 = tpu.vector_load %arg16[%get3A_1033, %get3A_1034] {strides = array<i32>} : memref<128x128xf32, #tpu.memory_space<vmem>>, vector<16xf32>,
        %mul3A_1036 = vector.broadcast %squeeze3A_972 : f32 to vector<16xf32>
        %mul3A_1037 = arith.mulf %get3A_1035, %mul3A_1036 : vector<16xf32>
        %swap3A_1038 = arith.index_cast %add3A_976 : i32 to index
        %swap3A_1039 = arith.constant 112 : index
        %swap3A_1040 = tpu.vector_load %arg16[%swap3A_1038, %swap3A_1039] {strides = array<i32>} : memref<128x128xf32, #tpu.memory_space<vmem>>, vector<16xf32>,
        tpu.vector_store %arg16[%swap3A_1038, %swap3A_1039], %mul3A_1037 {strides = array<i32>} : memref<128x128xf32, #tpu.memory_space<vmem>>, vector<16xf32>,
        %slice3A_1041 = vector.extract_strided_slice %get3A_342 {offsets = [10], sizes = [1], strides = [1]} : vector<16xf32> to vector<1xf32>
        %squeeze3A_1042 = vector.extract %slice3A_1041[0] : f32 from vector<1xf32>
        %mul3A_1043 = arith.constant 16 : i32
        %mul3A_1044 = arith.muli %scan3A_338, %mul3A_1043 : i32
        %add3A_1045 = arith.constant 10 : i32
        %add3A_1046 = arith.addi %mul3A_1044, %add3A_1045 : i32
        %get3A_1047 = arith.index_cast %add3A_1046 : i32 to index
        %get3A_1048 = arith.constant 0 : index
        %get3A_1049 = tpu.vector_load %arg16[%get3A_1047, %get3A_1048] {strides = array<i32>} : memref<128x128xf32, #tpu.memory_space<vmem>>, vector<16xf32>,
        %mul3A_1050 = vector.broadcast %squeeze3A_1042 : f32 to vector<16xf32>
        %mul3A_1051 = arith.mulf %get3A_1049, %mul3A_1050 : vector<16xf32>
        %swap3A_1052 = arith.index_cast %add3A_1046 : i32 to index
        %swap3A_1053 = arith.constant 0 : index
        %swap3A_1054 = tpu.vector_load %arg16[%swap3A_1052, %swap3A_1053] {strides = array<i32>} : memref<128x128xf32, #tpu.memory_space<vmem>>, vector<16xf32>,
        tpu.vector_store %arg16[%swap3A_1052, %swap3A_1053], %mul3A_1051 {strides = array<i32>} : memref<128x128xf32, #tpu.memory_space<vmem>>, vector<16xf32>,
        %get3A_1055 = arith.index_cast %add3A_1046 : i32 to index
        %get3A_1056 = arith.constant 16 : index
        %get3A_1057 = tpu.vector_load %arg16[%get3A_1055, %get3A_1056] {strides = array<i32>} : memref<128x128xf32, #tpu.memory_space<vmem>>, vector<16xf32>,
        %mul3A_1058 = vector.broadcast %squeeze3A_1042 : f32 to vector<16xf32>
        %mul3A_1059 = arith.mulf %get3A_1057, %mul3A_1058 : vector<16xf32>
        %swap3A_1060 = arith.index_cast %add3A_1046 : i32 to index
        %swap3A_1061 = arith.constant 16 : index
        %swap3A_1062 = tpu.vector_load %arg16[%swap3A_1060, %swap3A_1061] {strides = array<i32>} : memref<128x128xf32, #tpu.memory_space<vmem>>, vector<16xf32>,
        tpu.vector_store %arg16[%swap3A_1060, %swap3A_1061], %mul3A_1059 {strides = array<i32>} : memref<128x128xf32, #tpu.memory_space<vmem>>, vector<16xf32>,
        %get3A_1063 = arith.index_cast %add3A_1046 : i32 to index
        %get3A_1064 = arith.constant 32 : index
        %get3A_1065 = tpu.vector_load %arg16[%get3A_1063, %get3A_1064] {strides = array<i32>} : memref<128x128xf32, #tpu.memory_space<vmem>>, vector<16xf32>,
        %mul3A_1066 = vector.broadcast %squeeze3A_1042 : f32 to vector<16xf32>
        %mul3A_1067 = arith.mulf %get3A_1065, %mul3A_1066 : vector<16xf32>
        %swap3A_1068 = arith.index_cast %add3A_1046 : i32 to index
        %swap3A_1069 = arith.constant 32 : index
        %swap3A_1070 = tpu.vector_load %arg16[%swap3A_1068, %swap3A_1069] {strides = array<i32>} : memref<128x128xf32, #tpu.memory_space<vmem>>, vector<16xf32>,
        tpu.vector_store %arg16[%swap3A_1068, %swap3A_1069], %mul3A_1067 {strides = array<i32>} : memref<128x128xf32, #tpu.memory_space<vmem>>, vector<16xf32>,
        %get3A_1071 = arith.index_cast %add3A_1046 : i32 to index
        %get3A_1072 = arith.constant 48 : index
        %get3A_1073 = tpu.vector_load %arg16[%get3A_1071, %get3A_1072] {strides = array<i32>} : memref<128x128xf32, #tpu.memory_space<vmem>>, vector<16xf32>,
        %mul3A_1074 = vector.broadcast %squeeze3A_1042 : f32 to vector<16xf32>
        %mul3A_1075 = arith.mulf %get3A_1073, %mul3A_1074 : vector<16xf32>
        %swap3A_1076 = arith.index_cast %add3A_1046 : i32 to index
        %swap3A_1077 = arith.constant 48 : index
        %swap3A_1078 = tpu.vector_load %arg16[%swap3A_1076, %swap3A_1077] {strides = array<i32>} : memref<128x128xf32, #tpu.memory_space<vmem>>, vector<16xf32>,
        tpu.vector_store %arg16[%swap3A_1076, %swap3A_1077], %mul3A_1075 {strides = array<i32>} : memref<128x128xf32, #tpu.memory_space<vmem>>, vector<16xf32>,
        %get3A_1079 = arith.index_cast %add3A_1046 : i32 to index
        %get3A_1080 = arith.constant 64 : index
        %get3A_1081 = tpu.vector_load %arg16[%get3A_1079, %get3A_1080] {strides = array<i32>} : memref<128x128xf32, #tpu.memory_space<vmem>>, vector<16xf32>,
        %mul3A_1082 = vector.broadcast %squeeze3A_1042 : f32 to vector<16xf32>
        %mul3A_1083 = arith.mulf %get3A_1081, %mul3A_1082 : vector<16xf32>
        %swap3A_1084 = arith.index_cast %add3A_1046 : i32 to index
        %swap3A_1085 = arith.constant 64 : index
        %swap3A_1086 = tpu.vector_load %arg16[%swap3A_1084, %swap3A_1085] {strides = array<i32>} : memref<128x128xf32, #tpu.memory_space<vmem>>, vector<16xf32>,
        tpu.vector_store %arg16[%swap3A_1084, %swap3A_1085], %mul3A_1083 {strides = array<i32>} : memref<128x128xf32, #tpu.memory_space<vmem>>, vector<16xf32>,
        %get3A_1087 = arith.index_cast %add3A_1046 : i32 to index
        %get3A_1088 = arith.constant 80 : index
        %get3A_1089 = tpu.vector_load %arg16[%get3A_1087, %get3A_1088] {strides = array<i32>} : memref<128x128xf32, #tpu.memory_space<vmem>>, vector<16xf32>,
        %mul3A_1090 = vector.broadcast %squeeze3A_1042 : f32 to vector<16xf32>
        %mul3A_1091 = arith.mulf %get3A_1089, %mul3A_1090 : vector<16xf32>
        %swap3A_1092 = arith.index_cast %add3A_1046 : i32 to index
        %swap3A_1093 = arith.constant 80 : index
        %swap3A_1094 = tpu.vector_load %arg16[%swap3A_1092, %swap3A_1093] {strides = array<i32>} : memref<128x128xf32, #tpu.memory_space<vmem>>, vector<16xf32>,
        tpu.vector_store %arg16[%swap3A_1092, %swap3A_1093], %mul3A_1091 {strides = array<i32>} : memref<128x128xf32, #tpu.memory_space<vmem>>, vector<16xf32>,
        %get3A_1095 = arith.index_cast %add3A_1046 : i32 to index
        %get3A_1096 = arith.constant 96 : index
        %get3A_1097 = tpu.vector_load %arg16[%get3A_1095, %get3A_1096] {strides = array<i32>} : memref<128x128xf32, #tpu.memory_space<vmem>>, vector<16xf32>,
        %mul3A_1098 = vector.broadcast %squeeze3A_1042 : f32 to vector<16xf32>
        %mul3A_1099 = arith.mulf %get3A_1097, %mul3A_1098 : vector<16xf32>
        %swap3A_1100 = arith.index_cast %add3A_1046 : i32 to index
        %swap3A_1101 = arith.constant 96 : index
        %swap3A_1102 = tpu.vector_load %arg16[%swap3A_1100, %swap3A_1101] {strides = array<i32>} : memref<128x128xf32, #tpu.memory_space<vmem>>, vector<16xf32>,
        tpu.vector_store %arg16[%swap3A_1100, %swap3A_1101], %mul3A_1099 {strides = array<i32>} : memref<128x128xf32, #tpu.memory_space<vmem>>, vector<16xf32>,
        %get3A_1103 = arith.index_cast %add3A_1046 : i32 to index
        %get3A_1104 = arith.constant 112 : index
        %get3A_1105 = tpu.vector_load %arg16[%get3A_1103, %get3A_1104] {strides = array<i32>} : memref<128x128xf32, #tpu.memory_space<vmem>>, vector<16xf32>,
        %mul3A_1106 = vector.broadcast %squeeze3A_1042 : f32 to vector<16xf32>
        %mul3A_1107 = arith.mulf %get3A_1105, %mul3A_1106 : vector<16xf32>
        %swap3A_1108 = arith.index_cast %add3A_1046 : i32 to index
        %swap3A_1109 = arith.constant 112 : index
        %swap3A_1110 = tpu.vector_load %arg16[%swap3A_1108, %swap3A_1109] {strides = array<i32>} : memref<128x128xf32, #tpu.memory_space<vmem>>, vector<16xf32>,
        tpu.vector_store %arg16[%swap3A_1108, %swap3A_1109], %mul3A_1107 {strides = array<i32>} : memref<128x128xf32, #tpu.memory_space<vmem>>, vector<16xf32>,
        %slice3A_1111 = vector.extract_strided_slice %get3A_342 {offsets = [11], sizes = [1], strides = [1]} : vector<16xf32> to vector<1xf32>
        %squeeze3A_1112 = vector.extract %slice3A_1111[0] : f32 from vector<1xf32>
        %mul3A_1113 = arith.constant 16 : i32
        %mul3A_1114 = arith.muli %scan3A_338, %mul3A_1113 : i32
        %add3A_1115 = arith.constant 11 : i32
        %add3A_1116 = arith.addi %mul3A_1114, %add3A_1115 : i32
        %get3A_1117 = arith.index_cast %add3A_1116 : i32 to index
        %get3A_1118 = arith.constant 0 : index
        %get3A_1119 = tpu.vector_load %arg16[%get3A_1117, %get3A_1118] {strides = array<i32>} : memref<128x128xf32, #tpu.memory_space<vmem>>, vector<16xf32>,
        %mul3A_1120 = vector.broadcast %squeeze3A_1112 : f32 to vector<16xf32>
        %mul3A_1121 = arith.mulf %get3A_1119, %mul3A_1120 : vector<16xf32>
        %swap3A_1122 = arith.index_cast %add3A_1116 : i32 to index
        %swap3A_1123 = arith.constant 0 : index
        %swap3A_1124 = tpu.vector_load %arg16[%swap3A_1122, %swap3A_1123] {strides = array<i32>} : memref<128x128xf32, #tpu.memory_space<vmem>>, vector<16xf32>,
        tpu.vector_store %arg16[%swap3A_1122, %swap3A_1123], %mul3A_1121 {strides = array<i32>} : memref<128x128xf32, #tpu.memory_space<vmem>>, vector<16xf32>,
        %get3A_1125 = arith.index_cast %add3A_1116 : i32 to index
        %get3A_1126 = arith.constant 16 : index
        %get3A_1127 = tpu.vector_load %arg16[%get3A_1125, %get3A_1126] {strides = array<i32>} : memref<128x128xf32, #tpu.memory_space<vmem>>, vector<16xf32>,
        %mul3A_1128 = vector.broadcast %squeeze3A_1112 : f32 to vector<16xf32>
        %mul3A_1129 = arith.mulf %get3A_1127, %mul3A_1128 : vector<16xf32>
        %swap3A_1130 = arith.index_cast %add3A_1116 : i32 to index
        %swap3A_1131 = arith.constant 16 : index
        %swap3A_1132 = tpu.vector_load %arg16[%swap3A_1130, %swap3A_1131] {strides = array<i32>} : memref<128x128xf32, #tpu.memory_space<vmem>>, vector<16xf32>,
        tpu.vector_store %arg16[%swap3A_1130, %swap3A_1131], %mul3A_1129 {strides = array<i32>} : memref<128x128xf32, #tpu.memory_space<vmem>>, vector<16xf32>,
        %get3A_1133 = arith.index_cast %add3A_1116 : i32 to index
        %get3A_1134 = arith.constant 32 : index
        %get3A_1135 = tpu.vector_load %arg16[%get3A_1133, %get3A_1134] {strides = array<i32>} : memref<128x128xf32, #tpu.memory_space<vmem>>, vector<16xf32>,
        %mul3A_1136 = vector.broadcast %squeeze3A_1112 : f32 to vector<16xf32>
        %mul3A_1137 = arith.mulf %get3A_1135, %mul3A_1136 : vector<16xf32>
        %swap3A_1138 = arith.index_cast %add3A_1116 : i32 to index
        %swap3A_1139 = arith.constant 32 : index
        %swap3A_1140 = tpu.vector_load %arg16[%swap3A_1138, %swap3A_1139] {strides = array<i32>} : memref<128x128xf32, #tpu.memory_space<vmem>>, vector<16xf32>,
        tpu.vector_store %arg16[%swap3A_1138, %swap3A_1139], %mul3A_1137 {strides = array<i32>} : memref<128x128xf32, #tpu.memory_space<vmem>>, vector<16xf32>,
        %get3A_1141 = arith.index_cast %add3A_1116 : i32 to index
        %get3A_1142 = arith.constant 48 : index
        %get3A_1143 = tpu.vector_load %arg16[%get3A_1141, %get3A_1142] {strides = array<i32>} : memref<128x128xf32, #tpu.memory_space<vmem>>, vector<16xf32>,
        %mul3A_1144 = vector.broadcast %squeeze3A_1112 : f32 to vector<16xf32>
        %mul3A_1145 = arith.mulf %get3A_1143, %mul3A_1144 : vector<16xf32>
        %swap3A_1146 = arith.index_cast %add3A_1116 : i32 to index
        %swap3A_1147 = arith.constant 48 : index
        %swap3A_1148 = tpu.vector_load %arg16[%swap3A_1146, %swap3A_1147] {strides = array<i32>} : memref<128x128xf32, #tpu.memory_space<vmem>>, vector<16xf32>,
        tpu.vector_store %arg16[%swap3A_1146, %swap3A_1147], %mul3A_1145 {strides = array<i32>} : memref<128x128xf32, #tpu.memory_space<vmem>>, vector<16xf32>,
        %get3A_1149 = arith.index_cast %add3A_1116 : i32 to index
        %get3A_1150 = arith.constant 64 : index
        %get3A_1151 = tpu.vector_load %arg16[%get3A_1149, %get3A_1150] {strides = array<i32>} : memref<128x128xf32, #tpu.memory_space<vmem>>, vector<16xf32>,
        %mul3A_1152 = vector.broadcast %squeeze3A_1112 : f32 to vector<16xf32>
        %mul3A_1153 = arith.mulf %get3A_1151, %mul3A_1152 : vector<16xf32>
        %swap3A_1154 = arith.index_cast %add3A_1116 : i32 to index
        %swap3A_1155 = arith.constant 64 : index
        %swap3A_1156 = tpu.vector_load %arg16[%swap3A_1154, %swap3A_1155] {strides = array<i32>} : memref<128x128xf32, #tpu.memory_space<vmem>>, vector<16xf32>,
        tpu.vector_store %arg16[%swap3A_1154, %swap3A_1155], %mul3A_1153 {strides = array<i32>} : memref<128x128xf32, #tpu.memory_space<vmem>>, vector<16xf32>,
        %get3A_1157 = arith.index_cast %add3A_1116 : i32 to index
        %get3A_1158 = arith.constant 80 : index
        %get3A_1159 = tpu.vector_load %arg16[%get3A_1157, %get3A_1158] {strides = array<i32>} : memref<128x128xf32, #tpu.memory_space<vmem>>, vector<16xf32>,
        %mul3A_1160 = vector.broadcast %squeeze3A_1112 : f32 to vector<16xf32>
        %mul3A_1161 = arith.mulf %get3A_1159, %mul3A_1160 : vector<16xf32>
        %swap3A_1162 = arith.index_cast %add3A_1116 : i32 to index
        %swap3A_1163 = arith.constant 80 : index
        %swap3A_1164 = tpu.vector_load %arg16[%swap3A_1162, %swap3A_1163] {strides = array<i32>} : memref<128x128xf32, #tpu.memory_space<vmem>>, vector<16xf32>,
        tpu.vector_store %arg16[%swap3A_1162, %swap3A_1163], %mul3A_1161 {strides = array<i32>} : memref<128x128xf32, #tpu.memory_space<vmem>>, vector<16xf32>,
        %get3A_1165 = arith.index_cast %add3A_1116 : i32 to index
        %get3A_1166 = arith.constant 96 : index
        %get3A_1167 = tpu.vector_load %arg16[%get3A_1165, %get3A_1166] {strides = array<i32>} : memref<128x128xf32, #tpu.memory_space<vmem>>, vector<16xf32>,
        %mul3A_1168 = vector.broadcast %squeeze3A_1112 : f32 to vector<16xf32>
        %mul3A_1169 = arith.mulf %get3A_1167, %mul3A_1168 : vector<16xf32>
        %swap3A_1170 = arith.index_cast %add3A_1116 : i32 to index
        %swap3A_1171 = arith.constant 96 : index
        %swap3A_1172 = tpu.vector_load %arg16[%swap3A_1170, %swap3A_1171] {strides = array<i32>} : memref<128x128xf32, #tpu.memory_space<vmem>>, vector<16xf32>,
        tpu.vector_store %arg16[%swap3A_1170, %swap3A_1171], %mul3A_1169 {strides = array<i32>} : memref<128x128xf32, #tpu.memory_space<vmem>>, vector<16xf32>,
        %get3A_1173 = arith.index_cast %add3A_1116 : i32 to index
        %get3A_1174 = arith.constant 112 : index
        %get3A_1175 = tpu.vector_load %arg16[%get3A_1173, %get3A_1174] {strides = array<i32>} : memref<128x128xf32, #tpu.memory_space<vmem>>, vector<16xf32>,
        %mul3A_1176 = vector.broadcast %squeeze3A_1112 : f32 to vector<16xf32>
        %mul3A_1177 = arith.mulf %get3A_1175, %mul3A_1176 : vector<16xf32>
        %swap3A_1178 = arith.index_cast %add3A_1116 : i32 to index
        %swap3A_1179 = arith.constant 112 : index
        %swap3A_1180 = tpu.vector_load %arg16[%swap3A_1178, %swap3A_1179] {strides = array<i32>} : memref<128x128xf32, #tpu.memory_space<vmem>>, vector<16xf32>,
        tpu.vector_store %arg16[%swap3A_1178, %swap3A_1179], %mul3A_1177 {strides = array<i32>} : memref<128x128xf32, #tpu.memory_space<vmem>>, vector<16xf32>,
        %slice3A_1181 = vector.extract_strided_slice %get3A_342 {offsets = [12], sizes = [1], strides = [1]} : vector<16xf32> to vector<1xf32>
        %squeeze3A_1182 = vector.extract %slice3A_1181[0] : f32 from vector<1xf32>
        %mul3A_1183 = arith.constant 16 : i32
        %mul3A_1184 = arith.muli %scan3A_338, %mul3A_1183 : i32
        %add3A_1185 = arith.constant 12 : i32
        %add3A_1186 = arith.addi %mul3A_1184, %add3A_1185 : i32
        %get3A_1187 = arith.index_cast %add3A_1186 : i32 to index
        %get3A_1188 = arith.constant 0 : index
        %get3A_1189 = tpu.vector_load %arg16[%get3A_1187, %get3A_1188] {strides = array<i32>} : memref<128x128xf32, #tpu.memory_space<vmem>>, vector<16xf32>,
        %mul3A_1190 = vector.broadcast %squeeze3A_1182 : f32 to vector<16xf32>
        %mul3A_1191 = arith.mulf %get3A_1189, %mul3A_1190 : vector<16xf32>
        %swap3A_1192 = arith.index_cast %add3A_1186 : i32 to index
        %swap3A_1193 = arith.constant 0 : index
        %swap3A_1194 = tpu.vector_load %arg16[%swap3A_1192, %swap3A_1193] {strides = array<i32>} : memref<128x128xf32, #tpu.memory_space<vmem>>, vector<16xf32>,
        tpu.vector_store %arg16[%swap3A_1192, %swap3A_1193], %mul3A_1191 {strides = array<i32>} : memref<128x128xf32, #tpu.memory_space<vmem>>, vector<16xf32>,
        %get3A_1195 = arith.index_cast %add3A_1186 : i32 to index
        %get3A_1196 = arith.constant 16 : index
        %get3A_1197 = tpu.vector_load %arg16[%get3A_1195, %get3A_1196] {strides = array<i32>} : memref<128x128xf32, #tpu.memory_space<vmem>>, vector<16xf32>,
        %mul3A_1198 = vector.broadcast %squeeze3A_1182 : f32 to vector<16xf32>
        %mul3A_1199 = arith.mulf %get3A_1197, %mul3A_1198 : vector<16xf32>
        %swap3A_1200 = arith.index_cast %add3A_1186 : i32 to index
        %swap3A_1201 = arith.constant 16 : index
        %swap3A_1202 = tpu.vector_load %arg16[%swap3A_1200, %swap3A_1201] {strides = array<i32>} : memref<128x128xf32, #tpu.memory_space<vmem>>, vector<16xf32>,
        tpu.vector_store %arg16[%swap3A_1200, %swap3A_1201], %mul3A_1199 {strides = array<i32>} : memref<128x128xf32, #tpu.memory_space<vmem>>, vector<16xf32>,
        %get3A_1203 = arith.index_cast %add3A_1186 : i32 to index
        %get3A_1204 = arith.constant 32 : index
        %get3A_1205 = tpu.vector_load %arg16[%get3A_1203, %get3A_1204] {strides = array<i32>} : memref<128x128xf32, #tpu.memory_space<vmem>>, vector<16xf32>,
        %mul3A_1206 = vector.broadcast %squeeze3A_1182 : f32 to vector<16xf32>
        %mul3A_1207 = arith.mulf %get3A_1205, %mul3A_1206 : vector<16xf32>
        %swap3A_1208 = arith.index_cast %add3A_1186 : i32 to index
        %swap3A_1209 = arith.constant 32 : index
        %swap3A_1210 = tpu.vector_load %arg16[%swap3A_1208, %swap3A_1209] {strides = array<i32>} : memref<128x128xf32, #tpu.memory_space<vmem>>, vector<16xf32>,
        tpu.vector_store %arg16[%swap3A_1208, %swap3A_1209], %mul3A_1207 {strides = array<i32>} : memref<128x128xf32, #tpu.memory_space<vmem>>, vector<16xf32>,
        %get3A_1211 = arith.index_cast %add3A_1186 : i32 to index
        %get3A_1212 = arith.constant 48 : index
        %get3A_1213 = tpu.vector_load %arg16[%get3A_1211, %get3A_1212] {strides = array<i32>} : memref<128x128xf32, #tpu.memory_space<vmem>>, vector<16xf32>,
        %mul3A_1214 = vector.broadcast %squeeze3A_1182 : f32 to vector<16xf32>
        %mul3A_1215 = arith.mulf %get3A_1213, %mul3A_1214 : vector<16xf32>
        %swap3A_1216 = arith.index_cast %add3A_1186 : i32 to index
        %swap3A_1217 = arith.constant 48 : index
        %swap3A_1218 = tpu.vector_load %arg16[%swap3A_1216, %swap3A_1217] {strides = array<i32>} : memref<128x128xf32, #tpu.memory_space<vmem>>, vector<16xf32>,
        tpu.vector_store %arg16[%swap3A_1216, %swap3A_1217], %mul3A_1215 {strides = array<i32>} : memref<128x128xf32, #tpu.memory_space<vmem>>, vector<16xf32>,
        %get3A_1219 = arith.index_cast %add3A_1186 : i32 to index
        %get3A_1220 = arith.constant 64 : index
        %get3A_1221 = tpu.vector_load %arg16[%get3A_1219, %get3A_1220] {strides = array<i32>} : memref<128x128xf32, #tpu.memory_space<vmem>>, vector<16xf32>,
        %mul3A_1222 = vector.broadcast %squeeze3A_1182 : f32 to vector<16xf32>
        %mul3A_1223 = arith.mulf %get3A_1221, %mul3A_1222 : vector<16xf32>
        %swap3A_1224 = arith.index_cast %add3A_1186 : i32 to index
        %swap3A_1225 = arith.constant 64 : index
        %swap3A_1226 = tpu.vector_load %arg16[%swap3A_1224, %swap3A_1225] {strides = array<i32>} : memref<128x128xf32, #tpu.memory_space<vmem>>, vector<16xf32>,
        tpu.vector_store %arg16[%swap3A_1224, %swap3A_1225], %mul3A_1223 {strides = array<i32>} : memref<128x128xf32, #tpu.memory_space<vmem>>, vector<16xf32>,
        %get3A_1227 = arith.index_cast %add3A_1186 : i32 to index
        %get3A_1228 = arith.constant 80 : index
        %get3A_1229 = tpu.vector_load %arg16[%get3A_1227, %get3A_1228] {strides = array<i32>} : memref<128x128xf32, #tpu.memory_space<vmem>>, vector<16xf32>,
        %mul3A_1230 = vector.broadcast %squeeze3A_1182 : f32 to vector<16xf32>
        %mul3A_1231 = arith.mulf %get3A_1229, %mul3A_1230 : vector<16xf32>
        %swap3A_1232 = arith.index_cast %add3A_1186 : i32 to index
        %swap3A_1233 = arith.constant 80 : index
        %swap3A_1234 = tpu.vector_load %arg16[%swap3A_1232, %swap3A_1233] {strides = array<i32>} : memref<128x128xf32, #tpu.memory_space<vmem>>, vector<16xf32>,
        tpu.vector_store %arg16[%swap3A_1232, %swap3A_1233], %mul3A_1231 {strides = array<i32>} : memref<128x128xf32, #tpu.memory_space<vmem>>, vector<16xf32>,
        %get3A_1235 = arith.index_cast %add3A_1186 : i32 to index
        %get3A_1236 = arith.constant 96 : index
        %get3A_1237 = tpu.vector_load %arg16[%get3A_1235, %get3A_1236] {strides = array<i32>} : memref<128x128xf32, #tpu.memory_space<vmem>>, vector<16xf32>,
        %mul3A_1238 = vector.broadcast %squeeze3A_1182 : f32 to vector<16xf32>
        %mul3A_1239 = arith.mulf %get3A_1237, %mul3A_1238 : vector<16xf32>
        %swap3A_1240 = arith.index_cast %add3A_1186 : i32 to index
        %swap3A_1241 = arith.constant 96 : index
        %swap3A_1242 = tpu.vector_load %arg16[%swap3A_1240, %swap3A_1241] {strides = array<i32>} : memref<128x128xf32, #tpu.memory_space<vmem>>, vector<16xf32>,
        tpu.vector_store %arg16[%swap3A_1240, %swap3A_1241], %mul3A_1239 {strides = array<i32>} : memref<128x128xf32, #tpu.memory_space<vmem>>, vector<16xf32>,
        %get3A_1243 = arith.index_cast %add3A_1186 : i32 to index
        %get3A_1244 = arith.constant 112 : index
        %get3A_1245 = tpu.vector_load %arg16[%get3A_1243, %get3A_1244] {strides = array<i32>} : memref<128x128xf32, #tpu.memory_space<vmem>>, vector<16xf32>,
        %mul3A_1246 = vector.broadcast %squeeze3A_1182 : f32 to vector<16xf32>
        %mul3A_1247 = arith.mulf %get3A_1245, %mul3A_1246 : vector<16xf32>
        %swap3A_1248 = arith.index_cast %add3A_1186 : i32 to index
        %swap3A_1249 = arith.constant 112 : index
        %swap3A_1250 = tpu.vector_load %arg16[%swap3A_1248, %swap3A_1249] {strides = array<i32>} : memref<128x128xf32, #tpu.memory_space<vmem>>, vector<16xf32>,
        tpu.vector_store %arg16[%swap3A_1248, %swap3A_1249], %mul3A_1247 {strides = array<i32>} : memref<128x128xf32, #tpu.memory_space<vmem>>, vector<16xf32>,
        %slice3A_1251 = vector.extract_strided_slice %get3A_342 {offsets = [13], sizes = [1], strides = [1]} : vector<16xf32> to vector<1xf32>
        %squeeze3A_1252 = vector.extract %slice3A_1251[0] : f32 from vector<1xf32>
        %mul3A_1253 = arith.constant 16 : i32
        %mul3A_1254 = arith.muli %scan3A_338, %mul3A_1253 : i32
        %add3A_1255 = arith.constant 13 : i32
        %add3A_1256 = arith.addi %mul3A_1254, %add3A_1255 : i32
        %get3A_1257 = arith.index_cast %add3A_1256 : i32 to index
        %get3A_1258 = arith.constant 0 : index
        %get3A_1259 = tpu.vector_load %arg16[%get3A_1257, %get3A_1258] {strides = array<i32>} : memref<128x128xf32, #tpu.memory_space<vmem>>, vector<16xf32>,
        %mul3A_1260 = vector.broadcast %squeeze3A_1252 : f32 to vector<16xf32>
        %mul3A_1261 = arith.mulf %get3A_1259, %mul3A_1260 : vector<16xf32>
        %swap3A_1262 = arith.index_cast %add3A_1256 : i32 to index
        %swap3A_1263 = arith.constant 0 : index
        %swap3A_1264 = tpu.vector_load %arg16[%swap3A_1262, %swap3A_1263] {strides = array<i32>} : memref<128x128xf32, #tpu.memory_space<vmem>>, vector<16xf32>,
        tpu.vector_store %arg16[%swap3A_1262, %swap3A_1263], %mul3A_1261 {strides = array<i32>} : memref<128x128xf32, #tpu.memory_space<vmem>>, vector<16xf32>,
        %get3A_1265 = arith.index_cast %add3A_1256 : i32 to index
        %get3A_1266 = arith.constant 16 : index
        %get3A_1267 = tpu.vector_load %arg16[%get3A_1265, %get3A_1266] {strides = array<i32>} : memref<128x128xf32, #tpu.memory_space<vmem>>, vector<16xf32>,
        %mul3A_1268 = vector.broadcast %squeeze3A_1252 : f32 to vector<16xf32>
        %mul3A_1269 = arith.mulf %get3A_1267, %mul3A_1268 : vector<16xf32>
        %swap3A_1270 = arith.index_cast %add3A_1256 : i32 to index
        %swap3A_1271 = arith.constant 16 : index
        %swap3A_1272 = tpu.vector_load %arg16[%swap3A_1270, %swap3A_1271] {strides = array<i32>} : memref<128x128xf32, #tpu.memory_space<vmem>>, vector<16xf32>,
        tpu.vector_store %arg16[%swap3A_1270, %swap3A_1271], %mul3A_1269 {strides = array<i32>} : memref<128x128xf32, #tpu.memory_space<vmem>>, vector<16xf32>,
        %get3A_1273 = arith.index_cast %add3A_1256 : i32 to index
        %get3A_1274 = arith.constant 32 : index
        %get3A_1275 = tpu.vector_load %arg16[%get3A_1273, %get3A_1274] {strides = array<i32>} : memref<128x128xf32, #tpu.memory_space<vmem>>, vector<16xf32>,
        %mul3A_1276 = vector.broadcast %squeeze3A_1252 : f32 to vector<16xf32>
        %mul3A_1277 = arith.mulf %get3A_1275, %mul3A_1276 : vector<16xf32>
        %swap3A_1278 = arith.index_cast %add3A_1256 : i32 to index
        %swap3A_1279 = arith.constant 32 : index
        %swap3A_1280 = tpu.vector_load %arg16[%swap3A_1278, %swap3A_1279] {strides = array<i32>} : memref<128x128xf32, #tpu.memory_space<vmem>>, vector<16xf32>,
        tpu.vector_store %arg16[%swap3A_1278, %swap3A_1279], %mul3A_1277 {strides = array<i32>} : memref<128x128xf32, #tpu.memory_space<vmem>>, vector<16xf32>,
        %get3A_1281 = arith.index_cast %add3A_1256 : i32 to index
        %get3A_1282 = arith.constant 48 : index
        %get3A_1283 = tpu.vector_load %arg16[%get3A_1281, %get3A_1282] {strides = array<i32>} : memref<128x128xf32, #tpu.memory_space<vmem>>, vector<16xf32>,
        %mul3A_1284 = vector.broadcast %squeeze3A_1252 : f32 to vector<16xf32>
        %mul3A_1285 = arith.mulf %get3A_1283, %mul3A_1284 : vector<16xf32>
        %swap3A_1286 = arith.index_cast %add3A_1256 : i32 to index
        %swap3A_1287 = arith.constant 48 : index
        %swap3A_1288 = tpu.vector_load %arg16[%swap3A_1286, %swap3A_1287] {strides = array<i32>} : memref<128x128xf32, #tpu.memory_space<vmem>>, vector<16xf32>,
        tpu.vector_store %arg16[%swap3A_1286, %swap3A_1287], %mul3A_1285 {strides = array<i32>} : memref<128x128xf32, #tpu.memory_space<vmem>>, vector<16xf32>,
        %get3A_1289 = arith.index_cast %add3A_1256 : i32 to index
        %get3A_1290 = arith.constant 64 : index
        %get3A_1291 = tpu.vector_load %arg16[%get3A_1289, %get3A_1290] {strides = array<i32>} : memref<128x128xf32, #tpu.memory_space<vmem>>, vector<16xf32>,
        %mul3A_1292 = vector.broadcast %squeeze3A_1252 : f32 to vector<16xf32>
        %mul3A_1293 = arith.mulf %get3A_1291, %mul3A_1292 : vector<16xf32>
        %swap3A_1294 = arith.index_cast %add3A_1256 : i32 to index
        %swap3A_1295 = arith.constant 64 : index
        %swap3A_1296 = tpu.vector_load %arg16[%swap3A_1294, %swap3A_1295] {strides = array<i32>} : memref<128x128xf32, #tpu.memory_space<vmem>>, vector<16xf32>,
        tpu.vector_store %arg16[%swap3A_1294, %swap3A_1295], %mul3A_1293 {strides = array<i32>} : memref<128x128xf32, #tpu.memory_space<vmem>>, vector<16xf32>,
        %get3A_1297 = arith.index_cast %add3A_1256 : i32 to index
        %get3A_1298 = arith.constant 80 : index
        %get3A_1299 = tpu.vector_load %arg16[%get3A_1297, %get3A_1298] {strides = array<i32>} : memref<128x128xf32, #tpu.memory_space<vmem>>, vector<16xf32>,
        %mul3A_1300 = vector.broadcast %squeeze3A_1252 : f32 to vector<16xf32>
        %mul3A_1301 = arith.mulf %get3A_1299, %mul3A_1300 : vector<16xf32>
        %swap3A_1302 = arith.index_cast %add3A_1256 : i32 to index
        %swap3A_1303 = arith.constant 80 : index
        %swap3A_1304 = tpu.vector_load %arg16[%swap3A_1302, %swap3A_1303] {strides = array<i32>} : memref<128x128xf32, #tpu.memory_space<vmem>>, vector<16xf32>,
        tpu.vector_store %arg16[%swap3A_1302, %swap3A_1303], %mul3A_1301 {strides = array<i32>} : memref<128x128xf32, #tpu.memory_space<vmem>>, vector<16xf32>,
        %get3A_1305 = arith.index_cast %add3A_1256 : i32 to index
        %get3A_1306 = arith.constant 96 : index
        %get3A_1307 = tpu.vector_load %arg16[%get3A_1305, %get3A_1306] {strides = array<i32>} : memref<128x128xf32, #tpu.memory_space<vmem>>, vector<16xf32>,
        %mul3A_1308 = vector.broadcast %squeeze3A_1252 : f32 to vector<16xf32>
        %mul3A_1309 = arith.mulf %get3A_1307, %mul3A_1308 : vector<16xf32>
        %swap3A_1310 = arith.index_cast %add3A_1256 : i32 to index
        %swap3A_1311 = arith.constant 96 : index
        %swap3A_1312 = tpu.vector_load %arg16[%swap3A_1310, %swap3A_1311] {strides = array<i32>} : memref<128x128xf32, #tpu.memory_space<vmem>>, vector<16xf32>,
        tpu.vector_store %arg16[%swap3A_1310, %swap3A_1311], %mul3A_1309 {strides = array<i32>} : memref<128x128xf32, #tpu.memory_space<vmem>>, vector<16xf32>,
        %get3A_1313 = arith.index_cast %add3A_1256 : i32 to index
        %get3A_1314 = arith.constant 112 : index
        %get3A_1315 = tpu.vector_load %arg16[%get3A_1313, %get3A_1314] {strides = array<i32>} : memref<128x128xf32, #tpu.memory_space<vmem>>, vector<16xf32>,
        %mul3A_1316 = vector.broadcast %squeeze3A_1252 : f32 to vector<16xf32>
        %mul3A_1317 = arith.mulf %get3A_1315, %mul3A_1316 : vector<16xf32>
        %swap3A_1318 = arith.index_cast %add3A_1256 : i32 to index
        %swap3A_1319 = arith.constant 112 : index
        %swap3A_1320 = tpu.vector_load %arg16[%swap3A_1318, %swap3A_1319] {strides = array<i32>} : memref<128x128xf32, #tpu.memory_space<vmem>>, vector<16xf32>,
        tpu.vector_store %arg16[%swap3A_1318, %swap3A_1319], %mul3A_1317 {strides = array<i32>} : memref<128x128xf32, #tpu.memory_space<vmem>>, vector<16xf32>,
        %slice3A_1321 = vector.extract_strided_slice %get3A_342 {offsets = [14], sizes = [1], strides = [1]} : vector<16xf32> to vector<1xf32>
        %squeeze3A_1322 = vector.extract %slice3A_1321[0] : f32 from vector<1xf32>
        %mul3A_1323 = arith.constant 16 : i32
        %mul3A_1324 = arith.muli %scan3A_338, %mul3A_1323 : i32
        %add3A_1325 = arith.constant 14 : i32
        %add3A_1326 = arith.addi %mul3A_1324, %add3A_1325 : i32
        %get3A_1327 = arith.index_cast %add3A_1326 : i32 to index
        %get3A_1328 = arith.constant 0 : index
        %get3A_1329 = tpu.vector_load %arg16[%get3A_1327, %get3A_1328] {strides = array<i32>} : memref<128x128xf32, #tpu.memory_space<vmem>>, vector<16xf32>,
        %mul3A_1330 = vector.broadcast %squeeze3A_1322 : f32 to vector<16xf32>
        %mul3A_1331 = arith.mulf %get3A_1329, %mul3A_1330 : vector<16xf32>
        %swap3A_1332 = arith.index_cast %add3A_1326 : i32 to index
        %swap3A_1333 = arith.constant 0 : index
        %swap3A_1334 = tpu.vector_load %arg16[%swap3A_1332, %swap3A_1333] {strides = array<i32>} : memref<128x128xf32, #tpu.memory_space<vmem>>, vector<16xf32>,
        tpu.vector_store %arg16[%swap3A_1332, %swap3A_1333], %mul3A_1331 {strides = array<i32>} : memref<128x128xf32, #tpu.memory_space<vmem>>, vector<16xf32>,
        %get3A_1335 = arith.index_cast %add3A_1326 : i32 to index
        %get3A_1336 = arith.constant 16 : index
        %get3A_1337 = tpu.vector_load %arg16[%get3A_1335, %get3A_1336] {strides = array<i32>} : memref<128x128xf32, #tpu.memory_space<vmem>>, vector<16xf32>,
        %mul3A_1338 = vector.broadcast %squeeze3A_1322 : f32 to vector<16xf32>
        %mul3A_1339 = arith.mulf %get3A_1337, %mul3A_1338 : vector<16xf32>
        %swap3A_1340 = arith.index_cast %add3A_1326 : i32 to index
        %swap3A_1341 = arith.constant 16 : index
        %swap3A_1342 = tpu.vector_load %arg16[%swap3A_1340, %swap3A_1341] {strides = array<i32>} : memref<128x128xf32, #tpu.memory_space<vmem>>, vector<16xf32>,
        tpu.vector_store %arg16[%swap3A_1340, %swap3A_1341], %mul3A_1339 {strides = array<i32>} : memref<128x128xf32, #tpu.memory_space<vmem>>, vector<16xf32>,
        %get3A_1343 = arith.index_cast %add3A_1326 : i32 to index
        %get3A_1344 = arith.constant 32 : index
        %get3A_1345 = tpu.vector_load %arg16[%get3A_1343, %get3A_1344] {strides = array<i32>} : memref<128x128xf32, #tpu.memory_space<vmem>>, vector<16xf32>,
        %mul3A_1346 = vector.broadcast %squeeze3A_1322 : f32 to vector<16xf32>
        %mul3A_1347 = arith.mulf %get3A_1345, %mul3A_1346 : vector<16xf32>
        %swap3A_1348 = arith.index_cast %add3A_1326 : i32 to index
        %swap3A_1349 = arith.constant 32 : index
        %swap3A_1350 = tpu.vector_load %arg16[%swap3A_1348, %swap3A_1349] {strides = array<i32>} : memref<128x128xf32, #tpu.memory_space<vmem>>, vector<16xf32>,
        tpu.vector_store %arg16[%swap3A_1348, %swap3A_1349], %mul3A_1347 {strides = array<i32>} : memref<128x128xf32, #tpu.memory_space<vmem>>, vector<16xf32>,
        %get3A_1351 = arith.index_cast %add3A_1326 : i32 to index
        %get3A_1352 = arith.constant 48 : index
        %get3A_1353 = tpu.vector_load %arg16[%get3A_1351, %get3A_1352] {strides = array<i32>} : memref<128x128xf32, #tpu.memory_space<vmem>>, vector<16xf32>,
        %mul3A_1354 = vector.broadcast %squeeze3A_1322 : f32 to vector<16xf32>
        %mul3A_1355 = arith.mulf %get3A_1353, %mul3A_1354 : vector<16xf32>
        %swap3A_1356 = arith.index_cast %add3A_1326 : i32 to index
        %swap3A_1357 = arith.constant 48 : index
        %swap3A_1358 = tpu.vector_load %arg16[%swap3A_1356, %swap3A_1357] {strides = array<i32>} : memref<128x128xf32, #tpu.memory_space<vmem>>, vector<16xf32>,
        tpu.vector_store %arg16[%swap3A_1356, %swap3A_1357], %mul3A_1355 {strides = array<i32>} : memref<128x128xf32, #tpu.memory_space<vmem>>, vector<16xf32>,
        %get3A_1359 = arith.index_cast %add3A_1326 : i32 to index
        %get3A_1360 = arith.constant 64 : index
        %get3A_1361 = tpu.vector_load %arg16[%get3A_1359, %get3A_1360] {strides = array<i32>} : memref<128x128xf32, #tpu.memory_space<vmem>>, vector<16xf32>,
        %mul3A_1362 = vector.broadcast %squeeze3A_1322 : f32 to vector<16xf32>
        %mul3A_1363 = arith.mulf %get3A_1361, %mul3A_1362 : vector<16xf32>
        %swap3A_1364 = arith.index_cast %add3A_1326 : i32 to index
        %swap3A_1365 = arith.constant 64 : index
        %swap3A_1366 = tpu.vector_load %arg16[%swap3A_1364, %swap3A_1365] {strides = array<i32>} : memref<128x128xf32, #tpu.memory_space<vmem>>, vector<16xf32>,
        tpu.vector_store %arg16[%swap3A_1364, %swap3A_1365], %mul3A_1363 {strides = array<i32>} : memref<128x128xf32, #tpu.memory_space<vmem>>, vector<16xf32>,
        %get3A_1367 = arith.index_cast %add3A_1326 : i32 to index
        %get3A_1368 = arith.constant 80 : index
        %get3A_1369 = tpu.vector_load %arg16[%get3A_1367, %get3A_1368] {strides = array<i32>} : memref<128x128xf32, #tpu.memory_space<vmem>>, vector<16xf32>,
        %mul3A_1370 = vector.broadcast %squeeze3A_1322 : f32 to vector<16xf32>
        %mul3A_1371 = arith.mulf %get3A_1369, %mul3A_1370 : vector<16xf32>
        %swap3A_1372 = arith.index_cast %add3A_1326 : i32 to index
        %swap3A_1373 = arith.constant 80 : index
        %swap3A_1374 = tpu.vector_load %arg16[%swap3A_1372, %swap3A_1373] {strides = array<i32>} : memref<128x128xf32, #tpu.memory_space<vmem>>, vector<16xf32>,
        tpu.vector_store %arg16[%swap3A_1372, %swap3A_1373], %mul3A_1371 {strides = array<i32>} : memref<128x128xf32, #tpu.memory_space<vmem>>, vector<16xf32>,
        %get3A_1375 = arith.index_cast %add3A_1326 : i32 to index
        %get3A_1376 = arith.constant 96 : index
        %get3A_1377 = tpu.vector_load %arg16[%get3A_1375, %get3A_1376] {strides = array<i32>} : memref<128x128xf32, #tpu.memory_space<vmem>>, vector<16xf32>,
        %mul3A_1378 = vector.broadcast %squeeze3A_1322 : f32 to vector<16xf32>
        %mul3A_1379 = arith.mulf %get3A_1377, %mul3A_1378 : vector<16xf32>
        %swap3A_1380 = arith.index_cast %add3A_1326 : i32 to index
        %swap3A_1381 = arith.constant 96 : index
        %swap3A_1382 = tpu.vector_load %arg16[%swap3A_1380, %swap3A_1381] {strides = array<i32>} : memref<128x128xf32, #tpu.memory_space<vmem>>, vector<16xf32>,
        tpu.vector_store %arg16[%swap3A_1380, %swap3A_1381], %mul3A_1379 {strides = array<i32>} : memref<128x128xf32, #tpu.memory_space<vmem>>, vector<16xf32>,
        %get3A_1383 = arith.index_cast %add3A_1326 : i32 to index
        %get3A_1384 = arith.constant 112 : index
        %get3A_1385 = tpu.vector_load %arg16[%get3A_1383, %get3A_1384] {strides = array<i32>} : memref<128x128xf32, #tpu.memory_space<vmem>>, vector<16xf32>,
        %mul3A_1386 = vector.broadcast %squeeze3A_1322 : f32 to vector<16xf32>
        %mul3A_1387 = arith.mulf %get3A_1385, %mul3A_1386 : vector<16xf32>
        %swap3A_1388 = arith.index_cast %add3A_1326 : i32 to index
        %swap3A_1389 = arith.constant 112 : index
        %swap3A_1390 = tpu.vector_load %arg16[%swap3A_1388, %swap3A_1389] {strides = array<i32>} : memref<128x128xf32, #tpu.memory_space<vmem>>, vector<16xf32>,
        tpu.vector_store %arg16[%swap3A_1388, %swap3A_1389], %mul3A_1387 {strides = array<i32>} : memref<128x128xf32, #tpu.memory_space<vmem>>, vector<16xf32>,
        %slice3A_1391 = vector.extract_strided_slice %get3A_342 {offsets = [15], sizes = [1], strides = [1]} : vector<16xf32> to vector<1xf32>
        %squeeze3A_1392 = vector.extract %slice3A_1391[0] : f32 from vector<1xf32>
        %mul3A_1393 = arith.constant 16 : i32
        %mul3A_1394 = arith.muli %scan3A_338, %mul3A_1393 : i32
        %add3A_1395 = arith.constant 15 : i32
        %add3A_1396 = arith.addi %mul3A_1394, %add3A_1395 : i32
        %get3A_1397 = arith.index_cast %add3A_1396 : i32 to index
        %get3A_1398 = arith.constant 0 : index
        %get3A_1399 = tpu.vector_load %arg16[%get3A_1397, %get3A_1398] {strides = array<i32>} : memref<128x128xf32, #tpu.memory_space<vmem>>, vector<16xf32>,
        %mul3A_1400 = vector.broadcast %squeeze3A_1392 : f32 to vector<16xf32>
        %mul3A_1401 = arith.mulf %get3A_1399, %mul3A_1400 : vector<16xf32>
        %swap3A_1402 = arith.index_cast %add3A_1396 : i32 to index
        %swap3A_1403 = arith.constant 0 : index
        %swap3A_1404 = tpu.vector_load %arg16[%swap3A_1402, %swap3A_1403] {strides = array<i32>} : memref<128x128xf32, #tpu.memory_space<vmem>>, vector<16xf32>,
        tpu.vector_store %arg16[%swap3A_1402, %swap3A_1403], %mul3A_1401 {strides = array<i32>} : memref<128x128xf32, #tpu.memory_space<vmem>>, vector<16xf32>,
        %get3A_1405 = arith.index_cast %add3A_1396 : i32 to index
        %get3A_1406 = arith.constant 16 : index
        %get3A_1407 = tpu.vector_load %arg16[%get3A_1405, %get3A_1406] {strides = array<i32>} : memref<128x128xf32, #tpu.memory_space<vmem>>, vector<16xf32>,
        %mul3A_1408 = vector.broadcast %squeeze3A_1392 : f32 to vector<16xf32>
        %mul3A_1409 = arith.mulf %get3A_1407, %mul3A_1408 : vector<16xf32>
        %swap3A_1410 = arith.index_cast %add3A_1396 : i32 to index
        %swap3A_1411 = arith.constant 16 : index
        %swap3A_1412 = tpu.vector_load %arg16[%swap3A_1410, %swap3A_1411] {strides = array<i32>} : memref<128x128xf32, #tpu.memory_space<vmem>>, vector<16xf32>,
        tpu.vector_store %arg16[%swap3A_1410, %swap3A_1411], %mul3A_1409 {strides = array<i32>} : memref<128x128xf32, #tpu.memory_space<vmem>>, vector<16xf32>,
        %get3A_1413 = arith.index_cast %add3A_1396 : i32 to index
        %get3A_1414 = arith.constant 32 : index
        %get3A_1415 = tpu.vector_load %arg16[%get3A_1413, %get3A_1414] {strides = array<i32>} : memref<128x128xf32, #tpu.memory_space<vmem>>, vector<16xf32>,
        %mul3A_1416 = vector.broadcast %squeeze3A_1392 : f32 to vector<16xf32>
        %mul3A_1417 = arith.mulf %get3A_1415, %mul3A_1416 : vector<16xf32>
        %swap3A_1418 = arith.index_cast %add3A_1396 : i32 to index
        %swap3A_1419 = arith.constant 32 : index
        %swap3A_1420 = tpu.vector_load %arg16[%swap3A_1418, %swap3A_1419] {strides = array<i32>} : memref<128x128xf32, #tpu.memory_space<vmem>>, vector<16xf32>,
        tpu.vector_store %arg16[%swap3A_1418, %swap3A_1419], %mul3A_1417 {strides = array<i32>} : memref<128x128xf32, #tpu.memory_space<vmem>>, vector<16xf32>,
        %get3A_1421 = arith.index_cast %add3A_1396 : i32 to index
        %get3A_1422 = arith.constant 48 : index
        %get3A_1423 = tpu.vector_load %arg16[%get3A_1421, %get3A_1422] {strides = array<i32>} : memref<128x128xf32, #tpu.memory_space<vmem>>, vector<16xf32>,
        %mul3A_1424 = vector.broadcast %squeeze3A_1392 : f32 to vector<16xf32>
        %mul3A_1425 = arith.mulf %get3A_1423, %mul3A_1424 : vector<16xf32>
        %swap3A_1426 = arith.index_cast %add3A_1396 : i32 to index
        %swap3A_1427 = arith.constant 48 : index
        %swap3A_1428 = tpu.vector_load %arg16[%swap3A_1426, %swap3A_1427] {strides = array<i32>} : memref<128x128xf32, #tpu.memory_space<vmem>>, vector<16xf32>,
        tpu.vector_store %arg16[%swap3A_1426, %swap3A_1427], %mul3A_1425 {strides = array<i32>} : memref<128x128xf32, #tpu.memory_space<vmem>>, vector<16xf32>,
        %get3A_1429 = arith.index_cast %add3A_1396 : i32 to index
        %get3A_1430 = arith.constant 64 : index
        %get3A_1431 = tpu.vector_load %arg16[%get3A_1429, %get3A_1430] {strides = array<i32>} : memref<128x128xf32, #tpu.memory_space<vmem>>, vector<16xf32>,
        %mul3A_1432 = vector.broadcast %squeeze3A_1392 : f32 to vector<16xf32>
        %mul3A_1433 = arith.mulf %get3A_1431, %mul3A_1432 : vector<16xf32>
        %swap3A_1434 = arith.index_cast %add3A_1396 : i32 to index
        %swap3A_1435 = arith.constant 64 : index
        %swap3A_1436 = tpu.vector_load %arg16[%swap3A_1434, %swap3A_1435] {strides = array<i32>} : memref<128x128xf32, #tpu.memory_space<vmem>>, vector<16xf32>,
        tpu.vector_store %arg16[%swap3A_1434, %swap3A_1435], %mul3A_1433 {strides = array<i32>} : memref<128x128xf32, #tpu.memory_space<vmem>>, vector<16xf32>,
        %get3A_1437 = arith.index_cast %add3A_1396 : i32 to index
        %get3A_1438 = arith.constant 80 : index
        %get3A_1439 = tpu.vector_load %arg16[%get3A_1437, %get3A_1438] {strides = array<i32>} : memref<128x128xf32, #tpu.memory_space<vmem>>, vector<16xf32>,
        %mul3A_1440 = vector.broadcast %squeeze3A_1392 : f32 to vector<16xf32>
        %mul3A_1441 = arith.mulf %get3A_1439, %mul3A_1440 : vector<16xf32>
        %swap3A_1442 = arith.index_cast %add3A_1396 : i32 to index
        %swap3A_1443 = arith.constant 80 : index
        %swap3A_1444 = tpu.vector_load %arg16[%swap3A_1442, %swap3A_1443] {strides = array<i32>} : memref<128x128xf32, #tpu.memory_space<vmem>>, vector<16xf32>,
        tpu.vector_store %arg16[%swap3A_1442, %swap3A_1443], %mul3A_1441 {strides = array<i32>} : memref<128x128xf32, #tpu.memory_space<vmem>>, vector<16xf32>,
        %get3A_1445 = arith.index_cast %add3A_1396 : i32 to index
        %get3A_1446 = arith.constant 96 : index
        %get3A_1447 = tpu.vector_load %arg16[%get3A_1445, %get3A_1446] {strides = array<i32>} : memref<128x128xf32, #tpu.memory_space<vmem>>, vector<16xf32>,
        %mul3A_1448 = vector.broadcast %squeeze3A_1392 : f32 to vector<16xf32>
        %mul3A_1449 = arith.mulf %get3A_1447, %mul3A_1448 : vector<16xf32>
        %swap3A_1450 = arith.index_cast %add3A_1396 : i32 to index
        %swap3A_1451 = arith.constant 96 : index
        %swap3A_1452 = tpu.vector_load %arg16[%swap3A_1450, %swap3A_1451] {strides = array<i32>} : memref<128x128xf32, #tpu.memory_space<vmem>>, vector<16xf32>,
        tpu.vector_store %arg16[%swap3A_1450, %swap3A_1451], %mul3A_1449 {strides = array<i32>} : memref<128x128xf32, #tpu.memory_space<vmem>>, vector<16xf32>,
        %get3A_1453 = arith.index_cast %add3A_1396 : i32 to index
        %get3A_1454 = arith.constant 112 : index
        %get3A_1455 = tpu.vector_load %arg16[%get3A_1453, %get3A_1454] {strides = array<i32>} : memref<128x128xf32, #tpu.memory_space<vmem>>, vector<16xf32>,
        %mul3A_1456 = vector.broadcast %squeeze3A_1392 : f32 to vector<16xf32>
        %mul3A_1457 = arith.mulf %get3A_1455, %mul3A_1456 : vector<16xf32>
        %swap3A_1458 = arith.index_cast %add3A_1396 : i32 to index
        %swap3A_1459 = arith.constant 112 : index
        %swap3A_1460 = tpu.vector_load %arg16[%swap3A_1458, %swap3A_1459] {strides = array<i32>} : memref<128x128xf32, #tpu.memory_space<vmem>>, vector<16xf32>,
        tpu.vector_store %arg16[%swap3A_1458, %swap3A_1459], %mul3A_1457 {strides = array<i32>} : memref<128x128xf32, #tpu.memory_space<vmem>>, vector<16xf32>,
      }
      %scan3A_331 = arith.constant 8 : i32
      %dma_start3A_332 = arith.constant 0 : i32
      %dma_start3A_333 = arith.constant 0 : i32
      %dma_start3A_334 = tpu.memref_slice %arg17[%dma_start3A_332, %dma_start3A_333] : memref<10240x128xf32, #tpu.memory_space<vmem_shared>> -> memref<10240x128xf32, #tpu.memory_space<vmem_shared>>
      tpu.enqueue_indirect_dma source(%arg16 : memref<128x128xf32, #tpu.memory_space<vmem>>) target(%dma_start3A_334 : memref<10240x128xf32, #tpu.memory_space<vmem_shared>>) offsets(%arg13 : memref<128xi32, #tpu.memory_space<vmem>>) semaphore(%arg19 : memref<!tpu.dma_semaphore, #tpu.memory_space<semaphore_mem>>) {add = true}
      %dma_wait3A_335 = arith.constant 0 : i32
      %dma_wait3A_336 = arith.constant 0 : i32
      %dma_wait3A_337 = tpu.memref_slice %arg17[%dma_wait3A_335, %dma_wait3A_336] : memref<10240x128xf32, #tpu.memory_space<vmem_shared>> -> memref<10240x128xf32, #tpu.memory_space<vmem_shared>>
      tpu.wait_indirect_dma semaphore(%arg19 : memref<!tpu.dma_semaphore, #tpu.memory_space<semaphore_mem>>) src(%arg16 : memref<128x128xf32, #tpu.memory_space<vmem>>) dst(%dma_wait3A_337 : memref<10240x128xf32, #tpu.memory_space<vmem_shared>>)
    }
    %scan3A_71 = arith.constant 162 : i32
    %barrier3A_72 = arith.constant 0 : index
    tpu.barrier barrier_id(%barrier3A_72)
    %mul3A_73 = arith.constant 10240 : i32
    %mul3A_74 = arith.muli %add3A, %mul3A_73 : i32
    "tpu.region"() ({
      %run_scoped3A = tpu.sem_alloc : memref<!tpu.dma_semaphore, #tpu.memory_space<semaphore_mem>>
      %dma_start3A = tpu.memref_slice %arg8[%mul3A_74] : memref<327680xf32, #tpu.memory_space<hbm>> -> memref<10240xf32, #tpu.memory_space<hbm>>
      %dma_start3A_82 = tpu.memref_slice %arg8[%mul3A_74] : memref<327680xf32, #tpu.memory_space<hbm>> -> memref<10240xf32, #tpu.memory_space<hbm>>
      tpu.enqueue_dma source(%arg11 : memref<10240xf32, #tpu.memory_space<vmem>>) target(%dma_start3A_82 : memref<10240xf32, #tpu.memory_space<hbm>>) target_semaphore(%run_scoped3A : memref<!tpu.dma_semaphore, #tpu.memory_space<semaphore_mem>>)
      %dma_wait3A = tpu.memref_slice %arg8[%mul3A_74] : memref<327680xf32, #tpu.memory_space<hbm>> -> memref<10240xf32, #tpu.memory_space<hbm>>
      %dma_wait3A_83 = tpu.memref_slice %arg8[%mul3A_74] : memref<327680xf32, #tpu.memory_space<hbm>> -> memref<10240xf32, #tpu.memory_space<hbm>>
      tpu.wait_dma2 semaphore(%run_scoped3A : memref<!tpu.dma_semaphore, #tpu.memory_space<semaphore_mem>>) src(%arg11 : memref<10240xf32, #tpu.memory_space<vmem>>) dst(%dma_wait3A_83 : memref<10240xf32, #tpu.memory_space<hbm>>)
      tpu.yield
    }) : () -> ()
    %mul3A_75 = arith.constant 640 : i32
    %mul3A_76 = arith.muli %arg1, %mul3A_75 : i32
    %mul3A_77 = arith.constant 10240 : i32
    %mul3A_78 = arith.muli %arg0, %mul3A_77 : i32
    %mul3A_79 = arith.constant 640 : i32
    %mul3A_80 = arith.muli %arg1, %mul3A_79 : i32
    %add3A_81 = arith.addi %mul3A_78, %mul3A_80 : i32
    "tpu.region"() ({
      %run_scoped3A = tpu.sem_alloc : memref<!tpu.dma_semaphore, #tpu.memory_space<semaphore_mem>>
      %dma_start3A = arith.constant 0 : i32
      %dma_start3A_82 = tpu.memref_slice %arg7[%add3A_81, %dma_start3A] : memref<20480x128xf32, #tpu.memory_space<hbm>> -> memref<640x128xf32, #tpu.memory_space<hbm>>
      %dma_start3A_83 = arith.constant 0 : i32
      %dma_start3A_84 = tpu.memref_slice %arg17[%mul3A_76, %dma_start3A_83] : memref<10240x128xf32, #tpu.memory_space<vmem_shared>> -> memref<640x128xf32, #tpu.memory_space<vmem_shared>>
      tpu.enqueue_dma source(%dma_start3A_84 : memref<640x128xf32, #tpu.memory_space<vmem_shared>>) target(%dma_start3A_82 : memref<640x128xf32, #tpu.memory_space<hbm>>) target_semaphore(%run_scoped3A : memref<!tpu.dma_semaphore, #tpu.memory_space<semaphore_mem>>)
      %dma_wait3A = arith.constant 0 : i32
      %dma_wait3A_85 = tpu.memref_slice %arg7[%add3A_81, %dma_wait3A] : memref<20480x128xf32, #tpu.memory_space<hbm>> -> memref<640x128xf32, #tpu.memory_space<hbm>>
      %dma_wait3A_86 = arith.constant 0 : i32
      %dma_wait3A_87 = tpu.memref_slice %arg17[%mul3A_76, %dma_wait3A_86] : memref<10240x128xf32, #tpu.memory_space<vmem_shared>> -> memref<640x128xf32, #tpu.memory_space<vmem_shared>>
      tpu.wait_dma2 semaphore(%run_scoped3A : memref<!tpu.dma_semaphore, #tpu.memory_space<semaphore_mem>>) src(%dma_wait3A_87 : memref<640x128xf32, #tpu.memory_space<vmem_shared>>) dst(%dma_wait3A_85 : memref<640x128xf32, #tpu.memory_space<hbm>>)
      tpu.yield
    }) : () -> ()
    return
  }
}

#map = affine_map<(d0, d1) -> (0, 0)>
#map1 = affine_map<(d0, d1) -> (0)>
module attributes {stable_mosaic.version = 14 : i64} {
  func.func @edge_kernel(%arg0: i32, %arg1: i32, %arg2: memref<10240x128xf32, #tpu.memory_space<hbm>>, %arg3: memref<10240xf32, #tpu.memory_space<hbm>>, %arg4: memref<10240xf32, #tpu.memory_space<hbm>>, %arg5: memref<331776xi32, #tpu.memory_space<hbm>>, %arg6: memref<331776xi32, #tpu.memory_space<hbm>>, %arg7: memref<20480x128xf32, #tpu.memory_space<hbm>>, %arg8: memref<327680xf32, #tpu.memory_space<hbm>>, %arg9: memref<10240xf32, #tpu.memory_space<vmem>>, %arg10: memref<10240xf32, #tpu.memory_space<vmem>>, %arg11: memref<10240xf32, #tpu.memory_space<vmem>>, %arg12: memref<128xi32, #tpu.memory_space<vmem>>, %arg13: memref<128xi32, #tpu.memory_space<vmem>>, %arg14: memref<128xi32, #tpu.memory_space<vmem>>, %arg15: memref<128xf32, #tpu.memory_space<vmem>>, %arg16: memref<128x128xf32, #tpu.memory_space<vmem>>, %arg17: memref<10240x128xf32, #tpu.memory_space<vmem_shared>>, %arg18: memref<!tpu.dma_semaphore, #tpu.memory_space<semaphore_mem>>, %arg19: memref<!tpu.dma_semaphore, #tpu.memory_space<semaphore_mem>>) attributes {dimension_semantics = [#tpu.dimension_semantics<core_parallel>, #tpu.dimension_semantics<subcore_parallel>], iteration_bounds = array<i64: 2, 16>, scalar_prefetch = 0 : i64, scratch_operands = 11 : i64, tpu.core_type = #tpu.core_type<sc_vector_subcore>, window_params = [{transform_indices = #map}, {transform_indices = #map1}, {transform_indices = #map1}, {transform_indices = #map1}, {transform_indices = #map1}, {transform_indices = #map}, {transform_indices = #map1}]} {
    %mul3A = arith.constant 16 : i32
    %mul3A_0 = arith.muli %arg0, %mul3A : i32
    %add3A = arith.addi %mul3A_0, %arg1 : i32
    %mul3A_1 = arith.constant 10368 : i32
    %mul3A_2 = arith.muli %add3A, %mul3A_1 : i32
    "tpu.region"() ({
      %run_scoped3A = tpu.sem_alloc : memref<!tpu.dma_semaphore, #tpu.memory_space<semaphore_mem>>
      %dma_start3A = arith.constant 0 : i32
      %dma_start3A_80 = tpu.memref_slice %arg3[%dma_start3A] : memref<10240xf32, #tpu.memory_space<hbm>> -> memref<10240xf32, #tpu.memory_space<hbm>>
      %dma_start3A_81 = arith.constant 0 : i32
      %dma_start3A_82 = tpu.memref_slice %arg3[%dma_start3A_81] : memref<10240xf32, #tpu.memory_space<hbm>> -> memref<10240xf32, #tpu.memory_space<hbm>>
      tpu.enqueue_dma source(%dma_start3A_82 : memref<10240xf32, #tpu.memory_space<hbm>>) target(%arg9 : memref<10240xf32, #tpu.memory_space<vmem>>) target_semaphore(%run_scoped3A : memref<!tpu.dma_semaphore, #tpu.memory_space<semaphore_mem>>)
      %dma_wait3A = arith.constant 0 : i32
      %dma_wait3A_83 = tpu.memref_slice %arg3[%dma_wait3A] : memref<10240xf32, #tpu.memory_space<hbm>> -> memref<10240xf32, #tpu.memory_space<hbm>>
      %dma_wait3A_84 = arith.constant 0 : i32
      %dma_wait3A_85 = tpu.memref_slice %arg3[%dma_wait3A_84] : memref<10240xf32, #tpu.memory_space<hbm>> -> memref<10240xf32, #tpu.memory_space<hbm>>
      tpu.wait_dma2 semaphore(%run_scoped3A : memref<!tpu.dma_semaphore, #tpu.memory_space<semaphore_mem>>) src(%dma_wait3A_85 : memref<10240xf32, #tpu.memory_space<hbm>>) dst(%arg9 : memref<10240xf32, #tpu.memory_space<vmem>>)
      tpu.yield
    }) : () -> ()
    "tpu.region"() ({
      %run_scoped3A = tpu.sem_alloc : memref<!tpu.dma_semaphore, #tpu.memory_space<semaphore_mem>>
      %dma_start3A = arith.constant 0 : i32
      %dma_start3A_80 = tpu.memref_slice %arg4[%dma_start3A] : memref<10240xf32, #tpu.memory_space<hbm>> -> memref<10240xf32, #tpu.memory_space<hbm>>
      %dma_start3A_81 = arith.constant 0 : i32
      %dma_start3A_82 = tpu.memref_slice %arg4[%dma_start3A_81] : memref<10240xf32, #tpu.memory_space<hbm>> -> memref<10240xf32, #tpu.memory_space<hbm>>
      tpu.enqueue_dma source(%dma_start3A_82 : memref<10240xf32, #tpu.memory_space<hbm>>) target(%arg10 : memref<10240xf32, #tpu.memory_space<vmem>>) target_semaphore(%run_scoped3A : memref<!tpu.dma_semaphore, #tpu.memory_space<semaphore_mem>>)
      %dma_wait3A = arith.constant 0 : i32
      %dma_wait3A_83 = tpu.memref_slice %arg4[%dma_wait3A] : memref<10240xf32, #tpu.memory_space<hbm>> -> memref<10240xf32, #tpu.memory_space<hbm>>
      %dma_wait3A_84 = arith.constant 0 : i32
      %dma_wait3A_85 = tpu.memref_slice %arg4[%dma_wait3A_84] : memref<10240xf32, #tpu.memory_space<hbm>> -> memref<10240xf32, #tpu.memory_space<hbm>>
      tpu.wait_dma2 semaphore(%run_scoped3A : memref<!tpu.dma_semaphore, #tpu.memory_space<semaphore_mem>>) src(%dma_wait3A_85 : memref<10240xf32, #tpu.memory_space<hbm>>) dst(%arg10 : memref<10240xf32, #tpu.memory_space<vmem>>)
      tpu.yield
    }) : () -> ()
    %broadcast_in_dim3A = arith.constant 0.000000e+00 : f32
    %broadcast_in_dim3A_3 = vector.broadcast %broadcast_in_dim3A : f32 to vector<16xf32>
    %scan3A = arith.constant 0 : i32
    %scan3A_4 = arith.constant 0 : i32
    %scan3A_5 = arith.constant 640 : i32
    %scan3A_6 = arith.addi %scan3A_4, %scan3A_5 : i32
    %scan3A_7 = arith.constant 1 : i32
    scf.for %scan3A_80 = %scan3A_4 to %scan3A_6 step %scan3A_7  : i32 {
      %mul3A_81 = arith.constant 16 : i32
      %mul3A_82 = arith.muli %scan3A_80, %mul3A_81 : i32
      %swap3A_83 = arith.index_cast %mul3A_82 : i32 to index
      %swap3A_84 = tpu.vector_load %arg11[%swap3A_83] {strides = array<i32>} : memref<10240xf32, #tpu.memory_space<vmem>>, vector<16xf32>,
      tpu.vector_store %arg11[%swap3A_83], %broadcast_in_dim3A_3 {strides = array<i32>} : memref<10240xf32, #tpu.memory_space<vmem>>, vector<16xf32>,
    }
    %scan3A_8 = arith.constant 640 : i32
    %scan3A_9 = arith.constant 0 : i32
    %scan3A_10 = arith.constant 0 : i32
    %scan3A_11 = arith.constant 128 : i32
    %scan3A_12 = arith.addi %scan3A_10, %scan3A_11 : i32
    %scan3A_13 = arith.constant 1 : i32
    scf.for %scan3A_80 = %scan3A_10 to %scan3A_12 step %scan3A_13  : i32 {
      %swap3A_81 = arith.index_cast %scan3A_80 : i32 to index
      %swap3A_82 = arith.constant 0 : index
      %swap3A_83 = tpu.vector_load %arg16[%swap3A_81, %swap3A_82] {strides = array<i32>} : memref<128x128xf32, #tpu.memory_space<vmem>>, vector<16xf32>,
      tpu.vector_store %arg16[%swap3A_81, %swap3A_82], %broadcast_in_dim3A_3 {strides = array<i32>} : memref<128x128xf32, #tpu.memory_space<vmem>>, vector<16xf32>,
      %swap3A_84 = arith.index_cast %scan3A_80 : i32 to index
      %swap3A_85 = arith.constant 16 : index
      %swap3A_86 = tpu.vector_load %arg16[%swap3A_84, %swap3A_85] {strides = array<i32>} : memref<128x128xf32, #tpu.memory_space<vmem>>, vector<16xf32>,
      tpu.vector_store %arg16[%swap3A_84, %swap3A_85], %broadcast_in_dim3A_3 {strides = array<i32>} : memref<128x128xf32, #tpu.memory_space<vmem>>, vector<16xf32>,
      %swap3A_87 = arith.index_cast %scan3A_80 : i32 to index
      %swap3A_88 = arith.constant 32 : index
      %swap3A_89 = tpu.vector_load %arg16[%swap3A_87, %swap3A_88] {strides = array<i32>} : memref<128x128xf32, #tpu.memory_space<vmem>>, vector<16xf32>,
      tpu.vector_store %arg16[%swap3A_87, %swap3A_88], %broadcast_in_dim3A_3 {strides = array<i32>} : memref<128x128xf32, #tpu.memory_space<vmem>>, vector<16xf32>,
      %swap3A_90 = arith.index_cast %scan3A_80 : i32 to index
      %swap3A_91 = arith.constant 48 : index
      %swap3A_92 = tpu.vector_load %arg16[%swap3A_90, %swap3A_91] {strides = array<i32>} : memref<128x128xf32, #tpu.memory_space<vmem>>, vector<16xf32>,
      tpu.vector_store %arg16[%swap3A_90, %swap3A_91], %broadcast_in_dim3A_3 {strides = array<i32>} : memref<128x128xf32, #tpu.memory_space<vmem>>, vector<16xf32>,
      %swap3A_93 = arith.index_cast %scan3A_80 : i32 to index
      %swap3A_94 = arith.constant 64 : index
      %swap3A_95 = tpu.vector_load %arg16[%swap3A_93, %swap3A_94] {strides = array<i32>} : memref<128x128xf32, #tpu.memory_space<vmem>>, vector<16xf32>,
      tpu.vector_store %arg16[%swap3A_93, %swap3A_94], %broadcast_in_dim3A_3 {strides = array<i32>} : memref<128x128xf32, #tpu.memory_space<vmem>>, vector<16xf32>,
      %swap3A_96 = arith.index_cast %scan3A_80 : i32 to index
      %swap3A_97 = arith.constant 80 : index
      %swap3A_98 = tpu.vector_load %arg16[%swap3A_96, %swap3A_97] {strides = array<i32>} : memref<128x128xf32, #tpu.memory_space<vmem>>, vector<16xf32>,
      tpu.vector_store %arg16[%swap3A_96, %swap3A_97], %broadcast_in_dim3A_3 {strides = array<i32>} : memref<128x128xf32, #tpu.memory_space<vmem>>, vector<16xf32>,
      %swap3A_99 = arith.index_cast %scan3A_80 : i32 to index
      %swap3A_100 = arith.constant 96 : index
      %swap3A_101 = tpu.vector_load %arg16[%swap3A_99, %swap3A_100] {strides = array<i32>} : memref<128x128xf32, #tpu.memory_space<vmem>>, vector<16xf32>,
      tpu.vector_store %arg16[%swap3A_99, %swap3A_100], %broadcast_in_dim3A_3 {strides = array<i32>} : memref<128x128xf32, #tpu.memory_space<vmem>>, vector<16xf32>,
      %swap3A_102 = arith.index_cast %scan3A_80 : i32 to index
      %swap3A_103 = arith.constant 112 : index
      %swap3A_104 = tpu.vector_load %arg16[%swap3A_102, %swap3A_103] {strides = array<i32>} : memref<128x128xf32, #tpu.memory_space<vmem>>, vector<16xf32>,
      tpu.vector_store %arg16[%swap3A_102, %swap3A_103], %broadcast_in_dim3A_3 {strides = array<i32>} : memref<128x128xf32, #tpu.memory_space<vmem>>, vector<16xf32>,
    }
    %scan3A_14 = arith.constant 128 : i32
    %scan3A_15 = arith.constant 0 : i32
    %scan3A_16 = arith.constant 0 : i32
    %scan3A_17 = arith.constant 5 : i32
    %scan3A_18 = arith.addi %scan3A_16, %scan3A_17 : i32
    %scan3A_19 = arith.constant 1 : i32
    scf.for %scan3A_80 = %scan3A_16 to %scan3A_18 step %scan3A_19  : i32 {
      %mul3A_81 = arith.constant 640 : i32
      %mul3A_82 = arith.muli %arg1, %mul3A_81 : i32
      %mul3A_83 = arith.constant 128 : i32
      %mul3A_84 = arith.muli %scan3A_80, %mul3A_83 : i32
      %add3A_85 = arith.addi %mul3A_82, %mul3A_84 : i32
      "tpu.region"() ({
        %run_scoped3A = tpu.sem_alloc : memref<!tpu.dma_semaphore, #tpu.memory_space<semaphore_mem>>
        %dma_start3A = arith.constant 0 : i32
        %dma_start3A_86 = tpu.memref_slice %arg17[%add3A_85, %dma_start3A] : memref<10240x128xf32, #tpu.memory_space<vmem_shared>> -> memref<128x128xf32, #tpu.memory_space<vmem_shared>>
        %dma_start3A_87 = arith.constant 0 : i32
        %dma_start3A_88 = tpu.memref_slice %arg17[%add3A_85, %dma_start3A_87] : memref<10240x128xf32, #tpu.memory_space<vmem_shared>> -> memref<128x128xf32, #tpu.memory_space<vmem_shared>>
        tpu.enqueue_dma source(%arg16 : memref<128x128xf32, #tpu.memory_space<vmem>>) target(%dma_start3A_88 : memref<128x128xf32, #tpu.memory_space<vmem_shared>>) target_semaphore(%run_scoped3A : memref<!tpu.dma_semaphore, #tpu.memory_space<semaphore_mem>>)
        %dma_wait3A = arith.constant 0 : i32
        %dma_wait3A_89 = tpu.memref_slice %arg17[%add3A_85, %dma_wait3A] : memref<10240x128xf32, #tpu.memory_space<vmem_shared>> -> memref<128x128xf32, #tpu.memory_space<vmem_shared>>
        %dma_wait3A_90 = arith.constant 0 : i32
        %dma_wait3A_91 = tpu.memref_slice %arg17[%add3A_85, %dma_wait3A_90] : memref<10240x128xf32, #tpu.memory_space<vmem_shared>> -> memref<128x128xf32, #tpu.memory_space<vmem_shared>>
        tpu.wait_dma2 semaphore(%run_scoped3A : memref<!tpu.dma_semaphore, #tpu.memory_space<semaphore_mem>>) src(%arg16 : memref<128x128xf32, #tpu.memory_space<vmem>>) dst(%dma_wait3A_91 : memref<128x128xf32, #tpu.memory_space<vmem_shared>>)
        tpu.yield
      }) : () -> ()
    }
    %scan3A_20 = arith.constant 5 : i32
    %barrier3A = arith.constant 0 : index
    tpu.barrier barrier_id(%barrier3A)
    %broadcast_in_dim3A_21 = arith.constant -1.000000e+30 : f32
    %broadcast_in_dim3A_22 = vector.broadcast %broadcast_in_dim3A_21 : f32 to vector<16xf32>
    %scan3A_23 = arith.constant 0 : i32
    %scan3A_24 = arith.constant 640 : i32
    %scan3A_25 = arith.addi %scan3A_23, %scan3A_24 : i32
    %scan3A_26 = arith.constant 1 : i32
    %scan3A_27 = scf.for %scan3A_80 = %scan3A_23 to %scan3A_25 step %scan3A_26 iter_args(%scan3A_81 = %broadcast_in_dim3A_22) -> (vector<16xf32>)  : i32 {
      %mul3A_82 = arith.constant 16 : i32
      %mul3A_83 = arith.muli %scan3A_80, %mul3A_82 : i32
      %get3A_84 = arith.index_cast %mul3A_83 : i32 to index
      %get3A_85 = tpu.vector_load %arg9[%get3A_84] {strides = array<i32>} : memref<10240xf32, #tpu.memory_space<vmem>>, vector<16xf32>,
      %max3A_86 = arith.maximumf %scan3A_81, %get3A_85 : vector<16xf32>
      scf.yield %max3A_86 : vector<16xf32>
    }
    %scan3A_28 = arith.constant 640 : i32
    %iota3A = tpu.iota {dimensions = array<i32: 0>} : vector<16xi32>
    %swap3A = arith.constant 0 : index
    %swap3A_29 = tpu.vector_load %arg15[%swap3A] {strides = array<i32>} : memref<128xf32, #tpu.memory_space<vmem>>, vector<16xf32>,
    tpu.vector_store %arg15[%swap3A], %scan3A_27 {strides = array<i32>} : memref<128xf32, #tpu.memory_space<vmem>>, vector<16xf32>,
    %get3A = arith.constant 0 : index
    %get3A_30 = tpu.vector_load %arg15[%get3A] {strides = array<i32>} : memref<128xf32, #tpu.memory_space<vmem>>, vector<16xf32>,
    %xor3A = arith.constant 1 : i32
    %xor3A_31 = vector.broadcast %xor3A : i32 to vector<16xi32>
    %xor3A_32 = arith.xori %iota3A, %xor3A_31 : vector<16xi32>
    %gather3A = tpu.vector_load_idx %arg15[%xor3A_32] : memref<128xf32, #tpu.memory_space<vmem>>[vector<16xi32>], vector<16xf32>,
    %max3A = arith.maximumf %get3A_30, %gather3A : vector<16xf32>
    %swap3A_33 = arith.constant 0 : index
    %swap3A_34 = tpu.vector_load %arg15[%swap3A_33] {strides = array<i32>} : memref<128xf32, #tpu.memory_space<vmem>>, vector<16xf32>,
    tpu.vector_store %arg15[%swap3A_33], %max3A {strides = array<i32>} : memref<128xf32, #tpu.memory_space<vmem>>, vector<16xf32>,
    %get3A_35 = arith.constant 0 : index
    %get3A_36 = tpu.vector_load %arg15[%get3A_35] {strides = array<i32>} : memref<128xf32, #tpu.memory_space<vmem>>, vector<16xf32>,
    %xor3A_37 = arith.constant 2 : i32
    %xor3A_38 = vector.broadcast %xor3A_37 : i32 to vector<16xi32>
    %xor3A_39 = arith.xori %iota3A, %xor3A_38 : vector<16xi32>
    %gather3A_40 = tpu.vector_load_idx %arg15[%xor3A_39] : memref<128xf32, #tpu.memory_space<vmem>>[vector<16xi32>], vector<16xf32>,
    %max3A_41 = arith.maximumf %get3A_36, %gather3A_40 : vector<16xf32>
    %swap3A_42 = arith.constant 0 : index
    %swap3A_43 = tpu.vector_load %arg15[%swap3A_42] {strides = array<i32>} : memref<128xf32, #tpu.memory_space<vmem>>, vector<16xf32>,
    tpu.vector_store %arg15[%swap3A_42], %max3A_41 {strides = array<i32>} : memref<128xf32, #tpu.memory_space<vmem>>, vector<16xf32>,
    %get3A_44 = arith.constant 0 : index
    %get3A_45 = tpu.vector_load %arg15[%get3A_44] {strides = array<i32>} : memref<128xf32, #tpu.memory_space<vmem>>, vector<16xf32>,
    %xor3A_46 = arith.constant 4 : i32
    %xor3A_47 = vector.broadcast %xor3A_46 : i32 to vector<16xi32>
    %xor3A_48 = arith.xori %iota3A, %xor3A_47 : vector<16xi32>
    %gather3A_49 = tpu.vector_load_idx %arg15[%xor3A_48] : memref<128xf32, #tpu.memory_space<vmem>>[vector<16xi32>], vector<16xf32>,
    %max3A_50 = arith.maximumf %get3A_45, %gather3A_49 : vector<16xf32>
    %swap3A_51 = arith.constant 0 : index
    %swap3A_52 = tpu.vector_load %arg15[%swap3A_51] {strides = array<i32>} : memref<128xf32, #tpu.memory_space<vmem>>, vector<16xf32>,
    tpu.vector_store %arg15[%swap3A_51], %max3A_50 {strides = array<i32>} : memref<128xf32, #tpu.memory_space<vmem>>, vector<16xf32>,
    %get3A_53 = arith.constant 0 : index
    %get3A_54 = tpu.vector_load %arg15[%get3A_53] {strides = array<i32>} : memref<128xf32, #tpu.memory_space<vmem>>, vector<16xf32>,
    %xor3A_55 = arith.constant 8 : i32
    %xor3A_56 = vector.broadcast %xor3A_55 : i32 to vector<16xi32>
    %xor3A_57 = arith.xori %iota3A, %xor3A_56 : vector<16xi32>
    %gather3A_58 = tpu.vector_load_idx %arg15[%xor3A_57] : memref<128xf32, #tpu.memory_space<vmem>>[vector<16xi32>], vector<16xf32>,
    %max3A_59 = arith.maximumf %get3A_54, %gather3A_58 : vector<16xf32>
    %swap3A_60 = arith.constant 0 : index
    %swap3A_61 = tpu.vector_load %arg15[%swap3A_60] {strides = array<i32>} : memref<128xf32, #tpu.memory_space<vmem>>, vector<16xf32>,
    tpu.vector_store %arg15[%swap3A_60], %max3A_59 {strides = array<i32>} : memref<128xf32, #tpu.memory_space<vmem>>, vector<16xf32>,
    %get3A_62 = arith.constant 0 : index
    %get3A_63 = tpu.vector_load %arg15[%get3A_62] {strides = array<i32>} : memref<128xf32, #tpu.memory_space<vmem>>, vector<16xf32>,
    %scan3A_64 = arith.constant 0 : i32
    %scan3A_65 = arith.constant 0 : i32
    %scan3A_66 = arith.constant 81 : i32
    %scan3A_67 = arith.addi %scan3A_65, %scan3A_66 : i32
    %scan3A_68 = arith.constant 1 : i32
    scf.for %scan3A_80 = %scan3A_65 to %scan3A_67 step %scan3A_68  : i32 {
      %mul3A_81 = arith.constant 128 : i32
      %mul3A_82 = arith.muli %scan3A_80, %mul3A_81 : i32
      %add3A_83 = arith.addi %mul3A_2, %mul3A_82 : i32
      "tpu.region"() ({
        %run_scoped3A = tpu.sem_alloc : memref<!tpu.dma_semaphore, #tpu.memory_space<semaphore_mem>>
        %dma_start3A_304 = tpu.memref_slice %arg5[%add3A_83] : memref<331776xi32, #tpu.memory_space<hbm>> -> memref<128xi32, #tpu.memory_space<hbm>>
        %dma_start3A_305 = tpu.memref_slice %arg5[%add3A_83] : memref<331776xi32, #tpu.memory_space<hbm>> -> memref<128xi32, #tpu.memory_space<hbm>>
        tpu.enqueue_dma source(%dma_start3A_305 : memref<128xi32, #tpu.memory_space<hbm>>) target(%arg12 : memref<128xi32, #tpu.memory_space<vmem>>) target_semaphore(%run_scoped3A : memref<!tpu.dma_semaphore, #tpu.memory_space<semaphore_mem>>)
        %dma_wait3A_306 = tpu.memref_slice %arg5[%add3A_83] : memref<331776xi32, #tpu.memory_space<hbm>> -> memref<128xi32, #tpu.memory_space<hbm>>
        %dma_wait3A_307 = tpu.memref_slice %arg5[%add3A_83] : memref<331776xi32, #tpu.memory_space<hbm>> -> memref<128xi32, #tpu.memory_space<hbm>>
        tpu.wait_dma2 semaphore(%run_scoped3A : memref<!tpu.dma_semaphore, #tpu.memory_space<semaphore_mem>>) src(%dma_wait3A_307 : memref<128xi32, #tpu.memory_space<hbm>>) dst(%arg12 : memref<128xi32, #tpu.memory_space<vmem>>)
        tpu.yield
      }) : () -> ()
      "tpu.region"() ({
        %run_scoped3A = tpu.sem_alloc : memref<!tpu.dma_semaphore, #tpu.memory_space<semaphore_mem>>
        %dma_start3A_304 = tpu.memref_slice %arg6[%add3A_83] : memref<331776xi32, #tpu.memory_space<hbm>> -> memref<128xi32, #tpu.memory_space<hbm>>
        %dma_start3A_305 = tpu.memref_slice %arg6[%add3A_83] : memref<331776xi32, #tpu.memory_space<hbm>> -> memref<128xi32, #tpu.memory_space<hbm>>
        tpu.enqueue_dma source(%dma_start3A_305 : memref<128xi32, #tpu.memory_space<hbm>>) target(%arg13 : memref<128xi32, #tpu.memory_space<vmem>>) target_semaphore(%run_scoped3A : memref<!tpu.dma_semaphore, #tpu.memory_space<semaphore_mem>>)
        %dma_wait3A_306 = tpu.memref_slice %arg6[%add3A_83] : memref<331776xi32, #tpu.memory_space<hbm>> -> memref<128xi32, #tpu.memory_space<hbm>>
        %dma_wait3A_307 = tpu.memref_slice %arg6[%add3A_83] : memref<331776xi32, #tpu.memory_space<hbm>> -> memref<128xi32, #tpu.memory_space<hbm>>
        tpu.wait_dma2 semaphore(%run_scoped3A : memref<!tpu.dma_semaphore, #tpu.memory_space<semaphore_mem>>) src(%dma_wait3A_307 : memref<128xi32, #tpu.memory_space<hbm>>) dst(%arg13 : memref<128xi32, #tpu.memory_space<vmem>>)
        tpu.yield
      }) : () -> ()
      %get3A_84 = arith.constant 0 : index
      %get3A_85 = tpu.vector_load %arg12[%get3A_84] {strides = array<i32>} : memref<128xi32, #tpu.memory_space<vmem>>, vector<16xi32>,
      %get3A_86 = arith.constant 0 : index
      %get3A_87 = tpu.vector_load %arg13[%get3A_86] {strides = array<i32>} : memref<128xi32, #tpu.memory_space<vmem>>, vector<16xi32>,
      %gather3A_88 = tpu.vector_load_idx %arg9[%get3A_85] : memref<10240xf32, #tpu.memory_space<vmem>>[vector<16xi32>], vector<16xf32>,
      %gather3A_89 = tpu.vector_load_idx %arg10[%get3A_87] : memref<10240xf32, #tpu.memory_space<vmem>>[vector<16xi32>], vector<16xf32>,
      %add3A_90 = arith.addf %gather3A_88, %gather3A_89 : vector<16xf32>
      %ge3A = arith.constant 0.000000e+00 : f32
      %ge3A_91 = vector.broadcast %ge3A : f32 to vector<16xf32>
      %ge3A_92 = arith.cmpf oge, %add3A_90, %ge3A_91 : vector<16xf32>
      %mul3A_93 = arith.constant 2.000000e-01 : f32
      %mul3A_94 = vector.broadcast %mul3A_93 : f32 to vector<16xf32>
      %mul3A_95 = arith.mulf %mul3A_94, %add3A_90 : vector<16xf32>
      %select_n3A = arith.select %ge3A_92, %add3A_90, %mul3A_95 : vector<16xi1>, vector<16xf32>
      %add3A_96 = arith.addf %get3A_63, %gather3A_89 : vector<16xf32>
      %ge3A_97 = arith.constant 0.000000e+00 : f32
      %ge3A_98 = vector.broadcast %ge3A_97 : f32 to vector<16xf32>
      %ge3A_99 = arith.cmpf oge, %add3A_96, %ge3A_98 : vector<16xf32>
      %mul3A_100 = arith.constant 2.000000e-01 : f32
      %mul3A_101 = vector.broadcast %mul3A_100 : f32 to vector<16xf32>
      %mul3A_102 = arith.mulf %mul3A_101, %add3A_96 : vector<16xf32>
      %select_n3A_103 = arith.select %ge3A_99, %add3A_96, %mul3A_102 : vector<16xi1>, vector<16xf32>
      %sub3A = arith.subf %select_n3A, %select_n3A_103 : vector<16xf32>
      %exp3A = math.exp %sub3A : vector<16xf32>
      tpu.vector_store_idx %arg11[%get3A_87], %exp3A {add = true} : memref<10240xf32, #tpu.memory_space<vmem>>[vector<16xi32>], vector<16xf32>,
      %swap3A_104 = arith.constant 0 : index
      %swap3A_105 = tpu.vector_load %arg15[%swap3A_104] {strides = array<i32>} : memref<128xf32, #tpu.memory_space<vmem>>, vector<16xf32>,
      tpu.vector_store %arg15[%swap3A_104], %exp3A {strides = array<i32>} : memref<128xf32, #tpu.memory_space<vmem>>, vector<16xf32>,
      %get3A_106 = arith.constant 16 : index
      %get3A_107 = tpu.vector_load %arg12[%get3A_106] {strides = array<i32>} : memref<128xi32, #tpu.memory_space<vmem>>, vector<16xi32>,
      %get3A_108 = arith.constant 16 : index
      %get3A_109 = tpu.vector_load %arg13[%get3A_108] {strides = array<i32>} : memref<128xi32, #tpu.memory_space<vmem>>, vector<16xi32>,
      %gather3A_110 = tpu.vector_load_idx %arg9[%get3A_107] : memref<10240xf32, #tpu.memory_space<vmem>>[vector<16xi32>], vector<16xf32>,
      %gather3A_111 = tpu.vector_load_idx %arg10[%get3A_109] : memref<10240xf32, #tpu.memory_space<vmem>>[vector<16xi32>], vector<16xf32>,
      %add3A_112 = arith.addf %gather3A_110, %gather3A_111 : vector<16xf32>
      %ge3A_113 = arith.constant 0.000000e+00 : f32
      %ge3A_114 = vector.broadcast %ge3A_113 : f32 to vector<16xf32>
      %ge3A_115 = arith.cmpf oge, %add3A_112, %ge3A_114 : vector<16xf32>
      %mul3A_116 = arith.constant 2.000000e-01 : f32
      %mul3A_117 = vector.broadcast %mul3A_116 : f32 to vector<16xf32>
      %mul3A_118 = arith.mulf %mul3A_117, %add3A_112 : vector<16xf32>
      %select_n3A_119 = arith.select %ge3A_115, %add3A_112, %mul3A_118 : vector<16xi1>, vector<16xf32>
      %add3A_120 = arith.addf %get3A_63, %gather3A_111 : vector<16xf32>
      %ge3A_121 = arith.constant 0.000000e+00 : f32
      %ge3A_122 = vector.broadcast %ge3A_121 : f32 to vector<16xf32>
      %ge3A_123 = arith.cmpf oge, %add3A_120, %ge3A_122 : vector<16xf32>
      %mul3A_124 = arith.constant 2.000000e-01 : f32
      %mul3A_125 = vector.broadcast %mul3A_124 : f32 to vector<16xf32>
      %mul3A_126 = arith.mulf %mul3A_125, %add3A_120 : vector<16xf32>
      %select_n3A_127 = arith.select %ge3A_123, %add3A_120, %mul3A_126 : vector<16xi1>, vector<16xf32>
      %sub3A_128 = arith.subf %select_n3A_119, %select_n3A_127 : vector<16xf32>
      %exp3A_129 = math.exp %sub3A_128 : vector<16xf32>
      tpu.vector_store_idx %arg11[%get3A_109], %exp3A_129 {add = true} : memref<10240xf32, #tpu.memory_space<vmem>>[vector<16xi32>], vector<16xf32>,
      %swap3A_130 = arith.constant 16 : index
      %swap3A_131 = tpu.vector_load %arg15[%swap3A_130] {strides = array<i32>} : memref<128xf32, #tpu.memory_space<vmem>>, vector<16xf32>,
      tpu.vector_store %arg15[%swap3A_130], %exp3A_129 {strides = array<i32>} : memref<128xf32, #tpu.memory_space<vmem>>, vector<16xf32>,
      %get3A_132 = arith.constant 32 : index
      %get3A_133 = tpu.vector_load %arg12[%get3A_132] {strides = array<i32>} : memref<128xi32, #tpu.memory_space<vmem>>, vector<16xi32>,
      %get3A_134 = arith.constant 32 : index
      %get3A_135 = tpu.vector_load %arg13[%get3A_134] {strides = array<i32>} : memref<128xi32, #tpu.memory_space<vmem>>, vector<16xi32>,
      %gather3A_136 = tpu.vector_load_idx %arg9[%get3A_133] : memref<10240xf32, #tpu.memory_space<vmem>>[vector<16xi32>], vector<16xf32>,
      %gather3A_137 = tpu.vector_load_idx %arg10[%get3A_135] : memref<10240xf32, #tpu.memory_space<vmem>>[vector<16xi32>], vector<16xf32>,
      %add3A_138 = arith.addf %gather3A_136, %gather3A_137 : vector<16xf32>
      %ge3A_139 = arith.constant 0.000000e+00 : f32
      %ge3A_140 = vector.broadcast %ge3A_139 : f32 to vector<16xf32>
      %ge3A_141 = arith.cmpf oge, %add3A_138, %ge3A_140 : vector<16xf32>
      %mul3A_142 = arith.constant 2.000000e-01 : f32
      %mul3A_143 = vector.broadcast %mul3A_142 : f32 to vector<16xf32>
      %mul3A_144 = arith.mulf %mul3A_143, %add3A_138 : vector<16xf32>
      %select_n3A_145 = arith.select %ge3A_141, %add3A_138, %mul3A_144 : vector<16xi1>, vector<16xf32>
      %add3A_146 = arith.addf %get3A_63, %gather3A_137 : vector<16xf32>
      %ge3A_147 = arith.constant 0.000000e+00 : f32
      %ge3A_148 = vector.broadcast %ge3A_147 : f32 to vector<16xf32>
      %ge3A_149 = arith.cmpf oge, %add3A_146, %ge3A_148 : vector<16xf32>
      %mul3A_150 = arith.constant 2.000000e-01 : f32
      %mul3A_151 = vector.broadcast %mul3A_150 : f32 to vector<16xf32>
      %mul3A_152 = arith.mulf %mul3A_151, %add3A_146 : vector<16xf32>
      %select_n3A_153 = arith.select %ge3A_149, %add3A_146, %mul3A_152 : vector<16xi1>, vector<16xf32>
      %sub3A_154 = arith.subf %select_n3A_145, %select_n3A_153 : vector<16xf32>
      %exp3A_155 = math.exp %sub3A_154 : vector<16xf32>
      tpu.vector_store_idx %arg11[%get3A_135], %exp3A_155 {add = true} : memref<10240xf32, #tpu.memory_space<vmem>>[vector<16xi32>], vector<16xf32>,
      %swap3A_156 = arith.constant 32 : index
      %swap3A_157 = tpu.vector_load %arg15[%swap3A_156] {strides = array<i32>} : memref<128xf32, #tpu.memory_space<vmem>>, vector<16xf32>,
      tpu.vector_store %arg15[%swap3A_156], %exp3A_155 {strides = array<i32>} : memref<128xf32, #tpu.memory_space<vmem>>, vector<16xf32>,
      %get3A_158 = arith.constant 48 : index
      %get3A_159 = tpu.vector_load %arg12[%get3A_158] {strides = array<i32>} : memref<128xi32, #tpu.memory_space<vmem>>, vector<16xi32>,
      %get3A_160 = arith.constant 48 : index
      %get3A_161 = tpu.vector_load %arg13[%get3A_160] {strides = array<i32>} : memref<128xi32, #tpu.memory_space<vmem>>, vector<16xi32>,
      %gather3A_162 = tpu.vector_load_idx %arg9[%get3A_159] : memref<10240xf32, #tpu.memory_space<vmem>>[vector<16xi32>], vector<16xf32>,
      %gather3A_163 = tpu.vector_load_idx %arg10[%get3A_161] : memref<10240xf32, #tpu.memory_space<vmem>>[vector<16xi32>], vector<16xf32>,
      %add3A_164 = arith.addf %gather3A_162, %gather3A_163 : vector<16xf32>
      %ge3A_165 = arith.constant 0.000000e+00 : f32
      %ge3A_166 = vector.broadcast %ge3A_165 : f32 to vector<16xf32>
      %ge3A_167 = arith.cmpf oge, %add3A_164, %ge3A_166 : vector<16xf32>
      %mul3A_168 = arith.constant 2.000000e-01 : f32
      %mul3A_169 = vector.broadcast %mul3A_168 : f32 to vector<16xf32>
      %mul3A_170 = arith.mulf %mul3A_169, %add3A_164 : vector<16xf32>
      %select_n3A_171 = arith.select %ge3A_167, %add3A_164, %mul3A_170 : vector<16xi1>, vector<16xf32>
      %add3A_172 = arith.addf %get3A_63, %gather3A_163 : vector<16xf32>
      %ge3A_173 = arith.constant 0.000000e+00 : f32
      %ge3A_174 = vector.broadcast %ge3A_173 : f32 to vector<16xf32>
      %ge3A_175 = arith.cmpf oge, %add3A_172, %ge3A_174 : vector<16xf32>
      %mul3A_176 = arith.constant 2.000000e-01 : f32
      %mul3A_177 = vector.broadcast %mul3A_176 : f32 to vector<16xf32>
      %mul3A_178 = arith.mulf %mul3A_177, %add3A_172 : vector<16xf32>
      %select_n3A_179 = arith.select %ge3A_175, %add3A_172, %mul3A_178 : vector<16xi1>, vector<16xf32>
      %sub3A_180 = arith.subf %select_n3A_171, %select_n3A_179 : vector<16xf32>
      %exp3A_181 = math.exp %sub3A_180 : vector<16xf32>
      tpu.vector_store_idx %arg11[%get3A_161], %exp3A_181 {add = true} : memref<10240xf32, #tpu.memory_space<vmem>>[vector<16xi32>], vector<16xf32>,
      %swap3A_182 = arith.constant 48 : index
      %swap3A_183 = tpu.vector_load %arg15[%swap3A_182] {strides = array<i32>} : memref<128xf32, #tpu.memory_space<vmem>>, vector<16xf32>,
      tpu.vector_store %arg15[%swap3A_182], %exp3A_181 {strides = array<i32>} : memref<128xf32, #tpu.memory_space<vmem>>, vector<16xf32>,
      %get3A_184 = arith.constant 64 : index
      %get3A_185 = tpu.vector_load %arg12[%get3A_184] {strides = array<i32>} : memref<128xi32, #tpu.memory_space<vmem>>, vector<16xi32>,
      %get3A_186 = arith.constant 64 : index
      %get3A_187 = tpu.vector_load %arg13[%get3A_186] {strides = array<i32>} : memref<128xi32, #tpu.memory_space<vmem>>, vector<16xi32>,
      %gather3A_188 = tpu.vector_load_idx %arg9[%get3A_185] : memref<10240xf32, #tpu.memory_space<vmem>>[vector<16xi32>], vector<16xf32>,
      %gather3A_189 = tpu.vector_load_idx %arg10[%get3A_187] : memref<10240xf32, #tpu.memory_space<vmem>>[vector<16xi32>], vector<16xf32>,
      %add3A_190 = arith.addf %gather3A_188, %gather3A_189 : vector<16xf32>
      %ge3A_191 = arith.constant 0.000000e+00 : f32
      %ge3A_192 = vector.broadcast %ge3A_191 : f32 to vector<16xf32>
      %ge3A_193 = arith.cmpf oge, %add3A_190, %ge3A_192 : vector<16xf32>
      %mul3A_194 = arith.constant 2.000000e-01 : f32
      %mul3A_195 = vector.broadcast %mul3A_194 : f32 to vector<16xf32>
      %mul3A_196 = arith.mulf %mul3A_195, %add3A_190 : vector<16xf32>
      %select_n3A_197 = arith.select %ge3A_193, %add3A_190, %mul3A_196 : vector<16xi1>, vector<16xf32>
      %add3A_198 = arith.addf %get3A_63, %gather3A_189 : vector<16xf32>
      %ge3A_199 = arith.constant 0.000000e+00 : f32
      %ge3A_200 = vector.broadcast %ge3A_199 : f32 to vector<16xf32>
      %ge3A_201 = arith.cmpf oge, %add3A_198, %ge3A_200 : vector<16xf32>
      %mul3A_202 = arith.constant 2.000000e-01 : f32
      %mul3A_203 = vector.broadcast %mul3A_202 : f32 to vector<16xf32>
      %mul3A_204 = arith.mulf %mul3A_203, %add3A_198 : vector<16xf32>
      %select_n3A_205 = arith.select %ge3A_201, %add3A_198, %mul3A_204 : vector<16xi1>, vector<16xf32>
      %sub3A_206 = arith.subf %select_n3A_197, %select_n3A_205 : vector<16xf32>
      %exp3A_207 = math.exp %sub3A_206 : vector<16xf32>
      tpu.vector_store_idx %arg11[%get3A_187], %exp3A_207 {add = true} : memref<10240xf32, #tpu.memory_space<vmem>>[vector<16xi32>], vector<16xf32>,
      %swap3A_208 = arith.constant 64 : index
      %swap3A_209 = tpu.vector_load %arg15[%swap3A_208] {strides = array<i32>} : memref<128xf32, #tpu.memory_space<vmem>>, vector<16xf32>,
      tpu.vector_store %arg15[%swap3A_208], %exp3A_207 {strides = array<i32>} : memref<128xf32, #tpu.memory_space<vmem>>, vector<16xf32>,
      %get3A_210 = arith.constant 80 : index
      %get3A_211 = tpu.vector_load %arg12[%get3A_210] {strides = array<i32>} : memref<128xi32, #tpu.memory_space<vmem>>, vector<16xi32>,
      %get3A_212 = arith.constant 80 : index
      %get3A_213 = tpu.vector_load %arg13[%get3A_212] {strides = array<i32>} : memref<128xi32, #tpu.memory_space<vmem>>, vector<16xi32>,
      %gather3A_214 = tpu.vector_load_idx %arg9[%get3A_211] : memref<10240xf32, #tpu.memory_space<vmem>>[vector<16xi32>], vector<16xf32>,
      %gather3A_215 = tpu.vector_load_idx %arg10[%get3A_213] : memref<10240xf32, #tpu.memory_space<vmem>>[vector<16xi32>], vector<16xf32>,
      %add3A_216 = arith.addf %gather3A_214, %gather3A_215 : vector<16xf32>
      %ge3A_217 = arith.constant 0.000000e+00 : f32
      %ge3A_218 = vector.broadcast %ge3A_217 : f32 to vector<16xf32>
      %ge3A_219 = arith.cmpf oge, %add3A_216, %ge3A_218 : vector<16xf32>
      %mul3A_220 = arith.constant 2.000000e-01 : f32
      %mul3A_221 = vector.broadcast %mul3A_220 : f32 to vector<16xf32>
      %mul3A_222 = arith.mulf %mul3A_221, %add3A_216 : vector<16xf32>
      %select_n3A_223 = arith.select %ge3A_219, %add3A_216, %mul3A_222 : vector<16xi1>, vector<16xf32>
      %add3A_224 = arith.addf %get3A_63, %gather3A_215 : vector<16xf32>
      %ge3A_225 = arith.constant 0.000000e+00 : f32
      %ge3A_226 = vector.broadcast %ge3A_225 : f32 to vector<16xf32>
      %ge3A_227 = arith.cmpf oge, %add3A_224, %ge3A_226 : vector<16xf32>
      %mul3A_228 = arith.constant 2.000000e-01 : f32
      %mul3A_229 = vector.broadcast %mul3A_228 : f32 to vector<16xf32>
      %mul3A_230 = arith.mulf %mul3A_229, %add3A_224 : vector<16xf32>
      %select_n3A_231 = arith.select %ge3A_227, %add3A_224, %mul3A_230 : vector<16xi1>, vector<16xf32>
      %sub3A_232 = arith.subf %select_n3A_223, %select_n3A_231 : vector<16xf32>
      %exp3A_233 = math.exp %sub3A_232 : vector<16xf32>
      tpu.vector_store_idx %arg11[%get3A_213], %exp3A_233 {add = true} : memref<10240xf32, #tpu.memory_space<vmem>>[vector<16xi32>], vector<16xf32>,
      %swap3A_234 = arith.constant 80 : index
      %swap3A_235 = tpu.vector_load %arg15[%swap3A_234] {strides = array<i32>} : memref<128xf32, #tpu.memory_space<vmem>>, vector<16xf32>,
      tpu.vector_store %arg15[%swap3A_234], %exp3A_233 {strides = array<i32>} : memref<128xf32, #tpu.memory_space<vmem>>, vector<16xf32>,
      %get3A_236 = arith.constant 96 : index
      %get3A_237 = tpu.vector_load %arg12[%get3A_236] {strides = array<i32>} : memref<128xi32, #tpu.memory_space<vmem>>, vector<16xi32>,
      %get3A_238 = arith.constant 96 : index
      %get3A_239 = tpu.vector_load %arg13[%get3A_238] {strides = array<i32>} : memref<128xi32, #tpu.memory_space<vmem>>, vector<16xi32>,
      %gather3A_240 = tpu.vector_load_idx %arg9[%get3A_237] : memref<10240xf32, #tpu.memory_space<vmem>>[vector<16xi32>], vector<16xf32>,
      %gather3A_241 = tpu.vector_load_idx %arg10[%get3A_239] : memref<10240xf32, #tpu.memory_space<vmem>>[vector<16xi32>], vector<16xf32>,
      %add3A_242 = arith.addf %gather3A_240, %gather3A_241 : vector<16xf32>
      %ge3A_243 = arith.constant 0.000000e+00 : f32
      %ge3A_244 = vector.broadcast %ge3A_243 : f32 to vector<16xf32>
      %ge3A_245 = arith.cmpf oge, %add3A_242, %ge3A_244 : vector<16xf32>
      %mul3A_246 = arith.constant 2.000000e-01 : f32
      %mul3A_247 = vector.broadcast %mul3A_246 : f32 to vector<16xf32>
      %mul3A_248 = arith.mulf %mul3A_247, %add3A_242 : vector<16xf32>
      %select_n3A_249 = arith.select %ge3A_245, %add3A_242, %mul3A_248 : vector<16xi1>, vector<16xf32>
      %add3A_250 = arith.addf %get3A_63, %gather3A_241 : vector<16xf32>
      %ge3A_251 = arith.constant 0.000000e+00 : f32
      %ge3A_252 = vector.broadcast %ge3A_251 : f32 to vector<16xf32>
      %ge3A_253 = arith.cmpf oge, %add3A_250, %ge3A_252 : vector<16xf32>
      %mul3A_254 = arith.constant 2.000000e-01 : f32
      %mul3A_255 = vector.broadcast %mul3A_254 : f32 to vector<16xf32>
      %mul3A_256 = arith.mulf %mul3A_255, %add3A_250 : vector<16xf32>
      %select_n3A_257 = arith.select %ge3A_253, %add3A_250, %mul3A_256 : vector<16xi1>, vector<16xf32>
      %sub3A_258 = arith.subf %select_n3A_249, %select_n3A_257 : vector<16xf32>
      %exp3A_259 = math.exp %sub3A_258 : vector<16xf32>
      tpu.vector_store_idx %arg11[%get3A_239], %exp3A_259 {add = true} : memref<10240xf32, #tpu.memory_space<vmem>>[vector<16xi32>], vector<16xf32>,
      %swap3A_260 = arith.constant 96 : index
      %swap3A_261 = tpu.vector_load %arg15[%swap3A_260] {strides = array<i32>} : memref<128xf32, #tpu.memory_space<vmem>>, vector<16xf32>,
      tpu.vector_store %arg15[%swap3A_260], %exp3A_259 {strides = array<i32>} : memref<128xf32, #tpu.memory_space<vmem>>, vector<16xf32>,
      %get3A_262 = arith.constant 112 : index
      %get3A_263 = tpu.vector_load %arg12[%get3A_262] {strides = array<i32>} : memref<128xi32, #tpu.memory_space<vmem>>, vector<16xi32>,
      %get3A_264 = arith.constant 112 : index
      %get3A_265 = tpu.vector_load %arg13[%get3A_264] {strides = array<i32>} : memref<128xi32, #tpu.memory_space<vmem>>, vector<16xi32>,
      %gather3A_266 = tpu.vector_load_idx %arg9[%get3A_263] : memref<10240xf32, #tpu.memory_space<vmem>>[vector<16xi32>], vector<16xf32>,
      %gather3A_267 = tpu.vector_load_idx %arg10[%get3A_265] : memref<10240xf32, #tpu.memory_space<vmem>>[vector<16xi32>], vector<16xf32>,
      %add3A_268 = arith.addf %gather3A_266, %gather3A_267 : vector<16xf32>
      %ge3A_269 = arith.constant 0.000000e+00 : f32
      %ge3A_270 = vector.broadcast %ge3A_269 : f32 to vector<16xf32>
      %ge3A_271 = arith.cmpf oge, %add3A_268, %ge3A_270 : vector<16xf32>
      %mul3A_272 = arith.constant 2.000000e-01 : f32
      %mul3A_273 = vector.broadcast %mul3A_272 : f32 to vector<16xf32>
      %mul3A_274 = arith.mulf %mul3A_273, %add3A_268 : vector<16xf32>
      %select_n3A_275 = arith.select %ge3A_271, %add3A_268, %mul3A_274 : vector<16xi1>, vector<16xf32>
      %add3A_276 = arith.addf %get3A_63, %gather3A_267 : vector<16xf32>
      %ge3A_277 = arith.constant 0.000000e+00 : f32
      %ge3A_278 = vector.broadcast %ge3A_277 : f32 to vector<16xf32>
      %ge3A_279 = arith.cmpf oge, %add3A_276, %ge3A_278 : vector<16xf32>
      %mul3A_280 = arith.constant 2.000000e-01 : f32
      %mul3A_281 = vector.broadcast %mul3A_280 : f32 to vector<16xf32>
      %mul3A_282 = arith.mulf %mul3A_281, %add3A_276 : vector<16xf32>
      %select_n3A_283 = arith.select %ge3A_279, %add3A_276, %mul3A_282 : vector<16xi1>, vector<16xf32>
      %sub3A_284 = arith.subf %select_n3A_275, %select_n3A_283 : vector<16xf32>
      %exp3A_285 = math.exp %sub3A_284 : vector<16xf32>
      tpu.vector_store_idx %arg11[%get3A_265], %exp3A_285 {add = true} : memref<10240xf32, #tpu.memory_space<vmem>>[vector<16xi32>], vector<16xf32>,
      %swap3A_286 = arith.constant 112 : index
      %swap3A_287 = tpu.vector_load %arg15[%swap3A_286] {strides = array<i32>} : memref<128xf32, #tpu.memory_space<vmem>>, vector<16xf32>,
      tpu.vector_store %arg15[%swap3A_286], %exp3A_285 {strides = array<i32>} : memref<128xf32, #tpu.memory_space<vmem>>, vector<16xf32>,
      %dma_start3A = arith.constant 0 : i32
      %dma_start3A_288 = arith.constant 0 : i32
      %dma_start3A_289 = tpu.memref_slice %arg2[%dma_start3A, %dma_start3A_288] : memref<10240x128xf32, #tpu.memory_space<hbm>> -> memref<10240x128xf32, #tpu.memory_space<hbm>>
      tpu.enqueue_indirect_dma source(%dma_start3A_289 : memref<10240x128xf32, #tpu.memory_space<hbm>>) target(%arg16 : memref<128x128xf32, #tpu.memory_space<vmem>>) offsets(%arg12 : memref<128xi32, #tpu.memory_space<vmem>>) semaphore(%arg18 : memref<!tpu.dma_semaphore, #tpu.memory_space<semaphore_mem>>)
      %dma_wait3A = arith.constant 0 : i32
      %dma_wait3A_290 = arith.constant 0 : i32
      %dma_wait3A_291 = tpu.memref_slice %arg2[%dma_wait3A, %dma_wait3A_290] : memref<10240x128xf32, #tpu.memory_space<hbm>> -> memref<10240x128xf32, #tpu.memory_space<hbm>>
      tpu.wait_indirect_dma semaphore(%arg18 : memref<!tpu.dma_semaphore, #tpu.memory_space<semaphore_mem>>) src(%dma_wait3A_291 : memref<10240x128xf32, #tpu.memory_space<hbm>>) dst(%arg16 : memref<128x128xf32, #tpu.memory_space<vmem>>)
      %scan3A_292 = arith.constant 0 : i32
      %scan3A_293 = arith.constant 0 : i32
      %scan3A_294 = arith.constant 8 : i32
      %scan3A_295 = arith.addi %scan3A_293, %scan3A_294 : i32
      %scan3A_296 = arith.constant 1 : i32
      scf.for %scan3A_304 = %scan3A_293 to %scan3A_295 step %scan3A_296  : i32 {
        %mul3A_305 = arith.constant 16 : i32
        %mul3A_306 = arith.muli %scan3A_304, %mul3A_305 : i32
        %get3A_307 = arith.index_cast %mul3A_306 : i32 to index
        %get3A_308 = tpu.vector_load %arg15[%get3A_307] {strides = array<i32>} : memref<128xf32, #tpu.memory_space<vmem>>, vector<16xf32>,
        %slice3A = vector.extract_strided_slice %get3A_308 {offsets = [0], sizes = [1], strides = [1]} : vector<16xf32> to vector<1xf32>
        %squeeze3A = vector.extract %slice3A[0] : f32 from vector<1xf32>
        %mul3A_309 = arith.constant 16 : i32
        %mul3A_310 = arith.muli %scan3A_304, %mul3A_309 : i32
        %add3A_311 = arith.constant 0 : i32
        %add3A_312 = arith.addi %mul3A_310, %add3A_311 : i32
        %get3A_313 = arith.index_cast %add3A_312 : i32 to index
        %get3A_314 = arith.constant 0 : index
        %get3A_315 = tpu.vector_load %arg16[%get3A_313, %get3A_314] {strides = array<i32>} : memref<128x128xf32, #tpu.memory_space<vmem>>, vector<16xf32>,
        %mul3A_316 = vector.broadcast %squeeze3A : f32 to vector<16xf32>
        %mul3A_317 = arith.mulf %get3A_315, %mul3A_316 : vector<16xf32>
        %swap3A_318 = arith.index_cast %add3A_312 : i32 to index
        %swap3A_319 = arith.constant 0 : index
        %swap3A_320 = tpu.vector_load %arg16[%swap3A_318, %swap3A_319] {strides = array<i32>} : memref<128x128xf32, #tpu.memory_space<vmem>>, vector<16xf32>,
        tpu.vector_store %arg16[%swap3A_318, %swap3A_319], %mul3A_317 {strides = array<i32>} : memref<128x128xf32, #tpu.memory_space<vmem>>, vector<16xf32>,
        %get3A_321 = arith.index_cast %add3A_312 : i32 to index
        %get3A_322 = arith.constant 16 : index
        %get3A_323 = tpu.vector_load %arg16[%get3A_321, %get3A_322] {strides = array<i32>} : memref<128x128xf32, #tpu.memory_space<vmem>>, vector<16xf32>,
        %mul3A_324 = vector.broadcast %squeeze3A : f32 to vector<16xf32>
        %mul3A_325 = arith.mulf %get3A_323, %mul3A_324 : vector<16xf32>
        %swap3A_326 = arith.index_cast %add3A_312 : i32 to index
        %swap3A_327 = arith.constant 16 : index
        %swap3A_328 = tpu.vector_load %arg16[%swap3A_326, %swap3A_327] {strides = array<i32>} : memref<128x128xf32, #tpu.memory_space<vmem>>, vector<16xf32>,
        tpu.vector_store %arg16[%swap3A_326, %swap3A_327], %mul3A_325 {strides = array<i32>} : memref<128x128xf32, #tpu.memory_space<vmem>>, vector<16xf32>,
        %get3A_329 = arith.index_cast %add3A_312 : i32 to index
        %get3A_330 = arith.constant 32 : index
        %get3A_331 = tpu.vector_load %arg16[%get3A_329, %get3A_330] {strides = array<i32>} : memref<128x128xf32, #tpu.memory_space<vmem>>, vector<16xf32>,
        %mul3A_332 = vector.broadcast %squeeze3A : f32 to vector<16xf32>
        %mul3A_333 = arith.mulf %get3A_331, %mul3A_332 : vector<16xf32>
        %swap3A_334 = arith.index_cast %add3A_312 : i32 to index
        %swap3A_335 = arith.constant 32 : index
        %swap3A_336 = tpu.vector_load %arg16[%swap3A_334, %swap3A_335] {strides = array<i32>} : memref<128x128xf32, #tpu.memory_space<vmem>>, vector<16xf32>,
        tpu.vector_store %arg16[%swap3A_334, %swap3A_335], %mul3A_333 {strides = array<i32>} : memref<128x128xf32, #tpu.memory_space<vmem>>, vector<16xf32>,
        %get3A_337 = arith.index_cast %add3A_312 : i32 to index
        %get3A_338 = arith.constant 48 : index
        %get3A_339 = tpu.vector_load %arg16[%get3A_337, %get3A_338] {strides = array<i32>} : memref<128x128xf32, #tpu.memory_space<vmem>>, vector<16xf32>,
        %mul3A_340 = vector.broadcast %squeeze3A : f32 to vector<16xf32>
        %mul3A_341 = arith.mulf %get3A_339, %mul3A_340 : vector<16xf32>
        %swap3A_342 = arith.index_cast %add3A_312 : i32 to index
        %swap3A_343 = arith.constant 48 : index
        %swap3A_344 = tpu.vector_load %arg16[%swap3A_342, %swap3A_343] {strides = array<i32>} : memref<128x128xf32, #tpu.memory_space<vmem>>, vector<16xf32>,
        tpu.vector_store %arg16[%swap3A_342, %swap3A_343], %mul3A_341 {strides = array<i32>} : memref<128x128xf32, #tpu.memory_space<vmem>>, vector<16xf32>,
        %get3A_345 = arith.index_cast %add3A_312 : i32 to index
        %get3A_346 = arith.constant 64 : index
        %get3A_347 = tpu.vector_load %arg16[%get3A_345, %get3A_346] {strides = array<i32>} : memref<128x128xf32, #tpu.memory_space<vmem>>, vector<16xf32>,
        %mul3A_348 = vector.broadcast %squeeze3A : f32 to vector<16xf32>
        %mul3A_349 = arith.mulf %get3A_347, %mul3A_348 : vector<16xf32>
        %swap3A_350 = arith.index_cast %add3A_312 : i32 to index
        %swap3A_351 = arith.constant 64 : index
        %swap3A_352 = tpu.vector_load %arg16[%swap3A_350, %swap3A_351] {strides = array<i32>} : memref<128x128xf32, #tpu.memory_space<vmem>>, vector<16xf32>,
        tpu.vector_store %arg16[%swap3A_350, %swap3A_351], %mul3A_349 {strides = array<i32>} : memref<128x128xf32, #tpu.memory_space<vmem>>, vector<16xf32>,
        %get3A_353 = arith.index_cast %add3A_312 : i32 to index
        %get3A_354 = arith.constant 80 : index
        %get3A_355 = tpu.vector_load %arg16[%get3A_353, %get3A_354] {strides = array<i32>} : memref<128x128xf32, #tpu.memory_space<vmem>>, vector<16xf32>,
        %mul3A_356 = vector.broadcast %squeeze3A : f32 to vector<16xf32>
        %mul3A_357 = arith.mulf %get3A_355, %mul3A_356 : vector<16xf32>
        %swap3A_358 = arith.index_cast %add3A_312 : i32 to index
        %swap3A_359 = arith.constant 80 : index
        %swap3A_360 = tpu.vector_load %arg16[%swap3A_358, %swap3A_359] {strides = array<i32>} : memref<128x128xf32, #tpu.memory_space<vmem>>, vector<16xf32>,
        tpu.vector_store %arg16[%swap3A_358, %swap3A_359], %mul3A_357 {strides = array<i32>} : memref<128x128xf32, #tpu.memory_space<vmem>>, vector<16xf32>,
        %get3A_361 = arith.index_cast %add3A_312 : i32 to index
        %get3A_362 = arith.constant 96 : index
        %get3A_363 = tpu.vector_load %arg16[%get3A_361, %get3A_362] {strides = array<i32>} : memref<128x128xf32, #tpu.memory_space<vmem>>, vector<16xf32>,
        %mul3A_364 = vector.broadcast %squeeze3A : f32 to vector<16xf32>
        %mul3A_365 = arith.mulf %get3A_363, %mul3A_364 : vector<16xf32>
        %swap3A_366 = arith.index_cast %add3A_312 : i32 to index
        %swap3A_367 = arith.constant 96 : index
        %swap3A_368 = tpu.vector_load %arg16[%swap3A_366, %swap3A_367] {strides = array<i32>} : memref<128x128xf32, #tpu.memory_space<vmem>>, vector<16xf32>,
        tpu.vector_store %arg16[%swap3A_366, %swap3A_367], %mul3A_365 {strides = array<i32>} : memref<128x128xf32, #tpu.memory_space<vmem>>, vector<16xf32>,
        %get3A_369 = arith.index_cast %add3A_312 : i32 to index
        %get3A_370 = arith.constant 112 : index
        %get3A_371 = tpu.vector_load %arg16[%get3A_369, %get3A_370] {strides = array<i32>} : memref<128x128xf32, #tpu.memory_space<vmem>>, vector<16xf32>,
        %mul3A_372 = vector.broadcast %squeeze3A : f32 to vector<16xf32>
        %mul3A_373 = arith.mulf %get3A_371, %mul3A_372 : vector<16xf32>
        %swap3A_374 = arith.index_cast %add3A_312 : i32 to index
        %swap3A_375 = arith.constant 112 : index
        %swap3A_376 = tpu.vector_load %arg16[%swap3A_374, %swap3A_375] {strides = array<i32>} : memref<128x128xf32, #tpu.memory_space<vmem>>, vector<16xf32>,
        tpu.vector_store %arg16[%swap3A_374, %swap3A_375], %mul3A_373 {strides = array<i32>} : memref<128x128xf32, #tpu.memory_space<vmem>>, vector<16xf32>,
        %slice3A_377 = vector.extract_strided_slice %get3A_308 {offsets = [1], sizes = [1], strides = [1]} : vector<16xf32> to vector<1xf32>
        %squeeze3A_378 = vector.extract %slice3A_377[0] : f32 from vector<1xf32>
        %mul3A_379 = arith.constant 16 : i32
        %mul3A_380 = arith.muli %scan3A_304, %mul3A_379 : i32
        %add3A_381 = arith.constant 1 : i32
        %add3A_382 = arith.addi %mul3A_380, %add3A_381 : i32
        %get3A_383 = arith.index_cast %add3A_382 : i32 to index
        %get3A_384 = arith.constant 0 : index
        %get3A_385 = tpu.vector_load %arg16[%get3A_383, %get3A_384] {strides = array<i32>} : memref<128x128xf32, #tpu.memory_space<vmem>>, vector<16xf32>,
        %mul3A_386 = vector.broadcast %squeeze3A_378 : f32 to vector<16xf32>
        %mul3A_387 = arith.mulf %get3A_385, %mul3A_386 : vector<16xf32>
        %swap3A_388 = arith.index_cast %add3A_382 : i32 to index
        %swap3A_389 = arith.constant 0 : index
        %swap3A_390 = tpu.vector_load %arg16[%swap3A_388, %swap3A_389] {strides = array<i32>} : memref<128x128xf32, #tpu.memory_space<vmem>>, vector<16xf32>,
        tpu.vector_store %arg16[%swap3A_388, %swap3A_389], %mul3A_387 {strides = array<i32>} : memref<128x128xf32, #tpu.memory_space<vmem>>, vector<16xf32>,
        %get3A_391 = arith.index_cast %add3A_382 : i32 to index
        %get3A_392 = arith.constant 16 : index
        %get3A_393 = tpu.vector_load %arg16[%get3A_391, %get3A_392] {strides = array<i32>} : memref<128x128xf32, #tpu.memory_space<vmem>>, vector<16xf32>,
        %mul3A_394 = vector.broadcast %squeeze3A_378 : f32 to vector<16xf32>
        %mul3A_395 = arith.mulf %get3A_393, %mul3A_394 : vector<16xf32>
        %swap3A_396 = arith.index_cast %add3A_382 : i32 to index
        %swap3A_397 = arith.constant 16 : index
        %swap3A_398 = tpu.vector_load %arg16[%swap3A_396, %swap3A_397] {strides = array<i32>} : memref<128x128xf32, #tpu.memory_space<vmem>>, vector<16xf32>,
        tpu.vector_store %arg16[%swap3A_396, %swap3A_397], %mul3A_395 {strides = array<i32>} : memref<128x128xf32, #tpu.memory_space<vmem>>, vector<16xf32>,
        %get3A_399 = arith.index_cast %add3A_382 : i32 to index
        %get3A_400 = arith.constant 32 : index
        %get3A_401 = tpu.vector_load %arg16[%get3A_399, %get3A_400] {strides = array<i32>} : memref<128x128xf32, #tpu.memory_space<vmem>>, vector<16xf32>,
        %mul3A_402 = vector.broadcast %squeeze3A_378 : f32 to vector<16xf32>
        %mul3A_403 = arith.mulf %get3A_401, %mul3A_402 : vector<16xf32>
        %swap3A_404 = arith.index_cast %add3A_382 : i32 to index
        %swap3A_405 = arith.constant 32 : index
        %swap3A_406 = tpu.vector_load %arg16[%swap3A_404, %swap3A_405] {strides = array<i32>} : memref<128x128xf32, #tpu.memory_space<vmem>>, vector<16xf32>,
        tpu.vector_store %arg16[%swap3A_404, %swap3A_405], %mul3A_403 {strides = array<i32>} : memref<128x128xf32, #tpu.memory_space<vmem>>, vector<16xf32>,
        %get3A_407 = arith.index_cast %add3A_382 : i32 to index
        %get3A_408 = arith.constant 48 : index
        %get3A_409 = tpu.vector_load %arg16[%get3A_407, %get3A_408] {strides = array<i32>} : memref<128x128xf32, #tpu.memory_space<vmem>>, vector<16xf32>,
        %mul3A_410 = vector.broadcast %squeeze3A_378 : f32 to vector<16xf32>
        %mul3A_411 = arith.mulf %get3A_409, %mul3A_410 : vector<16xf32>
        %swap3A_412 = arith.index_cast %add3A_382 : i32 to index
        %swap3A_413 = arith.constant 48 : index
        %swap3A_414 = tpu.vector_load %arg16[%swap3A_412, %swap3A_413] {strides = array<i32>} : memref<128x128xf32, #tpu.memory_space<vmem>>, vector<16xf32>,
        tpu.vector_store %arg16[%swap3A_412, %swap3A_413], %mul3A_411 {strides = array<i32>} : memref<128x128xf32, #tpu.memory_space<vmem>>, vector<16xf32>,
        %get3A_415 = arith.index_cast %add3A_382 : i32 to index
        %get3A_416 = arith.constant 64 : index
        %get3A_417 = tpu.vector_load %arg16[%get3A_415, %get3A_416] {strides = array<i32>} : memref<128x128xf32, #tpu.memory_space<vmem>>, vector<16xf32>,
        %mul3A_418 = vector.broadcast %squeeze3A_378 : f32 to vector<16xf32>
        %mul3A_419 = arith.mulf %get3A_417, %mul3A_418 : vector<16xf32>
        %swap3A_420 = arith.index_cast %add3A_382 : i32 to index
        %swap3A_421 = arith.constant 64 : index
        %swap3A_422 = tpu.vector_load %arg16[%swap3A_420, %swap3A_421] {strides = array<i32>} : memref<128x128xf32, #tpu.memory_space<vmem>>, vector<16xf32>,
        tpu.vector_store %arg16[%swap3A_420, %swap3A_421], %mul3A_419 {strides = array<i32>} : memref<128x128xf32, #tpu.memory_space<vmem>>, vector<16xf32>,
        %get3A_423 = arith.index_cast %add3A_382 : i32 to index
        %get3A_424 = arith.constant 80 : index
        %get3A_425 = tpu.vector_load %arg16[%get3A_423, %get3A_424] {strides = array<i32>} : memref<128x128xf32, #tpu.memory_space<vmem>>, vector<16xf32>,
        %mul3A_426 = vector.broadcast %squeeze3A_378 : f32 to vector<16xf32>
        %mul3A_427 = arith.mulf %get3A_425, %mul3A_426 : vector<16xf32>
        %swap3A_428 = arith.index_cast %add3A_382 : i32 to index
        %swap3A_429 = arith.constant 80 : index
        %swap3A_430 = tpu.vector_load %arg16[%swap3A_428, %swap3A_429] {strides = array<i32>} : memref<128x128xf32, #tpu.memory_space<vmem>>, vector<16xf32>,
        tpu.vector_store %arg16[%swap3A_428, %swap3A_429], %mul3A_427 {strides = array<i32>} : memref<128x128xf32, #tpu.memory_space<vmem>>, vector<16xf32>,
        %get3A_431 = arith.index_cast %add3A_382 : i32 to index
        %get3A_432 = arith.constant 96 : index
        %get3A_433 = tpu.vector_load %arg16[%get3A_431, %get3A_432] {strides = array<i32>} : memref<128x128xf32, #tpu.memory_space<vmem>>, vector<16xf32>,
        %mul3A_434 = vector.broadcast %squeeze3A_378 : f32 to vector<16xf32>
        %mul3A_435 = arith.mulf %get3A_433, %mul3A_434 : vector<16xf32>
        %swap3A_436 = arith.index_cast %add3A_382 : i32 to index
        %swap3A_437 = arith.constant 96 : index
        %swap3A_438 = tpu.vector_load %arg16[%swap3A_436, %swap3A_437] {strides = array<i32>} : memref<128x128xf32, #tpu.memory_space<vmem>>, vector<16xf32>,
        tpu.vector_store %arg16[%swap3A_436, %swap3A_437], %mul3A_435 {strides = array<i32>} : memref<128x128xf32, #tpu.memory_space<vmem>>, vector<16xf32>,
        %get3A_439 = arith.index_cast %add3A_382 : i32 to index
        %get3A_440 = arith.constant 112 : index
        %get3A_441 = tpu.vector_load %arg16[%get3A_439, %get3A_440] {strides = array<i32>} : memref<128x128xf32, #tpu.memory_space<vmem>>, vector<16xf32>,
        %mul3A_442 = vector.broadcast %squeeze3A_378 : f32 to vector<16xf32>
        %mul3A_443 = arith.mulf %get3A_441, %mul3A_442 : vector<16xf32>
        %swap3A_444 = arith.index_cast %add3A_382 : i32 to index
        %swap3A_445 = arith.constant 112 : index
        %swap3A_446 = tpu.vector_load %arg16[%swap3A_444, %swap3A_445] {strides = array<i32>} : memref<128x128xf32, #tpu.memory_space<vmem>>, vector<16xf32>,
        tpu.vector_store %arg16[%swap3A_444, %swap3A_445], %mul3A_443 {strides = array<i32>} : memref<128x128xf32, #tpu.memory_space<vmem>>, vector<16xf32>,
        %slice3A_447 = vector.extract_strided_slice %get3A_308 {offsets = [2], sizes = [1], strides = [1]} : vector<16xf32> to vector<1xf32>
        %squeeze3A_448 = vector.extract %slice3A_447[0] : f32 from vector<1xf32>
        %mul3A_449 = arith.constant 16 : i32
        %mul3A_450 = arith.muli %scan3A_304, %mul3A_449 : i32
        %add3A_451 = arith.constant 2 : i32
        %add3A_452 = arith.addi %mul3A_450, %add3A_451 : i32
        %get3A_453 = arith.index_cast %add3A_452 : i32 to index
        %get3A_454 = arith.constant 0 : index
        %get3A_455 = tpu.vector_load %arg16[%get3A_453, %get3A_454] {strides = array<i32>} : memref<128x128xf32, #tpu.memory_space<vmem>>, vector<16xf32>,
        %mul3A_456 = vector.broadcast %squeeze3A_448 : f32 to vector<16xf32>
        %mul3A_457 = arith.mulf %get3A_455, %mul3A_456 : vector<16xf32>
        %swap3A_458 = arith.index_cast %add3A_452 : i32 to index
        %swap3A_459 = arith.constant 0 : index
        %swap3A_460 = tpu.vector_load %arg16[%swap3A_458, %swap3A_459] {strides = array<i32>} : memref<128x128xf32, #tpu.memory_space<vmem>>, vector<16xf32>,
        tpu.vector_store %arg16[%swap3A_458, %swap3A_459], %mul3A_457 {strides = array<i32>} : memref<128x128xf32, #tpu.memory_space<vmem>>, vector<16xf32>,
        %get3A_461 = arith.index_cast %add3A_452 : i32 to index
        %get3A_462 = arith.constant 16 : index
        %get3A_463 = tpu.vector_load %arg16[%get3A_461, %get3A_462] {strides = array<i32>} : memref<128x128xf32, #tpu.memory_space<vmem>>, vector<16xf32>,
        %mul3A_464 = vector.broadcast %squeeze3A_448 : f32 to vector<16xf32>
        %mul3A_465 = arith.mulf %get3A_463, %mul3A_464 : vector<16xf32>
        %swap3A_466 = arith.index_cast %add3A_452 : i32 to index
        %swap3A_467 = arith.constant 16 : index
        %swap3A_468 = tpu.vector_load %arg16[%swap3A_466, %swap3A_467] {strides = array<i32>} : memref<128x128xf32, #tpu.memory_space<vmem>>, vector<16xf32>,
        tpu.vector_store %arg16[%swap3A_466, %swap3A_467], %mul3A_465 {strides = array<i32>} : memref<128x128xf32, #tpu.memory_space<vmem>>, vector<16xf32>,
        %get3A_469 = arith.index_cast %add3A_452 : i32 to index
        %get3A_470 = arith.constant 32 : index
        %get3A_471 = tpu.vector_load %arg16[%get3A_469, %get3A_470] {strides = array<i32>} : memref<128x128xf32, #tpu.memory_space<vmem>>, vector<16xf32>,
        %mul3A_472 = vector.broadcast %squeeze3A_448 : f32 to vector<16xf32>
        %mul3A_473 = arith.mulf %get3A_471, %mul3A_472 : vector<16xf32>
        %swap3A_474 = arith.index_cast %add3A_452 : i32 to index
        %swap3A_475 = arith.constant 32 : index
        %swap3A_476 = tpu.vector_load %arg16[%swap3A_474, %swap3A_475] {strides = array<i32>} : memref<128x128xf32, #tpu.memory_space<vmem>>, vector<16xf32>,
        tpu.vector_store %arg16[%swap3A_474, %swap3A_475], %mul3A_473 {strides = array<i32>} : memref<128x128xf32, #tpu.memory_space<vmem>>, vector<16xf32>,
        %get3A_477 = arith.index_cast %add3A_452 : i32 to index
        %get3A_478 = arith.constant 48 : index
        %get3A_479 = tpu.vector_load %arg16[%get3A_477, %get3A_478] {strides = array<i32>} : memref<128x128xf32, #tpu.memory_space<vmem>>, vector<16xf32>,
        %mul3A_480 = vector.broadcast %squeeze3A_448 : f32 to vector<16xf32>
        %mul3A_481 = arith.mulf %get3A_479, %mul3A_480 : vector<16xf32>
        %swap3A_482 = arith.index_cast %add3A_452 : i32 to index
        %swap3A_483 = arith.constant 48 : index
        %swap3A_484 = tpu.vector_load %arg16[%swap3A_482, %swap3A_483] {strides = array<i32>} : memref<128x128xf32, #tpu.memory_space<vmem>>, vector<16xf32>,
        tpu.vector_store %arg16[%swap3A_482, %swap3A_483], %mul3A_481 {strides = array<i32>} : memref<128x128xf32, #tpu.memory_space<vmem>>, vector<16xf32>,
        %get3A_485 = arith.index_cast %add3A_452 : i32 to index
        %get3A_486 = arith.constant 64 : index
        %get3A_487 = tpu.vector_load %arg16[%get3A_485, %get3A_486] {strides = array<i32>} : memref<128x128xf32, #tpu.memory_space<vmem>>, vector<16xf32>,
        %mul3A_488 = vector.broadcast %squeeze3A_448 : f32 to vector<16xf32>
        %mul3A_489 = arith.mulf %get3A_487, %mul3A_488 : vector<16xf32>
        %swap3A_490 = arith.index_cast %add3A_452 : i32 to index
        %swap3A_491 = arith.constant 64 : index
        %swap3A_492 = tpu.vector_load %arg16[%swap3A_490, %swap3A_491] {strides = array<i32>} : memref<128x128xf32, #tpu.memory_space<vmem>>, vector<16xf32>,
        tpu.vector_store %arg16[%swap3A_490, %swap3A_491], %mul3A_489 {strides = array<i32>} : memref<128x128xf32, #tpu.memory_space<vmem>>, vector<16xf32>,
        %get3A_493 = arith.index_cast %add3A_452 : i32 to index
        %get3A_494 = arith.constant 80 : index
        %get3A_495 = tpu.vector_load %arg16[%get3A_493, %get3A_494] {strides = array<i32>} : memref<128x128xf32, #tpu.memory_space<vmem>>, vector<16xf32>,
        %mul3A_496 = vector.broadcast %squeeze3A_448 : f32 to vector<16xf32>
        %mul3A_497 = arith.mulf %get3A_495, %mul3A_496 : vector<16xf32>
        %swap3A_498 = arith.index_cast %add3A_452 : i32 to index
        %swap3A_499 = arith.constant 80 : index
        %swap3A_500 = tpu.vector_load %arg16[%swap3A_498, %swap3A_499] {strides = array<i32>} : memref<128x128xf32, #tpu.memory_space<vmem>>, vector<16xf32>,
        tpu.vector_store %arg16[%swap3A_498, %swap3A_499], %mul3A_497 {strides = array<i32>} : memref<128x128xf32, #tpu.memory_space<vmem>>, vector<16xf32>,
        %get3A_501 = arith.index_cast %add3A_452 : i32 to index
        %get3A_502 = arith.constant 96 : index
        %get3A_503 = tpu.vector_load %arg16[%get3A_501, %get3A_502] {strides = array<i32>} : memref<128x128xf32, #tpu.memory_space<vmem>>, vector<16xf32>,
        %mul3A_504 = vector.broadcast %squeeze3A_448 : f32 to vector<16xf32>
        %mul3A_505 = arith.mulf %get3A_503, %mul3A_504 : vector<16xf32>
        %swap3A_506 = arith.index_cast %add3A_452 : i32 to index
        %swap3A_507 = arith.constant 96 : index
        %swap3A_508 = tpu.vector_load %arg16[%swap3A_506, %swap3A_507] {strides = array<i32>} : memref<128x128xf32, #tpu.memory_space<vmem>>, vector<16xf32>,
        tpu.vector_store %arg16[%swap3A_506, %swap3A_507], %mul3A_505 {strides = array<i32>} : memref<128x128xf32, #tpu.memory_space<vmem>>, vector<16xf32>,
        %get3A_509 = arith.index_cast %add3A_452 : i32 to index
        %get3A_510 = arith.constant 112 : index
        %get3A_511 = tpu.vector_load %arg16[%get3A_509, %get3A_510] {strides = array<i32>} : memref<128x128xf32, #tpu.memory_space<vmem>>, vector<16xf32>,
        %mul3A_512 = vector.broadcast %squeeze3A_448 : f32 to vector<16xf32>
        %mul3A_513 = arith.mulf %get3A_511, %mul3A_512 : vector<16xf32>
        %swap3A_514 = arith.index_cast %add3A_452 : i32 to index
        %swap3A_515 = arith.constant 112 : index
        %swap3A_516 = tpu.vector_load %arg16[%swap3A_514, %swap3A_515] {strides = array<i32>} : memref<128x128xf32, #tpu.memory_space<vmem>>, vector<16xf32>,
        tpu.vector_store %arg16[%swap3A_514, %swap3A_515], %mul3A_513 {strides = array<i32>} : memref<128x128xf32, #tpu.memory_space<vmem>>, vector<16xf32>,
        %slice3A_517 = vector.extract_strided_slice %get3A_308 {offsets = [3], sizes = [1], strides = [1]} : vector<16xf32> to vector<1xf32>
        %squeeze3A_518 = vector.extract %slice3A_517[0] : f32 from vector<1xf32>
        %mul3A_519 = arith.constant 16 : i32
        %mul3A_520 = arith.muli %scan3A_304, %mul3A_519 : i32
        %add3A_521 = arith.constant 3 : i32
        %add3A_522 = arith.addi %mul3A_520, %add3A_521 : i32
        %get3A_523 = arith.index_cast %add3A_522 : i32 to index
        %get3A_524 = arith.constant 0 : index
        %get3A_525 = tpu.vector_load %arg16[%get3A_523, %get3A_524] {strides = array<i32>} : memref<128x128xf32, #tpu.memory_space<vmem>>, vector<16xf32>,
        %mul3A_526 = vector.broadcast %squeeze3A_518 : f32 to vector<16xf32>
        %mul3A_527 = arith.mulf %get3A_525, %mul3A_526 : vector<16xf32>
        %swap3A_528 = arith.index_cast %add3A_522 : i32 to index
        %swap3A_529 = arith.constant 0 : index
        %swap3A_530 = tpu.vector_load %arg16[%swap3A_528, %swap3A_529] {strides = array<i32>} : memref<128x128xf32, #tpu.memory_space<vmem>>, vector<16xf32>,
        tpu.vector_store %arg16[%swap3A_528, %swap3A_529], %mul3A_527 {strides = array<i32>} : memref<128x128xf32, #tpu.memory_space<vmem>>, vector<16xf32>,
        %get3A_531 = arith.index_cast %add3A_522 : i32 to index
        %get3A_532 = arith.constant 16 : index
        %get3A_533 = tpu.vector_load %arg16[%get3A_531, %get3A_532] {strides = array<i32>} : memref<128x128xf32, #tpu.memory_space<vmem>>, vector<16xf32>,
        %mul3A_534 = vector.broadcast %squeeze3A_518 : f32 to vector<16xf32>
        %mul3A_535 = arith.mulf %get3A_533, %mul3A_534 : vector<16xf32>
        %swap3A_536 = arith.index_cast %add3A_522 : i32 to index
        %swap3A_537 = arith.constant 16 : index
        %swap3A_538 = tpu.vector_load %arg16[%swap3A_536, %swap3A_537] {strides = array<i32>} : memref<128x128xf32, #tpu.memory_space<vmem>>, vector<16xf32>,
        tpu.vector_store %arg16[%swap3A_536, %swap3A_537], %mul3A_535 {strides = array<i32>} : memref<128x128xf32, #tpu.memory_space<vmem>>, vector<16xf32>,
        %get3A_539 = arith.index_cast %add3A_522 : i32 to index
        %get3A_540 = arith.constant 32 : index
        %get3A_541 = tpu.vector_load %arg16[%get3A_539, %get3A_540] {strides = array<i32>} : memref<128x128xf32, #tpu.memory_space<vmem>>, vector<16xf32>,
        %mul3A_542 = vector.broadcast %squeeze3A_518 : f32 to vector<16xf32>
        %mul3A_543 = arith.mulf %get3A_541, %mul3A_542 : vector<16xf32>
        %swap3A_544 = arith.index_cast %add3A_522 : i32 to index
        %swap3A_545 = arith.constant 32 : index
        %swap3A_546 = tpu.vector_load %arg16[%swap3A_544, %swap3A_545] {strides = array<i32>} : memref<128x128xf32, #tpu.memory_space<vmem>>, vector<16xf32>,
        tpu.vector_store %arg16[%swap3A_544, %swap3A_545], %mul3A_543 {strides = array<i32>} : memref<128x128xf32, #tpu.memory_space<vmem>>, vector<16xf32>,
        %get3A_547 = arith.index_cast %add3A_522 : i32 to index
        %get3A_548 = arith.constant 48 : index
        %get3A_549 = tpu.vector_load %arg16[%get3A_547, %get3A_548] {strides = array<i32>} : memref<128x128xf32, #tpu.memory_space<vmem>>, vector<16xf32>,
        %mul3A_550 = vector.broadcast %squeeze3A_518 : f32 to vector<16xf32>
        %mul3A_551 = arith.mulf %get3A_549, %mul3A_550 : vector<16xf32>
        %swap3A_552 = arith.index_cast %add3A_522 : i32 to index
        %swap3A_553 = arith.constant 48 : index
        %swap3A_554 = tpu.vector_load %arg16[%swap3A_552, %swap3A_553] {strides = array<i32>} : memref<128x128xf32, #tpu.memory_space<vmem>>, vector<16xf32>,
        tpu.vector_store %arg16[%swap3A_552, %swap3A_553], %mul3A_551 {strides = array<i32>} : memref<128x128xf32, #tpu.memory_space<vmem>>, vector<16xf32>,
        %get3A_555 = arith.index_cast %add3A_522 : i32 to index
        %get3A_556 = arith.constant 64 : index
        %get3A_557 = tpu.vector_load %arg16[%get3A_555, %get3A_556] {strides = array<i32>} : memref<128x128xf32, #tpu.memory_space<vmem>>, vector<16xf32>,
        %mul3A_558 = vector.broadcast %squeeze3A_518 : f32 to vector<16xf32>
        %mul3A_559 = arith.mulf %get3A_557, %mul3A_558 : vector<16xf32>
        %swap3A_560 = arith.index_cast %add3A_522 : i32 to index
        %swap3A_561 = arith.constant 64 : index
        %swap3A_562 = tpu.vector_load %arg16[%swap3A_560, %swap3A_561] {strides = array<i32>} : memref<128x128xf32, #tpu.memory_space<vmem>>, vector<16xf32>,
        tpu.vector_store %arg16[%swap3A_560, %swap3A_561], %mul3A_559 {strides = array<i32>} : memref<128x128xf32, #tpu.memory_space<vmem>>, vector<16xf32>,
        %get3A_563 = arith.index_cast %add3A_522 : i32 to index
        %get3A_564 = arith.constant 80 : index
        %get3A_565 = tpu.vector_load %arg16[%get3A_563, %get3A_564] {strides = array<i32>} : memref<128x128xf32, #tpu.memory_space<vmem>>, vector<16xf32>,
        %mul3A_566 = vector.broadcast %squeeze3A_518 : f32 to vector<16xf32>
        %mul3A_567 = arith.mulf %get3A_565, %mul3A_566 : vector<16xf32>
        %swap3A_568 = arith.index_cast %add3A_522 : i32 to index
        %swap3A_569 = arith.constant 80 : index
        %swap3A_570 = tpu.vector_load %arg16[%swap3A_568, %swap3A_569] {strides = array<i32>} : memref<128x128xf32, #tpu.memory_space<vmem>>, vector<16xf32>,
        tpu.vector_store %arg16[%swap3A_568, %swap3A_569], %mul3A_567 {strides = array<i32>} : memref<128x128xf32, #tpu.memory_space<vmem>>, vector<16xf32>,
        %get3A_571 = arith.index_cast %add3A_522 : i32 to index
        %get3A_572 = arith.constant 96 : index
        %get3A_573 = tpu.vector_load %arg16[%get3A_571, %get3A_572] {strides = array<i32>} : memref<128x128xf32, #tpu.memory_space<vmem>>, vector<16xf32>,
        %mul3A_574 = vector.broadcast %squeeze3A_518 : f32 to vector<16xf32>
        %mul3A_575 = arith.mulf %get3A_573, %mul3A_574 : vector<16xf32>
        %swap3A_576 = arith.index_cast %add3A_522 : i32 to index
        %swap3A_577 = arith.constant 96 : index
        %swap3A_578 = tpu.vector_load %arg16[%swap3A_576, %swap3A_577] {strides = array<i32>} : memref<128x128xf32, #tpu.memory_space<vmem>>, vector<16xf32>,
        tpu.vector_store %arg16[%swap3A_576, %swap3A_577], %mul3A_575 {strides = array<i32>} : memref<128x128xf32, #tpu.memory_space<vmem>>, vector<16xf32>,
        %get3A_579 = arith.index_cast %add3A_522 : i32 to index
        %get3A_580 = arith.constant 112 : index
        %get3A_581 = tpu.vector_load %arg16[%get3A_579, %get3A_580] {strides = array<i32>} : memref<128x128xf32, #tpu.memory_space<vmem>>, vector<16xf32>,
        %mul3A_582 = vector.broadcast %squeeze3A_518 : f32 to vector<16xf32>
        %mul3A_583 = arith.mulf %get3A_581, %mul3A_582 : vector<16xf32>
        %swap3A_584 = arith.index_cast %add3A_522 : i32 to index
        %swap3A_585 = arith.constant 112 : index
        %swap3A_586 = tpu.vector_load %arg16[%swap3A_584, %swap3A_585] {strides = array<i32>} : memref<128x128xf32, #tpu.memory_space<vmem>>, vector<16xf32>,
        tpu.vector_store %arg16[%swap3A_584, %swap3A_585], %mul3A_583 {strides = array<i32>} : memref<128x128xf32, #tpu.memory_space<vmem>>, vector<16xf32>,
        %slice3A_587 = vector.extract_strided_slice %get3A_308 {offsets = [4], sizes = [1], strides = [1]} : vector<16xf32> to vector<1xf32>
        %squeeze3A_588 = vector.extract %slice3A_587[0] : f32 from vector<1xf32>
        %mul3A_589 = arith.constant 16 : i32
        %mul3A_590 = arith.muli %scan3A_304, %mul3A_589 : i32
        %add3A_591 = arith.constant 4 : i32
        %add3A_592 = arith.addi %mul3A_590, %add3A_591 : i32
        %get3A_593 = arith.index_cast %add3A_592 : i32 to index
        %get3A_594 = arith.constant 0 : index
        %get3A_595 = tpu.vector_load %arg16[%get3A_593, %get3A_594] {strides = array<i32>} : memref<128x128xf32, #tpu.memory_space<vmem>>, vector<16xf32>,
        %mul3A_596 = vector.broadcast %squeeze3A_588 : f32 to vector<16xf32>
        %mul3A_597 = arith.mulf %get3A_595, %mul3A_596 : vector<16xf32>
        %swap3A_598 = arith.index_cast %add3A_592 : i32 to index
        %swap3A_599 = arith.constant 0 : index
        %swap3A_600 = tpu.vector_load %arg16[%swap3A_598, %swap3A_599] {strides = array<i32>} : memref<128x128xf32, #tpu.memory_space<vmem>>, vector<16xf32>,
        tpu.vector_store %arg16[%swap3A_598, %swap3A_599], %mul3A_597 {strides = array<i32>} : memref<128x128xf32, #tpu.memory_space<vmem>>, vector<16xf32>,
        %get3A_601 = arith.index_cast %add3A_592 : i32 to index
        %get3A_602 = arith.constant 16 : index
        %get3A_603 = tpu.vector_load %arg16[%get3A_601, %get3A_602] {strides = array<i32>} : memref<128x128xf32, #tpu.memory_space<vmem>>, vector<16xf32>,
        %mul3A_604 = vector.broadcast %squeeze3A_588 : f32 to vector<16xf32>
        %mul3A_605 = arith.mulf %get3A_603, %mul3A_604 : vector<16xf32>
        %swap3A_606 = arith.index_cast %add3A_592 : i32 to index
        %swap3A_607 = arith.constant 16 : index
        %swap3A_608 = tpu.vector_load %arg16[%swap3A_606, %swap3A_607] {strides = array<i32>} : memref<128x128xf32, #tpu.memory_space<vmem>>, vector<16xf32>,
        tpu.vector_store %arg16[%swap3A_606, %swap3A_607], %mul3A_605 {strides = array<i32>} : memref<128x128xf32, #tpu.memory_space<vmem>>, vector<16xf32>,
        %get3A_609 = arith.index_cast %add3A_592 : i32 to index
        %get3A_610 = arith.constant 32 : index
        %get3A_611 = tpu.vector_load %arg16[%get3A_609, %get3A_610] {strides = array<i32>} : memref<128x128xf32, #tpu.memory_space<vmem>>, vector<16xf32>,
        %mul3A_612 = vector.broadcast %squeeze3A_588 : f32 to vector<16xf32>
        %mul3A_613 = arith.mulf %get3A_611, %mul3A_612 : vector<16xf32>
        %swap3A_614 = arith.index_cast %add3A_592 : i32 to index
        %swap3A_615 = arith.constant 32 : index
        %swap3A_616 = tpu.vector_load %arg16[%swap3A_614, %swap3A_615] {strides = array<i32>} : memref<128x128xf32, #tpu.memory_space<vmem>>, vector<16xf32>,
        tpu.vector_store %arg16[%swap3A_614, %swap3A_615], %mul3A_613 {strides = array<i32>} : memref<128x128xf32, #tpu.memory_space<vmem>>, vector<16xf32>,
        %get3A_617 = arith.index_cast %add3A_592 : i32 to index
        %get3A_618 = arith.constant 48 : index
        %get3A_619 = tpu.vector_load %arg16[%get3A_617, %get3A_618] {strides = array<i32>} : memref<128x128xf32, #tpu.memory_space<vmem>>, vector<16xf32>,
        %mul3A_620 = vector.broadcast %squeeze3A_588 : f32 to vector<16xf32>
        %mul3A_621 = arith.mulf %get3A_619, %mul3A_620 : vector<16xf32>
        %swap3A_622 = arith.index_cast %add3A_592 : i32 to index
        %swap3A_623 = arith.constant 48 : index
        %swap3A_624 = tpu.vector_load %arg16[%swap3A_622, %swap3A_623] {strides = array<i32>} : memref<128x128xf32, #tpu.memory_space<vmem>>, vector<16xf32>,
        tpu.vector_store %arg16[%swap3A_622, %swap3A_623], %mul3A_621 {strides = array<i32>} : memref<128x128xf32, #tpu.memory_space<vmem>>, vector<16xf32>,
        %get3A_625 = arith.index_cast %add3A_592 : i32 to index
        %get3A_626 = arith.constant 64 : index
        %get3A_627 = tpu.vector_load %arg16[%get3A_625, %get3A_626] {strides = array<i32>} : memref<128x128xf32, #tpu.memory_space<vmem>>, vector<16xf32>,
        %mul3A_628 = vector.broadcast %squeeze3A_588 : f32 to vector<16xf32>
        %mul3A_629 = arith.mulf %get3A_627, %mul3A_628 : vector<16xf32>
        %swap3A_630 = arith.index_cast %add3A_592 : i32 to index
        %swap3A_631 = arith.constant 64 : index
        %swap3A_632 = tpu.vector_load %arg16[%swap3A_630, %swap3A_631] {strides = array<i32>} : memref<128x128xf32, #tpu.memory_space<vmem>>, vector<16xf32>,
        tpu.vector_store %arg16[%swap3A_630, %swap3A_631], %mul3A_629 {strides = array<i32>} : memref<128x128xf32, #tpu.memory_space<vmem>>, vector<16xf32>,
        %get3A_633 = arith.index_cast %add3A_592 : i32 to index
        %get3A_634 = arith.constant 80 : index
        %get3A_635 = tpu.vector_load %arg16[%get3A_633, %get3A_634] {strides = array<i32>} : memref<128x128xf32, #tpu.memory_space<vmem>>, vector<16xf32>,
        %mul3A_636 = vector.broadcast %squeeze3A_588 : f32 to vector<16xf32>
        %mul3A_637 = arith.mulf %get3A_635, %mul3A_636 : vector<16xf32>
        %swap3A_638 = arith.index_cast %add3A_592 : i32 to index
        %swap3A_639 = arith.constant 80 : index
        %swap3A_640 = tpu.vector_load %arg16[%swap3A_638, %swap3A_639] {strides = array<i32>} : memref<128x128xf32, #tpu.memory_space<vmem>>, vector<16xf32>,
        tpu.vector_store %arg16[%swap3A_638, %swap3A_639], %mul3A_637 {strides = array<i32>} : memref<128x128xf32, #tpu.memory_space<vmem>>, vector<16xf32>,
        %get3A_641 = arith.index_cast %add3A_592 : i32 to index
        %get3A_642 = arith.constant 96 : index
        %get3A_643 = tpu.vector_load %arg16[%get3A_641, %get3A_642] {strides = array<i32>} : memref<128x128xf32, #tpu.memory_space<vmem>>, vector<16xf32>,
        %mul3A_644 = vector.broadcast %squeeze3A_588 : f32 to vector<16xf32>
        %mul3A_645 = arith.mulf %get3A_643, %mul3A_644 : vector<16xf32>
        %swap3A_646 = arith.index_cast %add3A_592 : i32 to index
        %swap3A_647 = arith.constant 96 : index
        %swap3A_648 = tpu.vector_load %arg16[%swap3A_646, %swap3A_647] {strides = array<i32>} : memref<128x128xf32, #tpu.memory_space<vmem>>, vector<16xf32>,
        tpu.vector_store %arg16[%swap3A_646, %swap3A_647], %mul3A_645 {strides = array<i32>} : memref<128x128xf32, #tpu.memory_space<vmem>>, vector<16xf32>,
        %get3A_649 = arith.index_cast %add3A_592 : i32 to index
        %get3A_650 = arith.constant 112 : index
        %get3A_651 = tpu.vector_load %arg16[%get3A_649, %get3A_650] {strides = array<i32>} : memref<128x128xf32, #tpu.memory_space<vmem>>, vector<16xf32>,
        %mul3A_652 = vector.broadcast %squeeze3A_588 : f32 to vector<16xf32>
        %mul3A_653 = arith.mulf %get3A_651, %mul3A_652 : vector<16xf32>
        %swap3A_654 = arith.index_cast %add3A_592 : i32 to index
        %swap3A_655 = arith.constant 112 : index
        %swap3A_656 = tpu.vector_load %arg16[%swap3A_654, %swap3A_655] {strides = array<i32>} : memref<128x128xf32, #tpu.memory_space<vmem>>, vector<16xf32>,
        tpu.vector_store %arg16[%swap3A_654, %swap3A_655], %mul3A_653 {strides = array<i32>} : memref<128x128xf32, #tpu.memory_space<vmem>>, vector<16xf32>,
        %slice3A_657 = vector.extract_strided_slice %get3A_308 {offsets = [5], sizes = [1], strides = [1]} : vector<16xf32> to vector<1xf32>
        %squeeze3A_658 = vector.extract %slice3A_657[0] : f32 from vector<1xf32>
        %mul3A_659 = arith.constant 16 : i32
        %mul3A_660 = arith.muli %scan3A_304, %mul3A_659 : i32
        %add3A_661 = arith.constant 5 : i32
        %add3A_662 = arith.addi %mul3A_660, %add3A_661 : i32
        %get3A_663 = arith.index_cast %add3A_662 : i32 to index
        %get3A_664 = arith.constant 0 : index
        %get3A_665 = tpu.vector_load %arg16[%get3A_663, %get3A_664] {strides = array<i32>} : memref<128x128xf32, #tpu.memory_space<vmem>>, vector<16xf32>,
        %mul3A_666 = vector.broadcast %squeeze3A_658 : f32 to vector<16xf32>
        %mul3A_667 = arith.mulf %get3A_665, %mul3A_666 : vector<16xf32>
        %swap3A_668 = arith.index_cast %add3A_662 : i32 to index
        %swap3A_669 = arith.constant 0 : index
        %swap3A_670 = tpu.vector_load %arg16[%swap3A_668, %swap3A_669] {strides = array<i32>} : memref<128x128xf32, #tpu.memory_space<vmem>>, vector<16xf32>,
        tpu.vector_store %arg16[%swap3A_668, %swap3A_669], %mul3A_667 {strides = array<i32>} : memref<128x128xf32, #tpu.memory_space<vmem>>, vector<16xf32>,
        %get3A_671 = arith.index_cast %add3A_662 : i32 to index
        %get3A_672 = arith.constant 16 : index
        %get3A_673 = tpu.vector_load %arg16[%get3A_671, %get3A_672] {strides = array<i32>} : memref<128x128xf32, #tpu.memory_space<vmem>>, vector<16xf32>,
        %mul3A_674 = vector.broadcast %squeeze3A_658 : f32 to vector<16xf32>
        %mul3A_675 = arith.mulf %get3A_673, %mul3A_674 : vector<16xf32>
        %swap3A_676 = arith.index_cast %add3A_662 : i32 to index
        %swap3A_677 = arith.constant 16 : index
        %swap3A_678 = tpu.vector_load %arg16[%swap3A_676, %swap3A_677] {strides = array<i32>} : memref<128x128xf32, #tpu.memory_space<vmem>>, vector<16xf32>,
        tpu.vector_store %arg16[%swap3A_676, %swap3A_677], %mul3A_675 {strides = array<i32>} : memref<128x128xf32, #tpu.memory_space<vmem>>, vector<16xf32>,
        %get3A_679 = arith.index_cast %add3A_662 : i32 to index
        %get3A_680 = arith.constant 32 : index
        %get3A_681 = tpu.vector_load %arg16[%get3A_679, %get3A_680] {strides = array<i32>} : memref<128x128xf32, #tpu.memory_space<vmem>>, vector<16xf32>,
        %mul3A_682 = vector.broadcast %squeeze3A_658 : f32 to vector<16xf32>
        %mul3A_683 = arith.mulf %get3A_681, %mul3A_682 : vector<16xf32>
        %swap3A_684 = arith.index_cast %add3A_662 : i32 to index
        %swap3A_685 = arith.constant 32 : index
        %swap3A_686 = tpu.vector_load %arg16[%swap3A_684, %swap3A_685] {strides = array<i32>} : memref<128x128xf32, #tpu.memory_space<vmem>>, vector<16xf32>,
        tpu.vector_store %arg16[%swap3A_684, %swap3A_685], %mul3A_683 {strides = array<i32>} : memref<128x128xf32, #tpu.memory_space<vmem>>, vector<16xf32>,
        %get3A_687 = arith.index_cast %add3A_662 : i32 to index
        %get3A_688 = arith.constant 48 : index
        %get3A_689 = tpu.vector_load %arg16[%get3A_687, %get3A_688] {strides = array<i32>} : memref<128x128xf32, #tpu.memory_space<vmem>>, vector<16xf32>,
        %mul3A_690 = vector.broadcast %squeeze3A_658 : f32 to vector<16xf32>
        %mul3A_691 = arith.mulf %get3A_689, %mul3A_690 : vector<16xf32>
        %swap3A_692 = arith.index_cast %add3A_662 : i32 to index
        %swap3A_693 = arith.constant 48 : index
        %swap3A_694 = tpu.vector_load %arg16[%swap3A_692, %swap3A_693] {strides = array<i32>} : memref<128x128xf32, #tpu.memory_space<vmem>>, vector<16xf32>,
        tpu.vector_store %arg16[%swap3A_692, %swap3A_693], %mul3A_691 {strides = array<i32>} : memref<128x128xf32, #tpu.memory_space<vmem>>, vector<16xf32>,
        %get3A_695 = arith.index_cast %add3A_662 : i32 to index
        %get3A_696 = arith.constant 64 : index
        %get3A_697 = tpu.vector_load %arg16[%get3A_695, %get3A_696] {strides = array<i32>} : memref<128x128xf32, #tpu.memory_space<vmem>>, vector<16xf32>,
        %mul3A_698 = vector.broadcast %squeeze3A_658 : f32 to vector<16xf32>
        %mul3A_699 = arith.mulf %get3A_697, %mul3A_698 : vector<16xf32>
        %swap3A_700 = arith.index_cast %add3A_662 : i32 to index
        %swap3A_701 = arith.constant 64 : index
        %swap3A_702 = tpu.vector_load %arg16[%swap3A_700, %swap3A_701] {strides = array<i32>} : memref<128x128xf32, #tpu.memory_space<vmem>>, vector<16xf32>,
        tpu.vector_store %arg16[%swap3A_700, %swap3A_701], %mul3A_699 {strides = array<i32>} : memref<128x128xf32, #tpu.memory_space<vmem>>, vector<16xf32>,
        %get3A_703 = arith.index_cast %add3A_662 : i32 to index
        %get3A_704 = arith.constant 80 : index
        %get3A_705 = tpu.vector_load %arg16[%get3A_703, %get3A_704] {strides = array<i32>} : memref<128x128xf32, #tpu.memory_space<vmem>>, vector<16xf32>,
        %mul3A_706 = vector.broadcast %squeeze3A_658 : f32 to vector<16xf32>
        %mul3A_707 = arith.mulf %get3A_705, %mul3A_706 : vector<16xf32>
        %swap3A_708 = arith.index_cast %add3A_662 : i32 to index
        %swap3A_709 = arith.constant 80 : index
        %swap3A_710 = tpu.vector_load %arg16[%swap3A_708, %swap3A_709] {strides = array<i32>} : memref<128x128xf32, #tpu.memory_space<vmem>>, vector<16xf32>,
        tpu.vector_store %arg16[%swap3A_708, %swap3A_709], %mul3A_707 {strides = array<i32>} : memref<128x128xf32, #tpu.memory_space<vmem>>, vector<16xf32>,
        %get3A_711 = arith.index_cast %add3A_662 : i32 to index
        %get3A_712 = arith.constant 96 : index
        %get3A_713 = tpu.vector_load %arg16[%get3A_711, %get3A_712] {strides = array<i32>} : memref<128x128xf32, #tpu.memory_space<vmem>>, vector<16xf32>,
        %mul3A_714 = vector.broadcast %squeeze3A_658 : f32 to vector<16xf32>
        %mul3A_715 = arith.mulf %get3A_713, %mul3A_714 : vector<16xf32>
        %swap3A_716 = arith.index_cast %add3A_662 : i32 to index
        %swap3A_717 = arith.constant 96 : index
        %swap3A_718 = tpu.vector_load %arg16[%swap3A_716, %swap3A_717] {strides = array<i32>} : memref<128x128xf32, #tpu.memory_space<vmem>>, vector<16xf32>,
        tpu.vector_store %arg16[%swap3A_716, %swap3A_717], %mul3A_715 {strides = array<i32>} : memref<128x128xf32, #tpu.memory_space<vmem>>, vector<16xf32>,
        %get3A_719 = arith.index_cast %add3A_662 : i32 to index
        %get3A_720 = arith.constant 112 : index
        %get3A_721 = tpu.vector_load %arg16[%get3A_719, %get3A_720] {strides = array<i32>} : memref<128x128xf32, #tpu.memory_space<vmem>>, vector<16xf32>,
        %mul3A_722 = vector.broadcast %squeeze3A_658 : f32 to vector<16xf32>
        %mul3A_723 = arith.mulf %get3A_721, %mul3A_722 : vector<16xf32>
        %swap3A_724 = arith.index_cast %add3A_662 : i32 to index
        %swap3A_725 = arith.constant 112 : index
        %swap3A_726 = tpu.vector_load %arg16[%swap3A_724, %swap3A_725] {strides = array<i32>} : memref<128x128xf32, #tpu.memory_space<vmem>>, vector<16xf32>,
        tpu.vector_store %arg16[%swap3A_724, %swap3A_725], %mul3A_723 {strides = array<i32>} : memref<128x128xf32, #tpu.memory_space<vmem>>, vector<16xf32>,
        %slice3A_727 = vector.extract_strided_slice %get3A_308 {offsets = [6], sizes = [1], strides = [1]} : vector<16xf32> to vector<1xf32>
        %squeeze3A_728 = vector.extract %slice3A_727[0] : f32 from vector<1xf32>
        %mul3A_729 = arith.constant 16 : i32
        %mul3A_730 = arith.muli %scan3A_304, %mul3A_729 : i32
        %add3A_731 = arith.constant 6 : i32
        %add3A_732 = arith.addi %mul3A_730, %add3A_731 : i32
        %get3A_733 = arith.index_cast %add3A_732 : i32 to index
        %get3A_734 = arith.constant 0 : index
        %get3A_735 = tpu.vector_load %arg16[%get3A_733, %get3A_734] {strides = array<i32>} : memref<128x128xf32, #tpu.memory_space<vmem>>, vector<16xf32>,
        %mul3A_736 = vector.broadcast %squeeze3A_728 : f32 to vector<16xf32>
        %mul3A_737 = arith.mulf %get3A_735, %mul3A_736 : vector<16xf32>
        %swap3A_738 = arith.index_cast %add3A_732 : i32 to index
        %swap3A_739 = arith.constant 0 : index
        %swap3A_740 = tpu.vector_load %arg16[%swap3A_738, %swap3A_739] {strides = array<i32>} : memref<128x128xf32, #tpu.memory_space<vmem>>, vector<16xf32>,
        tpu.vector_store %arg16[%swap3A_738, %swap3A_739], %mul3A_737 {strides = array<i32>} : memref<128x128xf32, #tpu.memory_space<vmem>>, vector<16xf32>,
        %get3A_741 = arith.index_cast %add3A_732 : i32 to index
        %get3A_742 = arith.constant 16 : index
        %get3A_743 = tpu.vector_load %arg16[%get3A_741, %get3A_742] {strides = array<i32>} : memref<128x128xf32, #tpu.memory_space<vmem>>, vector<16xf32>,
        %mul3A_744 = vector.broadcast %squeeze3A_728 : f32 to vector<16xf32>
        %mul3A_745 = arith.mulf %get3A_743, %mul3A_744 : vector<16xf32>
        %swap3A_746 = arith.index_cast %add3A_732 : i32 to index
        %swap3A_747 = arith.constant 16 : index
        %swap3A_748 = tpu.vector_load %arg16[%swap3A_746, %swap3A_747] {strides = array<i32>} : memref<128x128xf32, #tpu.memory_space<vmem>>, vector<16xf32>,
        tpu.vector_store %arg16[%swap3A_746, %swap3A_747], %mul3A_745 {strides = array<i32>} : memref<128x128xf32, #tpu.memory_space<vmem>>, vector<16xf32>,
        %get3A_749 = arith.index_cast %add3A_732 : i32 to index
        %get3A_750 = arith.constant 32 : index
        %get3A_751 = tpu.vector_load %arg16[%get3A_749, %get3A_750] {strides = array<i32>} : memref<128x128xf32, #tpu.memory_space<vmem>>, vector<16xf32>,
        %mul3A_752 = vector.broadcast %squeeze3A_728 : f32 to vector<16xf32>
        %mul3A_753 = arith.mulf %get3A_751, %mul3A_752 : vector<16xf32>
        %swap3A_754 = arith.index_cast %add3A_732 : i32 to index
        %swap3A_755 = arith.constant 32 : index
        %swap3A_756 = tpu.vector_load %arg16[%swap3A_754, %swap3A_755] {strides = array<i32>} : memref<128x128xf32, #tpu.memory_space<vmem>>, vector<16xf32>,
        tpu.vector_store %arg16[%swap3A_754, %swap3A_755], %mul3A_753 {strides = array<i32>} : memref<128x128xf32, #tpu.memory_space<vmem>>, vector<16xf32>,
        %get3A_757 = arith.index_cast %add3A_732 : i32 to index
        %get3A_758 = arith.constant 48 : index
        %get3A_759 = tpu.vector_load %arg16[%get3A_757, %get3A_758] {strides = array<i32>} : memref<128x128xf32, #tpu.memory_space<vmem>>, vector<16xf32>,
        %mul3A_760 = vector.broadcast %squeeze3A_728 : f32 to vector<16xf32>
        %mul3A_761 = arith.mulf %get3A_759, %mul3A_760 : vector<16xf32>
        %swap3A_762 = arith.index_cast %add3A_732 : i32 to index
        %swap3A_763 = arith.constant 48 : index
        %swap3A_764 = tpu.vector_load %arg16[%swap3A_762, %swap3A_763] {strides = array<i32>} : memref<128x128xf32, #tpu.memory_space<vmem>>, vector<16xf32>,
        tpu.vector_store %arg16[%swap3A_762, %swap3A_763], %mul3A_761 {strides = array<i32>} : memref<128x128xf32, #tpu.memory_space<vmem>>, vector<16xf32>,
        %get3A_765 = arith.index_cast %add3A_732 : i32 to index
        %get3A_766 = arith.constant 64 : index
        %get3A_767 = tpu.vector_load %arg16[%get3A_765, %get3A_766] {strides = array<i32>} : memref<128x128xf32, #tpu.memory_space<vmem>>, vector<16xf32>,
        %mul3A_768 = vector.broadcast %squeeze3A_728 : f32 to vector<16xf32>
        %mul3A_769 = arith.mulf %get3A_767, %mul3A_768 : vector<16xf32>
        %swap3A_770 = arith.index_cast %add3A_732 : i32 to index
        %swap3A_771 = arith.constant 64 : index
        %swap3A_772 = tpu.vector_load %arg16[%swap3A_770, %swap3A_771] {strides = array<i32>} : memref<128x128xf32, #tpu.memory_space<vmem>>, vector<16xf32>,
        tpu.vector_store %arg16[%swap3A_770, %swap3A_771], %mul3A_769 {strides = array<i32>} : memref<128x128xf32, #tpu.memory_space<vmem>>, vector<16xf32>,
        %get3A_773 = arith.index_cast %add3A_732 : i32 to index
        %get3A_774 = arith.constant 80 : index
        %get3A_775 = tpu.vector_load %arg16[%get3A_773, %get3A_774] {strides = array<i32>} : memref<128x128xf32, #tpu.memory_space<vmem>>, vector<16xf32>,
        %mul3A_776 = vector.broadcast %squeeze3A_728 : f32 to vector<16xf32>
        %mul3A_777 = arith.mulf %get3A_775, %mul3A_776 : vector<16xf32>
        %swap3A_778 = arith.index_cast %add3A_732 : i32 to index
        %swap3A_779 = arith.constant 80 : index
        %swap3A_780 = tpu.vector_load %arg16[%swap3A_778, %swap3A_779] {strides = array<i32>} : memref<128x128xf32, #tpu.memory_space<vmem>>, vector<16xf32>,
        tpu.vector_store %arg16[%swap3A_778, %swap3A_779], %mul3A_777 {strides = array<i32>} : memref<128x128xf32, #tpu.memory_space<vmem>>, vector<16xf32>,
        %get3A_781 = arith.index_cast %add3A_732 : i32 to index
        %get3A_782 = arith.constant 96 : index
        %get3A_783 = tpu.vector_load %arg16[%get3A_781, %get3A_782] {strides = array<i32>} : memref<128x128xf32, #tpu.memory_space<vmem>>, vector<16xf32>,
        %mul3A_784 = vector.broadcast %squeeze3A_728 : f32 to vector<16xf32>
        %mul3A_785 = arith.mulf %get3A_783, %mul3A_784 : vector<16xf32>
        %swap3A_786 = arith.index_cast %add3A_732 : i32 to index
        %swap3A_787 = arith.constant 96 : index
        %swap3A_788 = tpu.vector_load %arg16[%swap3A_786, %swap3A_787] {strides = array<i32>} : memref<128x128xf32, #tpu.memory_space<vmem>>, vector<16xf32>,
        tpu.vector_store %arg16[%swap3A_786, %swap3A_787], %mul3A_785 {strides = array<i32>} : memref<128x128xf32, #tpu.memory_space<vmem>>, vector<16xf32>,
        %get3A_789 = arith.index_cast %add3A_732 : i32 to index
        %get3A_790 = arith.constant 112 : index
        %get3A_791 = tpu.vector_load %arg16[%get3A_789, %get3A_790] {strides = array<i32>} : memref<128x128xf32, #tpu.memory_space<vmem>>, vector<16xf32>,
        %mul3A_792 = vector.broadcast %squeeze3A_728 : f32 to vector<16xf32>
        %mul3A_793 = arith.mulf %get3A_791, %mul3A_792 : vector<16xf32>
        %swap3A_794 = arith.index_cast %add3A_732 : i32 to index
        %swap3A_795 = arith.constant 112 : index
        %swap3A_796 = tpu.vector_load %arg16[%swap3A_794, %swap3A_795] {strides = array<i32>} : memref<128x128xf32, #tpu.memory_space<vmem>>, vector<16xf32>,
        tpu.vector_store %arg16[%swap3A_794, %swap3A_795], %mul3A_793 {strides = array<i32>} : memref<128x128xf32, #tpu.memory_space<vmem>>, vector<16xf32>,
        %slice3A_797 = vector.extract_strided_slice %get3A_308 {offsets = [7], sizes = [1], strides = [1]} : vector<16xf32> to vector<1xf32>
        %squeeze3A_798 = vector.extract %slice3A_797[0] : f32 from vector<1xf32>
        %mul3A_799 = arith.constant 16 : i32
        %mul3A_800 = arith.muli %scan3A_304, %mul3A_799 : i32
        %add3A_801 = arith.constant 7 : i32
        %add3A_802 = arith.addi %mul3A_800, %add3A_801 : i32
        %get3A_803 = arith.index_cast %add3A_802 : i32 to index
        %get3A_804 = arith.constant 0 : index
        %get3A_805 = tpu.vector_load %arg16[%get3A_803, %get3A_804] {strides = array<i32>} : memref<128x128xf32, #tpu.memory_space<vmem>>, vector<16xf32>,
        %mul3A_806 = vector.broadcast %squeeze3A_798 : f32 to vector<16xf32>
        %mul3A_807 = arith.mulf %get3A_805, %mul3A_806 : vector<16xf32>
        %swap3A_808 = arith.index_cast %add3A_802 : i32 to index
        %swap3A_809 = arith.constant 0 : index
        %swap3A_810 = tpu.vector_load %arg16[%swap3A_808, %swap3A_809] {strides = array<i32>} : memref<128x128xf32, #tpu.memory_space<vmem>>, vector<16xf32>,
        tpu.vector_store %arg16[%swap3A_808, %swap3A_809], %mul3A_807 {strides = array<i32>} : memref<128x128xf32, #tpu.memory_space<vmem>>, vector<16xf32>,
        %get3A_811 = arith.index_cast %add3A_802 : i32 to index
        %get3A_812 = arith.constant 16 : index
        %get3A_813 = tpu.vector_load %arg16[%get3A_811, %get3A_812] {strides = array<i32>} : memref<128x128xf32, #tpu.memory_space<vmem>>, vector<16xf32>,
        %mul3A_814 = vector.broadcast %squeeze3A_798 : f32 to vector<16xf32>
        %mul3A_815 = arith.mulf %get3A_813, %mul3A_814 : vector<16xf32>
        %swap3A_816 = arith.index_cast %add3A_802 : i32 to index
        %swap3A_817 = arith.constant 16 : index
        %swap3A_818 = tpu.vector_load %arg16[%swap3A_816, %swap3A_817] {strides = array<i32>} : memref<128x128xf32, #tpu.memory_space<vmem>>, vector<16xf32>,
        tpu.vector_store %arg16[%swap3A_816, %swap3A_817], %mul3A_815 {strides = array<i32>} : memref<128x128xf32, #tpu.memory_space<vmem>>, vector<16xf32>,
        %get3A_819 = arith.index_cast %add3A_802 : i32 to index
        %get3A_820 = arith.constant 32 : index
        %get3A_821 = tpu.vector_load %arg16[%get3A_819, %get3A_820] {strides = array<i32>} : memref<128x128xf32, #tpu.memory_space<vmem>>, vector<16xf32>,
        %mul3A_822 = vector.broadcast %squeeze3A_798 : f32 to vector<16xf32>
        %mul3A_823 = arith.mulf %get3A_821, %mul3A_822 : vector<16xf32>
        %swap3A_824 = arith.index_cast %add3A_802 : i32 to index
        %swap3A_825 = arith.constant 32 : index
        %swap3A_826 = tpu.vector_load %arg16[%swap3A_824, %swap3A_825] {strides = array<i32>} : memref<128x128xf32, #tpu.memory_space<vmem>>, vector<16xf32>,
        tpu.vector_store %arg16[%swap3A_824, %swap3A_825], %mul3A_823 {strides = array<i32>} : memref<128x128xf32, #tpu.memory_space<vmem>>, vector<16xf32>,
        %get3A_827 = arith.index_cast %add3A_802 : i32 to index
        %get3A_828 = arith.constant 48 : index
        %get3A_829 = tpu.vector_load %arg16[%get3A_827, %get3A_828] {strides = array<i32>} : memref<128x128xf32, #tpu.memory_space<vmem>>, vector<16xf32>,
        %mul3A_830 = vector.broadcast %squeeze3A_798 : f32 to vector<16xf32>
        %mul3A_831 = arith.mulf %get3A_829, %mul3A_830 : vector<16xf32>
        %swap3A_832 = arith.index_cast %add3A_802 : i32 to index
        %swap3A_833 = arith.constant 48 : index
        %swap3A_834 = tpu.vector_load %arg16[%swap3A_832, %swap3A_833] {strides = array<i32>} : memref<128x128xf32, #tpu.memory_space<vmem>>, vector<16xf32>,
        tpu.vector_store %arg16[%swap3A_832, %swap3A_833], %mul3A_831 {strides = array<i32>} : memref<128x128xf32, #tpu.memory_space<vmem>>, vector<16xf32>,
        %get3A_835 = arith.index_cast %add3A_802 : i32 to index
        %get3A_836 = arith.constant 64 : index
        %get3A_837 = tpu.vector_load %arg16[%get3A_835, %get3A_836] {strides = array<i32>} : memref<128x128xf32, #tpu.memory_space<vmem>>, vector<16xf32>,
        %mul3A_838 = vector.broadcast %squeeze3A_798 : f32 to vector<16xf32>
        %mul3A_839 = arith.mulf %get3A_837, %mul3A_838 : vector<16xf32>
        %swap3A_840 = arith.index_cast %add3A_802 : i32 to index
        %swap3A_841 = arith.constant 64 : index
        %swap3A_842 = tpu.vector_load %arg16[%swap3A_840, %swap3A_841] {strides = array<i32>} : memref<128x128xf32, #tpu.memory_space<vmem>>, vector<16xf32>,
        tpu.vector_store %arg16[%swap3A_840, %swap3A_841], %mul3A_839 {strides = array<i32>} : memref<128x128xf32, #tpu.memory_space<vmem>>, vector<16xf32>,
        %get3A_843 = arith.index_cast %add3A_802 : i32 to index
        %get3A_844 = arith.constant 80 : index
        %get3A_845 = tpu.vector_load %arg16[%get3A_843, %get3A_844] {strides = array<i32>} : memref<128x128xf32, #tpu.memory_space<vmem>>, vector<16xf32>,
        %mul3A_846 = vector.broadcast %squeeze3A_798 : f32 to vector<16xf32>
        %mul3A_847 = arith.mulf %get3A_845, %mul3A_846 : vector<16xf32>
        %swap3A_848 = arith.index_cast %add3A_802 : i32 to index
        %swap3A_849 = arith.constant 80 : index
        %swap3A_850 = tpu.vector_load %arg16[%swap3A_848, %swap3A_849] {strides = array<i32>} : memref<128x128xf32, #tpu.memory_space<vmem>>, vector<16xf32>,
        tpu.vector_store %arg16[%swap3A_848, %swap3A_849], %mul3A_847 {strides = array<i32>} : memref<128x128xf32, #tpu.memory_space<vmem>>, vector<16xf32>,
        %get3A_851 = arith.index_cast %add3A_802 : i32 to index
        %get3A_852 = arith.constant 96 : index
        %get3A_853 = tpu.vector_load %arg16[%get3A_851, %get3A_852] {strides = array<i32>} : memref<128x128xf32, #tpu.memory_space<vmem>>, vector<16xf32>,
        %mul3A_854 = vector.broadcast %squeeze3A_798 : f32 to vector<16xf32>
        %mul3A_855 = arith.mulf %get3A_853, %mul3A_854 : vector<16xf32>
        %swap3A_856 = arith.index_cast %add3A_802 : i32 to index
        %swap3A_857 = arith.constant 96 : index
        %swap3A_858 = tpu.vector_load %arg16[%swap3A_856, %swap3A_857] {strides = array<i32>} : memref<128x128xf32, #tpu.memory_space<vmem>>, vector<16xf32>,
        tpu.vector_store %arg16[%swap3A_856, %swap3A_857], %mul3A_855 {strides = array<i32>} : memref<128x128xf32, #tpu.memory_space<vmem>>, vector<16xf32>,
        %get3A_859 = arith.index_cast %add3A_802 : i32 to index
        %get3A_860 = arith.constant 112 : index
        %get3A_861 = tpu.vector_load %arg16[%get3A_859, %get3A_860] {strides = array<i32>} : memref<128x128xf32, #tpu.memory_space<vmem>>, vector<16xf32>,
        %mul3A_862 = vector.broadcast %squeeze3A_798 : f32 to vector<16xf32>
        %mul3A_863 = arith.mulf %get3A_861, %mul3A_862 : vector<16xf32>
        %swap3A_864 = arith.index_cast %add3A_802 : i32 to index
        %swap3A_865 = arith.constant 112 : index
        %swap3A_866 = tpu.vector_load %arg16[%swap3A_864, %swap3A_865] {strides = array<i32>} : memref<128x128xf32, #tpu.memory_space<vmem>>, vector<16xf32>,
        tpu.vector_store %arg16[%swap3A_864, %swap3A_865], %mul3A_863 {strides = array<i32>} : memref<128x128xf32, #tpu.memory_space<vmem>>, vector<16xf32>,
        %slice3A_867 = vector.extract_strided_slice %get3A_308 {offsets = [8], sizes = [1], strides = [1]} : vector<16xf32> to vector<1xf32>
        %squeeze3A_868 = vector.extract %slice3A_867[0] : f32 from vector<1xf32>
        %mul3A_869 = arith.constant 16 : i32
        %mul3A_870 = arith.muli %scan3A_304, %mul3A_869 : i32
        %add3A_871 = arith.constant 8 : i32
        %add3A_872 = arith.addi %mul3A_870, %add3A_871 : i32
        %get3A_873 = arith.index_cast %add3A_872 : i32 to index
        %get3A_874 = arith.constant 0 : index
        %get3A_875 = tpu.vector_load %arg16[%get3A_873, %get3A_874] {strides = array<i32>} : memref<128x128xf32, #tpu.memory_space<vmem>>, vector<16xf32>,
        %mul3A_876 = vector.broadcast %squeeze3A_868 : f32 to vector<16xf32>
        %mul3A_877 = arith.mulf %get3A_875, %mul3A_876 : vector<16xf32>
        %swap3A_878 = arith.index_cast %add3A_872 : i32 to index
        %swap3A_879 = arith.constant 0 : index
        %swap3A_880 = tpu.vector_load %arg16[%swap3A_878, %swap3A_879] {strides = array<i32>} : memref<128x128xf32, #tpu.memory_space<vmem>>, vector<16xf32>,
        tpu.vector_store %arg16[%swap3A_878, %swap3A_879], %mul3A_877 {strides = array<i32>} : memref<128x128xf32, #tpu.memory_space<vmem>>, vector<16xf32>,
        %get3A_881 = arith.index_cast %add3A_872 : i32 to index
        %get3A_882 = arith.constant 16 : index
        %get3A_883 = tpu.vector_load %arg16[%get3A_881, %get3A_882] {strides = array<i32>} : memref<128x128xf32, #tpu.memory_space<vmem>>, vector<16xf32>,
        %mul3A_884 = vector.broadcast %squeeze3A_868 : f32 to vector<16xf32>
        %mul3A_885 = arith.mulf %get3A_883, %mul3A_884 : vector<16xf32>
        %swap3A_886 = arith.index_cast %add3A_872 : i32 to index
        %swap3A_887 = arith.constant 16 : index
        %swap3A_888 = tpu.vector_load %arg16[%swap3A_886, %swap3A_887] {strides = array<i32>} : memref<128x128xf32, #tpu.memory_space<vmem>>, vector<16xf32>,
        tpu.vector_store %arg16[%swap3A_886, %swap3A_887], %mul3A_885 {strides = array<i32>} : memref<128x128xf32, #tpu.memory_space<vmem>>, vector<16xf32>,
        %get3A_889 = arith.index_cast %add3A_872 : i32 to index
        %get3A_890 = arith.constant 32 : index
        %get3A_891 = tpu.vector_load %arg16[%get3A_889, %get3A_890] {strides = array<i32>} : memref<128x128xf32, #tpu.memory_space<vmem>>, vector<16xf32>,
        %mul3A_892 = vector.broadcast %squeeze3A_868 : f32 to vector<16xf32>
        %mul3A_893 = arith.mulf %get3A_891, %mul3A_892 : vector<16xf32>
        %swap3A_894 = arith.index_cast %add3A_872 : i32 to index
        %swap3A_895 = arith.constant 32 : index
        %swap3A_896 = tpu.vector_load %arg16[%swap3A_894, %swap3A_895] {strides = array<i32>} : memref<128x128xf32, #tpu.memory_space<vmem>>, vector<16xf32>,
        tpu.vector_store %arg16[%swap3A_894, %swap3A_895], %mul3A_893 {strides = array<i32>} : memref<128x128xf32, #tpu.memory_space<vmem>>, vector<16xf32>,
        %get3A_897 = arith.index_cast %add3A_872 : i32 to index
        %get3A_898 = arith.constant 48 : index
        %get3A_899 = tpu.vector_load %arg16[%get3A_897, %get3A_898] {strides = array<i32>} : memref<128x128xf32, #tpu.memory_space<vmem>>, vector<16xf32>,
        %mul3A_900 = vector.broadcast %squeeze3A_868 : f32 to vector<16xf32>
        %mul3A_901 = arith.mulf %get3A_899, %mul3A_900 : vector<16xf32>
        %swap3A_902 = arith.index_cast %add3A_872 : i32 to index
        %swap3A_903 = arith.constant 48 : index
        %swap3A_904 = tpu.vector_load %arg16[%swap3A_902, %swap3A_903] {strides = array<i32>} : memref<128x128xf32, #tpu.memory_space<vmem>>, vector<16xf32>,
        tpu.vector_store %arg16[%swap3A_902, %swap3A_903], %mul3A_901 {strides = array<i32>} : memref<128x128xf32, #tpu.memory_space<vmem>>, vector<16xf32>,
        %get3A_905 = arith.index_cast %add3A_872 : i32 to index
        %get3A_906 = arith.constant 64 : index
        %get3A_907 = tpu.vector_load %arg16[%get3A_905, %get3A_906] {strides = array<i32>} : memref<128x128xf32, #tpu.memory_space<vmem>>, vector<16xf32>,
        %mul3A_908 = vector.broadcast %squeeze3A_868 : f32 to vector<16xf32>
        %mul3A_909 = arith.mulf %get3A_907, %mul3A_908 : vector<16xf32>
        %swap3A_910 = arith.index_cast %add3A_872 : i32 to index
        %swap3A_911 = arith.constant 64 : index
        %swap3A_912 = tpu.vector_load %arg16[%swap3A_910, %swap3A_911] {strides = array<i32>} : memref<128x128xf32, #tpu.memory_space<vmem>>, vector<16xf32>,
        tpu.vector_store %arg16[%swap3A_910, %swap3A_911], %mul3A_909 {strides = array<i32>} : memref<128x128xf32, #tpu.memory_space<vmem>>, vector<16xf32>,
        %get3A_913 = arith.index_cast %add3A_872 : i32 to index
        %get3A_914 = arith.constant 80 : index
        %get3A_915 = tpu.vector_load %arg16[%get3A_913, %get3A_914] {strides = array<i32>} : memref<128x128xf32, #tpu.memory_space<vmem>>, vector<16xf32>,
        %mul3A_916 = vector.broadcast %squeeze3A_868 : f32 to vector<16xf32>
        %mul3A_917 = arith.mulf %get3A_915, %mul3A_916 : vector<16xf32>
        %swap3A_918 = arith.index_cast %add3A_872 : i32 to index
        %swap3A_919 = arith.constant 80 : index
        %swap3A_920 = tpu.vector_load %arg16[%swap3A_918, %swap3A_919] {strides = array<i32>} : memref<128x128xf32, #tpu.memory_space<vmem>>, vector<16xf32>,
        tpu.vector_store %arg16[%swap3A_918, %swap3A_919], %mul3A_917 {strides = array<i32>} : memref<128x128xf32, #tpu.memory_space<vmem>>, vector<16xf32>,
        %get3A_921 = arith.index_cast %add3A_872 : i32 to index
        %get3A_922 = arith.constant 96 : index
        %get3A_923 = tpu.vector_load %arg16[%get3A_921, %get3A_922] {strides = array<i32>} : memref<128x128xf32, #tpu.memory_space<vmem>>, vector<16xf32>,
        %mul3A_924 = vector.broadcast %squeeze3A_868 : f32 to vector<16xf32>
        %mul3A_925 = arith.mulf %get3A_923, %mul3A_924 : vector<16xf32>
        %swap3A_926 = arith.index_cast %add3A_872 : i32 to index
        %swap3A_927 = arith.constant 96 : index
        %swap3A_928 = tpu.vector_load %arg16[%swap3A_926, %swap3A_927] {strides = array<i32>} : memref<128x128xf32, #tpu.memory_space<vmem>>, vector<16xf32>,
        tpu.vector_store %arg16[%swap3A_926, %swap3A_927], %mul3A_925 {strides = array<i32>} : memref<128x128xf32, #tpu.memory_space<vmem>>, vector<16xf32>,
        %get3A_929 = arith.index_cast %add3A_872 : i32 to index
        %get3A_930 = arith.constant 112 : index
        %get3A_931 = tpu.vector_load %arg16[%get3A_929, %get3A_930] {strides = array<i32>} : memref<128x128xf32, #tpu.memory_space<vmem>>, vector<16xf32>,
        %mul3A_932 = vector.broadcast %squeeze3A_868 : f32 to vector<16xf32>
        %mul3A_933 = arith.mulf %get3A_931, %mul3A_932 : vector<16xf32>
        %swap3A_934 = arith.index_cast %add3A_872 : i32 to index
        %swap3A_935 = arith.constant 112 : index
        %swap3A_936 = tpu.vector_load %arg16[%swap3A_934, %swap3A_935] {strides = array<i32>} : memref<128x128xf32, #tpu.memory_space<vmem>>, vector<16xf32>,
        tpu.vector_store %arg16[%swap3A_934, %swap3A_935], %mul3A_933 {strides = array<i32>} : memref<128x128xf32, #tpu.memory_space<vmem>>, vector<16xf32>,
        %slice3A_937 = vector.extract_strided_slice %get3A_308 {offsets = [9], sizes = [1], strides = [1]} : vector<16xf32> to vector<1xf32>
        %squeeze3A_938 = vector.extract %slice3A_937[0] : f32 from vector<1xf32>
        %mul3A_939 = arith.constant 16 : i32
        %mul3A_940 = arith.muli %scan3A_304, %mul3A_939 : i32
        %add3A_941 = arith.constant 9 : i32
        %add3A_942 = arith.addi %mul3A_940, %add3A_941 : i32
        %get3A_943 = arith.index_cast %add3A_942 : i32 to index
        %get3A_944 = arith.constant 0 : index
        %get3A_945 = tpu.vector_load %arg16[%get3A_943, %get3A_944] {strides = array<i32>} : memref<128x128xf32, #tpu.memory_space<vmem>>, vector<16xf32>,
        %mul3A_946 = vector.broadcast %squeeze3A_938 : f32 to vector<16xf32>
        %mul3A_947 = arith.mulf %get3A_945, %mul3A_946 : vector<16xf32>
        %swap3A_948 = arith.index_cast %add3A_942 : i32 to index
        %swap3A_949 = arith.constant 0 : index
        %swap3A_950 = tpu.vector_load %arg16[%swap3A_948, %swap3A_949] {strides = array<i32>} : memref<128x128xf32, #tpu.memory_space<vmem>>, vector<16xf32>,
        tpu.vector_store %arg16[%swap3A_948, %swap3A_949], %mul3A_947 {strides = array<i32>} : memref<128x128xf32, #tpu.memory_space<vmem>>, vector<16xf32>,
        %get3A_951 = arith.index_cast %add3A_942 : i32 to index
        %get3A_952 = arith.constant 16 : index
        %get3A_953 = tpu.vector_load %arg16[%get3A_951, %get3A_952] {strides = array<i32>} : memref<128x128xf32, #tpu.memory_space<vmem>>, vector<16xf32>,
        %mul3A_954 = vector.broadcast %squeeze3A_938 : f32 to vector<16xf32>
        %mul3A_955 = arith.mulf %get3A_953, %mul3A_954 : vector<16xf32>
        %swap3A_956 = arith.index_cast %add3A_942 : i32 to index
        %swap3A_957 = arith.constant 16 : index
        %swap3A_958 = tpu.vector_load %arg16[%swap3A_956, %swap3A_957] {strides = array<i32>} : memref<128x128xf32, #tpu.memory_space<vmem>>, vector<16xf32>,
        tpu.vector_store %arg16[%swap3A_956, %swap3A_957], %mul3A_955 {strides = array<i32>} : memref<128x128xf32, #tpu.memory_space<vmem>>, vector<16xf32>,
        %get3A_959 = arith.index_cast %add3A_942 : i32 to index
        %get3A_960 = arith.constant 32 : index
        %get3A_961 = tpu.vector_load %arg16[%get3A_959, %get3A_960] {strides = array<i32>} : memref<128x128xf32, #tpu.memory_space<vmem>>, vector<16xf32>,
        %mul3A_962 = vector.broadcast %squeeze3A_938 : f32 to vector<16xf32>
        %mul3A_963 = arith.mulf %get3A_961, %mul3A_962 : vector<16xf32>
        %swap3A_964 = arith.index_cast %add3A_942 : i32 to index
        %swap3A_965 = arith.constant 32 : index
        %swap3A_966 = tpu.vector_load %arg16[%swap3A_964, %swap3A_965] {strides = array<i32>} : memref<128x128xf32, #tpu.memory_space<vmem>>, vector<16xf32>,
        tpu.vector_store %arg16[%swap3A_964, %swap3A_965], %mul3A_963 {strides = array<i32>} : memref<128x128xf32, #tpu.memory_space<vmem>>, vector<16xf32>,
        %get3A_967 = arith.index_cast %add3A_942 : i32 to index
        %get3A_968 = arith.constant 48 : index
        %get3A_969 = tpu.vector_load %arg16[%get3A_967, %get3A_968] {strides = array<i32>} : memref<128x128xf32, #tpu.memory_space<vmem>>, vector<16xf32>,
        %mul3A_970 = vector.broadcast %squeeze3A_938 : f32 to vector<16xf32>
        %mul3A_971 = arith.mulf %get3A_969, %mul3A_970 : vector<16xf32>
        %swap3A_972 = arith.index_cast %add3A_942 : i32 to index
        %swap3A_973 = arith.constant 48 : index
        %swap3A_974 = tpu.vector_load %arg16[%swap3A_972, %swap3A_973] {strides = array<i32>} : memref<128x128xf32, #tpu.memory_space<vmem>>, vector<16xf32>,
        tpu.vector_store %arg16[%swap3A_972, %swap3A_973], %mul3A_971 {strides = array<i32>} : memref<128x128xf32, #tpu.memory_space<vmem>>, vector<16xf32>,
        %get3A_975 = arith.index_cast %add3A_942 : i32 to index
        %get3A_976 = arith.constant 64 : index
        %get3A_977 = tpu.vector_load %arg16[%get3A_975, %get3A_976] {strides = array<i32>} : memref<128x128xf32, #tpu.memory_space<vmem>>, vector<16xf32>,
        %mul3A_978 = vector.broadcast %squeeze3A_938 : f32 to vector<16xf32>
        %mul3A_979 = arith.mulf %get3A_977, %mul3A_978 : vector<16xf32>
        %swap3A_980 = arith.index_cast %add3A_942 : i32 to index
        %swap3A_981 = arith.constant 64 : index
        %swap3A_982 = tpu.vector_load %arg16[%swap3A_980, %swap3A_981] {strides = array<i32>} : memref<128x128xf32, #tpu.memory_space<vmem>>, vector<16xf32>,
        tpu.vector_store %arg16[%swap3A_980, %swap3A_981], %mul3A_979 {strides = array<i32>} : memref<128x128xf32, #tpu.memory_space<vmem>>, vector<16xf32>,
        %get3A_983 = arith.index_cast %add3A_942 : i32 to index
        %get3A_984 = arith.constant 80 : index
        %get3A_985 = tpu.vector_load %arg16[%get3A_983, %get3A_984] {strides = array<i32>} : memref<128x128xf32, #tpu.memory_space<vmem>>, vector<16xf32>,
        %mul3A_986 = vector.broadcast %squeeze3A_938 : f32 to vector<16xf32>
        %mul3A_987 = arith.mulf %get3A_985, %mul3A_986 : vector<16xf32>
        %swap3A_988 = arith.index_cast %add3A_942 : i32 to index
        %swap3A_989 = arith.constant 80 : index
        %swap3A_990 = tpu.vector_load %arg16[%swap3A_988, %swap3A_989] {strides = array<i32>} : memref<128x128xf32, #tpu.memory_space<vmem>>, vector<16xf32>,
        tpu.vector_store %arg16[%swap3A_988, %swap3A_989], %mul3A_987 {strides = array<i32>} : memref<128x128xf32, #tpu.memory_space<vmem>>, vector<16xf32>,
        %get3A_991 = arith.index_cast %add3A_942 : i32 to index
        %get3A_992 = arith.constant 96 : index
        %get3A_993 = tpu.vector_load %arg16[%get3A_991, %get3A_992] {strides = array<i32>} : memref<128x128xf32, #tpu.memory_space<vmem>>, vector<16xf32>,
        %mul3A_994 = vector.broadcast %squeeze3A_938 : f32 to vector<16xf32>
        %mul3A_995 = arith.mulf %get3A_993, %mul3A_994 : vector<16xf32>
        %swap3A_996 = arith.index_cast %add3A_942 : i32 to index
        %swap3A_997 = arith.constant 96 : index
        %swap3A_998 = tpu.vector_load %arg16[%swap3A_996, %swap3A_997] {strides = array<i32>} : memref<128x128xf32, #tpu.memory_space<vmem>>, vector<16xf32>,
        tpu.vector_store %arg16[%swap3A_996, %swap3A_997], %mul3A_995 {strides = array<i32>} : memref<128x128xf32, #tpu.memory_space<vmem>>, vector<16xf32>,
        %get3A_999 = arith.index_cast %add3A_942 : i32 to index
        %get3A_1000 = arith.constant 112 : index
        %get3A_1001 = tpu.vector_load %arg16[%get3A_999, %get3A_1000] {strides = array<i32>} : memref<128x128xf32, #tpu.memory_space<vmem>>, vector<16xf32>,
        %mul3A_1002 = vector.broadcast %squeeze3A_938 : f32 to vector<16xf32>
        %mul3A_1003 = arith.mulf %get3A_1001, %mul3A_1002 : vector<16xf32>
        %swap3A_1004 = arith.index_cast %add3A_942 : i32 to index
        %swap3A_1005 = arith.constant 112 : index
        %swap3A_1006 = tpu.vector_load %arg16[%swap3A_1004, %swap3A_1005] {strides = array<i32>} : memref<128x128xf32, #tpu.memory_space<vmem>>, vector<16xf32>,
        tpu.vector_store %arg16[%swap3A_1004, %swap3A_1005], %mul3A_1003 {strides = array<i32>} : memref<128x128xf32, #tpu.memory_space<vmem>>, vector<16xf32>,
        %slice3A_1007 = vector.extract_strided_slice %get3A_308 {offsets = [10], sizes = [1], strides = [1]} : vector<16xf32> to vector<1xf32>
        %squeeze3A_1008 = vector.extract %slice3A_1007[0] : f32 from vector<1xf32>
        %mul3A_1009 = arith.constant 16 : i32
        %mul3A_1010 = arith.muli %scan3A_304, %mul3A_1009 : i32
        %add3A_1011 = arith.constant 10 : i32
        %add3A_1012 = arith.addi %mul3A_1010, %add3A_1011 : i32
        %get3A_1013 = arith.index_cast %add3A_1012 : i32 to index
        %get3A_1014 = arith.constant 0 : index
        %get3A_1015 = tpu.vector_load %arg16[%get3A_1013, %get3A_1014] {strides = array<i32>} : memref<128x128xf32, #tpu.memory_space<vmem>>, vector<16xf32>,
        %mul3A_1016 = vector.broadcast %squeeze3A_1008 : f32 to vector<16xf32>
        %mul3A_1017 = arith.mulf %get3A_1015, %mul3A_1016 : vector<16xf32>
        %swap3A_1018 = arith.index_cast %add3A_1012 : i32 to index
        %swap3A_1019 = arith.constant 0 : index
        %swap3A_1020 = tpu.vector_load %arg16[%swap3A_1018, %swap3A_1019] {strides = array<i32>} : memref<128x128xf32, #tpu.memory_space<vmem>>, vector<16xf32>,
        tpu.vector_store %arg16[%swap3A_1018, %swap3A_1019], %mul3A_1017 {strides = array<i32>} : memref<128x128xf32, #tpu.memory_space<vmem>>, vector<16xf32>,
        %get3A_1021 = arith.index_cast %add3A_1012 : i32 to index
        %get3A_1022 = arith.constant 16 : index
        %get3A_1023 = tpu.vector_load %arg16[%get3A_1021, %get3A_1022] {strides = array<i32>} : memref<128x128xf32, #tpu.memory_space<vmem>>, vector<16xf32>,
        %mul3A_1024 = vector.broadcast %squeeze3A_1008 : f32 to vector<16xf32>
        %mul3A_1025 = arith.mulf %get3A_1023, %mul3A_1024 : vector<16xf32>
        %swap3A_1026 = arith.index_cast %add3A_1012 : i32 to index
        %swap3A_1027 = arith.constant 16 : index
        %swap3A_1028 = tpu.vector_load %arg16[%swap3A_1026, %swap3A_1027] {strides = array<i32>} : memref<128x128xf32, #tpu.memory_space<vmem>>, vector<16xf32>,
        tpu.vector_store %arg16[%swap3A_1026, %swap3A_1027], %mul3A_1025 {strides = array<i32>} : memref<128x128xf32, #tpu.memory_space<vmem>>, vector<16xf32>,
        %get3A_1029 = arith.index_cast %add3A_1012 : i32 to index
        %get3A_1030 = arith.constant 32 : index
        %get3A_1031 = tpu.vector_load %arg16[%get3A_1029, %get3A_1030] {strides = array<i32>} : memref<128x128xf32, #tpu.memory_space<vmem>>, vector<16xf32>,
        %mul3A_1032 = vector.broadcast %squeeze3A_1008 : f32 to vector<16xf32>
        %mul3A_1033 = arith.mulf %get3A_1031, %mul3A_1032 : vector<16xf32>
        %swap3A_1034 = arith.index_cast %add3A_1012 : i32 to index
        %swap3A_1035 = arith.constant 32 : index
        %swap3A_1036 = tpu.vector_load %arg16[%swap3A_1034, %swap3A_1035] {strides = array<i32>} : memref<128x128xf32, #tpu.memory_space<vmem>>, vector<16xf32>,
        tpu.vector_store %arg16[%swap3A_1034, %swap3A_1035], %mul3A_1033 {strides = array<i32>} : memref<128x128xf32, #tpu.memory_space<vmem>>, vector<16xf32>,
        %get3A_1037 = arith.index_cast %add3A_1012 : i32 to index
        %get3A_1038 = arith.constant 48 : index
        %get3A_1039 = tpu.vector_load %arg16[%get3A_1037, %get3A_1038] {strides = array<i32>} : memref<128x128xf32, #tpu.memory_space<vmem>>, vector<16xf32>,
        %mul3A_1040 = vector.broadcast %squeeze3A_1008 : f32 to vector<16xf32>
        %mul3A_1041 = arith.mulf %get3A_1039, %mul3A_1040 : vector<16xf32>
        %swap3A_1042 = arith.index_cast %add3A_1012 : i32 to index
        %swap3A_1043 = arith.constant 48 : index
        %swap3A_1044 = tpu.vector_load %arg16[%swap3A_1042, %swap3A_1043] {strides = array<i32>} : memref<128x128xf32, #tpu.memory_space<vmem>>, vector<16xf32>,
        tpu.vector_store %arg16[%swap3A_1042, %swap3A_1043], %mul3A_1041 {strides = array<i32>} : memref<128x128xf32, #tpu.memory_space<vmem>>, vector<16xf32>,
        %get3A_1045 = arith.index_cast %add3A_1012 : i32 to index
        %get3A_1046 = arith.constant 64 : index
        %get3A_1047 = tpu.vector_load %arg16[%get3A_1045, %get3A_1046] {strides = array<i32>} : memref<128x128xf32, #tpu.memory_space<vmem>>, vector<16xf32>,
        %mul3A_1048 = vector.broadcast %squeeze3A_1008 : f32 to vector<16xf32>
        %mul3A_1049 = arith.mulf %get3A_1047, %mul3A_1048 : vector<16xf32>
        %swap3A_1050 = arith.index_cast %add3A_1012 : i32 to index
        %swap3A_1051 = arith.constant 64 : index
        %swap3A_1052 = tpu.vector_load %arg16[%swap3A_1050, %swap3A_1051] {strides = array<i32>} : memref<128x128xf32, #tpu.memory_space<vmem>>, vector<16xf32>,
        tpu.vector_store %arg16[%swap3A_1050, %swap3A_1051], %mul3A_1049 {strides = array<i32>} : memref<128x128xf32, #tpu.memory_space<vmem>>, vector<16xf32>,
        %get3A_1053 = arith.index_cast %add3A_1012 : i32 to index
        %get3A_1054 = arith.constant 80 : index
        %get3A_1055 = tpu.vector_load %arg16[%get3A_1053, %get3A_1054] {strides = array<i32>} : memref<128x128xf32, #tpu.memory_space<vmem>>, vector<16xf32>,
        %mul3A_1056 = vector.broadcast %squeeze3A_1008 : f32 to vector<16xf32>
        %mul3A_1057 = arith.mulf %get3A_1055, %mul3A_1056 : vector<16xf32>
        %swap3A_1058 = arith.index_cast %add3A_1012 : i32 to index
        %swap3A_1059 = arith.constant 80 : index
        %swap3A_1060 = tpu.vector_load %arg16[%swap3A_1058, %swap3A_1059] {strides = array<i32>} : memref<128x128xf32, #tpu.memory_space<vmem>>, vector<16xf32>,
        tpu.vector_store %arg16[%swap3A_1058, %swap3A_1059], %mul3A_1057 {strides = array<i32>} : memref<128x128xf32, #tpu.memory_space<vmem>>, vector<16xf32>,
        %get3A_1061 = arith.index_cast %add3A_1012 : i32 to index
        %get3A_1062 = arith.constant 96 : index
        %get3A_1063 = tpu.vector_load %arg16[%get3A_1061, %get3A_1062] {strides = array<i32>} : memref<128x128xf32, #tpu.memory_space<vmem>>, vector<16xf32>,
        %mul3A_1064 = vector.broadcast %squeeze3A_1008 : f32 to vector<16xf32>
        %mul3A_1065 = arith.mulf %get3A_1063, %mul3A_1064 : vector<16xf32>
        %swap3A_1066 = arith.index_cast %add3A_1012 : i32 to index
        %swap3A_1067 = arith.constant 96 : index
        %swap3A_1068 = tpu.vector_load %arg16[%swap3A_1066, %swap3A_1067] {strides = array<i32>} : memref<128x128xf32, #tpu.memory_space<vmem>>, vector<16xf32>,
        tpu.vector_store %arg16[%swap3A_1066, %swap3A_1067], %mul3A_1065 {strides = array<i32>} : memref<128x128xf32, #tpu.memory_space<vmem>>, vector<16xf32>,
        %get3A_1069 = arith.index_cast %add3A_1012 : i32 to index
        %get3A_1070 = arith.constant 112 : index
        %get3A_1071 = tpu.vector_load %arg16[%get3A_1069, %get3A_1070] {strides = array<i32>} : memref<128x128xf32, #tpu.memory_space<vmem>>, vector<16xf32>,
        %mul3A_1072 = vector.broadcast %squeeze3A_1008 : f32 to vector<16xf32>
        %mul3A_1073 = arith.mulf %get3A_1071, %mul3A_1072 : vector<16xf32>
        %swap3A_1074 = arith.index_cast %add3A_1012 : i32 to index
        %swap3A_1075 = arith.constant 112 : index
        %swap3A_1076 = tpu.vector_load %arg16[%swap3A_1074, %swap3A_1075] {strides = array<i32>} : memref<128x128xf32, #tpu.memory_space<vmem>>, vector<16xf32>,
        tpu.vector_store %arg16[%swap3A_1074, %swap3A_1075], %mul3A_1073 {strides = array<i32>} : memref<128x128xf32, #tpu.memory_space<vmem>>, vector<16xf32>,
        %slice3A_1077 = vector.extract_strided_slice %get3A_308 {offsets = [11], sizes = [1], strides = [1]} : vector<16xf32> to vector<1xf32>
        %squeeze3A_1078 = vector.extract %slice3A_1077[0] : f32 from vector<1xf32>
        %mul3A_1079 = arith.constant 16 : i32
        %mul3A_1080 = arith.muli %scan3A_304, %mul3A_1079 : i32
        %add3A_1081 = arith.constant 11 : i32
        %add3A_1082 = arith.addi %mul3A_1080, %add3A_1081 : i32
        %get3A_1083 = arith.index_cast %add3A_1082 : i32 to index
        %get3A_1084 = arith.constant 0 : index
        %get3A_1085 = tpu.vector_load %arg16[%get3A_1083, %get3A_1084] {strides = array<i32>} : memref<128x128xf32, #tpu.memory_space<vmem>>, vector<16xf32>,
        %mul3A_1086 = vector.broadcast %squeeze3A_1078 : f32 to vector<16xf32>
        %mul3A_1087 = arith.mulf %get3A_1085, %mul3A_1086 : vector<16xf32>
        %swap3A_1088 = arith.index_cast %add3A_1082 : i32 to index
        %swap3A_1089 = arith.constant 0 : index
        %swap3A_1090 = tpu.vector_load %arg16[%swap3A_1088, %swap3A_1089] {strides = array<i32>} : memref<128x128xf32, #tpu.memory_space<vmem>>, vector<16xf32>,
        tpu.vector_store %arg16[%swap3A_1088, %swap3A_1089], %mul3A_1087 {strides = array<i32>} : memref<128x128xf32, #tpu.memory_space<vmem>>, vector<16xf32>,
        %get3A_1091 = arith.index_cast %add3A_1082 : i32 to index
        %get3A_1092 = arith.constant 16 : index
        %get3A_1093 = tpu.vector_load %arg16[%get3A_1091, %get3A_1092] {strides = array<i32>} : memref<128x128xf32, #tpu.memory_space<vmem>>, vector<16xf32>,
        %mul3A_1094 = vector.broadcast %squeeze3A_1078 : f32 to vector<16xf32>
        %mul3A_1095 = arith.mulf %get3A_1093, %mul3A_1094 : vector<16xf32>
        %swap3A_1096 = arith.index_cast %add3A_1082 : i32 to index
        %swap3A_1097 = arith.constant 16 : index
        %swap3A_1098 = tpu.vector_load %arg16[%swap3A_1096, %swap3A_1097] {strides = array<i32>} : memref<128x128xf32, #tpu.memory_space<vmem>>, vector<16xf32>,
        tpu.vector_store %arg16[%swap3A_1096, %swap3A_1097], %mul3A_1095 {strides = array<i32>} : memref<128x128xf32, #tpu.memory_space<vmem>>, vector<16xf32>,
        %get3A_1099 = arith.index_cast %add3A_1082 : i32 to index
        %get3A_1100 = arith.constant 32 : index
        %get3A_1101 = tpu.vector_load %arg16[%get3A_1099, %get3A_1100] {strides = array<i32>} : memref<128x128xf32, #tpu.memory_space<vmem>>, vector<16xf32>,
        %mul3A_1102 = vector.broadcast %squeeze3A_1078 : f32 to vector<16xf32>
        %mul3A_1103 = arith.mulf %get3A_1101, %mul3A_1102 : vector<16xf32>
        %swap3A_1104 = arith.index_cast %add3A_1082 : i32 to index
        %swap3A_1105 = arith.constant 32 : index
        %swap3A_1106 = tpu.vector_load %arg16[%swap3A_1104, %swap3A_1105] {strides = array<i32>} : memref<128x128xf32, #tpu.memory_space<vmem>>, vector<16xf32>,
        tpu.vector_store %arg16[%swap3A_1104, %swap3A_1105], %mul3A_1103 {strides = array<i32>} : memref<128x128xf32, #tpu.memory_space<vmem>>, vector<16xf32>,
        %get3A_1107 = arith.index_cast %add3A_1082 : i32 to index
        %get3A_1108 = arith.constant 48 : index
        %get3A_1109 = tpu.vector_load %arg16[%get3A_1107, %get3A_1108] {strides = array<i32>} : memref<128x128xf32, #tpu.memory_space<vmem>>, vector<16xf32>,
        %mul3A_1110 = vector.broadcast %squeeze3A_1078 : f32 to vector<16xf32>
        %mul3A_1111 = arith.mulf %get3A_1109, %mul3A_1110 : vector<16xf32>
        %swap3A_1112 = arith.index_cast %add3A_1082 : i32 to index
        %swap3A_1113 = arith.constant 48 : index
        %swap3A_1114 = tpu.vector_load %arg16[%swap3A_1112, %swap3A_1113] {strides = array<i32>} : memref<128x128xf32, #tpu.memory_space<vmem>>, vector<16xf32>,
        tpu.vector_store %arg16[%swap3A_1112, %swap3A_1113], %mul3A_1111 {strides = array<i32>} : memref<128x128xf32, #tpu.memory_space<vmem>>, vector<16xf32>,
        %get3A_1115 = arith.index_cast %add3A_1082 : i32 to index
        %get3A_1116 = arith.constant 64 : index
        %get3A_1117 = tpu.vector_load %arg16[%get3A_1115, %get3A_1116] {strides = array<i32>} : memref<128x128xf32, #tpu.memory_space<vmem>>, vector<16xf32>,
        %mul3A_1118 = vector.broadcast %squeeze3A_1078 : f32 to vector<16xf32>
        %mul3A_1119 = arith.mulf %get3A_1117, %mul3A_1118 : vector<16xf32>
        %swap3A_1120 = arith.index_cast %add3A_1082 : i32 to index
        %swap3A_1121 = arith.constant 64 : index
        %swap3A_1122 = tpu.vector_load %arg16[%swap3A_1120, %swap3A_1121] {strides = array<i32>} : memref<128x128xf32, #tpu.memory_space<vmem>>, vector<16xf32>,
        tpu.vector_store %arg16[%swap3A_1120, %swap3A_1121], %mul3A_1119 {strides = array<i32>} : memref<128x128xf32, #tpu.memory_space<vmem>>, vector<16xf32>,
        %get3A_1123 = arith.index_cast %add3A_1082 : i32 to index
        %get3A_1124 = arith.constant 80 : index
        %get3A_1125 = tpu.vector_load %arg16[%get3A_1123, %get3A_1124] {strides = array<i32>} : memref<128x128xf32, #tpu.memory_space<vmem>>, vector<16xf32>,
        %mul3A_1126 = vector.broadcast %squeeze3A_1078 : f32 to vector<16xf32>
        %mul3A_1127 = arith.mulf %get3A_1125, %mul3A_1126 : vector<16xf32>
        %swap3A_1128 = arith.index_cast %add3A_1082 : i32 to index
        %swap3A_1129 = arith.constant 80 : index
        %swap3A_1130 = tpu.vector_load %arg16[%swap3A_1128, %swap3A_1129] {strides = array<i32>} : memref<128x128xf32, #tpu.memory_space<vmem>>, vector<16xf32>,
        tpu.vector_store %arg16[%swap3A_1128, %swap3A_1129], %mul3A_1127 {strides = array<i32>} : memref<128x128xf32, #tpu.memory_space<vmem>>, vector<16xf32>,
        %get3A_1131 = arith.index_cast %add3A_1082 : i32 to index
        %get3A_1132 = arith.constant 96 : index
        %get3A_1133 = tpu.vector_load %arg16[%get3A_1131, %get3A_1132] {strides = array<i32>} : memref<128x128xf32, #tpu.memory_space<vmem>>, vector<16xf32>,
        %mul3A_1134 = vector.broadcast %squeeze3A_1078 : f32 to vector<16xf32>
        %mul3A_1135 = arith.mulf %get3A_1133, %mul3A_1134 : vector<16xf32>
        %swap3A_1136 = arith.index_cast %add3A_1082 : i32 to index
        %swap3A_1137 = arith.constant 96 : index
        %swap3A_1138 = tpu.vector_load %arg16[%swap3A_1136, %swap3A_1137] {strides = array<i32>} : memref<128x128xf32, #tpu.memory_space<vmem>>, vector<16xf32>,
        tpu.vector_store %arg16[%swap3A_1136, %swap3A_1137], %mul3A_1135 {strides = array<i32>} : memref<128x128xf32, #tpu.memory_space<vmem>>, vector<16xf32>,
        %get3A_1139 = arith.index_cast %add3A_1082 : i32 to index
        %get3A_1140 = arith.constant 112 : index
        %get3A_1141 = tpu.vector_load %arg16[%get3A_1139, %get3A_1140] {strides = array<i32>} : memref<128x128xf32, #tpu.memory_space<vmem>>, vector<16xf32>,
        %mul3A_1142 = vector.broadcast %squeeze3A_1078 : f32 to vector<16xf32>
        %mul3A_1143 = arith.mulf %get3A_1141, %mul3A_1142 : vector<16xf32>
        %swap3A_1144 = arith.index_cast %add3A_1082 : i32 to index
        %swap3A_1145 = arith.constant 112 : index
        %swap3A_1146 = tpu.vector_load %arg16[%swap3A_1144, %swap3A_1145] {strides = array<i32>} : memref<128x128xf32, #tpu.memory_space<vmem>>, vector<16xf32>,
        tpu.vector_store %arg16[%swap3A_1144, %swap3A_1145], %mul3A_1143 {strides = array<i32>} : memref<128x128xf32, #tpu.memory_space<vmem>>, vector<16xf32>,
        %slice3A_1147 = vector.extract_strided_slice %get3A_308 {offsets = [12], sizes = [1], strides = [1]} : vector<16xf32> to vector<1xf32>
        %squeeze3A_1148 = vector.extract %slice3A_1147[0] : f32 from vector<1xf32>
        %mul3A_1149 = arith.constant 16 : i32
        %mul3A_1150 = arith.muli %scan3A_304, %mul3A_1149 : i32
        %add3A_1151 = arith.constant 12 : i32
        %add3A_1152 = arith.addi %mul3A_1150, %add3A_1151 : i32
        %get3A_1153 = arith.index_cast %add3A_1152 : i32 to index
        %get3A_1154 = arith.constant 0 : index
        %get3A_1155 = tpu.vector_load %arg16[%get3A_1153, %get3A_1154] {strides = array<i32>} : memref<128x128xf32, #tpu.memory_space<vmem>>, vector<16xf32>,
        %mul3A_1156 = vector.broadcast %squeeze3A_1148 : f32 to vector<16xf32>
        %mul3A_1157 = arith.mulf %get3A_1155, %mul3A_1156 : vector<16xf32>
        %swap3A_1158 = arith.index_cast %add3A_1152 : i32 to index
        %swap3A_1159 = arith.constant 0 : index
        %swap3A_1160 = tpu.vector_load %arg16[%swap3A_1158, %swap3A_1159] {strides = array<i32>} : memref<128x128xf32, #tpu.memory_space<vmem>>, vector<16xf32>,
        tpu.vector_store %arg16[%swap3A_1158, %swap3A_1159], %mul3A_1157 {strides = array<i32>} : memref<128x128xf32, #tpu.memory_space<vmem>>, vector<16xf32>,
        %get3A_1161 = arith.index_cast %add3A_1152 : i32 to index
        %get3A_1162 = arith.constant 16 : index
        %get3A_1163 = tpu.vector_load %arg16[%get3A_1161, %get3A_1162] {strides = array<i32>} : memref<128x128xf32, #tpu.memory_space<vmem>>, vector<16xf32>,
        %mul3A_1164 = vector.broadcast %squeeze3A_1148 : f32 to vector<16xf32>
        %mul3A_1165 = arith.mulf %get3A_1163, %mul3A_1164 : vector<16xf32>
        %swap3A_1166 = arith.index_cast %add3A_1152 : i32 to index
        %swap3A_1167 = arith.constant 16 : index
        %swap3A_1168 = tpu.vector_load %arg16[%swap3A_1166, %swap3A_1167] {strides = array<i32>} : memref<128x128xf32, #tpu.memory_space<vmem>>, vector<16xf32>,
        tpu.vector_store %arg16[%swap3A_1166, %swap3A_1167], %mul3A_1165 {strides = array<i32>} : memref<128x128xf32, #tpu.memory_space<vmem>>, vector<16xf32>,
        %get3A_1169 = arith.index_cast %add3A_1152 : i32 to index
        %get3A_1170 = arith.constant 32 : index
        %get3A_1171 = tpu.vector_load %arg16[%get3A_1169, %get3A_1170] {strides = array<i32>} : memref<128x128xf32, #tpu.memory_space<vmem>>, vector<16xf32>,
        %mul3A_1172 = vector.broadcast %squeeze3A_1148 : f32 to vector<16xf32>
        %mul3A_1173 = arith.mulf %get3A_1171, %mul3A_1172 : vector<16xf32>
        %swap3A_1174 = arith.index_cast %add3A_1152 : i32 to index
        %swap3A_1175 = arith.constant 32 : index
        %swap3A_1176 = tpu.vector_load %arg16[%swap3A_1174, %swap3A_1175] {strides = array<i32>} : memref<128x128xf32, #tpu.memory_space<vmem>>, vector<16xf32>,
        tpu.vector_store %arg16[%swap3A_1174, %swap3A_1175], %mul3A_1173 {strides = array<i32>} : memref<128x128xf32, #tpu.memory_space<vmem>>, vector<16xf32>,
        %get3A_1177 = arith.index_cast %add3A_1152 : i32 to index
        %get3A_1178 = arith.constant 48 : index
        %get3A_1179 = tpu.vector_load %arg16[%get3A_1177, %get3A_1178] {strides = array<i32>} : memref<128x128xf32, #tpu.memory_space<vmem>>, vector<16xf32>,
        %mul3A_1180 = vector.broadcast %squeeze3A_1148 : f32 to vector<16xf32>
        %mul3A_1181 = arith.mulf %get3A_1179, %mul3A_1180 : vector<16xf32>
        %swap3A_1182 = arith.index_cast %add3A_1152 : i32 to index
        %swap3A_1183 = arith.constant 48 : index
        %swap3A_1184 = tpu.vector_load %arg16[%swap3A_1182, %swap3A_1183] {strides = array<i32>} : memref<128x128xf32, #tpu.memory_space<vmem>>, vector<16xf32>,
        tpu.vector_store %arg16[%swap3A_1182, %swap3A_1183], %mul3A_1181 {strides = array<i32>} : memref<128x128xf32, #tpu.memory_space<vmem>>, vector<16xf32>,
        %get3A_1185 = arith.index_cast %add3A_1152 : i32 to index
        %get3A_1186 = arith.constant 64 : index
        %get3A_1187 = tpu.vector_load %arg16[%get3A_1185, %get3A_1186] {strides = array<i32>} : memref<128x128xf32, #tpu.memory_space<vmem>>, vector<16xf32>,
        %mul3A_1188 = vector.broadcast %squeeze3A_1148 : f32 to vector<16xf32>
        %mul3A_1189 = arith.mulf %get3A_1187, %mul3A_1188 : vector<16xf32>
        %swap3A_1190 = arith.index_cast %add3A_1152 : i32 to index
        %swap3A_1191 = arith.constant 64 : index
        %swap3A_1192 = tpu.vector_load %arg16[%swap3A_1190, %swap3A_1191] {strides = array<i32>} : memref<128x128xf32, #tpu.memory_space<vmem>>, vector<16xf32>,
        tpu.vector_store %arg16[%swap3A_1190, %swap3A_1191], %mul3A_1189 {strides = array<i32>} : memref<128x128xf32, #tpu.memory_space<vmem>>, vector<16xf32>,
        %get3A_1193 = arith.index_cast %add3A_1152 : i32 to index
        %get3A_1194 = arith.constant 80 : index
        %get3A_1195 = tpu.vector_load %arg16[%get3A_1193, %get3A_1194] {strides = array<i32>} : memref<128x128xf32, #tpu.memory_space<vmem>>, vector<16xf32>,
        %mul3A_1196 = vector.broadcast %squeeze3A_1148 : f32 to vector<16xf32>
        %mul3A_1197 = arith.mulf %get3A_1195, %mul3A_1196 : vector<16xf32>
        %swap3A_1198 = arith.index_cast %add3A_1152 : i32 to index
        %swap3A_1199 = arith.constant 80 : index
        %swap3A_1200 = tpu.vector_load %arg16[%swap3A_1198, %swap3A_1199] {strides = array<i32>} : memref<128x128xf32, #tpu.memory_space<vmem>>, vector<16xf32>,
        tpu.vector_store %arg16[%swap3A_1198, %swap3A_1199], %mul3A_1197 {strides = array<i32>} : memref<128x128xf32, #tpu.memory_space<vmem>>, vector<16xf32>,
        %get3A_1201 = arith.index_cast %add3A_1152 : i32 to index
        %get3A_1202 = arith.constant 96 : index
        %get3A_1203 = tpu.vector_load %arg16[%get3A_1201, %get3A_1202] {strides = array<i32>} : memref<128x128xf32, #tpu.memory_space<vmem>>, vector<16xf32>,
        %mul3A_1204 = vector.broadcast %squeeze3A_1148 : f32 to vector<16xf32>
        %mul3A_1205 = arith.mulf %get3A_1203, %mul3A_1204 : vector<16xf32>
        %swap3A_1206 = arith.index_cast %add3A_1152 : i32 to index
        %swap3A_1207 = arith.constant 96 : index
        %swap3A_1208 = tpu.vector_load %arg16[%swap3A_1206, %swap3A_1207] {strides = array<i32>} : memref<128x128xf32, #tpu.memory_space<vmem>>, vector<16xf32>,
        tpu.vector_store %arg16[%swap3A_1206, %swap3A_1207], %mul3A_1205 {strides = array<i32>} : memref<128x128xf32, #tpu.memory_space<vmem>>, vector<16xf32>,
        %get3A_1209 = arith.index_cast %add3A_1152 : i32 to index
        %get3A_1210 = arith.constant 112 : index
        %get3A_1211 = tpu.vector_load %arg16[%get3A_1209, %get3A_1210] {strides = array<i32>} : memref<128x128xf32, #tpu.memory_space<vmem>>, vector<16xf32>,
        %mul3A_1212 = vector.broadcast %squeeze3A_1148 : f32 to vector<16xf32>
        %mul3A_1213 = arith.mulf %get3A_1211, %mul3A_1212 : vector<16xf32>
        %swap3A_1214 = arith.index_cast %add3A_1152 : i32 to index
        %swap3A_1215 = arith.constant 112 : index
        %swap3A_1216 = tpu.vector_load %arg16[%swap3A_1214, %swap3A_1215] {strides = array<i32>} : memref<128x128xf32, #tpu.memory_space<vmem>>, vector<16xf32>,
        tpu.vector_store %arg16[%swap3A_1214, %swap3A_1215], %mul3A_1213 {strides = array<i32>} : memref<128x128xf32, #tpu.memory_space<vmem>>, vector<16xf32>,
        %slice3A_1217 = vector.extract_strided_slice %get3A_308 {offsets = [13], sizes = [1], strides = [1]} : vector<16xf32> to vector<1xf32>
        %squeeze3A_1218 = vector.extract %slice3A_1217[0] : f32 from vector<1xf32>
        %mul3A_1219 = arith.constant 16 : i32
        %mul3A_1220 = arith.muli %scan3A_304, %mul3A_1219 : i32
        %add3A_1221 = arith.constant 13 : i32
        %add3A_1222 = arith.addi %mul3A_1220, %add3A_1221 : i32
        %get3A_1223 = arith.index_cast %add3A_1222 : i32 to index
        %get3A_1224 = arith.constant 0 : index
        %get3A_1225 = tpu.vector_load %arg16[%get3A_1223, %get3A_1224] {strides = array<i32>} : memref<128x128xf32, #tpu.memory_space<vmem>>, vector<16xf32>,
        %mul3A_1226 = vector.broadcast %squeeze3A_1218 : f32 to vector<16xf32>
        %mul3A_1227 = arith.mulf %get3A_1225, %mul3A_1226 : vector<16xf32>
        %swap3A_1228 = arith.index_cast %add3A_1222 : i32 to index
        %swap3A_1229 = arith.constant 0 : index
        %swap3A_1230 = tpu.vector_load %arg16[%swap3A_1228, %swap3A_1229] {strides = array<i32>} : memref<128x128xf32, #tpu.memory_space<vmem>>, vector<16xf32>,
        tpu.vector_store %arg16[%swap3A_1228, %swap3A_1229], %mul3A_1227 {strides = array<i32>} : memref<128x128xf32, #tpu.memory_space<vmem>>, vector<16xf32>,
        %get3A_1231 = arith.index_cast %add3A_1222 : i32 to index
        %get3A_1232 = arith.constant 16 : index
        %get3A_1233 = tpu.vector_load %arg16[%get3A_1231, %get3A_1232] {strides = array<i32>} : memref<128x128xf32, #tpu.memory_space<vmem>>, vector<16xf32>,
        %mul3A_1234 = vector.broadcast %squeeze3A_1218 : f32 to vector<16xf32>
        %mul3A_1235 = arith.mulf %get3A_1233, %mul3A_1234 : vector<16xf32>
        %swap3A_1236 = arith.index_cast %add3A_1222 : i32 to index
        %swap3A_1237 = arith.constant 16 : index
        %swap3A_1238 = tpu.vector_load %arg16[%swap3A_1236, %swap3A_1237] {strides = array<i32>} : memref<128x128xf32, #tpu.memory_space<vmem>>, vector<16xf32>,
        tpu.vector_store %arg16[%swap3A_1236, %swap3A_1237], %mul3A_1235 {strides = array<i32>} : memref<128x128xf32, #tpu.memory_space<vmem>>, vector<16xf32>,
        %get3A_1239 = arith.index_cast %add3A_1222 : i32 to index
        %get3A_1240 = arith.constant 32 : index
        %get3A_1241 = tpu.vector_load %arg16[%get3A_1239, %get3A_1240] {strides = array<i32>} : memref<128x128xf32, #tpu.memory_space<vmem>>, vector<16xf32>,
        %mul3A_1242 = vector.broadcast %squeeze3A_1218 : f32 to vector<16xf32>
        %mul3A_1243 = arith.mulf %get3A_1241, %mul3A_1242 : vector<16xf32>
        %swap3A_1244 = arith.index_cast %add3A_1222 : i32 to index
        %swap3A_1245 = arith.constant 32 : index
        %swap3A_1246 = tpu.vector_load %arg16[%swap3A_1244, %swap3A_1245] {strides = array<i32>} : memref<128x128xf32, #tpu.memory_space<vmem>>, vector<16xf32>,
        tpu.vector_store %arg16[%swap3A_1244, %swap3A_1245], %mul3A_1243 {strides = array<i32>} : memref<128x128xf32, #tpu.memory_space<vmem>>, vector<16xf32>,
        %get3A_1247 = arith.index_cast %add3A_1222 : i32 to index
        %get3A_1248 = arith.constant 48 : index
        %get3A_1249 = tpu.vector_load %arg16[%get3A_1247, %get3A_1248] {strides = array<i32>} : memref<128x128xf32, #tpu.memory_space<vmem>>, vector<16xf32>,
        %mul3A_1250 = vector.broadcast %squeeze3A_1218 : f32 to vector<16xf32>
        %mul3A_1251 = arith.mulf %get3A_1249, %mul3A_1250 : vector<16xf32>
        %swap3A_1252 = arith.index_cast %add3A_1222 : i32 to index
        %swap3A_1253 = arith.constant 48 : index
        %swap3A_1254 = tpu.vector_load %arg16[%swap3A_1252, %swap3A_1253] {strides = array<i32>} : memref<128x128xf32, #tpu.memory_space<vmem>>, vector<16xf32>,
        tpu.vector_store %arg16[%swap3A_1252, %swap3A_1253], %mul3A_1251 {strides = array<i32>} : memref<128x128xf32, #tpu.memory_space<vmem>>, vector<16xf32>,
        %get3A_1255 = arith.index_cast %add3A_1222 : i32 to index
        %get3A_1256 = arith.constant 64 : index
        %get3A_1257 = tpu.vector_load %arg16[%get3A_1255, %get3A_1256] {strides = array<i32>} : memref<128x128xf32, #tpu.memory_space<vmem>>, vector<16xf32>,
        %mul3A_1258 = vector.broadcast %squeeze3A_1218 : f32 to vector<16xf32>
        %mul3A_1259 = arith.mulf %get3A_1257, %mul3A_1258 : vector<16xf32>
        %swap3A_1260 = arith.index_cast %add3A_1222 : i32 to index
        %swap3A_1261 = arith.constant 64 : index
        %swap3A_1262 = tpu.vector_load %arg16[%swap3A_1260, %swap3A_1261] {strides = array<i32>} : memref<128x128xf32, #tpu.memory_space<vmem>>, vector<16xf32>,
        tpu.vector_store %arg16[%swap3A_1260, %swap3A_1261], %mul3A_1259 {strides = array<i32>} : memref<128x128xf32, #tpu.memory_space<vmem>>, vector<16xf32>,
        %get3A_1263 = arith.index_cast %add3A_1222 : i32 to index
        %get3A_1264 = arith.constant 80 : index
        %get3A_1265 = tpu.vector_load %arg16[%get3A_1263, %get3A_1264] {strides = array<i32>} : memref<128x128xf32, #tpu.memory_space<vmem>>, vector<16xf32>,
        %mul3A_1266 = vector.broadcast %squeeze3A_1218 : f32 to vector<16xf32>
        %mul3A_1267 = arith.mulf %get3A_1265, %mul3A_1266 : vector<16xf32>
        %swap3A_1268 = arith.index_cast %add3A_1222 : i32 to index
        %swap3A_1269 = arith.constant 80 : index
        %swap3A_1270 = tpu.vector_load %arg16[%swap3A_1268, %swap3A_1269] {strides = array<i32>} : memref<128x128xf32, #tpu.memory_space<vmem>>, vector<16xf32>,
        tpu.vector_store %arg16[%swap3A_1268, %swap3A_1269], %mul3A_1267 {strides = array<i32>} : memref<128x128xf32, #tpu.memory_space<vmem>>, vector<16xf32>,
        %get3A_1271 = arith.index_cast %add3A_1222 : i32 to index
        %get3A_1272 = arith.constant 96 : index
        %get3A_1273 = tpu.vector_load %arg16[%get3A_1271, %get3A_1272] {strides = array<i32>} : memref<128x128xf32, #tpu.memory_space<vmem>>, vector<16xf32>,
        %mul3A_1274 = vector.broadcast %squeeze3A_1218 : f32 to vector<16xf32>
        %mul3A_1275 = arith.mulf %get3A_1273, %mul3A_1274 : vector<16xf32>
        %swap3A_1276 = arith.index_cast %add3A_1222 : i32 to index
        %swap3A_1277 = arith.constant 96 : index
        %swap3A_1278 = tpu.vector_load %arg16[%swap3A_1276, %swap3A_1277] {strides = array<i32>} : memref<128x128xf32, #tpu.memory_space<vmem>>, vector<16xf32>,
        tpu.vector_store %arg16[%swap3A_1276, %swap3A_1277], %mul3A_1275 {strides = array<i32>} : memref<128x128xf32, #tpu.memory_space<vmem>>, vector<16xf32>,
        %get3A_1279 = arith.index_cast %add3A_1222 : i32 to index
        %get3A_1280 = arith.constant 112 : index
        %get3A_1281 = tpu.vector_load %arg16[%get3A_1279, %get3A_1280] {strides = array<i32>} : memref<128x128xf32, #tpu.memory_space<vmem>>, vector<16xf32>,
        %mul3A_1282 = vector.broadcast %squeeze3A_1218 : f32 to vector<16xf32>
        %mul3A_1283 = arith.mulf %get3A_1281, %mul3A_1282 : vector<16xf32>
        %swap3A_1284 = arith.index_cast %add3A_1222 : i32 to index
        %swap3A_1285 = arith.constant 112 : index
        %swap3A_1286 = tpu.vector_load %arg16[%swap3A_1284, %swap3A_1285] {strides = array<i32>} : memref<128x128xf32, #tpu.memory_space<vmem>>, vector<16xf32>,
        tpu.vector_store %arg16[%swap3A_1284, %swap3A_1285], %mul3A_1283 {strides = array<i32>} : memref<128x128xf32, #tpu.memory_space<vmem>>, vector<16xf32>,
        %slice3A_1287 = vector.extract_strided_slice %get3A_308 {offsets = [14], sizes = [1], strides = [1]} : vector<16xf32> to vector<1xf32>
        %squeeze3A_1288 = vector.extract %slice3A_1287[0] : f32 from vector<1xf32>
        %mul3A_1289 = arith.constant 16 : i32
        %mul3A_1290 = arith.muli %scan3A_304, %mul3A_1289 : i32
        %add3A_1291 = arith.constant 14 : i32
        %add3A_1292 = arith.addi %mul3A_1290, %add3A_1291 : i32
        %get3A_1293 = arith.index_cast %add3A_1292 : i32 to index
        %get3A_1294 = arith.constant 0 : index
        %get3A_1295 = tpu.vector_load %arg16[%get3A_1293, %get3A_1294] {strides = array<i32>} : memref<128x128xf32, #tpu.memory_space<vmem>>, vector<16xf32>,
        %mul3A_1296 = vector.broadcast %squeeze3A_1288 : f32 to vector<16xf32>
        %mul3A_1297 = arith.mulf %get3A_1295, %mul3A_1296 : vector<16xf32>
        %swap3A_1298 = arith.index_cast %add3A_1292 : i32 to index
        %swap3A_1299 = arith.constant 0 : index
        %swap3A_1300 = tpu.vector_load %arg16[%swap3A_1298, %swap3A_1299] {strides = array<i32>} : memref<128x128xf32, #tpu.memory_space<vmem>>, vector<16xf32>,
        tpu.vector_store %arg16[%swap3A_1298, %swap3A_1299], %mul3A_1297 {strides = array<i32>} : memref<128x128xf32, #tpu.memory_space<vmem>>, vector<16xf32>,
        %get3A_1301 = arith.index_cast %add3A_1292 : i32 to index
        %get3A_1302 = arith.constant 16 : index
        %get3A_1303 = tpu.vector_load %arg16[%get3A_1301, %get3A_1302] {strides = array<i32>} : memref<128x128xf32, #tpu.memory_space<vmem>>, vector<16xf32>,
        %mul3A_1304 = vector.broadcast %squeeze3A_1288 : f32 to vector<16xf32>
        %mul3A_1305 = arith.mulf %get3A_1303, %mul3A_1304 : vector<16xf32>
        %swap3A_1306 = arith.index_cast %add3A_1292 : i32 to index
        %swap3A_1307 = arith.constant 16 : index
        %swap3A_1308 = tpu.vector_load %arg16[%swap3A_1306, %swap3A_1307] {strides = array<i32>} : memref<128x128xf32, #tpu.memory_space<vmem>>, vector<16xf32>,
        tpu.vector_store %arg16[%swap3A_1306, %swap3A_1307], %mul3A_1305 {strides = array<i32>} : memref<128x128xf32, #tpu.memory_space<vmem>>, vector<16xf32>,
        %get3A_1309 = arith.index_cast %add3A_1292 : i32 to index
        %get3A_1310 = arith.constant 32 : index
        %get3A_1311 = tpu.vector_load %arg16[%get3A_1309, %get3A_1310] {strides = array<i32>} : memref<128x128xf32, #tpu.memory_space<vmem>>, vector<16xf32>,
        %mul3A_1312 = vector.broadcast %squeeze3A_1288 : f32 to vector<16xf32>
        %mul3A_1313 = arith.mulf %get3A_1311, %mul3A_1312 : vector<16xf32>
        %swap3A_1314 = arith.index_cast %add3A_1292 : i32 to index
        %swap3A_1315 = arith.constant 32 : index
        %swap3A_1316 = tpu.vector_load %arg16[%swap3A_1314, %swap3A_1315] {strides = array<i32>} : memref<128x128xf32, #tpu.memory_space<vmem>>, vector<16xf32>,
        tpu.vector_store %arg16[%swap3A_1314, %swap3A_1315], %mul3A_1313 {strides = array<i32>} : memref<128x128xf32, #tpu.memory_space<vmem>>, vector<16xf32>,
        %get3A_1317 = arith.index_cast %add3A_1292 : i32 to index
        %get3A_1318 = arith.constant 48 : index
        %get3A_1319 = tpu.vector_load %arg16[%get3A_1317, %get3A_1318] {strides = array<i32>} : memref<128x128xf32, #tpu.memory_space<vmem>>, vector<16xf32>,
        %mul3A_1320 = vector.broadcast %squeeze3A_1288 : f32 to vector<16xf32>
        %mul3A_1321 = arith.mulf %get3A_1319, %mul3A_1320 : vector<16xf32>
        %swap3A_1322 = arith.index_cast %add3A_1292 : i32 to index
        %swap3A_1323 = arith.constant 48 : index
        %swap3A_1324 = tpu.vector_load %arg16[%swap3A_1322, %swap3A_1323] {strides = array<i32>} : memref<128x128xf32, #tpu.memory_space<vmem>>, vector<16xf32>,
        tpu.vector_store %arg16[%swap3A_1322, %swap3A_1323], %mul3A_1321 {strides = array<i32>} : memref<128x128xf32, #tpu.memory_space<vmem>>, vector<16xf32>,
        %get3A_1325 = arith.index_cast %add3A_1292 : i32 to index
        %get3A_1326 = arith.constant 64 : index
        %get3A_1327 = tpu.vector_load %arg16[%get3A_1325, %get3A_1326] {strides = array<i32>} : memref<128x128xf32, #tpu.memory_space<vmem>>, vector<16xf32>,
        %mul3A_1328 = vector.broadcast %squeeze3A_1288 : f32 to vector<16xf32>
        %mul3A_1329 = arith.mulf %get3A_1327, %mul3A_1328 : vector<16xf32>
        %swap3A_1330 = arith.index_cast %add3A_1292 : i32 to index
        %swap3A_1331 = arith.constant 64 : index
        %swap3A_1332 = tpu.vector_load %arg16[%swap3A_1330, %swap3A_1331] {strides = array<i32>} : memref<128x128xf32, #tpu.memory_space<vmem>>, vector<16xf32>,
        tpu.vector_store %arg16[%swap3A_1330, %swap3A_1331], %mul3A_1329 {strides = array<i32>} : memref<128x128xf32, #tpu.memory_space<vmem>>, vector<16xf32>,
        %get3A_1333 = arith.index_cast %add3A_1292 : i32 to index
        %get3A_1334 = arith.constant 80 : index
        %get3A_1335 = tpu.vector_load %arg16[%get3A_1333, %get3A_1334] {strides = array<i32>} : memref<128x128xf32, #tpu.memory_space<vmem>>, vector<16xf32>,
        %mul3A_1336 = vector.broadcast %squeeze3A_1288 : f32 to vector<16xf32>
        %mul3A_1337 = arith.mulf %get3A_1335, %mul3A_1336 : vector<16xf32>
        %swap3A_1338 = arith.index_cast %add3A_1292 : i32 to index
        %swap3A_1339 = arith.constant 80 : index
        %swap3A_1340 = tpu.vector_load %arg16[%swap3A_1338, %swap3A_1339] {strides = array<i32>} : memref<128x128xf32, #tpu.memory_space<vmem>>, vector<16xf32>,
        tpu.vector_store %arg16[%swap3A_1338, %swap3A_1339], %mul3A_1337 {strides = array<i32>} : memref<128x128xf32, #tpu.memory_space<vmem>>, vector<16xf32>,
        %get3A_1341 = arith.index_cast %add3A_1292 : i32 to index
        %get3A_1342 = arith.constant 96 : index
        %get3A_1343 = tpu.vector_load %arg16[%get3A_1341, %get3A_1342] {strides = array<i32>} : memref<128x128xf32, #tpu.memory_space<vmem>>, vector<16xf32>,
        %mul3A_1344 = vector.broadcast %squeeze3A_1288 : f32 to vector<16xf32>
        %mul3A_1345 = arith.mulf %get3A_1343, %mul3A_1344 : vector<16xf32>
        %swap3A_1346 = arith.index_cast %add3A_1292 : i32 to index
        %swap3A_1347 = arith.constant 96 : index
        %swap3A_1348 = tpu.vector_load %arg16[%swap3A_1346, %swap3A_1347] {strides = array<i32>} : memref<128x128xf32, #tpu.memory_space<vmem>>, vector<16xf32>,
        tpu.vector_store %arg16[%swap3A_1346, %swap3A_1347], %mul3A_1345 {strides = array<i32>} : memref<128x128xf32, #tpu.memory_space<vmem>>, vector<16xf32>,
        %get3A_1349 = arith.index_cast %add3A_1292 : i32 to index
        %get3A_1350 = arith.constant 112 : index
        %get3A_1351 = tpu.vector_load %arg16[%get3A_1349, %get3A_1350] {strides = array<i32>} : memref<128x128xf32, #tpu.memory_space<vmem>>, vector<16xf32>,
        %mul3A_1352 = vector.broadcast %squeeze3A_1288 : f32 to vector<16xf32>
        %mul3A_1353 = arith.mulf %get3A_1351, %mul3A_1352 : vector<16xf32>
        %swap3A_1354 = arith.index_cast %add3A_1292 : i32 to index
        %swap3A_1355 = arith.constant 112 : index
        %swap3A_1356 = tpu.vector_load %arg16[%swap3A_1354, %swap3A_1355] {strides = array<i32>} : memref<128x128xf32, #tpu.memory_space<vmem>>, vector<16xf32>,
        tpu.vector_store %arg16[%swap3A_1354, %swap3A_1355], %mul3A_1353 {strides = array<i32>} : memref<128x128xf32, #tpu.memory_space<vmem>>, vector<16xf32>,
        %slice3A_1357 = vector.extract_strided_slice %get3A_308 {offsets = [15], sizes = [1], strides = [1]} : vector<16xf32> to vector<1xf32>
        %squeeze3A_1358 = vector.extract %slice3A_1357[0] : f32 from vector<1xf32>
        %mul3A_1359 = arith.constant 16 : i32
        %mul3A_1360 = arith.muli %scan3A_304, %mul3A_1359 : i32
        %add3A_1361 = arith.constant 15 : i32
        %add3A_1362 = arith.addi %mul3A_1360, %add3A_1361 : i32
        %get3A_1363 = arith.index_cast %add3A_1362 : i32 to index
        %get3A_1364 = arith.constant 0 : index
        %get3A_1365 = tpu.vector_load %arg16[%get3A_1363, %get3A_1364] {strides = array<i32>} : memref<128x128xf32, #tpu.memory_space<vmem>>, vector<16xf32>,
        %mul3A_1366 = vector.broadcast %squeeze3A_1358 : f32 to vector<16xf32>
        %mul3A_1367 = arith.mulf %get3A_1365, %mul3A_1366 : vector<16xf32>
        %swap3A_1368 = arith.index_cast %add3A_1362 : i32 to index
        %swap3A_1369 = arith.constant 0 : index
        %swap3A_1370 = tpu.vector_load %arg16[%swap3A_1368, %swap3A_1369] {strides = array<i32>} : memref<128x128xf32, #tpu.memory_space<vmem>>, vector<16xf32>,
        tpu.vector_store %arg16[%swap3A_1368, %swap3A_1369], %mul3A_1367 {strides = array<i32>} : memref<128x128xf32, #tpu.memory_space<vmem>>, vector<16xf32>,
        %get3A_1371 = arith.index_cast %add3A_1362 : i32 to index
        %get3A_1372 = arith.constant 16 : index
        %get3A_1373 = tpu.vector_load %arg16[%get3A_1371, %get3A_1372] {strides = array<i32>} : memref<128x128xf32, #tpu.memory_space<vmem>>, vector<16xf32>,
        %mul3A_1374 = vector.broadcast %squeeze3A_1358 : f32 to vector<16xf32>
        %mul3A_1375 = arith.mulf %get3A_1373, %mul3A_1374 : vector<16xf32>
        %swap3A_1376 = arith.index_cast %add3A_1362 : i32 to index
        %swap3A_1377 = arith.constant 16 : index
        %swap3A_1378 = tpu.vector_load %arg16[%swap3A_1376, %swap3A_1377] {strides = array<i32>} : memref<128x128xf32, #tpu.memory_space<vmem>>, vector<16xf32>,
        tpu.vector_store %arg16[%swap3A_1376, %swap3A_1377], %mul3A_1375 {strides = array<i32>} : memref<128x128xf32, #tpu.memory_space<vmem>>, vector<16xf32>,
        %get3A_1379 = arith.index_cast %add3A_1362 : i32 to index
        %get3A_1380 = arith.constant 32 : index
        %get3A_1381 = tpu.vector_load %arg16[%get3A_1379, %get3A_1380] {strides = array<i32>} : memref<128x128xf32, #tpu.memory_space<vmem>>, vector<16xf32>,
        %mul3A_1382 = vector.broadcast %squeeze3A_1358 : f32 to vector<16xf32>
        %mul3A_1383 = arith.mulf %get3A_1381, %mul3A_1382 : vector<16xf32>
        %swap3A_1384 = arith.index_cast %add3A_1362 : i32 to index
        %swap3A_1385 = arith.constant 32 : index
        %swap3A_1386 = tpu.vector_load %arg16[%swap3A_1384, %swap3A_1385] {strides = array<i32>} : memref<128x128xf32, #tpu.memory_space<vmem>>, vector<16xf32>,
        tpu.vector_store %arg16[%swap3A_1384, %swap3A_1385], %mul3A_1383 {strides = array<i32>} : memref<128x128xf32, #tpu.memory_space<vmem>>, vector<16xf32>,
        %get3A_1387 = arith.index_cast %add3A_1362 : i32 to index
        %get3A_1388 = arith.constant 48 : index
        %get3A_1389 = tpu.vector_load %arg16[%get3A_1387, %get3A_1388] {strides = array<i32>} : memref<128x128xf32, #tpu.memory_space<vmem>>, vector<16xf32>,
        %mul3A_1390 = vector.broadcast %squeeze3A_1358 : f32 to vector<16xf32>
        %mul3A_1391 = arith.mulf %get3A_1389, %mul3A_1390 : vector<16xf32>
        %swap3A_1392 = arith.index_cast %add3A_1362 : i32 to index
        %swap3A_1393 = arith.constant 48 : index
        %swap3A_1394 = tpu.vector_load %arg16[%swap3A_1392, %swap3A_1393] {strides = array<i32>} : memref<128x128xf32, #tpu.memory_space<vmem>>, vector<16xf32>,
        tpu.vector_store %arg16[%swap3A_1392, %swap3A_1393], %mul3A_1391 {strides = array<i32>} : memref<128x128xf32, #tpu.memory_space<vmem>>, vector<16xf32>,
        %get3A_1395 = arith.index_cast %add3A_1362 : i32 to index
        %get3A_1396 = arith.constant 64 : index
        %get3A_1397 = tpu.vector_load %arg16[%get3A_1395, %get3A_1396] {strides = array<i32>} : memref<128x128xf32, #tpu.memory_space<vmem>>, vector<16xf32>,
        %mul3A_1398 = vector.broadcast %squeeze3A_1358 : f32 to vector<16xf32>
        %mul3A_1399 = arith.mulf %get3A_1397, %mul3A_1398 : vector<16xf32>
        %swap3A_1400 = arith.index_cast %add3A_1362 : i32 to index
        %swap3A_1401 = arith.constant 64 : index
        %swap3A_1402 = tpu.vector_load %arg16[%swap3A_1400, %swap3A_1401] {strides = array<i32>} : memref<128x128xf32, #tpu.memory_space<vmem>>, vector<16xf32>,
        tpu.vector_store %arg16[%swap3A_1400, %swap3A_1401], %mul3A_1399 {strides = array<i32>} : memref<128x128xf32, #tpu.memory_space<vmem>>, vector<16xf32>,
        %get3A_1403 = arith.index_cast %add3A_1362 : i32 to index
        %get3A_1404 = arith.constant 80 : index
        %get3A_1405 = tpu.vector_load %arg16[%get3A_1403, %get3A_1404] {strides = array<i32>} : memref<128x128xf32, #tpu.memory_space<vmem>>, vector<16xf32>,
        %mul3A_1406 = vector.broadcast %squeeze3A_1358 : f32 to vector<16xf32>
        %mul3A_1407 = arith.mulf %get3A_1405, %mul3A_1406 : vector<16xf32>
        %swap3A_1408 = arith.index_cast %add3A_1362 : i32 to index
        %swap3A_1409 = arith.constant 80 : index
        %swap3A_1410 = tpu.vector_load %arg16[%swap3A_1408, %swap3A_1409] {strides = array<i32>} : memref<128x128xf32, #tpu.memory_space<vmem>>, vector<16xf32>,
        tpu.vector_store %arg16[%swap3A_1408, %swap3A_1409], %mul3A_1407 {strides = array<i32>} : memref<128x128xf32, #tpu.memory_space<vmem>>, vector<16xf32>,
        %get3A_1411 = arith.index_cast %add3A_1362 : i32 to index
        %get3A_1412 = arith.constant 96 : index
        %get3A_1413 = tpu.vector_load %arg16[%get3A_1411, %get3A_1412] {strides = array<i32>} : memref<128x128xf32, #tpu.memory_space<vmem>>, vector<16xf32>,
        %mul3A_1414 = vector.broadcast %squeeze3A_1358 : f32 to vector<16xf32>
        %mul3A_1415 = arith.mulf %get3A_1413, %mul3A_1414 : vector<16xf32>
        %swap3A_1416 = arith.index_cast %add3A_1362 : i32 to index
        %swap3A_1417 = arith.constant 96 : index
        %swap3A_1418 = tpu.vector_load %arg16[%swap3A_1416, %swap3A_1417] {strides = array<i32>} : memref<128x128xf32, #tpu.memory_space<vmem>>, vector<16xf32>,
        tpu.vector_store %arg16[%swap3A_1416, %swap3A_1417], %mul3A_1415 {strides = array<i32>} : memref<128x128xf32, #tpu.memory_space<vmem>>, vector<16xf32>,
        %get3A_1419 = arith.index_cast %add3A_1362 : i32 to index
        %get3A_1420 = arith.constant 112 : index
        %get3A_1421 = tpu.vector_load %arg16[%get3A_1419, %get3A_1420] {strides = array<i32>} : memref<128x128xf32, #tpu.memory_space<vmem>>, vector<16xf32>,
        %mul3A_1422 = vector.broadcast %squeeze3A_1358 : f32 to vector<16xf32>
        %mul3A_1423 = arith.mulf %get3A_1421, %mul3A_1422 : vector<16xf32>
        %swap3A_1424 = arith.index_cast %add3A_1362 : i32 to index
        %swap3A_1425 = arith.constant 112 : index
        %swap3A_1426 = tpu.vector_load %arg16[%swap3A_1424, %swap3A_1425] {strides = array<i32>} : memref<128x128xf32, #tpu.memory_space<vmem>>, vector<16xf32>,
        tpu.vector_store %arg16[%swap3A_1424, %swap3A_1425], %mul3A_1423 {strides = array<i32>} : memref<128x128xf32, #tpu.memory_space<vmem>>, vector<16xf32>,
      }
      %scan3A_297 = arith.constant 8 : i32
      %dma_start3A_298 = arith.constant 0 : i32
      %dma_start3A_299 = arith.constant 0 : i32
      %dma_start3A_300 = tpu.memref_slice %arg17[%dma_start3A_298, %dma_start3A_299] : memref<10240x128xf32, #tpu.memory_space<vmem_shared>> -> memref<10240x128xf32, #tpu.memory_space<vmem_shared>>
      tpu.enqueue_indirect_dma source(%arg16 : memref<128x128xf32, #tpu.memory_space<vmem>>) target(%dma_start3A_300 : memref<10240x128xf32, #tpu.memory_space<vmem_shared>>) offsets(%arg13 : memref<128xi32, #tpu.memory_space<vmem>>) semaphore(%arg19 : memref<!tpu.dma_semaphore, #tpu.memory_space<semaphore_mem>>) {add = true}
      %dma_wait3A_301 = arith.constant 0 : i32
      %dma_wait3A_302 = arith.constant 0 : i32
      %dma_wait3A_303 = tpu.memref_slice %arg17[%dma_wait3A_301, %dma_wait3A_302] : memref<10240x128xf32, #tpu.memory_space<vmem_shared>> -> memref<10240x128xf32, #tpu.memory_space<vmem_shared>>
      tpu.wait_indirect_dma semaphore(%arg19 : memref<!tpu.dma_semaphore, #tpu.memory_space<semaphore_mem>>) src(%arg16 : memref<128x128xf32, #tpu.memory_space<vmem>>) dst(%dma_wait3A_303 : memref<10240x128xf32, #tpu.memory_space<vmem_shared>>)
    }
    %scan3A_69 = arith.constant 81 : i32
    %barrier3A_70 = arith.constant 0 : index
    tpu.barrier barrier_id(%barrier3A_70)
    %mul3A_71 = arith.constant 10240 : i32
    %mul3A_72 = arith.muli %add3A, %mul3A_71 : i32
    "tpu.region"() ({
      %run_scoped3A = tpu.sem_alloc : memref<!tpu.dma_semaphore, #tpu.memory_space<semaphore_mem>>
      %dma_start3A = tpu.memref_slice %arg8[%mul3A_72] : memref<327680xf32, #tpu.memory_space<hbm>> -> memref<10240xf32, #tpu.memory_space<hbm>>
      %dma_start3A_80 = tpu.memref_slice %arg8[%mul3A_72] : memref<327680xf32, #tpu.memory_space<hbm>> -> memref<10240xf32, #tpu.memory_space<hbm>>
      tpu.enqueue_dma source(%arg11 : memref<10240xf32, #tpu.memory_space<vmem>>) target(%dma_start3A_80 : memref<10240xf32, #tpu.memory_space<hbm>>) target_semaphore(%run_scoped3A : memref<!tpu.dma_semaphore, #tpu.memory_space<semaphore_mem>>)
      %dma_wait3A = tpu.memref_slice %arg8[%mul3A_72] : memref<327680xf32, #tpu.memory_space<hbm>> -> memref<10240xf32, #tpu.memory_space<hbm>>
      %dma_wait3A_81 = tpu.memref_slice %arg8[%mul3A_72] : memref<327680xf32, #tpu.memory_space<hbm>> -> memref<10240xf32, #tpu.memory_space<hbm>>
      tpu.wait_dma2 semaphore(%run_scoped3A : memref<!tpu.dma_semaphore, #tpu.memory_space<semaphore_mem>>) src(%arg11 : memref<10240xf32, #tpu.memory_space<vmem>>) dst(%dma_wait3A_81 : memref<10240xf32, #tpu.memory_space<hbm>>)
      tpu.yield
    }) : () -> ()
    %mul3A_73 = arith.constant 640 : i32
    %mul3A_74 = arith.muli %arg1, %mul3A_73 : i32
    %mul3A_75 = arith.constant 10240 : i32
    %mul3A_76 = arith.muli %arg0, %mul3A_75 : i32
    %mul3A_77 = arith.constant 640 : i32
    %mul3A_78 = arith.muli %arg1, %mul3A_77 : i32
    %add3A_79 = arith.addi %mul3A_76, %mul3A_78 : i32
    "tpu.region"() ({
      %run_scoped3A = tpu.sem_alloc : memref<!tpu.dma_semaphore, #tpu.memory_space<semaphore_mem>>
      %dma_start3A = arith.constant 0 : i32
      %dma_start3A_80 = tpu.memref_slice %arg7[%add3A_79, %dma_start3A] : memref<20480x128xf32, #tpu.memory_space<hbm>> -> memref<640x128xf32, #tpu.memory_space<hbm>>
      %dma_start3A_81 = arith.constant 0 : i32
      %dma_start3A_82 = tpu.memref_slice %arg17[%mul3A_74, %dma_start3A_81] : memref<10240x128xf32, #tpu.memory_space<vmem_shared>> -> memref<640x128xf32, #tpu.memory_space<vmem_shared>>
      tpu.enqueue_dma source(%dma_start3A_82 : memref<640x128xf32, #tpu.memory_space<vmem_shared>>) target(%dma_start3A_80 : memref<640x128xf32, #tpu.memory_space<hbm>>) target_semaphore(%run_scoped3A : memref<!tpu.dma_semaphore, #tpu.memory_space<semaphore_mem>>)
      %dma_wait3A = arith.constant 0 : i32
      %dma_wait3A_83 = tpu.memref_slice %arg7[%add3A_79, %dma_wait3A] : memref<20480x128xf32, #tpu.memory_space<hbm>> -> memref<640x128xf32, #tpu.memory_space<hbm>>
      %dma_wait3A_84 = arith.constant 0 : i32
      %dma_wait3A_85 = tpu.memref_slice %arg17[%mul3A_74, %dma_wait3A_84] : memref<10240x128xf32, #tpu.memory_space<vmem_shared>> -> memref<640x128xf32, #tpu.memory_space<vmem_shared>>
      tpu.wait_dma2 semaphore(%run_scoped3A : memref<!tpu.dma_semaphore, #tpu.memory_space<semaphore_mem>>) src(%dma_wait3A_85 : memref<640x128xf32, #tpu.memory_space<vmem_shared>>) dst(%dma_wait3A_83 : memref<640x128xf32, #tpu.memory_space<hbm>>)
      tpu.yield
    }) : () -> ()
    return
  }
}

module attributes {stable_mosaic.version = 14 : i64} {
  func.func @_prep1_body(%arg0: i32, %arg1: memref<1024x128xf32, #tpu.memory_space<vmem>>, %arg2: memref<128x256xf32, #tpu.memory_space<vmem>>, %arg3: memref<2x128xf32, #tpu.memory_space<vmem>>, %arg4: memref<2x128xf32, #tpu.memory_space<vmem>>, %arg5: memref<2x1024x128xf32, #tpu.memory_space<vmem>>, %arg6: memref<2x1024xf32, #tpu.memory_space<vmem>>, %arg7: memref<2x1024xf32, #tpu.memory_space<vmem>>) attributes {dimension_semantics = [#tpu.dimension_semantics<arbitrary>], iteration_bounds = array<i64: 10>, scalar_prefetch = 0 : i64, scratch_operands = 0 : i64, tpu.core_type = #tpu.core_type<tc>, window_params = [{transform_indices = @transform_0, window_bounds = array<i64: 1024, 128>}, {pipeline_mode = #tpu.pipeline_mode<synchronous>, transform_indices = @transform_1, window_bounds = array<i64: 128, 256>}, {pipeline_mode = #tpu.pipeline_mode<synchronous>, transform_indices = @transform_2, window_bounds = array<i64: 2, 128>}, {pipeline_mode = #tpu.pipeline_mode<synchronous>, transform_indices = @transform_3, window_bounds = array<i64: 2, 128>}, {transform_indices = @transform_4, window_bounds = array<i64: 2, 1024, 128>}, {transform_indices = @transform_5, window_bounds = array<i64: 2, 1024>}, {transform_indices = @transform_6, window_bounds = array<i64: 2, 1024>}]} {
    %get3A = arith.constant 0 : index
    %get3A_0 = arith.constant 0 : index
    %get3A_1 = vector.load %arg1[%get3A, %get3A_0] : memref<1024x128xf32, #tpu.memory_space<vmem>>, vector<1024x128xf32>
    %get3A_2 = arith.constant 0 : index
    %get3A_3 = arith.constant 0 : index
    %get3A_4 = vector.load %arg2[%get3A_2, %get3A_3] : memref<128x256xf32, #tpu.memory_space<vmem>>, vector<128x128xf32>
    %dot_general3A = arith.constant dense<0.000000e+00> : vector<1024x128xf32>
    %dot_general3A_5 = tpu.matmul %get3A_1, %get3A_4, %dot_general3A {dimension_numbers = #tpu.dot_dimension_numbers<[1], [0], [0], [1], [0, 0, 1, 1], [], []>, transpose_lhs_hint = false} : vector<1024x128xf32>, vector<128x128xf32>, vector<1024x128xf32> -> vector<1024x128xf32>
    %get3A_6 = arith.constant 0 : index
    %get3A_7 = arith.constant 128 : index
    %get3A_8 = vector.load %arg2[%get3A_6, %get3A_7] : memref<128x256xf32, #tpu.memory_space<vmem>>, vector<128x128xf32>
    %dot_general3A_9 = arith.constant dense<0.000000e+00> : vector<1024x128xf32>
    %dot_general3A_10 = tpu.matmul %get3A_1, %get3A_8, %dot_general3A_9 {dimension_numbers = #tpu.dot_dimension_numbers<[1], [0], [0], [1], [0, 0, 1, 1], [], []>, transpose_lhs_hint = false} : vector<1024x128xf32>, vector<128x128xf32>, vector<1024x128xf32> -> vector<1024x128xf32>
    %swap3A = arith.constant 0 : index
    %swap3A_11 = arith.constant 0 : index
    %swap3A_12 = arith.constant 0 : index
    %swap3A_13 = vector.load %arg5[%swap3A, %swap3A_11, %swap3A_12] : memref<2x1024x128xf32, #tpu.memory_space<vmem>>, vector<1x1024x128xf32>
    %swap3A_14 = vector.shape_cast %swap3A_13 : vector<1x1024x128xf32> to vector<1024x128xf32>
    %swap3A_15 = vector.shape_cast %dot_general3A_5 : vector<1024x128xf32> to vector<1x1024x128xf32>
    tpu.vector_store %arg5[%swap3A, %swap3A_11, %swap3A_12], %swap3A_15 {strides = array<i32>} : memref<2x1024x128xf32, #tpu.memory_space<vmem>>, vector<1x1024x128xf32>,
    %swap3A_16 = arith.constant 1 : index
    %swap3A_17 = arith.constant 0 : index
    %swap3A_18 = arith.constant 0 : index
    %swap3A_19 = vector.load %arg5[%swap3A_16, %swap3A_17, %swap3A_18] : memref<2x1024x128xf32, #tpu.memory_space<vmem>>, vector<1x1024x128xf32>
    %swap3A_20 = vector.shape_cast %swap3A_19 : vector<1x1024x128xf32> to vector<1024x128xf32>
    %swap3A_21 = vector.shape_cast %dot_general3A_10 : vector<1024x128xf32> to vector<1x1024x128xf32>
    tpu.vector_store %arg5[%swap3A_16, %swap3A_17, %swap3A_18], %swap3A_21 {strides = array<i32>} : memref<2x1024x128xf32, #tpu.memory_space<vmem>>, vector<1x1024x128xf32>,
    %get3A_22 = arith.constant 0 : index
    %get3A_23 = arith.constant 0 : index
    %get3A_24 = vector.load %arg3[%get3A_22, %get3A_23] : memref<2x128xf32, #tpu.memory_space<vmem>>, vector<1x128xf32>
    %get3A_25 = vector.shape_cast %get3A_24 : vector<1x128xf32> to vector<128xf32>
    %broadcast_in_dim3A = vector.shape_cast %get3A_25 : vector<128xf32> to vector<1x128xf32>
    %mul3A = vector.broadcast %broadcast_in_dim3A : vector<1x128xf32> to vector<1024x128xf32>
    %mul3A_26 = arith.mulf %dot_general3A_5, %mul3A : vector<1024x128xf32>
    %reduce_sum3A = arith.constant dense<0.000000e+00> : vector<1024xf32>
    %reduce_sum3A_27 = vector.multi_reduction <add>, %mul3A_26, %reduce_sum3A [1] : vector<1024x128xf32> to vector<1024xf32>
    %swap3A_28 = arith.constant 0 : index
    %swap3A_29 = arith.constant 0 : index
    %swap3A_30 = vector.load %arg6[%swap3A_28, %swap3A_29] : memref<2x1024xf32, #tpu.memory_space<vmem>>, vector<1x1024xf32>
    %swap3A_31 = vector.shape_cast %swap3A_30 : vector<1x1024xf32> to vector<1024xf32>
    %swap3A_32 = vector.shape_cast %reduce_sum3A_27 : vector<1024xf32> to vector<1x1024xf32>
    tpu.vector_store %arg6[%swap3A_28, %swap3A_29], %swap3A_32 {strides = array<i32>} : memref<2x1024xf32, #tpu.memory_space<vmem>>, vector<1x1024xf32>,
    %get3A_33 = arith.constant 1 : index
    %get3A_34 = arith.constant 0 : index
    %get3A_35 = vector.load %arg3[%get3A_33, %get3A_34] : memref<2x128xf32, #tpu.memory_space<vmem>>, vector<1x128xf32>
    %get3A_36 = vector.shape_cast %get3A_35 : vector<1x128xf32> to vector<128xf32>
    %broadcast_in_dim3A_37 = vector.shape_cast %get3A_36 : vector<128xf32> to vector<1x128xf32>
    %mul3A_38 = vector.broadcast %broadcast_in_dim3A_37 : vector<1x128xf32> to vector<1024x128xf32>
    %mul3A_39 = arith.mulf %dot_general3A_10, %mul3A_38 : vector<1024x128xf32>
    %reduce_sum3A_40 = arith.constant dense<0.000000e+00> : vector<1024xf32>
    %reduce_sum3A_41 = vector.multi_reduction <add>, %mul3A_39, %reduce_sum3A_40 [1] : vector<1024x128xf32> to vector<1024xf32>
    %swap3A_42 = arith.constant 1 : index
    %swap3A_43 = arith.constant 0 : index
    %swap3A_44 = vector.load %arg6[%swap3A_42, %swap3A_43] : memref<2x1024xf32, #tpu.memory_space<vmem>>, vector<1x1024xf32>
    %swap3A_45 = vector.shape_cast %swap3A_44 : vector<1x1024xf32> to vector<1024xf32>
    %swap3A_46 = vector.shape_cast %reduce_sum3A_41 : vector<1024xf32> to vector<1x1024xf32>
    tpu.vector_store %arg6[%swap3A_42, %swap3A_43], %swap3A_46 {strides = array<i32>} : memref<2x1024xf32, #tpu.memory_space<vmem>>, vector<1x1024xf32>,
    %get3A_47 = arith.constant 0 : index
    %get3A_48 = arith.constant 0 : index
    %get3A_49 = vector.load %arg4[%get3A_47, %get3A_48] : memref<2x128xf32, #tpu.memory_space<vmem>>, vector<1x128xf32>
    %get3A_50 = vector.shape_cast %get3A_49 : vector<1x128xf32> to vector<128xf32>
    %broadcast_in_dim3A_51 = vector.shape_cast %get3A_50 : vector<128xf32> to vector<1x128xf32>
    %mul3A_52 = vector.broadcast %broadcast_in_dim3A_51 : vector<1x128xf32> to vector<1024x128xf32>
    %mul3A_53 = arith.mulf %dot_general3A_5, %mul3A_52 : vector<1024x128xf32>
    %reduce_sum3A_54 = arith.constant dense<0.000000e+00> : vector<1024xf32>
    %reduce_sum3A_55 = vector.multi_reduction <add>, %mul3A_53, %reduce_sum3A_54 [1] : vector<1024x128xf32> to vector<1024xf32>
    %swap3A_56 = arith.constant 0 : index
    %swap3A_57 = arith.constant 0 : index
    %swap3A_58 = vector.load %arg7[%swap3A_56, %swap3A_57] : memref<2x1024xf32, #tpu.memory_space<vmem>>, vector<1x1024xf32>
    %swap3A_59 = vector.shape_cast %swap3A_58 : vector<1x1024xf32> to vector<1024xf32>
    %swap3A_60 = vector.shape_cast %reduce_sum3A_55 : vector<1024xf32> to vector<1x1024xf32>
    tpu.vector_store %arg7[%swap3A_56, %swap3A_57], %swap3A_60 {strides = array<i32>} : memref<2x1024xf32, #tpu.memory_space<vmem>>, vector<1x1024xf32>,
    %get3A_61 = arith.constant 1 : index
    %get3A_62 = arith.constant 0 : index
    %get3A_63 = vector.load %arg4[%get3A_61, %get3A_62] : memref<2x128xf32, #tpu.memory_space<vmem>>, vector<1x128xf32>
    %get3A_64 = vector.shape_cast %get3A_63 : vector<1x128xf32> to vector<128xf32>
    %broadcast_in_dim3A_65 = vector.shape_cast %get3A_64 : vector<128xf32> to vector<1x128xf32>
    %mul3A_66 = vector.broadcast %broadcast_in_dim3A_65 : vector<1x128xf32> to vector<1024x128xf32>
    %mul3A_67 = arith.mulf %dot_general3A_10, %mul3A_66 : vector<1024x128xf32>
    %reduce_sum3A_68 = arith.constant dense<0.000000e+00> : vector<1024xf32>
    %reduce_sum3A_69 = vector.multi_reduction <add>, %mul3A_67, %reduce_sum3A_68 [1] : vector<1024x128xf32> to vector<1024xf32>
    %swap3A_70 = arith.constant 1 : index
    %swap3A_71 = arith.constant 0 : index
    %swap3A_72 = vector.load %arg7[%swap3A_70, %swap3A_71] : memref<2x1024xf32, #tpu.memory_space<vmem>>, vector<1x1024xf32>
    %swap3A_73 = vector.shape_cast %swap3A_72 : vector<1x1024xf32> to vector<1024xf32>
    %swap3A_74 = vector.shape_cast %reduce_sum3A_69 : vector<1024xf32> to vector<1x1024xf32>
    tpu.vector_store %arg7[%swap3A_70, %swap3A_71], %swap3A_74 {strides = array<i32>} : memref<2x1024xf32, #tpu.memory_space<vmem>>, vector<1x1024xf32>,
    return
  }
  func.func @transform_0(%arg0: i32) -> (i32, i32) {
    %c0_i32 = arith.constant 0 : i32
    %c0_i32_0 = arith.constant 0 : i32
    return %arg0, %c0_i32 : i32, i32
  }
  func.func @transform_1(%arg0: i32) -> (i32, i32) {
    %c0_i32 = arith.constant 0 : i32
    %c0_i32_0 = arith.constant 0 : i32
    %c0_i32_1 = arith.constant 0 : i32
    return %c0_i32, %c0_i32_0 : i32, i32
  }
  func.func @transform_2(%arg0: i32) -> (i32, i32) {
    %c0_i32 = arith.constant 0 : i32
    %c0_i32_0 = arith.constant 0 : i32
    %c0_i32_1 = arith.constant 0 : i32
    return %c0_i32, %c0_i32_0 : i32, i32
  }
  func.func @transform_3(%arg0: i32) -> (i32, i32) {
    %c0_i32 = arith.constant 0 : i32
    %c0_i32_0 = arith.constant 0 : i32
    %c0_i32_1 = arith.constant 0 : i32
    return %c0_i32, %c0_i32_0 : i32, i32
  }
  func.func @transform_4(%arg0: i32) -> (i32, i32, i32) {
    %c0_i32 = arith.constant 0 : i32
    %c0_i32_0 = arith.constant 0 : i32
    %c0_i32_1 = arith.constant 0 : i32
    return %c0_i32, %arg0, %c0_i32_0 : i32, i32, i32
  }
  func.func @transform_5(%arg0: i32) -> (i32, i32) {
    %c0_i32 = arith.constant 0 : i32
    %c0_i32_0 = arith.constant 0 : i32
    return %c0_i32, %arg0 : i32, i32
  }
  func.func @transform_6(%arg0: i32) -> (i32, i32) {
    %c0_i32 = arith.constant 0 : i32
    %c0_i32_0 = arith.constant 0 : i32
    return %c0_i32, %arg0 : i32, i32
  }
}

module attributes {stable_mosaic.version = 14 : i64} {
  func.func @_mid_body(%arg0: i32, %arg1: memref<2x1024x128xf32, #tpu.memory_space<vmem>>, %arg2: memref<2x16x1024xf32, #tpu.memory_space<vmem>>, %arg3: memref<1x256xf32, #tpu.memory_space<vmem>>, %arg4: memref<256x128xf32, #tpu.memory_space<vmem>>, %arg5: memref<1x128xf32, #tpu.memory_space<vmem>>, %arg6: memref<1x128xf32, #tpu.memory_space<vmem>>, %arg7: memref<1024x128xf32, #tpu.memory_space<vmem>>, %arg8: memref<1x1024xf32, #tpu.memory_space<vmem>>, %arg9: memref<1x1024xf32, #tpu.memory_space<vmem>>) attributes {dimension_semantics = [#tpu.dimension_semantics<arbitrary>], iteration_bounds = array<i64: 10>, scalar_prefetch = 0 : i64, scratch_operands = 0 : i64, tpu.core_type = #tpu.core_type<tc>, window_params = [{transform_indices = @transform_0, window_bounds = array<i64: 2, 1024, 128>}, {transform_indices = @transform_1, window_bounds = array<i64: 2, 16, 1024>}, {pipeline_mode = #tpu.pipeline_mode<synchronous>, transform_indices = @transform_2, window_bounds = array<i64: 1, 256>}, {pipeline_mode = #tpu.pipeline_mode<synchronous>, transform_indices = @transform_3, window_bounds = array<i64: 256, 128>}, {pipeline_mode = #tpu.pipeline_mode<synchronous>, transform_indices = @transform_4, window_bounds = array<i64: 1, 128>}, {pipeline_mode = #tpu.pipeline_mode<synchronous>, transform_indices = @transform_5, window_bounds = array<i64: 1, 128>}, {transform_indices = @transform_6, window_bounds = array<i64: 1024, 128>}, {transform_indices = @transform_7, window_bounds = array<i64: 1, 1024>}, {transform_indices = @transform_8, window_bounds = array<i64: 1, 1024>}]} {
    %get3A = arith.constant 0 : index
    %get3A_0 = arith.constant 0 : index
    %get3A_1 = arith.constant 0 : index
    %get3A_2 = vector.load %arg2[%get3A, %get3A_0, %get3A_1] : memref<2x16x1024xf32, #tpu.memory_space<vmem>>, vector<1x16x1024xf32>
    %get3A_3 = vector.shape_cast %get3A_2 : vector<1x16x1024xf32> to vector<16x1024xf32>
    %reduce_sum3A = arith.constant dense<0.000000e+00> : vector<1024xf32>
    %reduce_sum3A_4 = vector.multi_reduction <add>, %get3A_3, %reduce_sum3A [0] : vector<16x1024xf32> to vector<1024xf32>
    %get3A_5 = arith.constant 1 : index
    %get3A_6 = arith.constant 0 : index
    %get3A_7 = arith.constant 0 : index
    %get3A_8 = vector.load %arg2[%get3A_5, %get3A_6, %get3A_7] : memref<2x16x1024xf32, #tpu.memory_space<vmem>>, vector<1x16x1024xf32>
    %get3A_9 = vector.shape_cast %get3A_8 : vector<1x16x1024xf32> to vector<16x1024xf32>
    %reduce_sum3A_10 = arith.constant dense<0.000000e+00> : vector<1024xf32>
    %reduce_sum3A_11 = vector.multi_reduction <add>, %get3A_9, %reduce_sum3A_10 [0] : vector<16x1024xf32> to vector<1024xf32>
    %get3A_12 = arith.constant 0 : index
    %get3A_13 = arith.constant 0 : index
    %get3A_14 = arith.constant 0 : index
    %get3A_15 = vector.load %arg1[%get3A_12, %get3A_13, %get3A_14] : memref<2x1024x128xf32, #tpu.memory_space<vmem>>, vector<1x1024x128xf32>
    %get3A_16 = vector.shape_cast %get3A_15 : vector<1x1024x128xf32> to vector<1024x128xf32>
    %broadcast_in_dim3A = vector.shape_cast %reduce_sum3A_4 : vector<1024xf32> to vector<1024x1xf32>
    %add3A = arith.constant 1.000000e-16 : f32
    %add3A_17 = vector.broadcast %add3A : f32 to vector<1024x1xf32>
    %add3A_18 = arith.addf %broadcast_in_dim3A, %add3A_17 : vector<1024x1xf32>
    %div3A = vector.broadcast %add3A_18 : vector<1024x1xf32> to vector<1024x128xf32>
    %div3A_19 = arith.divf %get3A_16, %div3A : vector<1024x128xf32>
    %get3A_20 = arith.constant 0 : index
    %get3A_21 = arith.constant 0 : index
    %get3A_22 = vector.load %arg3[%get3A_20, %get3A_21] : memref<1x256xf32, #tpu.memory_space<vmem>>, vector<1x128xf32>
    %get3A_23 = vector.shape_cast %get3A_22 : vector<1x128xf32> to vector<128xf32>
    %broadcast_in_dim3A_24 = vector.shape_cast %get3A_23 : vector<128xf32> to vector<1x128xf32>
    %add3A_25 = vector.broadcast %broadcast_in_dim3A_24 : vector<1x128xf32> to vector<1024x128xf32>
    %add3A_26 = arith.addf %div3A_19, %add3A_25 : vector<1024x128xf32>
    %max3A = arith.constant 0.000000e+00 : f32
    %max3A_27 = vector.broadcast %max3A : f32 to vector<1024x128xf32>
    %max3A_28 = arith.maximumf %add3A_26, %max3A_27 : vector<1024x128xf32>
    %get3A_29 = arith.constant 1 : index
    %get3A_30 = arith.constant 0 : index
    %get3A_31 = arith.constant 0 : index
    %get3A_32 = vector.load %arg1[%get3A_29, %get3A_30, %get3A_31] : memref<2x1024x128xf32, #tpu.memory_space<vmem>>, vector<1x1024x128xf32>
    %get3A_33 = vector.shape_cast %get3A_32 : vector<1x1024x128xf32> to vector<1024x128xf32>
    %broadcast_in_dim3A_34 = vector.shape_cast %reduce_sum3A_11 : vector<1024xf32> to vector<1024x1xf32>
    %add3A_35 = arith.constant 1.000000e-16 : f32
    %add3A_36 = vector.broadcast %add3A_35 : f32 to vector<1024x1xf32>
    %add3A_37 = arith.addf %broadcast_in_dim3A_34, %add3A_36 : vector<1024x1xf32>
    %div3A_38 = vector.broadcast %add3A_37 : vector<1024x1xf32> to vector<1024x128xf32>
    %div3A_39 = arith.divf %get3A_33, %div3A_38 : vector<1024x128xf32>
    %get3A_40 = arith.constant 0 : index
    %get3A_41 = arith.constant 128 : index
    %get3A_42 = vector.load %arg3[%get3A_40, %get3A_41] : memref<1x256xf32, #tpu.memory_space<vmem>>, vector<1x128xf32>
    %get3A_43 = vector.shape_cast %get3A_42 : vector<1x128xf32> to vector<128xf32>
    %broadcast_in_dim3A_44 = vector.shape_cast %get3A_43 : vector<128xf32> to vector<1x128xf32>
    %add3A_45 = vector.broadcast %broadcast_in_dim3A_44 : vector<1x128xf32> to vector<1024x128xf32>
    %add3A_46 = arith.addf %div3A_39, %add3A_45 : vector<1024x128xf32>
    %max3A_47 = arith.constant 0.000000e+00 : f32
    %max3A_48 = vector.broadcast %max3A_47 : f32 to vector<1024x128xf32>
    %max3A_49 = arith.maximumf %add3A_46, %max3A_48 : vector<1024x128xf32>
    %get3A_50 = arith.constant 0 : index
    %get3A_51 = arith.constant 0 : index
    %get3A_52 = vector.load %arg4[%get3A_50, %get3A_51] : memref<256x128xf32, #tpu.memory_space<vmem>>, vector<128x128xf32>
    %dot_general3A = arith.constant dense<0.000000e+00> : vector<1024x128xf32>
    %dot_general3A_53 = tpu.matmul %max3A_28, %get3A_52, %dot_general3A {dimension_numbers = #tpu.dot_dimension_numbers<[1], [0], [0], [1], [0, 0, 1, 1], [], []>, transpose_lhs_hint = false} : vector<1024x128xf32>, vector<128x128xf32>, vector<1024x128xf32> -> vector<1024x128xf32>
    %get3A_54 = arith.constant 128 : index
    %get3A_55 = arith.constant 0 : index
    %get3A_56 = vector.load %arg4[%get3A_54, %get3A_55] : memref<256x128xf32, #tpu.memory_space<vmem>>, vector<128x128xf32>
    %dot_general3A_57 = arith.constant dense<0.000000e+00> : vector<1024x128xf32>
    %dot_general3A_58 = tpu.matmul %max3A_49, %get3A_56, %dot_general3A_57 {dimension_numbers = #tpu.dot_dimension_numbers<[1], [0], [0], [1], [0, 0, 1, 1], [], []>, transpose_lhs_hint = false} : vector<1024x128xf32>, vector<128x128xf32>, vector<1024x128xf32> -> vector<1024x128xf32>
    %add3A_59 = arith.addf %dot_general3A_53, %dot_general3A_58 : vector<1024x128xf32>
    %swap3A = arith.constant 0 : index
    %swap3A_60 = arith.constant 0 : index
    %swap3A_61 = vector.load %arg7[%swap3A, %swap3A_60] : memref<1024x128xf32, #tpu.memory_space<vmem>>, vector<1024x128xf32>
    tpu.vector_store %arg7[%swap3A, %swap3A_60], %add3A_59 {strides = array<i32>} : memref<1024x128xf32, #tpu.memory_space<vmem>>, vector<1024x128xf32>,
    %get3A_62 = arith.constant 0 : index
    %get3A_63 = arith.constant 0 : index
    %get3A_64 = vector.load %arg5[%get3A_62, %get3A_63] : memref<1x128xf32, #tpu.memory_space<vmem>>, vector<1x128xf32>
    %get3A_65 = vector.shape_cast %get3A_64 : vector<1x128xf32> to vector<128xf32>
    %broadcast_in_dim3A_66 = vector.shape_cast %get3A_65 : vector<128xf32> to vector<1x128xf32>
    %mul3A = vector.broadcast %broadcast_in_dim3A_66 : vector<1x128xf32> to vector<1024x128xf32>
    %mul3A_67 = arith.mulf %add3A_59, %mul3A : vector<1024x128xf32>
    %reduce_sum3A_68 = arith.constant dense<0.000000e+00> : vector<1024xf32>
    %reduce_sum3A_69 = vector.multi_reduction <add>, %mul3A_67, %reduce_sum3A_68 [1] : vector<1024x128xf32> to vector<1024xf32>
    %swap3A_70 = arith.constant 0 : index
    %swap3A_71 = arith.constant 0 : index
    %swap3A_72 = vector.load %arg8[%swap3A_70, %swap3A_71] : memref<1x1024xf32, #tpu.memory_space<vmem>>, vector<1x1024xf32>
    %swap3A_73 = vector.shape_cast %swap3A_72 : vector<1x1024xf32> to vector<1024xf32>
    %swap3A_74 = vector.shape_cast %reduce_sum3A_69 : vector<1024xf32> to vector<1x1024xf32>
    tpu.vector_store %arg8[%swap3A_70, %swap3A_71], %swap3A_74 {strides = array<i32>} : memref<1x1024xf32, #tpu.memory_space<vmem>>, vector<1x1024xf32>,
    %get3A_75 = arith.constant 0 : index
    %get3A_76 = arith.constant 0 : index
    %get3A_77 = vector.load %arg6[%get3A_75, %get3A_76] : memref<1x128xf32, #tpu.memory_space<vmem>>, vector<1x128xf32>
    %get3A_78 = vector.shape_cast %get3A_77 : vector<1x128xf32> to vector<128xf32>
    %broadcast_in_dim3A_79 = vector.shape_cast %get3A_78 : vector<128xf32> to vector<1x128xf32>
    %mul3A_80 = vector.broadcast %broadcast_in_dim3A_79 : vector<1x128xf32> to vector<1024x128xf32>
    %mul3A_81 = arith.mulf %add3A_59, %mul3A_80 : vector<1024x128xf32>
    %reduce_sum3A_82 = arith.constant dense<0.000000e+00> : vector<1024xf32>
    %reduce_sum3A_83 = vector.multi_reduction <add>, %mul3A_81, %reduce_sum3A_82 [1] : vector<1024x128xf32> to vector<1024xf32>
    %swap3A_84 = arith.constant 0 : index
    %swap3A_85 = arith.constant 0 : index
    %swap3A_86 = vector.load %arg9[%swap3A_84, %swap3A_85] : memref<1x1024xf32, #tpu.memory_space<vmem>>, vector<1x1024xf32>
    %swap3A_87 = vector.shape_cast %swap3A_86 : vector<1x1024xf32> to vector<1024xf32>
    %swap3A_88 = vector.shape_cast %reduce_sum3A_83 : vector<1024xf32> to vector<1x1024xf32>
    tpu.vector_store %arg9[%swap3A_84, %swap3A_85], %swap3A_88 {strides = array<i32>} : memref<1x1024xf32, #tpu.memory_space<vmem>>, vector<1x1024xf32>,
    return
  }
  func.func @transform_0(%arg0: i32) -> (i32, i32, i32) {
    %c0_i32 = arith.constant 0 : i32
    %c0_i32_0 = arith.constant 0 : i32
    %c0_i32_1 = arith.constant 0 : i32
    return %c0_i32, %arg0, %c0_i32_0 : i32, i32, i32
  }
  func.func @transform_1(%arg0: i32) -> (i32, i32, i32) {
    %c0_i32 = arith.constant 0 : i32
    %c0_i32_0 = arith.constant 0 : i32
    %c0_i32_1 = arith.constant 0 : i32
    return %c0_i32, %c0_i32_0, %arg0 : i32, i32, i32
  }
  func.func @transform_2(%arg0: i32) -> (i32, i32) {
    %c0_i32 = arith.constant 0 : i32
    %c0_i32_0 = arith.constant 0 : i32
    %c0_i32_1 = arith.constant 0 : i32
    return %c0_i32, %c0_i32_0 : i32, i32
  }
  func.func @transform_3(%arg0: i32) -> (i32, i32) {
    %c0_i32 = arith.constant 0 : i32
    %c0_i32_0 = arith.constant 0 : i32
    %c0_i32_1 = arith.constant 0 : i32
    return %c0_i32, %c0_i32_0 : i32, i32
  }
  func.func @transform_4(%arg0: i32) -> (i32, i32) {
    %c0_i32 = arith.constant 0 : i32
    %c0_i32_0 = arith.constant 0 : i32
    %c0_i32_1 = arith.constant 0 : i32
    return %c0_i32, %c0_i32_0 : i32, i32
  }
  func.func @transform_5(%arg0: i32) -> (i32, i32) {
    %c0_i32 = arith.constant 0 : i32
    %c0_i32_0 = arith.constant 0 : i32
    %c0_i32_1 = arith.constant 0 : i32
    return %c0_i32, %c0_i32_0 : i32, i32
  }
  func.func @transform_6(%arg0: i32) -> (i32, i32) {
    %c0_i32 = arith.constant 0 : i32
    %c0_i32_0 = arith.constant 0 : i32
    return %arg0, %c0_i32 : i32, i32
  }
  func.func @transform_7(%arg0: i32) -> (i32, i32) {
    %c0_i32 = arith.constant 0 : i32
    %c0_i32_0 = arith.constant 0 : i32
    return %c0_i32, %arg0 : i32, i32
  }
  func.func @transform_8(%arg0: i32) -> (i32, i32) {
    %c0_i32 = arith.constant 0 : i32
    %c0_i32_0 = arith.constant 0 : i32
    return %c0_i32, %arg0 : i32, i32
  }
}

module attributes {stable_mosaic.version = 14 : i64} {
  func.func @_final_body(%arg0: i32, %arg1: memref<2x1024x128xf32, #tpu.memory_space<vmem>>, %arg2: memref<2x16x1024xf32, #tpu.memory_space<vmem>>, %arg3: memref<1x128xf32, #tpu.memory_space<vmem>>, %arg4: memref<128x128xf32, #tpu.memory_space<vmem>>, %arg5: memref<1x128xf32, #tpu.memory_space<vmem>>, %arg6: memref<1x128xf32, #tpu.memory_space<vmem>>, %arg7: memref<1x128xf32, #tpu.memory_space<vmem>>) attributes {dimension_semantics = [#tpu.dimension_semantics<arbitrary>], iteration_bounds = array<i64: 10>, scalar_prefetch = 0 : i64, scratch_operands = 1 : i64, tpu.core_type = #tpu.core_type<tc>, window_params = [{transform_indices = @transform_0, window_bounds = array<i64: 2, 1024, 128>}, {transform_indices = @transform_1, window_bounds = array<i64: 2, 16, 1024>}, {pipeline_mode = #tpu.pipeline_mode<synchronous>, transform_indices = @transform_2, window_bounds = array<i64: 1, 128>}, {pipeline_mode = #tpu.pipeline_mode<synchronous>, transform_indices = @transform_3, window_bounds = array<i64: 128, 128>}, {pipeline_mode = #tpu.pipeline_mode<synchronous>, transform_indices = @transform_4, window_bounds = array<i64: 1, 128>}, {pipeline_mode = #tpu.pipeline_mode<synchronous>, transform_indices = @transform_5, window_bounds = array<i64: 1, 128>}]} {
    %eq3A = arith.constant 0 : i32
    %eq3A_0 = arith.cmpi eq, %arg0, %eq3A : i32
    %convert_element_type3A = arith.extui %eq3A_0 : i1 to i32
    %cond3A = arith.constant 0 : i32
    %cond3A_1 = arith.cmpi ne, %convert_element_type3A, %cond3A : i32
    scf.if %cond3A_1 {
      %broadcast_in_dim3A_60 = arith.constant 0.000000e+00 : f32
      %broadcast_in_dim3A_61 = vector.broadcast %broadcast_in_dim3A_60 : f32 to vector<1x128xf32>
      %swap3A_62 = arith.constant 0 : index
      %swap3A_63 = arith.constant 0 : index
      %swap3A_64 = vector.load %arg7[%swap3A_62, %swap3A_63] : memref<1x128xf32, #tpu.memory_space<vmem>>, vector<1x128xf32>
      tpu.vector_store %arg7[%swap3A_62, %swap3A_63], %broadcast_in_dim3A_61 {strides = array<i32>} : memref<1x128xf32, #tpu.memory_space<vmem>>, vector<1x128xf32>,
    } else {
    }
    %get3A = arith.constant 0 : index
    %get3A_2 = arith.constant 0 : index
    %get3A_3 = arith.constant 0 : index
    %get3A_4 = vector.load %arg2[%get3A, %get3A_2, %get3A_3] : memref<2x16x1024xf32, #tpu.memory_space<vmem>>, vector<1x16x1024xf32>
    %get3A_5 = vector.shape_cast %get3A_4 : vector<1x16x1024xf32> to vector<16x1024xf32>
    %reduce_sum3A = arith.constant dense<0.000000e+00> : vector<1024xf32>
    %reduce_sum3A_6 = vector.multi_reduction <add>, %get3A_5, %reduce_sum3A [0] : vector<16x1024xf32> to vector<1024xf32>
    %get3A_7 = arith.constant 1 : index
    %get3A_8 = arith.constant 0 : index
    %get3A_9 = arith.constant 0 : index
    %get3A_10 = vector.load %arg2[%get3A_7, %get3A_8, %get3A_9] : memref<2x16x1024xf32, #tpu.memory_space<vmem>>, vector<1x16x1024xf32>
    %get3A_11 = vector.shape_cast %get3A_10 : vector<1x16x1024xf32> to vector<16x1024xf32>
    %reduce_sum3A_12 = arith.constant dense<0.000000e+00> : vector<1024xf32>
    %reduce_sum3A_13 = vector.multi_reduction <add>, %get3A_11, %reduce_sum3A_12 [0] : vector<16x1024xf32> to vector<1024xf32>
    %add3A = arith.addf %reduce_sum3A_6, %reduce_sum3A_13 : vector<1024xf32>
    %get3A_14 = arith.constant 0 : index
    %get3A_15 = arith.constant 0 : index
    %get3A_16 = arith.constant 0 : index
    %get3A_17 = vector.load %arg1[%get3A_14, %get3A_15, %get3A_16] : memref<2x1024x128xf32, #tpu.memory_space<vmem>>, vector<1x1024x128xf32>
    %get3A_18 = vector.shape_cast %get3A_17 : vector<1x1024x128xf32> to vector<1024x128xf32>
    %get3A_19 = arith.constant 1 : index
    %get3A_20 = arith.constant 0 : index
    %get3A_21 = arith.constant 0 : index
    %get3A_22 = vector.load %arg1[%get3A_19, %get3A_20, %get3A_21] : memref<2x1024x128xf32, #tpu.memory_space<vmem>>, vector<1x1024x128xf32>
    %get3A_23 = vector.shape_cast %get3A_22 : vector<1x1024x128xf32> to vector<1024x128xf32>
    %add3A_24 = arith.addf %get3A_18, %get3A_23 : vector<1024x128xf32>
    %broadcast_in_dim3A = vector.shape_cast %add3A : vector<1024xf32> to vector<1024x1xf32>
    %add3A_25 = arith.constant 1.000000e-16 : f32
    %add3A_26 = vector.broadcast %add3A_25 : f32 to vector<1024x1xf32>
    %add3A_27 = arith.addf %broadcast_in_dim3A, %add3A_26 : vector<1024x1xf32>
    %div3A = vector.broadcast %add3A_27 : vector<1024x1xf32> to vector<1024x128xf32>
    %div3A_28 = arith.divf %add3A_24, %div3A : vector<1024x128xf32>
    %get3A_29 = arith.constant 0 : index
    %get3A_30 = arith.constant 0 : index
    %get3A_31 = vector.load %arg3[%get3A_29, %get3A_30] : memref<1x128xf32, #tpu.memory_space<vmem>>, vector<1x128xf32>
    %get3A_32 = vector.shape_cast %get3A_31 : vector<1x128xf32> to vector<128xf32>
    %broadcast_in_dim3A_33 = vector.shape_cast %get3A_32 : vector<128xf32> to vector<1x128xf32>
    %add3A_34 = vector.broadcast %broadcast_in_dim3A_33 : vector<1x128xf32> to vector<1024x128xf32>
    %add3A_35 = arith.addf %div3A_28, %add3A_34 : vector<1024x128xf32>
    %max3A = arith.constant 0.000000e+00 : f32
    %max3A_36 = vector.broadcast %max3A : f32 to vector<1024x128xf32>
    %max3A_37 = arith.maximumf %add3A_35, %max3A_36 : vector<1024x128xf32>
    %mul3A = arith.constant 1024 : i32
    %mul3A_38 = arith.muli %arg0, %mul3A : i32
    %iota3A = tpu.iota {dimensions = array<i32: 0>} : vector<1024x1xi32>
    %add3A_39 = vector.broadcast %mul3A_38 : i32 to vector<1024x1xi32>
    %add3A_40 = arith.addi %add3A_39, %iota3A : vector<1024x1xi32>
    %lt3A = arith.constant 10000 : i32
    %lt3A_41 = vector.broadcast %lt3A : i32 to vector<1024x1xi32>
    %lt3A_42 = arith.cmpi slt, %add3A_40, %lt3A_41 : vector<1024x1xi32>
    %jit3A = arith.constant 0.000000e+00 : f32
    %broadcast_in_dim3A_43 = vector.shape_cast %lt3A_42 : vector<1024x1xi1> to vector<1024x1xi1>
    %broadcast_in_dim3A_44 = vector.broadcast %broadcast_in_dim3A_43 : vector<1024x1xi1> to vector<1024x128xi1>
    %broadcast_in_dim3A_45 = vector.broadcast %jit3A : f32 to vector<1024x128xf32>
    %select_n3A = arith.select %broadcast_in_dim3A_44, %max3A_37, %broadcast_in_dim3A_45 : vector<1024x128xi1>, vector<1024x128xf32>
    %get3A_46 = arith.constant 0 : index
    %get3A_47 = arith.constant 0 : index
    %get3A_48 = vector.load %arg7[%get3A_46, %get3A_47] : memref<1x128xf32, #tpu.memory_space<vmem>>, vector<1x128xf32>
    %reduce_sum3A_49 = arith.constant dense<0.000000e+00> : vector<128xf32>
    %reduce_sum3A_50 = vector.multi_reduction <add>, %select_n3A, %reduce_sum3A_49 [0] : vector<1024x128xf32> to vector<128xf32>
    %broadcast_in_dim3A_51 = vector.shape_cast %reduce_sum3A_50 : vector<128xf32> to vector<1x128xf32>
    %add3A_52 = arith.addf %get3A_48, %broadcast_in_dim3A_51 : vector<1x128xf32>
    %swap3A = arith.constant 0 : index
    %swap3A_53 = arith.constant 0 : index
    %swap3A_54 = vector.load %arg7[%swap3A, %swap3A_53] : memref<1x128xf32, #tpu.memory_space<vmem>>, vector<1x128xf32>
    tpu.vector_store %arg7[%swap3A, %swap3A_53], %add3A_52 {strides = array<i32>} : memref<1x128xf32, #tpu.memory_space<vmem>>, vector<1x128xf32>,
    %eq3A_55 = arith.constant 9 : i32
    %eq3A_56 = arith.cmpi eq, %arg0, %eq3A_55 : i32
    %convert_element_type3A_57 = arith.extui %eq3A_56 : i1 to i32
    %cond3A_58 = arith.constant 0 : i32
    %cond3A_59 = arith.cmpi ne, %convert_element_type3A_57, %cond3A_58 : i32
    scf.if %cond3A_59 {
      %get3A_60 = arith.constant 0 : index
      %get3A_61 = arith.constant 0 : index
      %get3A_62 = vector.load %arg7[%get3A_60, %get3A_61] : memref<1x128xf32, #tpu.memory_space<vmem>>, vector<1x128xf32>
      %div3A_63 = arith.constant 1.000000e+04 : f32
      %div3A_64 = vector.broadcast %div3A_63 : f32 to vector<1x128xf32>
      %div3A_65 = arith.divf %get3A_62, %div3A_64 : vector<1x128xf32>
      %get3A_66 = arith.constant 0 : index
      %get3A_67 = arith.constant 0 : index
      %get3A_68 = vector.load %arg4[%get3A_66, %get3A_67] : memref<128x128xf32, #tpu.memory_space<vmem>>, vector<128x128xf32>
      %dot_general3A = arith.constant dense<0.000000e+00> : vector<1x128xf32>
      %dot_general3A_69 = tpu.matmul %div3A_65, %get3A_68, %dot_general3A {dimension_numbers = #tpu.dot_dimension_numbers<[1], [0], [0], [1], [0, 0, 1, 1], [], []>, transpose_lhs_hint = false} : vector<1x128xf32>, vector<128x128xf32>, vector<1x128xf32> -> vector<1x128xf32>
      %get3A_70 = arith.constant 0 : index
      %get3A_71 = arith.constant 0 : index
      %get3A_72 = vector.load %arg5[%get3A_70, %get3A_71] : memref<1x128xf32, #tpu.memory_space<vmem>>, vector<1x128xf32>
      %add3A_73 = arith.addf %dot_general3A_69, %get3A_72 : vector<1x128xf32>
      %mul3A_74 = arith.mulf %add3A_73, %add3A_73 : vector<1x128xf32>
      %reduce_sum3A_75 = vector.shape_cast %mul3A_74 : vector<1x128xf32> to vector<1x1x128xf32>
      %reduce_sum3A_76 = arith.constant dense<0.000000e+00> : vector<1xf32>
      %reduce_sum3A_77 = vector.multi_reduction <add>, %reduce_sum3A_75, %reduce_sum3A_76 [1, 2] : vector<1x1x128xf32> to vector<1xf32>
      %reduce_sum3A_78 = vector.shape_cast %reduce_sum3A_77 : vector<1xf32> to vector<1x1x1xf32>
      %reduce_sum3A_79 = vector.extract %reduce_sum3A_78[0, 0, 0] : f32 from vector<1x1x1xf32>
      %sqrt3A = math.sqrt %reduce_sum3A_79 : f32
      %max3A_80 = arith.constant 9.99999996E-13 : f32
      %max3A_81 = arith.maximumf %sqrt3A, %max3A_80 : f32
      %div3A_82 = vector.broadcast %max3A_81 : f32 to vector<1x128xf32>
      %div3A_83 = arith.divf %add3A_73, %div3A_82 : vector<1x128xf32>
      %swap3A_84 = arith.constant 0 : index
      %swap3A_85 = arith.constant 0 : index
      %swap3A_86 = vector.load %arg6[%swap3A_84, %swap3A_85] : memref<1x128xf32, #tpu.memory_space<vmem>>, vector<1x128xf32>
      tpu.vector_store %arg6[%swap3A_84, %swap3A_85], %div3A_83 {strides = array<i32>} : memref<1x128xf32, #tpu.memory_space<vmem>>, vector<1x128xf32>,
    } else {
    }
    return
  }
  func.func @transform_0(%arg0: i32) -> (i32, i32, i32) {
    %c0_i32 = arith.constant 0 : i32
    %c0_i32_0 = arith.constant 0 : i32
    %c0_i32_1 = arith.constant 0 : i32
    return %c0_i32, %arg0, %c0_i32_0 : i32, i32, i32
  }
  func.func @transform_1(%arg0: i32) -> (i32, i32, i32) {
    %c0_i32 = arith.constant 0 : i32
    %c0_i32_0 = arith.constant 0 : i32
    %c0_i32_1 = arith.constant 0 : i32
    return %c0_i32, %c0_i32_0, %arg0 : i32, i32, i32
  }
  func.func @transform_2(%arg0: i32) -> (i32, i32) {
    %c0_i32 = arith.constant 0 : i32
    %c0_i32_0 = arith.constant 0 : i32
    %c0_i32_1 = arith.constant 0 : i32
    return %c0_i32, %c0_i32_0 : i32, i32
  }
  func.func @transform_3(%arg0: i32) -> (i32, i32) {
    %c0_i32 = arith.constant 0 : i32
    %c0_i32_0 = arith.constant 0 : i32
    %c0_i32_1 = arith.constant 0 : i32
    return %c0_i32, %c0_i32_0 : i32, i32
  }
  func.func @transform_4(%arg0: i32) -> (i32, i32) {
    %c0_i32 = arith.constant 0 : i32
    %c0_i32_0 = arith.constant 0 : i32
    %c0_i32_1 = arith.constant 0 : i32
    return %c0_i32, %c0_i32_0 : i32, i32
  }
  func.func @transform_5(%arg0: i32) -> (i32, i32) {
    %c0_i32 = arith.constant 0 : i32
    %c0_i32_0 = arith.constant 0 : i32
    %c0_i32_1 = arith.constant 0 : i32
    return %c0_i32, %c0_i32_0 : i32, i32
  }
}

</mosaic_0001>

<sc_bundles>
// kernel: kernel.10.cloned.1.call-start
scs
__scs_entry_jumppad:
0x0: {  	(pc) =	sbr.rel $0x88, $3  }
0x1: {  	(tag) =	ssettag $0x0;
	lr =	simm.s32 $0x1  }
0x2: {  	[smem:$0x3F95] =	sst lr;
	_ =	strace $0xD0000000  }
0x3: {  	_ = 	snop  }
0x4: {  	_ = 	snop  }
0x5: {  	_ = 	snop  }
0x6: {  	_ = 	snop  }
0x7: {  	_ = 	snop  }
__scs_overlays_trampoline_lowered:
0x8: {  	[smem:$0x3FA4] =	sst s0  }
0x9: {  	[smem:$0x3FA5] =	sst s1  }
0xa: {  	[smem:$0x3FA6] =	sst s2  }
0xb: {  	[smem:$0x3FA7] =	sst s3  }
0xc: {  	[smem:$0x3FA8] =	sst s4  }
0xd: {  	[smem:$0x3FA9] =	sst s5  }
0xe: {  	[smem:$0x3FAA] =	sst s6  }
0xf: {  	[smem:$0x3FAB] =	sst s7  }
0x10: {  	[smem:$0x3FAC] =	sst s8  }
0x11: {  	[smem:$0x3FAD] =	sst s9;
	s0 =	simm.s32 @!p0 $0x0  }
0x12: {  	s1 =	sld [smem:$0x3F93];
	s0 =	simm.s32 @p0 $0x1  }
0x13: {  	[smem:$0x3FAE] =	sst s0;
	s0 =	simm.s32 @!p1 $0x0  }
0x14: {  	s2 =	sld [smem:$0x3F92];
	s0 =	simm.s32 @p1 $0x1  }
0x15: {  	[smem:$0x3FAF] =	sst s0;
	s0 =	simm.s32 @!p2 $0x0  }
0x16: {  	s3 =	sld [smem:$0x3FDB];
	s0 =	simm.s32 @p2 $0x1  }
0x17: {  	s4 =	simm.s32 $0x1BF5;
	[smem:$0x3FB1] =	sst s0  }
0x18: {  	s0 =	sld [smem:$0x3F94];
	_ =	swait.ge [sflag:s4], $0x0  }
0x19: {  	s7 =	sld [smem:$0x3F95]  }
0x1a: {  	s8 =	sadd.s32 $0xFFFFE003, lr  }
0x1b: {  	s9 =	sadd.s32 $0xFFFFFEF7, lr;
	s5 =	simm.s32 $0xFFFFFFFF;
	p2 =	slt.u32 s8, $0xFFFFF086  }
0x1c: {  	p1 =	slt.u32 s9, $0xF7A;
	s5 =	simm.s32 @!p2 $0x0  }
0x1d: {  	s5 =	simm.s32 @p1 $0x1;
	p0 =	seq.s32 s7, s2  }
0x1e: {  	s7 =	smul.u32 @!p0 $0xF7A, s2;
	p2 =	seq.s32 @!p0 s5, $0x0  }
0x1f: {  	s9 =	smul.u32 $0xF7A, s1;
	s8 =	simm.s32 @!p0 $0x1BF5;
	p2 =	por !p2, p0  }
0x20: {  	[sflag:s8] =	ssyncset.s32 @!p0 $0xFFFFF086;
	s6 =	sadd.s32 @!p0 s3, s7;
	s7 =	simm.s32 @!p0 $0x108  }
0x21: {  	s3 =	sadd.s32 s3, s9;
	s6 =	sadd.s32 @!p0 $0x88, s6;
	s7 =	simm.s32 @p2 $0x1082  }
0x22: {  	[simem:s7], [sflag:s8] =	dma.local @!p0 [hbm:s6], $0xF7A  }
0x23: {  	s9 =	sor.u32 $0xD0000000, s2;
	s6 =	simm.s32 $0x108;
	_ =	swait.ge @!p0 [sflag:s8], $0x0  }
0x24: {  	s3 =	sadd.s32 $0x88, s3;
	s6 =	simm.s32 @!p1 $0x1082;
	[sflag:s4] =	ssyncset.s32 $0xFFFFF086  }
0x25: {  	[simem:s6], [sflag:s4] =	dma.local [hbm:s3], $0xF7A  }
0x26: {  	[smem:$0x3F95] =	sst s1;
	(tag) =	ssettag s2;
	_ =	strace s9  }
0x27: {  	s1 =	sld [smem:$0x3FA5]  }
0x28: {  	s2 =	sld [smem:$0x3FA6]  }
0x29: {  	s4 =	sld [smem:$0x3FA8]  }
0x2a: {  	p0 =	seq.s32 s5, $0x0;
	s5 =	sld [smem:$0x3FA9]  }
0x2b: {  	s6 =	sld [smem:$0x3FAA]  }
0x2c: {  	s7 =	sld [smem:$0x3FAB]  }
0x2d: {  	s3 =	simm.s32 $0x108;
	s8 =	sld [smem:$0x3FAC]  }
0x2e: {  	s3 =	simm.s32 @!p0 $0x1082;
	s9 =	sld [smem:$0x3FAD]  }
0x2f: {  	lr =	sadd.s32 s0, s3;
	s0 =	sld [smem:$0x3FA4]  }
0x30: {  	s3 =	sld [smem:$0x3FA7]  }
0x31: {  	[smem:$0x3FB0] =	sst s10  }
0x32: {  	s10 =	sld [smem:$0x3FAE];
	_ =	sdelay $0x3  }
0x33: {  	p0 =	seq.s32 s10, $0x1;
	s10 =	sld [smem:$0x3FB0];
	_ =	sdelay $0x3  }
0x34: {  	[smem:$0x3FB0] =	sst s10  }
0x35: {  	s10 =	sld [smem:$0x3FAF];
	_ =	sdelay $0x3  }
0x36: {  	p1 =	seq.s32 s10, $0x1;
	s10 =	sld [smem:$0x3FB0];
	_ =	sdelay $0x3  }
0x37: {  	[smem:$0x3FB0] =	sst s10  }
0x38: {  	s10 =	sld [smem:$0x3FB1]  }
0x39: {  	_ = 	snop;
	(pc) =	sbr.ind lr, $3  }
0x3a: {  	_ = 	snop  }
0x3b: {  	_ = 	snop  }
0x3c: {  	p2 =	seq.s32 s10, $0x1;
	s10 =	sld [smem:$0x3FB0]  }
0x3d: {  	_ =	shalt  }
0x3e: {  	_ =	shalt  }
0x3f: {  	_ =	shalt  }
0x40: {  	_ =	shalt  }
0x41: {  	_ =	shalt  }
0x42: {  	_ =	shalt  }
0x43: {  	_ =	shalt  }
0x44: {  	_ =	shalt  }
0x45: {  	_ =	shalt  }
0x46: {  	_ =	shalt  }
0x47: {  	_ =	shalt  }
0x48: {  	_ =	shalt  }
0x49: {  	_ =	shalt  }
0x4a: {  	_ =	shalt  }
0x4b: {  	_ =	shalt  }
0x4c: {  	_ =	shalt  }
0x4d: {  	_ =	shalt  }
0x4e: {  	_ =	shalt  }
0x4f: {  	_ =	shalt  }
0x50: {  	_ =	shalt  }
0x51: {  	_ =	shalt  }
0x52: {  	_ =	shalt  }
0x53: {  	_ =	shalt  }
0x54: {  	_ =	shalt  }
0x55: {  	_ =	shalt  }
0x56: {  	_ =	shalt  }
0x57: {  	_ =	shalt  }
0x58: {  	_ =	shalt  }
0x59: {  	_ =	shalt  }
0x5a: {  	_ =	shalt  }
0x5b: {  	_ =	shalt  }
0x5c: {  	_ =	shalt  }
0x5d: {  	_ =	shalt  }
0x5e: {  	_ =	shalt  }
0x5f: {  	_ =	shalt  }
0x60: {  	_ =	shalt  }
0x61: {  	_ =	shalt  }
0x62: {  	_ =	shalt  }
0x63: {  	_ =	shalt  }
0x64: {  	_ =	shalt  }
0x65: {  	_ =	shalt  }
0x66: {  	_ =	shalt  }
0x67: {  	_ =	shalt  }
0x68: {  	_ =	shalt  }
0x69: {  	_ =	shalt  }
0x6a: {  	_ =	shalt  }
0x6b: {  	_ =	shalt  }
0x6c: {  	_ =	shalt  }
0x6d: {  	_ =	shalt  }
0x6e: {  	_ =	shalt  }
0x6f: {  	_ =	shalt  }
0x70: {  	_ =	shalt  }
0x71: {  	_ =	shalt  }
0x72: {  	_ =	shalt  }
0x73: {  	_ =	shalt  }
0x74: {  	_ =	shalt  }
0x75: {  	_ =	shalt  }
0x76: {  	_ =	shalt  }
0x77: {  	_ =	shalt  }
0x78: {  	_ =	shalt  }
0x79: {  	_ =	shalt  }
0x7a: {  	_ =	shalt  }
0x7b: {  	_ =	shalt  }
0x7c: {  	_ =	shalt  }
0x7d: {  	_ =	shalt  }
0x7e: {  	_ =	shalt  }
0x7f: {  	_ =	shalt  }
0x80: {  	_ =	shalt  }
0x81: {  	_ =	shalt  }
0x82: {  	_ =	shalt  }
0x83: {  	_ =	shalt  }
0x84: {  	_ =	shalt  }
0x85: {  	_ =	shalt  }
0x86: {  	_ =	shalt  }
0x87: {  	_ =	shalt  }
.Lfunc_end0:
.L_simem_size_0:
called_computation.1_lowered:
.L_overlay_start_0:
0x88: {  	s2 =	sld [smem:$0x3FD9]  }
0x89: {  	s3 =	sld [smem:$0x3FFE];
	_ =	sdelay $0x1  }
0x8a: {  	s1 =	srdreg.scid  }
0x8b: {  	s0 =	sand.u32 $0x1, s1  }
0x8c: {  	s16 =	sshll.u32 s0, $0xA;
	s2 =	sadd.s32 s3, s2  }
0x8d: {  	s2 =	sadd.s32 s2, s16  }
0x8e: {  	[smem:$0x3FBC] =	sst s2  }
0x8f: {  	_ = 	snop  }
0x90: {  	(tm) =	ssettm $0x1  }
0x91: {  	s17 =	sld [smem:$0x3FFB];
	_ =	sdelay $0x3  }
0x92: {  	_ =	strace s17  }
0x93: {  	s2 =	sld [smem:$0x3FFC];
	_ =	sdelay $0x3  }
0x94: {  	_ =	strace s2  }
0x95: {  	s2 =	sld [smem:$0x3FFD];
	_ =	sdelay $0x3  }
0x96: {  	_ =	strace s2  }
0x97: {  	_ =	strace $0x8FFFFFFF  }
0x98: {  	s18 =	sld [smem:$0x3FDB];
	_ =	sdelay $0x1  }
0x99: {  	s19 =	simm.s32 $_scs_section_size  }
0x9a: {  	s4 =	simm.s32 $_size__tile_overlayer_lowered;
	s5 =	simm.s32 $_tile_overlayer_lowered  }
0x9b: {  	s22 =	simm.s32 $0x1BFF;
	s21 =	sshll.u32 s5, $0x1;
	s2 =	sadd.s32 s19, s18  }
0x9c: {  	s6 =	simm.s32 $0x0;
	s20 =	sshll.u32 s4, $0x1;
	s4 =	sadd.s32 s21, s2  }
0x9d: {  	[timem:s6], [sflag:s22] =	dma.local [hbm:s4], s20  }
0x9e: {  	_ =	swait.ge [sflag:s22], s20  }
0x9f: {  	s3 =	ssub.s32 $0x0, s20;
	[sflag:s22] =	ssyncset.done $0x0  }
0xa0: {  	[sflag:s22] =	ssyncadd.s32 s3;
	_ =	sdelay $0x1  }
0xa1: {  	s23 =	simm.s32 $0x1B8B  }
0xa2: {  	_ =	swait.ge [sflag:s23], $0x1  }
0xa3: {  	[sflag:s23] =	ssyncset.done $0x0  }
0xa4: {  	s25 =	simm.s32 $0x1B8E;
	s24 =	sld [smem:$0x3FFE];
	[sflag:s23] =	ssyncadd.s32 $0xFFFFFFFF  }
0xa5: {  	s26 =	simm.s32 $execute0_lowered;
	[smem:$0x3FD2] =	sst s25  }
0xa6: {  	s4 =	sshll.u32 s26, $0x1;
	_ =	strace $0x80000049;
	[dreg:$0x1] =	wrdreg $0xFFFFFFFF  }
0xa7: {  	s28 =	simm.s32 $_size_execute0_lowered;
	s2 =	sadd.s32 s2, s4;
	[dreg:$0x0] =	wrdreg $0x0  }
0xa8: {  	s4 =	sshll.u32 s28, $0x1;
	[dreg:$0x2] =	wrdreg s2  }
0xa9: {  	[dreg:$0x3] =	wrdreg s4  }
0xaa: {  	[dreg:$0x4] =	wrdreg $0xC0  }
0xab: {  	_ =	task [dreg:s6], $0x5FFFF  }
0xac: {  	[dreg:$0x1] =	wrdreg $0xFFFFFFFF  }
0xad: {  	[dreg:$0x0] =	wrdreg $0x60  }
0xae: {  	[dreg:$0x2] =	wrdreg s24  }
0xaf: {  	[dreg:$0x3] =	wrdreg $0xB9800  }
0xb0: {  	[dreg:$0x4] =	wrdreg $0x9  }
0xb1: {  	_ =	task.clear_ibuf [dreg:s6], $0x5FFFF;
	_ =	strace $0x90000049  }
0xb2: {  	s29 =	simm.s32 $0x9;
	_ =	strace $0x8000004B  }
0xb3: {  	_ =	swait.ge [sflag:s29], $0x1  }
0xb4: {  	[sflag:s29] =	ssyncadd.s32 $0xFFFFFFFF  }
0xb5: {  	_ =	strace $0x9000004B  }
0xb6: {  	_ =	sfence  }
0xb7: {  	s30 =	sld [smem:$0x0];
	_ =	sdelay $0x2  }
0xb8: {  	s31 =	sshll.u32 s1, $0xD;
	s1 =	sshrl.u32 s1, $0x2  }
0xb9: {  	s3 =	sand.u32 $0x4000, s31;
	s1 =	sadd.s32 s1, s30  }
0xba: {  	s0 =	sor.u32 s3, s0;
	s1 =	sshll.u32 s1, $0x11  }
0xbb: {  	s0 =	sor.u32 s1, s0  }
0xbc: {  	s0 =	sadd.s32 $0x8F2B, s0  }
0xbd: {  	[sflag:s0] =	ssyncadd.remote.s32 $0x1  }
0xbe: {  	_ =	sfence.sel $0xFFFF  }
0xbf: {  	[dreg:$0x0] =	wrdreg $0xFFFFFFFF;
	(pc) =	sbr.abs _section_cstart, $3  }
0xc0: {  	[dreg:$0x1] =	wrdreg $0xFFFFFFFF  }
0xc1: {  	_ =	task.clear_ibuf [dreg:s6], $0x2FFFF;
	_ =	strace $0x9FFFFFFF  }
0xc2: {  	(tm) =	ssettm $0x7FFFFFFF  }
0xc3: {  	_ =	shalt  }
tec
execute0_lowered:
.L_overlay_start_1:
0x0: {  	(tag) =	ssettag $0x1  }
0x1: {  	s0 =	rddreg [dreg:$0x0]  }
0x2: {  	s1 =	rddreg [dreg:$0x1];
	s2 =	simm.s32 $0x0  }
0x3: {  	s3 =	srdreg.scid;
	s12 =	stileid.u32;
	s18 =	simm.s32 $0x3  }
0x4: {  	s19 =	simm.s32 $0x2800;
	s20 =	simm.s32 $0x7980;
	s21 =	simm.s32 $0x7900  }
0x5: {  	v0 =	vimm.s32 $0xEFCDAB89;
	s22 =	simm.s32 $0x7800;
	s23 =	simm.s32 $0x7880;
	s24 =	simm.s32 $0x5000  }
0x6: {  	v1 =	vimm.s32 $0x67452301;
	v2 =	vimm.s32 $0xDCFE98BA;
	v3 =	vimm.s32 $0x54761032;
	s28 =	simm.s32 $0x2;
	s29 =	simm.s32 $0x0;
	s30 =	simm.s32 $0x0  }
0x7: {  	v4 =	vimm.s32 $0xBA98FEDC;
	v5 =	vimm.s32 $0x32107654;
	[smem:$0x7FF] =	sst s2;
	s3 =	sand.u32 $0x1, s3;
	s4 =	sadd.s32 $0x2E00, s0  }
0x8: {  	v6 =	vimm.s32 $0xFEDCBA98;
	s9 =	smul.u32 $0x2800, s12;
	s25 =	sadd.s32 $0x2AE00, s0;
	s6 =	sadd.s32 $0x2B400, s0  }
0x9: {  	v7 =	vimm.s32 $0x76543210;
	v0 =	vunpack.c.l.s4.s8 v0;
	v1 =	vunpack.c.l.s4.s8 v1;
	s7 =	sadd.s32 $0x5E400, s0;
	_ =	strace $0x8000004A;
	s8 =	smul.u32 $0x28000, s3  }
0xa: {  	v2 =	vunpack.c.l.s4.s8 v2;
	v3 =	vunpack.c.l.s4.s8 v3;
	v4 =	vunpack.c.l.s4.s8 v4;
	s5 =	sshll.u32 s3, $0x4;
	[dreg:$0x3] =	wrdreg s25;
	s3 =	ssub.s32 $0x2, s3  }
0xb: {  	v5 =	vunpack.c.l.s4.s8 v5;
	v6 =	vunpack.c.l.s4.s8 v6;
	v7 =	vunpack.c.l.s4.s8 v7;
	s25 =	simm.s32 $0x80;
	s10 =	sor.u32 s12, s5;
	s12 =	smul.u32 $0x50000, s12  }
0xc: {  	v0 =	vunpack.c.0.s8.s32 v0;
	v1 =	vunpack.c.0.s8.s32 v1;
	v2 =	vunpack.c.0.s8.s32 v2;
	s26 =	sshrl.u32 s3, $0x1;
	s11 =	smul.u32 $0x500, s10;
	s9 =	sadd.s32 s9, s8  }
0xd: {  	v3 =	vunpack.c.0.s8.s32 v3;
	v4 =	vunpack.c.0.s8.s32 v4;
	v5 =	vunpack.c.0.s8.s32 v5;
	s8 =	sadd.s32 $0x54200, s0;
	s3 =	ssub.s32 s3, s26;
	s10 =	smul.u32 $0x51, s10  }
0xe: {  	v6 =	vunpack.c.0.s8.s32 v6;
	s26 =	simm.s32 $0x1;
	s13 =	sadd.s32 s9, s0;
	s31 =	sshrl.u32 s12, $0x2;
	v1 =	vcombine.low v1, v0  }
0xf: {  	v2 =	vcombine.low v3, v2;
	v3 =	vcombine.low v5, v4;
	v4 =	vunpack.c.0.s8.s32 v7;
	s0 =	sadd.s32 s11, s0;
	s9 =	sadd.s32 s31, s1;
	s12 =	sadd.s32 $0x68600, s13  }
0x10: {  	v0 =	vimm.f32 $0.0e+00;
	v5 =	vand.u32 $0xF, v6;
	s13 =	smax.u32 s3, $0x1;
	s11 =	sadd.s32 $0x2BA00, s0;
	s14 =	sadd.s32 $0x4000, s9;
	v1 =	vand.u32 $0xF, v1  }
0x11: {  	s15 =	sadd.s32 $0x8000, s9;
	s16 =	sadd.s32 $0xC000, s9;
	s17 =	sadd.s32 $0x10000, s9;
	v2 =	vand.u32 $0xF, v2;
	v3 =	vand.u32 $0xF, v3;
	v4 =	vcombine.low v5, v4  }
.LBB2_1:
0x12: {  	s0 =	rddreg [dreg:$0x3]  }
0x13: {  	[tilespmem:s2], [sflag:$0x3] =	stream.linear.gather [hbm4b:s0+s2], $0x2800, $0x38;
	[tilespmem:$0x1F980] =	vst v63  }
0x14: {  	_ =	swait.ge [sflag:s18], $0x2800  }
0x15: {  	[sflag:s18] =	ssyncset.done $0x0  }
0x16: {  	[sflag:s18] =	ssyncadd.s32 $0xFFFFD800  }
0x17: {  	[tilespmem:s19], [sflag:$0x3] =	stream.linear.gather [hbm4b:s6+s2], $0x2800, $0x38;
	[tilespmem:$0x1F980] =	vst v63  }
0x18: {  	_ =	swait.ge [sflag:s18], $0x2800  }
0x19: {  	[sflag:s18] =	ssyncset.done $0x0  }
0x1a: {  	s0 =	simm.s32 $0x0;
	[sflag:s18] =	ssyncadd.s32 $0xFFFFD800  }
.LBB2_2:
0x1b: {  	p0 =	sne.s32 s0, $0x9FC0  }
.Ltmp0:
0x1c: {  	_ = 	snop;
	(pc) =	sbr.rel @p0 .LBB2_2-.Ltmp0, $3  }
0x1d: {  	_ =	sdelay $0x1  }
0x1e: {  	s3 =	sshra.s32 s0, $0x2  }
0x1f: {  	s0 =	sadd.s32 $0x40, s0;
	[tilespmem:s3+$0x5000] =	vst v0  }
0x20: {  	s0 =	simm.s32 $0x0;
	s3 =	simm.s32 $0x200  }
.LBB2_4:
0x21: {  	p0 =	sne.s32 s3, $0xFE00;
	[tilespmem:s0+$0x79F0] =	vst v0  }
0x22: {  	[tilespmem:s0+$0x7980] =	vst v0  }
0x23: {  	[tilespmem:s0+$0x7990] =	vst v0  }
.Ltmp1:
0x24: {  	[tilespmem:s0+$0x79A0] =	vst v0;
	(pc) =	sbr.rel @p0 .LBB2_4-.Ltmp1, $4  }
0x25: {  	[tilespmem:s0+$0x79B0] =	vst v0  }
0x26: {  	[tilespmem:s0+$0x79C0] =	vst v0  }
0x27: {  	[tilespmem:s0+$0x79D0] =	vst v0  }
0x28: {  	[tilespmem:s0+$0x79E0] =	vst v0;
	s0 =	sshra.s32 s3, $0x2;
	s3 =	sadd.s32 $0x200, s3  }
0x29: {  	[tilespmem:s0+$0x79F0] =	vst v0  }
0x2a: {  	[tilespmem:s0+$0x7980] =	vst v0  }
0x2b: {  	[tilespmem:s0+$0x7990] =	vst v0  }
0x2c: {  	[tilespmem:s0+$0x79A0] =	vst v0  }
0x2d: {  	[tilespmem:s0+$0x79B0] =	vst v0  }
0x2e: {  	[tilespmem:s0+$0x79C0] =	vst v0  }
0x2f: {  	[tilespmem:s0+$0x79D0] =	vst v0  }
0x30: {  	[tilespmem:s0+$0x79E0] =	vst v0  }
0x31: {  	[spmem:s9] =	stream.linear.scatter [tilespmem:s20], [sflag:$0x3], $0x4000, $0x38;
	[tilespmem:$0x1F980] =	vst v63  }
0x32: {  	_ =	swait.ge [sflag:s18], $0x4000  }
0x33: {  	[sflag:s18] =	ssyncset.done $0x0  }
0x34: {  	[sflag:s18] =	ssyncadd.s32 $0xFFFFC000  }
0x35: {  	[spmem:s14] =	stream.linear.scatter [tilespmem:s20], [sflag:$0x3], $0x4000, $0x38;
	[tilespmem:$0x1F980] =	vst v63  }
0x36: {  	_ =	swait.ge [sflag:s18], $0x4000  }
0x37: {  	[sflag:s18] =	ssyncset.done $0x0  }
0x38: {  	[sflag:s18] =	ssyncadd.s32 $0xFFFFC000  }
0x39: {  	[spmem:s15] =	stream.linear.scatter [tilespmem:s20], [sflag:$0x3], $0x4000, $0x38;
	[tilespmem:$0x1F980] =	vst v63  }
0x3a: {  	_ =	swait.ge [sflag:s18], $0x4000  }
0x3b: {  	[sflag:s18] =	ssyncset.done $0x0  }
0x3c: {  	[sflag:s18] =	ssyncadd.s32 $0xFFFFC000  }
0x3d: {  	[spmem:s16] =	stream.linear.scatter [tilespmem:s20], [sflag:$0x3], $0x4000, $0x38;
	[tilespmem:$0x1F980] =	vst v63  }
0x3e: {  	_ =	swait.ge [sflag:s18], $0x4000  }
0x3f: {  	[sflag:s18] =	ssyncset.done $0x0  }
0x40: {  	[sflag:s18] =	ssyncadd.s32 $0xFFFFC000  }
0x41: {  	[spmem:s17] =	stream.linear.scatter [tilespmem:s20], [sflag:$0x3], $0x4000, $0x38;
	[tilespmem:$0x1F980] =	vst v63  }
0x42: {  	_ =	swait.ge [sflag:s18], $0x4000  }
0x43: {  	[sflag:s18] =	ssyncset.done $0x0  }
0x44: {  	[sflag:s18] =	ssyncadd.s32 $0xFFFFC000  }
0x45: {  	s3 =	simm.s32 $0x0;
	[bflag:$0x0] =	sbarrier.arrive $0xFFFF  }
0x46: {  	v5 =	vimm.f32 $-1.000000020e+30;
	s0 =	simm.s32 $0x40;
	v6 =	vld [tilespmem:s3+$0x0]  }
.LBB2_6:
0x47: {  	p0 =	sne.s32 s0, $0x9FC0  }
.Ltmp2:
0x48: {  	_ = 	snop;
	(pc) =	sbr.rel @p0 .LBB2_6-.Ltmp2, $3  }
0x49: {  	_ =	sdelay $0x1  }
0x4a: {  	s3 =	sshra.s32 s0, $0x2;
	s0 =	sadd.s32 $0x40, s0;
	v5 =	vmax.f32 v5, v6  }
0x4b: {  	v6 =	vld [tilespmem:s3+$0x0]  }
0x4c: {  	_ =	sdelay $0x3  }
0x4d: {  	v5 =	vmax.f32 v5, v6  }
0x4e: {  	[tilespmem:$0x7900] =	vst v5  }
0x4f: {  	v6 =	vld.idx.msk [tilespmem:v1+s21+$0x0], $0xffff;
	_ =	sdelay $0x4  }
0x50: {  	v5 =	vmax.f32 v5, v6  }
0x51: {  	[tilespmem:$0x7900] =	vst v5  }
0x52: {  	v6 =	vld.idx.msk [tilespmem:v2+s21+$0x0], $0xffff;
	_ =	sdelay $0x4  }
0x53: {  	v5 =	vmax.f32 v5, v6  }
0x54: {  	[tilespmem:$0x7900] =	vst v5  }
0x55: {  	v6 =	vld.idx.msk [tilespmem:v3+s21+$0x0], $0xffff;
	_ =	sdelay $0x4  }
0x56: {  	v5 =	vmax.f32 v5, v6  }
0x57: {  	[tilespmem:$0x7900] =	vst v5  }
0x58: {  	v6 =	vld.idx.msk [tilespmem:v4+s21+$0x0], $0xffff;
	_ =	sdelay $0x4  }
0x59: {  	v5 =	vmax.f32 v5, v6  }
0x5a: {  	s31 =	simm.s32 $0x0;
	[tilespmem:$0x7900] =	vst v5  }
.LBB2_8:
0x5b: {  	s0 =	sadd.s32 s10, s31  }
0x5c: {  	s0 =	sshll.u32 s0, $0x4  }
0x5d: {  	s3 =	sadd.s32 s7, s0  }
0x5e: {  	[tilespmem:s22], [sflag:$0x3] =	stream.linear.gather [hbm4b:s3+s30], $0x80, $0x38;
	[tilespmem:$0x1F980] =	vst v63  }
0x5f: {  	_ =	swait.ge [sflag:s18], $0x80  }
0x60: {  	[sflag:s18] =	ssyncset.done $0x0  }
0x61: {  	s0 =	sadd.s32 s8, s0;
	[sflag:s18] =	ssyncadd.s32 $0xFFFFFF80  }
0x62: {  	[tilespmem:s23], [sflag:$0x3] =	stream.linear.gather [hbm4b:s0+s30], $0x80, $0x38;
	[tilespmem:$0x1F980] =	vst v63  }
0x63: {  	_ =	swait.ge [sflag:s18], $0x80  }
0x64: {  	[sflag:s18] =	ssyncset.done $0x0  }
0x65: {  	[sflag:s18] =	ssyncadd.s32 $0xFFFFFF80  }
0x66: {  	v6 =	vld [tilespmem:$0x7800]  }
0x67: {  	v7 =	vld [tilespmem:$0x7880];
	_ =	sdelay $0x6  }
0x68: {  	v6 =	vld.idx.msk [tilespmem:v6+s30+$0x0], $0xffff  }
0x69: {  	v8 =	vld.idx.msk [tilespmem:v7+s19+$0x0], $0xffff;
	_ =	sdelay $0x4  }
0x6a: {  	v6 =	vadd.f32 v8, v6;
	v8 =	vadd.f32 v8, v5;
	_ =	sdelay $0x1  }
0x6b: {  	v9 =	vmul.f32 $2.000000030e-01, v6;
	v10 =	vmul.f32 $2.000000030e-01, v8  }
0x6c: {  	vm0 =	vge.f32 v6, $0.0e+00;
	vm1 =	vge.f32 v8, $0.0e+00  }
0x6d: {  	v6 =	vsel vm0, v6, v9;
	v8 =	vsel vm1, v8, v10  }
0x6e: {  	v6 =	vsub.f32 v6, v8;
	_ =	sdelay $0x1  }
0x6f: {  	v6 =	vmul.f32 $1.442695020e+00, v6;
	_ =	sdelay $0x1  }
0x70: {  	(erf) = vpow2.f32 v6;
	_ =	sdelay $0x8  }
0x71: {  	v6 =	vpop (erf)  }
0x72: {  	[tilespmem:v7+s24+$0x0] =	vst.idx.add.f32.msk $0xffff, v6  }
0x73: {  	v7 =	vld [tilespmem:$0x7810]  }
0x74: {  	v8 =	vld [tilespmem:$0x7890];
	_ =	sdelay $0x5  }
0x75: {  	[tilespmem:$0x7900] =	vst v6  }
0x76: {  	v6 =	vld.idx.msk [tilespmem:v7+s30+$0x0], $0xffff  }
0x77: {  	v7 =	vld.idx.msk [tilespmem:v8+s19+$0x0], $0xffff;
	_ =	sdelay $0x4  }
0x78: {  	v6 =	vadd.f32 v7, v6;
	v7 =	vadd.f32 v7, v5;
	_ =	sdelay $0x1  }
0x79: {  	v40 =	vmul.f32 $2.000000030e-01, v6;
	v41 =	vmul.f32 $2.000000030e-01, v7  }
0x7a: {  	vm14 =	vge.f32 v6, $0.0e+00;
	vm15 =	vge.f32 v7, $0.0e+00  }
0x7b: {  	v6 =	vsel vm14, v6, v40;
	v7 =	vsel vm15, v7, v41  }
0x7c: {  	v6 =	vsub.f32 v6, v7;
	_ =	sdelay $0x1  }
0x7d: {  	v6 =	vmul.f32 $1.442695020e+00, v6;
	_ =	sdelay $0x1  }
0x7e: {  	(erf) = vpow2.f32 v6;
	_ =	sdelay $0x8  }
0x7f: {  	v6 =	vpop (erf)  }
0x80: {  	[tilespmem:v8+s24+$0x0] =	vst.idx.add.f32.msk $0xffff, v6  }
0x81: {  	v7 =	vld [tilespmem:$0x7820]  }
0x82: {  	v8 =	vld [tilespmem:$0x78A0];
	_ =	sdelay $0x5  }
0x83: {  	[tilespmem:$0x7910] =	vst v6  }
0x84: {  	v6 =	vld.idx.msk [tilespmem:v7+s30+$0x0], $0xffff  }
0x85: {  	v7 =	vld.idx.msk [tilespmem:v8+s19+$0x0], $0xffff;
	_ =	sdelay $0x4  }
0x86: {  	v6 =	vadd.f32 v7, v6;
	v7 =	vadd.f32 v7, v5;
	_ =	sdelay $0x1  }
0x87: {  	v42 =	vmul.f32 $2.000000030e-01, v6;
	v43 =	vmul.f32 $2.000000030e-01, v7  }
0x88: {  	vm4 =	vge.f32 v6, $0.0e+00;
	vm5 =	vge.f32 v7, $0.0e+00  }
0x89: {  	v6 =	vsel vm4, v6, v42;
	v7 =	vsel vm5, v7, v43  }
0x8a: {  	v6 =	vsub.f32 v6, v7;
	_ =	sdelay $0x1  }
0x8b: {  	v6 =	vmul.f32 $1.442695020e+00, v6;
	_ =	sdelay $0x1  }
0x8c: {  	(erf) = vpow2.f32 v6;
	_ =	sdelay $0x8  }
0x8d: {  	v6 =	vpop (erf)  }
0x8e: {  	[tilespmem:v8+s24+$0x0] =	vst.idx.add.f32.msk $0xffff, v6  }
0x8f: {  	v7 =	vld [tilespmem:$0x7830]  }
0x90: {  	v8 =	vld [tilespmem:$0x78B0];
	_ =	sdelay $0x5  }
0x91: {  	[tilespmem:$0x7920] =	vst v6  }
0x92: {  	v6 =	vld.idx.msk [tilespmem:v7+s30+$0x0], $0xffff  }
0x93: {  	v7 =	vld.idx.msk [tilespmem:v8+s19+$0x0], $0xffff;
	_ =	sdelay $0x4  }
0x94: {  	v6 =	vadd.f32 v7, v6;
	v7 =	vadd.f32 v7, v5;
	_ =	sdelay $0x1  }
0x95: {  	v44 =	vmul.f32 $2.000000030e-01, v6;
	v45 =	vmul.f32 $2.000000030e-01, v7  }
0x96: {  	vm6 =	vge.f32 v6, $0.0e+00;
	vm7 =	vge.f32 v7, $0.0e+00  }
0x97: {  	v6 =	vsel vm6, v6, v44;
	v7 =	vsel vm7, v7, v45  }
0x98: {  	v6 =	vsub.f32 v6, v7;
	_ =	sdelay $0x1  }
0x99: {  	v6 =	vmul.f32 $1.442695020e+00, v6;
	_ =	sdelay $0x1  }
0x9a: {  	(erf) = vpow2.f32 v6;
	_ =	sdelay $0x8  }
0x9b: {  	v6 =	vpop (erf)  }
0x9c: {  	[tilespmem:v8+s24+$0x0] =	vst.idx.add.f32.msk $0xffff, v6  }
0x9d: {  	v7 =	vld [tilespmem:$0x7840]  }
0x9e: {  	v8 =	vld [tilespmem:$0x78C0];
	_ =	sdelay $0x5  }
0x9f: {  	[tilespmem:$0x7930] =	vst v6  }
0xa0: {  	v6 =	vld.idx.msk [tilespmem:v7+s30+$0x0], $0xffff  }
0xa1: {  	v7 =	vld.idx.msk [tilespmem:v8+s19+$0x0], $0xffff;
	_ =	sdelay $0x4  }
0xa2: {  	v6 =	vadd.f32 v7, v6;
	v7 =	vadd.f32 v7, v5;
	_ =	sdelay $0x1  }
0xa3: {  	v46 =	vmul.f32 $2.000000030e-01, v6;
	v47 =	vmul.f32 $2.000000030e-01, v7  }
0xa4: {  	vm8 =	vge.f32 v6, $0.0e+00;
	vm9 =	vge.f32 v7, $0.0e+00  }
0xa5: {  	v6 =	vsel vm8, v6, v46;
	v7 =	vsel vm9, v7, v47  }
0xa6: {  	v6 =	vsub.f32 v6, v7;
	_ =	sdelay $0x1  }
0xa7: {  	v6 =	vmul.f32 $1.442695020e+00, v6;
	_ =	sdelay $0x1  }
0xa8: {  	(erf) = vpow2.f32 v6;
	_ =	sdelay $0x8  }
0xa9: {  	v6 =	vpop (erf)  }
0xaa: {  	[tilespmem:v8+s24+$0x0] =	vst.idx.add.f32.msk $0xffff, v6  }
0xab: {  	v7 =	vld [tilespmem:$0x7850]  }
0xac: {  	v8 =	vld [tilespmem:$0x78D0];
	_ =	sdelay $0x5  }
0xad: {  	[tilespmem:$0x7940] =	vst v6  }
0xae: {  	v6 =	vld.idx.msk [tilespmem:v7+s30+$0x0], $0xffff  }
0xaf: {  	v7 =	vld.idx.msk [tilespmem:v8+s19+$0x0], $0xffff;
	_ =	sdelay $0x4  }
0xb0: {  	v6 =	vadd.f32 v7, v6;
	v7 =	vadd.f32 v7, v5;
	_ =	sdelay $0x1  }
0xb1: {  	v48 =	vmul.f32 $2.000000030e-01, v6;
	v49 =	vmul.f32 $2.000000030e-01, v7  }
0xb2: {  	vm10 =	vge.f32 v6, $0.0e+00;
	vm11 =	vge.f32 v7, $0.0e+00  }
0xb3: {  	v6 =	vsel vm10, v6, v48;
	v7 =	vsel vm11, v7, v49  }
0xb4: {  	v6 =	vsub.f32 v6, v7;
	_ =	sdelay $0x1  }
0xb5: {  	v6 =	vmul.f32 $1.442695020e+00, v6;
	_ =	sdelay $0x1  }
0xb6: {  	(erf) = vpow2.f32 v6;
	_ =	sdelay $0x8  }
0xb7: {  	v6 =	vpop (erf)  }
0xb8: {  	[tilespmem:v8+s24+$0x0] =	vst.idx.add.f32.msk $0xffff, v6  }
0xb9: {  	v7 =	vld [tilespmem:$0x7860]  }
0xba: {  	v8 =	vld [tilespmem:$0x78E0];
	_ =	sdelay $0x5  }
0xbb: {  	[tilespmem:$0x7950] =	vst v6  }
0xbc: {  	v6 =	vld.idx.msk [tilespmem:v7+s30+$0x0], $0xffff  }
0xbd: {  	v7 =	vld.idx.msk [tilespmem:v8+s19+$0x0], $0xffff;
	_ =	sdelay $0x4  }
0xbe: {  	v6 =	vadd.f32 v7, v6;
	v7 =	vadd.f32 v7, v5;
	_ =	sdelay $0x1  }
0xbf: {  	v50 =	vmul.f32 $2.000000030e-01, v6;
	v51 =	vmul.f32 $2.000000030e-01, v7  }
0xc0: {  	vm12 =	vge.f32 v6, $0.0e+00;
	vm13 =	vge.f32 v7, $0.0e+00  }
0xc1: {  	v6 =	vsel vm12, v6, v50;
	v7 =	vsel vm13, v7, v51  }
0xc2: {  	v6 =	vsub.f32 v6, v7;
	_ =	sdelay $0x1  }
0xc3: {  	v6 =	vmul.f32 $1.442695020e+00, v6;
	_ =	sdelay $0x1  }
0xc4: {  	(erf) = vpow2.f32 v6;
	_ =	sdelay $0x8  }
0xc5: {  	v6 =	vpop (erf)  }
0xc6: {  	[tilespmem:v8+s24+$0x0] =	vst.idx.add.f32.msk $0xffff, v6  }
0xc7: {  	v7 =	vld [tilespmem:$0x7870]  }
0xc8: {  	v8 =	vld [tilespmem:$0x78F0];
	_ =	sdelay $0x5  }
0xc9: {  	[tilespmem:$0x7960] =	vst v6  }
0xca: {  	v6 =	vld.idx.msk [tilespmem:v7+s30+$0x0], $0xffff  }
0xcb: {  	v7 =	vld.idx.msk [tilespmem:v8+s19+$0x0], $0xffff;
	_ =	sdelay $0x4  }
0xcc: {  	v6 =	vadd.f32 v7, v6;
	v7 =	vadd.f32 v7, v5;
	_ =	sdelay $0x1  }
0xcd: {  	v52 =	vmul.f32 $2.000000030e-01, v6;
	v53 =	vmul.f32 $2.000000030e-01, v7  }
0xce: {  	vm14 =	vge.f32 v6, $0.0e+00;
	vm15 =	vge.f32 v7, $0.0e+00  }
0xcf: {  	v6 =	vsel vm14, v6, v52;
	v7 =	vsel vm15, v7, v53  }
0xd0: {  	v6 =	vsub.f32 v6, v7;
	_ =	sdelay $0x1  }
0xd1: {  	v6 =	vmul.f32 $1.442695020e+00, v6;
	_ =	sdelay $0x1  }
0xd2: {  	(erf) = vpow2.f32 v6;
	_ =	sdelay $0x8  }
0xd3: {  	v6 =	vpop (erf)  }
0xd4: {  	[tilespmem:v8+s24+$0x0] =	vst.idx.add.f32.msk $0xffff, v6  }
0xd5: {  	[tilespmem:$0x7970] =	vst v6  }
0xd6: {  	[tilespmem:s20], [sflag:$0x1] =	stream.indirect.gather [hbm4b:s4+s25], $0x80, s22, s25, $0xb8;
	[tilespmem:$0x1F980] =	vst v63  }
0xd7: {  	_ =	swait.ge [sflag:s26], $0x4000  }
0xd8: {  	s3 =	simm.s32 $0x0;
	[sflag:s26] =	ssyncset.done $0x0  }
0xd9: {  	s0 =	sand.u32 $0x3FFFFFF0, s3;
	[sflag:s26] =	ssyncadd.s32 $0xFFFFC000  }
0xda: {  	s5 =	simm.s32 $0x0;
	v6 =	vld [tilespmem:s0+$0x7900]  }
0xdb: {  	s0 =	sand.u32 $0x3FFFF800, s5  }
0xdc: {  	v8 =	vld [tilespmem:s0+$0x79A0]  }
0xdd: {  	v54 =	vld [tilespmem:s0+$0x79B0]  }
0xde: {  	v15 =	vld [tilespmem:s0+$0x79E0]  }
0xdf: {  	v16 =	vld [tilespmem:s0+$0x79F0];
	v7 =	vbroadcast v6, $0x0  }
0xe0: {  	v17 =	vld [tilespmem:s0+$0x7A00]  }
0xe1: {  	v18 =	vld [tilespmem:s0+$0x7A10];
	v8 =	vmul.f32 v8, v7  }
0xe2: {  	v19 =	vld [tilespmem:s0+$0x7A20];
	v9 =	vmul.f32 v54, v7  }
0xe3: {  	v14 =	vld [tilespmem:s0+$0x7A30];
	v56 =	vbroadcast v6, $0x1;
	v55 =	vmul.f32 v15, v7;
	[tilespmem:s0+$0x79A0] =	vst v8  }
0xe4: {  	v12 =	vld [tilespmem:s0+$0x7A40];
	v16 =	vmul.f32 v16, v7;
	[tilespmem:s0+$0x79B0] =	vst v9  }
0xe5: {  	v13 =	vld [tilespmem:s0+$0x7A50];
	v17 =	vmul.f32 v17, v56;
	[tilespmem:s0+$0x79E0] =	vst v55  }
0xe6: {  	v58 =	vld [tilespmem:s0+$0x7A70];
	v18 =	vmul.f32 v18, v56;
	[tilespmem:s0+$0x79F0] =	vst v16  }
0xe7: {  	v59 =	vld [tilespmem:s0+$0x7A80];
	v19 =	vmul.f32 v19, v56;
	[tilespmem:s0+$0x7A00] =	vst v17  }
0xe8: {  	v60 =	vld [tilespmem:s0+$0x7A90];
	v14 =	vmul.f32 v14, v56;
	[tilespmem:s0+$0x7A10] =	vst v18  }
0xe9: {  	v11 =	vld [tilespmem:s0+$0x7EF0];
	v12 =	vmul.f32 v12, v56;
	[tilespmem:s0+$0x7A20] =	vst v19  }
0xea: {  	v57 =	vld [tilespmem:s0+$0x7A60];
	v20 =	vbroadcast v6, $0x2;
	v13 =	vmul.f32 v13, v56;
	[tilespmem:s0+$0x7A30] =	vst v14  }
0xeb: {  	v61 =	vld [tilespmem:s0+$0x7AA0];
	v15 =	vmul.f32 v58, v56;
	[tilespmem:s0+$0x7A40] =	vst v12  }
0xec: {  	v62 =	vld [tilespmem:s0+$0x7AB0];
	v10 =	vbroadcast v6, $0xA;
	v23 =	vmul.f32 v59, v20;
	[tilespmem:s0+$0x7A50] =	vst v13  }
0xed: {  	v63 =	vld [tilespmem:s0+$0x7AC0];
	v25 =	vmul.f32 v60, v20;
	[tilespmem:s0+$0x7A70] =	vst v15  }
0xee: {  	v24 =	vld [tilespmem:s0+$0x7AE0];
	v8 =	vmul.f32 v11, v10;
	[tilespmem:s0+$0x7A80] =	vst v23  }
0xef: {  	v26 =	vld [tilespmem:s0+$0x7AF0];
	v16 =	vmul.f32 v57, v56;
	[tilespmem:s0+$0x7A90] =	vst v25  }
0xf0: {  	v27 =	vld [tilespmem:s0+$0x7B00];
	v14 =	vmul.f32 v61, v20;
	[tilespmem:s0+$0x7EF0] =	vst v8  }
0xf1: {  	v22 =	vld [tilespmem:s0+$0x7AD0];
	v12 =	vmul.f32 v62, v20;
	[tilespmem:s0+$0x7A60] =	vst v16  }
0xf2: {  	v28 =	vld [tilespmem:s0+$0x7B10];
	v13 =	vmul.f32 v63, v20;
	[tilespmem:s0+$0x7AA0] =	vst v14  }
0xf3: {  	v29 =	vld [tilespmem:s0+$0x7B20];
	v32 =	vbroadcast v6, $0x3;
	v15 =	vmul.f32 v24, v20;
	[tilespmem:s0+$0x7AB0] =	vst v12  }
0xf4: {  	v30 =	vld [tilespmem:s0+$0x7B30];
	v17 =	vmul.f32 v26, v20;
	[tilespmem:s0+$0x7AC0] =	vst v13  }
0xf5: {  	v33 =	vld [tilespmem:s0+$0x7B50];
	v18 =	vmul.f32 v27, v32;
	[tilespmem:s0+$0x7AE0] =	vst v15  }
0xf6: {  	v34 =	vld [tilespmem:s0+$0x7B60];
	v16 =	vmul.f32 v22, v20;
	[tilespmem:s0+$0x7AF0] =	vst v17  }
0xf7: {  	v35 =	vld [tilespmem:s0+$0x7B70];
	v14 =	vmul.f32 v28, v32;
	[tilespmem:s0+$0x7B00] =	vst v18  }
0xf8: {  	v31 =	vld [tilespmem:s0+$0x7B40];
	v12 =	vmul.f32 v29, v32;
	[tilespmem:s0+$0x7AD0] =	vst v16  }
0xf9: {  	v36 =	vld [tilespmem:s0+$0x7B80];
	v13 =	vmul.f32 v30, v32;
	[tilespmem:s0+$0x7B10] =	vst v14  }
0xfa: {  	v37 =	vld [tilespmem:s0+$0x7B90];
	v15 =	vmul.f32 v33, v32;
	[tilespmem:s0+$0x7B20] =	vst v12  }
0xfb: {  	v38 =	vld [tilespmem:s0+$0x7BA0];
	v17 =	vmul.f32 v34, v32;
	[tilespmem:s0+$0x7B30] =	vst v13  }
0xfc: {  	v40 =	vld [tilespmem:s0+$0x7BC0];
	v41 =	vbroadcast v6, $0x4;
	v18 =	vmul.f32 v35, v32;
	[tilespmem:s0+$0x7B50] =	vst v15  }
0xfd: {  	v42 =	vld [tilespmem:s0+$0x7BD0];
	v16 =	vmul.f32 v31, v32;
	[tilespmem:s0+$0x7B60] =	vst v17  }
0xfe: {  	v43 =	vld [tilespmem:s0+$0x7BE0];
	v14 =	vmul.f32 v36, v41;
	[tilespmem:s0+$0x7B70] =	vst v18  }
0xff: {  	v39 =	vld [tilespmem:s0+$0x7BB0];
	v12 =	vmul.f32 v37, v41;
	[tilespmem:s0+$0x7B40] =	vst v16  }
0x100: {  	v44 =	vld [tilespmem:s0+$0x7BF0];
	v13 =	vmul.f32 v38, v41;
	[tilespmem:s0+$0x7B80] =	vst v14  }
0x101: {  	v45 =	vld [tilespmem:s0+$0x7C00];
	v15 =	vmul.f32 v40, v41;
	[tilespmem:s0+$0x7B90] =	vst v12  }
0x102: {  	v46 =	vld [tilespmem:s0+$0x7C10];
	v17 =	vmul.f32 v42, v41;
	[tilespmem:s0+$0x7BA0] =	vst v13  }
0x103: {  	v48 =	vld [tilespmem:s0+$0x7C30];
	v18 =	vmul.f32 v43, v41;
	[tilespmem:s0+$0x7BC0] =	vst v15  }
0x104: {  	v49 =	vld [tilespmem:s0+$0x7C40];
	v50 =	vbroadcast v6, $0x5;
	v16 =	vmul.f32 v39, v41;
	[tilespmem:s0+$0x7BD0] =	vst v17  }
0x105: {  	v51 =	vld [tilespmem:s0+$0x7C50];
	v14 =	vmul.f32 v44, v41;
	[tilespmem:s0+$0x7BE0] =	vst v18  }
0x106: {  	v47 =	vld [tilespmem:s0+$0x7C20];
	v12 =	vmul.f32 v45, v50;
	[tilespmem:s0+$0x7BB0] =	vst v16  }
0x107: {  	v52 =	vld [tilespmem:s0+$0x7C60];
	v13 =	vmul.f32 v46, v50;
	[tilespmem:s0+$0x7BF0] =	vst v14  }
0x108: {  	v53 =	vld [tilespmem:s0+$0x7C70];
	v15 =	vmul.f32 v48, v50;
	[tilespmem:s0+$0x7C00] =	vst v12  }
0x109: {  	v54 =	vld [tilespmem:s0+$0x7C80];
	v17 =	vmul.f32 v49, v50;
	[tilespmem:s0+$0x7C10] =	vst v13  }
0x10a: {  	v56 =	vld [tilespmem:s0+$0x7CA0];
	v18 =	vmul.f32 v51, v50;
	[tilespmem:s0+$0x7C30] =	vst v15  }
0x10b: {  	v57 =	vld [tilespmem:s0+$0x7CB0];
	v16 =	vmul.f32 v47, v50;
	[tilespmem:s0+$0x7C40] =	vst v17  }
0x10c: {  	v58 =	vld [tilespmem:s0+$0x7CC0];
	v59 =	vbroadcast v6, $0x6;
	v14 =	vmul.f32 v52, v50;
	[tilespmem:s0+$0x7C50] =	vst v18  }
0x10d: {  	v55 =	vld [tilespmem:s0+$0x7C90];
	v12 =	vmul.f32 v53, v50;
	[tilespmem:s0+$0x7C20] =	vst v16  }
0x10e: {  	v60 =	vld [tilespmem:s0+$0x7CD0];
	v13 =	vmul.f32 v54, v59;
	[tilespmem:s0+$0x7C60] =	vst v14  }
0x10f: {  	v61 =	vld [tilespmem:s0+$0x7CE0];
	v15 =	vmul.f32 v56, v59;
	[tilespmem:s0+$0x7C70] =	vst v12  }
0x110: {  	v62 =	vld [tilespmem:s0+$0x7CF0];
	v17 =	vmul.f32 v57, v59;
	[tilespmem:s0+$0x7C80] =	vst v13  }
0x111: {  	v21 =	vld [tilespmem:s0+$0x7D10];
	v18 =	vmul.f32 v58, v59;
	[tilespmem:s0+$0x7CA0] =	vst v15  }
0x112: {  	v22 =	vld [tilespmem:s0+$0x7D20];
	v16 =	vmul.f32 v55, v59;
	[tilespmem:s0+$0x7CB0] =	vst v17  }
0x113: {  	v23 =	vld [tilespmem:s0+$0x7D30];
	v14 =	vmul.f32 v60, v59;
	[tilespmem:s0+$0x7CC0] =	vst v18  }
0x114: {  	v25 =	vbroadcast v6, $0x7;
	v51 =	vld [tilespmem:s0+$0x7EC0];
	v12 =	vmul.f32 v61, v59;
	[tilespmem:s0+$0x7C90] =	vst v16  }
0x115: {  	v63 =	vld [tilespmem:s0+$0x7D00];
	v13 =	vmul.f32 v62, v59;
	[tilespmem:s0+$0x7CD0] =	vst v14  }
0x116: {  	v24 =	vld [tilespmem:s0+$0x7D40];
	v15 =	vmul.f32 v21, v25;
	[tilespmem:s0+$0x7CE0] =	vst v12  }
0x117: {  	v26 =	vld [tilespmem:s0+$0x7D50];
	v17 =	vmul.f32 v22, v25;
	[tilespmem:s0+$0x7CF0] =	vst v13  }
0x118: {  	v27 =	vld [tilespmem:s0+$0x7D60];
	v18 =	vmul.f32 v23, v25;
	[tilespmem:s0+$0x7D10] =	vst v15  }
0x119: {  	v29 =	vld [tilespmem:s0+$0x7D80];
	v58 =	vmul.f32 v51, v10;
	[tilespmem:s0+$0x7D20] =	vst v17  }
0x11a: {  	v30 =	vld [tilespmem:s0+$0x7D90];
	v16 =	vmul.f32 v63, v25;
	[tilespmem:s0+$0x7D30] =	vst v18  }
0x11b: {  	v31 =	vld [tilespmem:s0+$0x7DA0];
	v14 =	vmul.f32 v24, v25;
	[tilespmem:s0+$0x7EC0] =	vst v58  }
0x11c: {  	v34 =	vbroadcast v6, $0x8;
	v47 =	vld [tilespmem:s0+$0x7E80];
	v12 =	vmul.f32 v26, v25;
	[tilespmem:s0+$0x7D00] =	vst v16  }
0x11d: {  	v52 =	vld [tilespmem:s0+$0x7ED0];
	v13 =	vmul.f32 v27, v25;
	[tilespmem:s0+$0x7D40] =	vst v14  }
0x11e: {  	v28 =	vld [tilespmem:s0+$0x7D70];
	v15 =	vmul.f32 v29, v34;
	[tilespmem:s0+$0x7D50] =	vst v12  }
0x11f: {  	v32 =	vld [tilespmem:s0+$0x7DB0];
	v17 =	vmul.f32 v30, v34;
	[tilespmem:s0+$0x7D60] =	vst v13  }
0x120: {  	v33 =	vld [tilespmem:s0+$0x7DC0];
	v18 =	vmul.f32 v31, v34;
	[tilespmem:s0+$0x7D80] =	vst v15  }
0x121: {  	v35 =	vld [tilespmem:s0+$0x7DD0];
	v53 =	vmul.f32 v47, v10;
	[tilespmem:s0+$0x7D90] =	vst v17  }
0x122: {  	v37 =	vld [tilespmem:s0+$0x7DF0];
	v60 =	vmul.f32 v52, v10;
	[tilespmem:s0+$0x7DA0] =	vst v18  }
0x123: {  	v38 =	vld [tilespmem:s0+$0x7E00];
	v16 =	vmul.f32 v28, v25;
	[tilespmem:s0+$0x7E80] =	vst v53  }
0x124: {  	v39 =	vld [tilespmem:s0+$0x7E10];
	v14 =	vmul.f32 v32, v34;
	[tilespmem:s0+$0x7ED0] =	vst v60  }
0x125: {  	v9 =	vld [tilespmem:s0+$0x7F00];
	v12 =	vmul.f32 v33, v34;
	[tilespmem:s0+$0x7D70] =	vst v16  }
0x126: {  	v11 =	vld [tilespmem:s0+$0x7F10];
	v43 =	vbroadcast v6, $0x9;
	v13 =	vmul.f32 v35, v34;
	[tilespmem:s0+$0x7DB0] =	vst v14  }
0x127: {  	v8 =	vld [tilespmem:s0+$0x8150];
	v15 =	vmul.f32 v37, v34;
	[tilespmem:s0+$0x7DC0] =	vst v12  }
0x128: {  	v55 =	vld [tilespmem:s0+$0x7980];
	v63 =	vbroadcast v6, $0xB;
	v17 =	vmul.f32 v38, v43;
	[tilespmem:s0+$0x7DD0] =	vst v13  }
0x129: {  	v36 =	vld [tilespmem:s0+$0x7DE0];
	v18 =	vmul.f32 v39, v43;
	[tilespmem:s0+$0x7DF0] =	vst v15  }
0x12a: {  	v40 =	vld [tilespmem:s0+$0x7E20];
	v27 =	vbroadcast v6, $0xF;
	v9 =	vmul.f32 v9, v63;
	[tilespmem:s0+$0x7E00] =	vst v17  }
0x12b: {  	v41 =	vld [tilespmem:s0+$0x7E30];
	v11 =	vmul.f32 v11, v63;
	[tilespmem:s0+$0x7E10] =	vst v18  }
0x12c: {  	v42 =	vld [tilespmem:s0+$0x7E40];
	v8 =	vmul.f32 v8, v27;
	[tilespmem:s0+$0x7F00] =	vst v9  }
0x12d: {  	v45 =	vld [tilespmem:s0+$0x7E60];
	v24 =	vmul.f32 v7, v55;
	[tilespmem:s0+$0x7F10] =	vst v11  }
0x12e: {  	v46 =	vld [tilespmem:s0+$0x7E70];
	v16 =	vmul.f32 v36, v34;
	[tilespmem:s0+$0x8150] =	vst v8  }
0x12f: {  	v57 =	vld [tilespmem:s0+$0x79C0];
	v14 =	vmul.f32 v40, v43;
	[tilespmem:s0+$0x7980] =	vst v24  }
0x130: {  	v26 =	vld [tilespmem:s0+$0x7F50];
	v12 =	vmul.f32 v41, v43;
	[tilespmem:s0+$0x7DE0] =	vst v16  }
0x131: {  	v30 =	vld [tilespmem:s0+$0x7F80];
	v13 =	vmul.f32 v42, v43;
	[tilespmem:s0+$0x7E20] =	vst v14  }
0x132: {  	v29 =	vld [tilespmem:s0+$0x7F70];
	v15 =	vmul.f32 v45, v43;
	[tilespmem:s0+$0x7E30] =	vst v12  }
0x133: {  	v44 =	vld [tilespmem:s0+$0x7E50];
	v17 =	vmul.f32 v46, v43;
	[tilespmem:s0+$0x7E40] =	vst v13  }
0x134: {  	v48 =	vld [tilespmem:s0+$0x7E90];
	v35 =	vbroadcast v6, $0xC;
	v8 =	vmul.f32 v57, v7;
	[tilespmem:s0+$0x7E60] =	vst v15  }
0x135: {  	v49 =	vld [tilespmem:s0+$0x7EA0];
	v32 =	vmul.f32 v26, v63;
	[tilespmem:s0+$0x7E70] =	vst v17  }
0x136: {  	v50 =	vld [tilespmem:s0+$0x7EB0];
	v20 =	vmul.f32 v30, v35;
	[tilespmem:s0+$0x79C0] =	vst v8  }
0x137: {  	v54 =	vld [tilespmem:s0+$0x7EE0];
	v11 =	vmul.f32 v29, v63;
	[tilespmem:s0+$0x7F50] =	vst v32  }
0x138: {  	v56 =	vld [tilespmem:s0+$0x7990];
	v16 =	vmul.f32 v44, v43;
	[tilespmem:s0+$0x7F80] =	vst v20  }
0x139: {  	v59 =	vld [tilespmem:s0+$0x79D0];
	v14 =	vmul.f32 v48, v10;
	[tilespmem:s0+$0x7F70] =	vst v11  }
0x13a: {  	v28 =	vld [tilespmem:s0+$0x7F60];
	v12 =	vmul.f32 v49, v10;
	[tilespmem:s0+$0x7E50] =	vst v16  }
0x13b: {  	v38 =	vld [tilespmem:s0+$0x7FF0];
	v13 =	vmul.f32 v50, v10;
	[tilespmem:s0+$0x7E90] =	vst v14  }
0x13c: {  	v61 =	vld [tilespmem:s0+$0x7F20];
	v10 =	vmul.f32 v54, v10;
	[tilespmem:s0+$0x7EA0] =	vst v12  }
0x13d: {  	v62 =	vld [tilespmem:s0+$0x7F30];
	v17 =	vmul.f32 v56, v7;
	[tilespmem:s0+$0x7EB0] =	vst v13  }
0x13e: {  	v25 =	vld [tilespmem:s0+$0x7F40];
	v7 =	vmul.f32 v59, v7;
	[tilespmem:s0+$0x7EE0] =	vst v10  }
0x13f: {  	v31 =	vld [tilespmem:s0+$0x7F90];
	v40 =	vmul.f32 v28, v63;
	[tilespmem:s0+$0x7990] =	vst v17  }
0x140: {  	v33 =	vld [tilespmem:s0+$0x7FB0];
	v20 =	vmul.f32 v38, v35;
	[tilespmem:s0+$0x79D0] =	vst v7  }
0x141: {  	v60 =	vld [tilespmem:s0+$0x8160];
	v12 =	vmul.f32 v61, v63;
	[tilespmem:s0+$0x7F60] =	vst v40  }
0x142: {  	v34 =	vld [tilespmem:s0+$0x7FC0];
	v13 =	vmul.f32 v62, v63;
	[tilespmem:s0+$0x7FF0] =	vst v20  }
0x143: {  	v41 =	vld [tilespmem:s0+$0x8020];
	v10 =	vmul.f32 v25, v63;
	[tilespmem:s0+$0x7F20] =	vst v12  }
0x144: {  	v46 =	vld [tilespmem:s0+$0x8060];
	v14 =	vmul.f32 v31, v35;
	[tilespmem:s0+$0x7F30] =	vst v13  }
0x145: {  	v36 =	vld [tilespmem:s0+$0x7FD0];
	v62 =	vmul.f32 v33, v35;
	[tilespmem:s0+$0x7F40] =	vst v10  }
0x146: {  	v44 =	vbroadcast v6, $0xD;
	v7 =	vld [tilespmem:s0+$0x8010];
	v9 =	vmul.f32 v60, v27;
	[tilespmem:s0+$0x7F90] =	vst v14  }
0x147: {  	v37 =	vld [tilespmem:s0+$0x7FE0];
	v17 =	vmul.f32 v34, v35;
	[tilespmem:s0+$0x7FB0] =	vst v62  }
0x148: {  	v39 =	vld [tilespmem:s0+$0x8000];
	v16 =	vmul.f32 v41, v44;
	[tilespmem:s0+$0x8160] =	vst v9  }
0x149: {  	v42 =	vld [tilespmem:s0+$0x8030];
	v51 =	vmul.f32 v46, v44;
	[tilespmem:s0+$0x7FC0] =	vst v17  }
0x14a: {  	v48 =	vld [tilespmem:s0+$0x8090];
	v13 =	vmul.f32 v36, v35;
	[tilespmem:s0+$0x8020] =	vst v16  }
0x14b: {  	v49 =	vld [tilespmem:s0+$0x80A0];
	[tilespmem:s0+$0x8060] =	vst v51;
	v7 =	vmul.f32 v7, v44  }
0x14c: {  	v50 =	vld [tilespmem:s0+$0x80B0];
	v10 =	vmul.f32 v37, v35;
	[tilespmem:s0+$0x7FD0] =	vst v13  }
0x14d: {  	v6 =	vbroadcast v6, $0xE;
	v14 =	vmul.f32 v39, v44;
	[tilespmem:s0+$0x8010] =	vst v7;
	v7 =	vld [tilespmem:s0+$0x8080]  }
0x14e: {  	v45 =	vld [tilespmem:s0+$0x8050];
	v17 =	vmul.f32 v42, v44;
	[tilespmem:s0+$0x7FE0] =	vst v10  }
0x14f: {  	v47 =	vld [tilespmem:s0+$0x8070];
	v16 =	vmul.f32 v48, v6;
	[tilespmem:s0+$0x8000] =	vst v14  }
0x150: {  	v43 =	vld [tilespmem:s0+$0x8040];
	v15 =	vmul.f32 v49, v6;
	[tilespmem:s0+$0x8030] =	vst v17  }
0x151: {  	v55 =	vld [tilespmem:s0+$0x8100];
	v11 =	vmul.f32 v50, v6;
	[tilespmem:s0+$0x8090] =	vst v16  }
0x152: {  	v57 =	vld [tilespmem:s0+$0x8120];
	[tilespmem:s0+$0x80A0] =	vst v15;
	v7 =	vmul.f32 v7, v6  }
0x153: {  	v61 =	vld [tilespmem:s0+$0x8170];
	v10 =	vmul.f32 v45, v44;
	[tilespmem:s0+$0x80B0] =	vst v11  }
0x154: {  	v14 =	vmul.f32 v47, v44;
	[tilespmem:s0+$0x8080] =	vst v7;
	v7 =	vld [tilespmem:s0+$0x80F0]  }
0x155: {  	v52 =	vld [tilespmem:s0+$0x80C0];
	v13 =	vmul.f32 v43, v44;
	[tilespmem:s0+$0x8050] =	vst v10  }
0x156: {  	v56 =	vld [tilespmem:s0+$0x8110];
	v16 =	vmul.f32 v55, v27;
	[tilespmem:s0+$0x8070] =	vst v14  }
0x157: {  	v54 =	vld [tilespmem:s0+$0x80E0];
	v11 =	vmul.f32 v57, v27;
	[tilespmem:s0+$0x8040] =	vst v13  }
0x158: {  	v58 =	vld [tilespmem:s0+$0x8130];
	v63 =	vmul.f32 v61, v27;
	[tilespmem:s0+$0x8100] =	vst v16  }
0x159: {  	v53 =	vld [tilespmem:s0+$0x80D0];
	[tilespmem:s0+$0x8120] =	vst v11;
	v7 =	vmul.f32 v7, v6  }
0x15a: {  	v59 =	vld [tilespmem:s0+$0x8140];
	v10 =	vmul.f32 v52, v6;
	[tilespmem:s0+$0x8170] =	vst v63  }
0x15b: {  	[tilespmem:s0+$0x80F0] =	vst v7;
	v7 =	vmul.f32 v56, v27  }
0x15c: {  	v8 =	vld [tilespmem:s0+$0x7FA0];
	v14 =	vmul.f32 v54, v6;
	[tilespmem:s0+$0x80C0] =	vst v10  }
0x15d: {  	[tilespmem:s0+$0x8110] =	vst v7;
	v7 =	vmul.f32 v58, v27  }
0x15e: {  	[tilespmem:s0+$0x80E0] =	vst v14;
	v6 =	vmul.f32 v53, v6  }
0x15f: {  	[tilespmem:s0+$0x8130] =	vst v7;
	v7 =	vmul.f32 v59, v27  }
0x160: {  	[tilespmem:s0+$0x80D0] =	vst v6  }
0x161: {  	s3 =	simm.s32 $0x1;
	[tilespmem:s0+$0x8140] =	vst v7;
	v7 =	vmul.f32 v8, v35  }
.LBB2_9:
0x162: {  	s5 =	sshll.u32 s3, $0x4  }
0x163: {  	p0 =	sne.s32 s3, $0x7;
	[tilespmem:s0+$0x7FA0] =	vst v7;
	s0 =	smov.u32 s3;
	s3 =	sadd.s32 $0x1, s3  }
0x164: {  	s5 =	sand.u32 $0x3FFFFFF0, s5  }
0x165: {  	s0 =	sshll.u32 s0, $0xB;
	v6 =	vld [tilespmem:s5+$0x7900]  }
0x166: {  	s0 =	sand.u32 $0x3FFFF800, s0  }
0x167: {  	v13 =	vld [tilespmem:s0+$0x7A40]  }
0x168: {  	v14 =	vld [tilespmem:s0+$0x7A50]  }
0x169: {  	v15 =	vld [tilespmem:s0+$0x7A30]  }
0x16a: {  	v7 =	vbroadcast v6, $0x0;
	v8 =	vld [tilespmem:s0+$0x79A0];
	v12 =	vbroadcast v6, $0x4  }
0x16b: {  	v10 =	vld [tilespmem:s0+$0x79B0]  }
0x16c: {  	v11 =	vld [tilespmem:s0+$0x7EF0]  }
0x16d: {  	v16 =	vld [tilespmem:s0+$0x79E0]  }
0x16e: {  	v17 =	vld [tilespmem:s0+$0x79F0]  }
0x16f: {  	v9 =	vbroadcast v6, $0xA;
	v8 =	vmul.f32 v8, v7;
	v18 =	vld [tilespmem:s0+$0x7A00]  }
0x170: {  	v10 =	vmul.f32 v10, v7;
	v19 =	vld [tilespmem:s0+$0x7A10]  }
0x171: {  	[tilespmem:s0+$0x79A0] =	vst v8;
	v20 =	vld [tilespmem:s0+$0x7A20];
	v8 =	vmul.f32 v11, v9  }
0x172: {  	[tilespmem:s0+$0x79B0] =	vst v10;
	v11 =	vmul.f32 v16, v7;
	v16 =	vbroadcast v6, $0x1;
	v10 =	vld [tilespmem:s0+$0x7F00]  }
0x173: {  	v17 =	vmul.f32 v17, v7;
	[tilespmem:s0+$0x7EF0] =	vst v8;
	v8 =	vld [tilespmem:s0+$0x8150]  }
0x174: {  	[tilespmem:s0+$0x79E0] =	vst v11;
	v18 =	vmul.f32 v18, v16;
	v11 =	vld [tilespmem:s0+$0x7F10]  }
0x175: {  	[tilespmem:s0+$0x79F0] =	vst v17;
	v17 =	vmul.f32 v19, v16;
	v19 =	vld [tilespmem:s0+$0x7A60]  }
0x176: {  	[tilespmem:s0+$0x7A00] =	vst v18;
	v18 =	vmul.f32 v20, v16;
	v20 =	vld [tilespmem:s0+$0x7A70]  }
0x177: {  	v15 =	vmul.f32 v15, v16;
	[tilespmem:s0+$0x7A10] =	vst v17;
	v17 =	vld [tilespmem:s0+$0x7A80]  }
0x178: {  	v13 =	vmul.f32 v13, v16;
	[tilespmem:s0+$0x7A20] =	vst v18;
	v18 =	vld [tilespmem:s0+$0x7A90]  }
0x179: {  	v14 =	vmul.f32 v14, v16;
	[tilespmem:s0+$0x7A30] =	vst v15;
	v15 =	vld [tilespmem:s0+$0x7AA0]  }
0x17a: {  	[tilespmem:s0+$0x7A40] =	vst v13;
	v13 =	vmul.f32 v19, v16;
	v19 =	vbroadcast v6, $0x2;
	v21 =	vld [tilespmem:s0+$0x7AB0]  }
0x17b: {  	[tilespmem:s0+$0x7A50] =	vst v14;
	v14 =	vmul.f32 v20, v16;
	v16 =	vld [tilespmem:s0+$0x7AC0]  }
0x17c: {  	[tilespmem:s0+$0x7A60] =	vst v13;
	v13 =	vmul.f32 v17, v19;
	v17 =	vld [tilespmem:s0+$0x7AD0]  }
0x17d: {  	[tilespmem:s0+$0x7A70] =	vst v14;
	v14 =	vmul.f32 v18, v19;
	v18 =	vld [tilespmem:s0+$0x7AE0]  }
0x17e: {  	[tilespmem:s0+$0x7A80] =	vst v13;
	v13 =	vmul.f32 v15, v19;
	v15 =	vld [tilespmem:s0+$0x7AF0]  }
0x17f: {  	[tilespmem:s0+$0x7A90] =	vst v14;
	v14 =	vmul.f32 v21, v19;
	v20 =	vld [tilespmem:s0+$0x7B00]  }
0x180: {  	[tilespmem:s0+$0x7AA0] =	vst v13;
	v13 =	vmul.f32 v16, v19;
	v16 =	vld [tilespmem:s0+$0x7B10]  }
0x181: {  	[tilespmem:s0+$0x7AB0] =	vst v14;
	v14 =	vmul.f32 v17, v19;
	v17 =	vld [tilespmem:s0+$0x7B20]  }
0x182: {  	[tilespmem:s0+$0x7AC0] =	vst v13;
	v13 =	vmul.f32 v18, v19;
	v18 =	vbroadcast v6, $0x3;
	v21 =	vld [tilespmem:s0+$0x7B30]  }
0x183: {  	[tilespmem:s0+$0x7AD0] =	vst v14;
	v14 =	vmul.f32 v15, v19;
	v15 =	vld [tilespmem:s0+$0x7B40]  }
0x184: {  	[tilespmem:s0+$0x7AE0] =	vst v13;
	v13 =	vmul.f32 v20, v18;
	v19 =	vld [tilespmem:s0+$0x7B50]  }
0x185: {  	[tilespmem:s0+$0x7AF0] =	vst v14;
	v14 =	vmul.f32 v16, v18;
	v16 =	vld [tilespmem:s0+$0x7B60]  }
0x186: {  	[tilespmem:s0+$0x7B00] =	vst v13;
	v13 =	vmul.f32 v17, v18;
	v17 =	vld [tilespmem:s0+$0x7B70]  }
0x187: {  	[tilespmem:s0+$0x7B10] =	vst v14;
	v14 =	vmul.f32 v21, v18;
	v20 =	vld [tilespmem:s0+$0x7B80]  }
0x188: {  	[tilespmem:s0+$0x7B20] =	vst v13;
	v13 =	vmul.f32 v15, v18;
	v15 =	vld [tilespmem:s0+$0x7B90]  }
0x189: {  	[tilespmem:s0+$0x7B30] =	vst v14;
	v14 =	vmul.f32 v19, v18;
	v19 =	vld [tilespmem:s0+$0x7BA0]  }
0x18a: {  	[tilespmem:s0+$0x7B40] =	vst v13;
	v13 =	vmul.f32 v16, v18;
	v16 =	vld [tilespmem:s0+$0x7BB0]  }
0x18b: {  	[tilespmem:s0+$0x7B50] =	vst v14;
	v14 =	vmul.f32 v17, v18;
	v17 =	vld [tilespmem:s0+$0x7BC0]  }
0x18c: {  	[tilespmem:s0+$0x7B60] =	vst v13;
	v13 =	vmul.f32 v20, v12;
	v18 =	vld [tilespmem:s0+$0x7BD0]  }
0x18d: {  	[tilespmem:s0+$0x7B70] =	vst v14;
	v14 =	vmul.f32 v15, v12;
	v15 =	vld [tilespmem:s0+$0x7BE0]  }
0x18e: {  	[tilespmem:s0+$0x7B80] =	vst v13;
	v13 =	vmul.f32 v19, v12;
	v19 =	vld [tilespmem:s0+$0x7BF0]  }
0x18f: {  	[tilespmem:s0+$0x7B90] =	vst v14;
	v14 =	vmul.f32 v16, v12;
	v16 =	vld [tilespmem:s0+$0x7C00]  }
0x190: {  	[tilespmem:s0+$0x7BA0] =	vst v13;
	v13 =	vmul.f32 v17, v12;
	v17 =	vld [tilespmem:s0+$0x7C10]  }
0x191: {  	[tilespmem:s0+$0x7BB0] =	vst v14;
	v14 =	vmul.f32 v18, v12;
	v18 =	vld [tilespmem:s0+$0x7C20]  }
0x192: {  	[tilespmem:s0+$0x7BC0] =	vst v13;
	v13 =	vmul.f32 v15, v12;
	v15 =	vbroadcast v6, $0x5;
	v20 =	vld [tilespmem:s0+$0x7C30]  }
0x193: {  	[tilespmem:s0+$0x7BD0] =	vst v14;
	v12 =	vmul.f32 v19, v12;
	v14 =	vld [tilespmem:s0+$0x7C40]  }
0x194: {  	[tilespmem:s0+$0x7BE0] =	vst v13;
	v13 =	vmul.f32 v16, v15;
	v16 =	vld [tilespmem:s0+$0x7C50]  }
0x195: {  	[tilespmem:s0+$0x7BF0] =	vst v12;
	v12 =	vmul.f32 v17, v15;
	v17 =	vld [tilespmem:s0+$0x7C60]  }
0x196: {  	[tilespmem:s0+$0x7C00] =	vst v13;
	v13 =	vmul.f32 v18, v15;
	v18 =	vld [tilespmem:s0+$0x7C70]  }
0x197: {  	[tilespmem:s0+$0x7C10] =	vst v12;
	v12 =	vmul.f32 v20, v15;
	v19 =	vld [tilespmem:s0+$0x7C80]  }
0x198: {  	[tilespmem:s0+$0x7C20] =	vst v13;
	v13 =	vmul.f32 v14, v15;
	v14 =	vld [tilespmem:s0+$0x7C90]  }
0x199: {  	[tilespmem:s0+$0x7C30] =	vst v12;
	v12 =	vmul.f32 v16, v15;
	v16 =	vld [tilespmem:s0+$0x7CA0]  }
0x19a: {  	[tilespmem:s0+$0x7C40] =	vst v13;
	v13 =	vmul.f32 v17, v15;
	v17 =	vbroadcast v6, $0x6;
	v20 =	vld [tilespmem:s0+$0x7CB0]  }
0x19b: {  	[tilespmem:s0+$0x7C50] =	vst v12;
	v12 =	vmul.f32 v18, v15;
	v15 =	vld [tilespmem:s0+$0x7CC0]  }
0x19c: {  	[tilespmem:s0+$0x7C60] =	vst v13;
	v13 =	vmul.f32 v19, v17;
	v18 =	vld [tilespmem:s0+$0x7CD0]  }
0x19d: {  	[tilespmem:s0+$0x7C70] =	vst v12;
	v12 =	vmul.f32 v14, v17;
	v14 =	vld [tilespmem:s0+$0x7CE0]  }
0x19e: {  	[tilespmem:s0+$0x7C80] =	vst v13;
	v13 =	vmul.f32 v16, v17;
	v16 =	vld [tilespmem:s0+$0x7CF0]  }
0x19f: {  	[tilespmem:s0+$0x7C90] =	vst v12;
	v12 =	vmul.f32 v20, v17;
	v19 =	vld [tilespmem:s0+$0x7D00]  }
0x1a0: {  	[tilespmem:s0+$0x7CA0] =	vst v13;
	v13 =	vmul.f32 v15, v17;
	v15 =	vld [tilespmem:s0+$0x7D10]  }
0x1a1: {  	[tilespmem:s0+$0x7CB0] =	vst v12;
	v12 =	vmul.f32 v18, v17;
	v18 =	vld [tilespmem:s0+$0x7D20]  }
0x1a2: {  	[tilespmem:s0+$0x7CC0] =	vst v13;
	v13 =	vmul.f32 v14, v17;
	v14 =	vbroadcast v6, $0x7;
	v20 =	vld [tilespmem:s0+$0x7D30]  }
0x1a3: {  	[tilespmem:s0+$0x7CD0] =	vst v12;
	v12 =	vmul.f32 v16, v17;
	v16 =	vld [tilespmem:s0+$0x7D40]  }
0x1a4: {  	[tilespmem:s0+$0x7CE0] =	vst v13;
	v13 =	vmul.f32 v19, v14;
	v17 =	vld [tilespmem:s0+$0x7D50]  }
0x1a5: {  	[tilespmem:s0+$0x7CF0] =	vst v12;
	v12 =	vmul.f32 v15, v14;
	v15 =	vld [tilespmem:s0+$0x7D60]  }
0x1a6: {  	[tilespmem:s0+$0x7D00] =	vst v13;
	v13 =	vmul.f32 v18, v14;
	v18 =	vld [tilespmem:s0+$0x7D70]  }
0x1a7: {  	[tilespmem:s0+$0x7D10] =	vst v12;
	v12 =	vmul.f32 v20, v14;
	v19 =	vld [tilespmem:s0+$0x7D80]  }
0x1a8: {  	[tilespmem:s0+$0x7D20] =	vst v13;
	v13 =	vmul.f32 v16, v14;
	v16 =	vld [tilespmem:s0+$0x7D90]  }
0x1a9: {  	[tilespmem:s0+$0x7D30] =	vst v12;
	v12 =	vmul.f32 v17, v14;
	v17 =	vld [tilespmem:s0+$0x7DA0]  }
0x1aa: {  	[tilespmem:s0+$0x7D40] =	vst v13;
	v13 =	vmul.f32 v15, v14;
	v15 =	vbroadcast v6, $0x8;
	v20 =	vld [tilespmem:s0+$0x7DB0]  }
0x1ab: {  	[tilespmem:s0+$0x7D50] =	vst v12;
	v12 =	vmul.f32 v18, v14;
	v14 =	vld [tilespmem:s0+$0x7DC0]  }
0x1ac: {  	[tilespmem:s0+$0x7D60] =	vst v13;
	v13 =	vmul.f32 v19, v15;
	v18 =	vld [tilespmem:s0+$0x7DD0]  }
0x1ad: {  	[tilespmem:s0+$0x7D70] =	vst v12;
	v12 =	vmul.f32 v16, v15;
	v16 =	vld [tilespmem:s0+$0x7DE0]  }
0x1ae: {  	[tilespmem:s0+$0x7D80] =	vst v13;
	v13 =	vmul.f32 v17, v15;
	v17 =	vld [tilespmem:s0+$0x7DF0]  }
0x1af: {  	[tilespmem:s0+$0x7D90] =	vst v12;
	v12 =	vmul.f32 v20, v15;
	v19 =	vld [tilespmem:s0+$0x7E00]  }
0x1b0: {  	[tilespmem:s0+$0x7DA0] =	vst v13;
	v13 =	vmul.f32 v14, v15;
	v14 =	vld [tilespmem:s0+$0x7E10]  }
0x1b1: {  	[tilespmem:s0+$0x7DB0] =	vst v12;
	v12 =	vmul.f32 v18, v15;
	v18 =	vld [tilespmem:s0+$0x7E20]  }
0x1b2: {  	[tilespmem:s0+$0x7DC0] =	vst v13;
	v13 =	vmul.f32 v16, v15;
	v16 =	vbroadcast v6, $0x9;
	v20 =	vld [tilespmem:s0+$0x7E30]  }
0x1b3: {  	[tilespmem:s0+$0x7DD0] =	vst v12;
	v12 =	vmul.f32 v17, v15;
	v15 =	vld [tilespmem:s0+$0x7E40]  }
0x1b4: {  	[tilespmem:s0+$0x7DE0] =	vst v13;
	v13 =	vmul.f32 v19, v16;
	v17 =	vld [tilespmem:s0+$0x7E50]  }
0x1b5: {  	[tilespmem:s0+$0x7DF0] =	vst v12;
	v12 =	vmul.f32 v14, v16;
	v14 =	vld [tilespmem:s0+$0x7E60]  }
0x1b6: {  	[tilespmem:s0+$0x7E00] =	vst v13;
	v13 =	vmul.f32 v18, v16;
	v18 =	vld [tilespmem:s0+$0x7E70]  }
0x1b7: {  	[tilespmem:s0+$0x7E10] =	vst v12;
	v12 =	vmul.f32 v20, v16;
	v19 =	vld [tilespmem:s0+$0x7E80]  }
0x1b8: {  	[tilespmem:s0+$0x7E20] =	vst v13;
	v13 =	vmul.f32 v15, v16;
	v15 =	vld [tilespmem:s0+$0x7E90]  }
0x1b9: {  	[tilespmem:s0+$0x7E30] =	vst v12;
	v12 =	vmul.f32 v17, v16;
	v17 =	vld [tilespmem:s0+$0x7EA0]  }
0x1ba: {  	[tilespmem:s0+$0x7E40] =	vst v13;
	v13 =	vmul.f32 v14, v16;
	v14 =	vld [tilespmem:s0+$0x7EB0]  }
0x1bb: {  	[tilespmem:s0+$0x7E50] =	vst v12;
	v12 =	vmul.f32 v18, v16;
	v16 =	vld [tilespmem:s0+$0x7EC0]  }
0x1bc: {  	[tilespmem:s0+$0x7E60] =	vst v13;
	v13 =	vmul.f32 v19, v9;
	v18 =	vld [tilespmem:s0+$0x7ED0]  }
0x1bd: {  	[tilespmem:s0+$0x7E70] =	vst v12;
	v12 =	vmul.f32 v15, v9;
	v15 =	vld [tilespmem:s0+$0x7EE0]  }
0x1be: {  	v19 =	vld [tilespmem:s0+$0x7980];
	[tilespmem:s0+$0x7E80] =	vst v13;
	v13 =	vmul.f32 v17, v9  }
0x1bf: {  	v17 =	vld [tilespmem:s0+$0x7990];
	[tilespmem:s0+$0x7E90] =	vst v12;
	v12 =	vmul.f32 v14, v9  }
0x1c0: {  	v14 =	vld [tilespmem:s0+$0x79C0];
	[tilespmem:s0+$0x7EA0] =	vst v13;
	v13 =	vmul.f32 v16, v9  }
0x1c1: {  	v16 =	vld [tilespmem:s0+$0x79D0];
	[tilespmem:s0+$0x7EB0] =	vst v12;
	v12 =	vmul.f32 v18, v9  }
0x1c2: {  	[tilespmem:s0+$0x7EC0] =	vst v13;
	v13 =	vmul.f32 v15, v9;
	v15 =	vbroadcast v6, $0xB;
	v18 =	vld [tilespmem:s0+$0x7F20]  }
0x1c3: {  	v9 =	vbroadcast v6, $0xF;
	v19 =	vmul.f32 v7, v19;
	[tilespmem:s0+$0x7ED0] =	vst v12;
	v12 =	vld [tilespmem:s0+$0x7F30]  }
0x1c4: {  	v17 =	vmul.f32 v17, v7;
	[tilespmem:s0+$0x7EE0] =	vst v13;
	v10 =	vmul.f32 v10, v15;
	v13 =	vld [tilespmem:s0+$0x7F40]  }
0x1c5: {  	v11 =	vmul.f32 v11, v15;
	[tilespmem:s0+$0x7980] =	vst v19;
	v14 =	vmul.f32 v14, v7;
	v19 =	vld [tilespmem:s0+$0x7F50]  }
0x1c6: {  	v8 =	vmul.f32 v8, v9;
	v16 =	vmul.f32 v16, v7;
	[tilespmem:s0+$0x7F00] =	vst v10;
	v7 =	vld [tilespmem:s0+$0x7F60]  }
0x1c7: {  	[tilespmem:s0+$0x7F10] =	vst v11;
	v10 =	vmul.f32 v18, v15;
	v11 =	vld [tilespmem:s0+$0x7F70]  }
0x1c8: {  	v12 =	vmul.f32 v12, v15;
	v18 =	vld [tilespmem:s0+$0x7F80];
	[tilespmem:s0+$0x8150] =	vst v8  }
0x1c9: {  	[tilespmem:s0+$0x7990] =	vst v17;
	v8 =	vmul.f32 v13, v15;
	v13 =	vld [tilespmem:s0+$0x7F90]  }
0x1ca: {  	[tilespmem:s0+$0x79C0] =	vst v14;
	v14 =	vmul.f32 v19, v15;
	v17 =	vld [tilespmem:s0+$0x7FA0]  }
0x1cb: {  	v19 =	vbroadcast v6, $0xC;
	[tilespmem:s0+$0x7F20] =	vst v10;
	v10 =	vmul.f32 v7, v15;
	v20 =	vld [tilespmem:s0+$0x7FB0]  }
0x1cc: {  	[tilespmem:s0+$0x7F50] =	vst v14;
	v11 =	vmul.f32 v11, v15;
	v14 =	vld [tilespmem:s0+$0x7FC0]  }
0x1cd: {  	[tilespmem:s0+$0x7F30] =	vst v12;
	v7 =	vmul.f32 v18, v19;
	v12 =	vld [tilespmem:s0+$0x7FD0]  }
0x1ce: {  	[tilespmem:s0+$0x7F40] =	vst v8;
	v8 =	vmul.f32 v13, v19;
	v13 =	vld [tilespmem:s0+$0x7FE0]  }
0x1cf: {  	[tilespmem:s0+$0x7F80] =	vst v7;
	v7 =	vmul.f32 v17, v19;
	v15 =	vld [tilespmem:s0+$0x7FF0]  }
0x1d0: {  	[tilespmem:s0+$0x7F90] =	vst v8;
	v8 =	vld [tilespmem:s0+$0x8000]  }
0x1d1: {  	[tilespmem:s0+$0x79D0] =	vst v16;
	v14 =	vmul.f32 v14, v19;
	v16 =	vld [tilespmem:s0+$0x8010]  }
0x1d2: {  	[tilespmem:s0+$0x7F60] =	vst v10;
	v10 =	vmul.f32 v12, v19;
	v12 =	vld [tilespmem:s0+$0x8020]  }
0x1d3: {  	[tilespmem:s0+$0x7FC0] =	vst v14;
	v13 =	vmul.f32 v13, v19;
	v14 =	vbroadcast v6, $0xD;
	v17 =	vld [tilespmem:s0+$0x8030]  }
0x1d4: {  	[tilespmem:s0+$0x7FD0] =	vst v10;
	v10 =	vmul.f32 v15, v19;
	v15 =	vld [tilespmem:s0+$0x8040]  }
0x1d5: {  	[tilespmem:s0+$0x7FE0] =	vst v13;
	v8 =	vmul.f32 v8, v14;
	v13 =	vld [tilespmem:s0+$0x8050]  }
0x1d6: {  	[tilespmem:s0+$0x7FF0] =	vst v10;
	v10 =	vmul.f32 v16, v14;
	v16 =	vld [tilespmem:s0+$0x8060]  }
0x1d7: {  	[tilespmem:s0+$0x8000] =	vst v8;
	v8 =	vmul.f32 v12, v14;
	v12 =	vld [tilespmem:s0+$0x8070]  }
0x1d8: {  	[tilespmem:s0+$0x8010] =	vst v10;
	v10 =	vmul.f32 v17, v14;
	v17 =	vld [tilespmem:s0+$0x8080]  }
0x1d9: {  	[tilespmem:s0+$0x8020] =	vst v8;
	v8 =	vmul.f32 v15, v14;
	v15 =	vld [tilespmem:s0+$0x8090]  }
0x1da: {  	[tilespmem:s0+$0x8030] =	vst v10;
	v10 =	vmul.f32 v13, v14;
	v13 =	vld [tilespmem:s0+$0x80A0]  }
0x1db: {  	v6 =	vbroadcast v6, $0xE;
	[tilespmem:s0+$0x7F70] =	vst v11;
	v11 =	vmul.f32 v16, v14;
	v16 =	vld [tilespmem:s0+$0x80B0]  }
0x1dc: {  	[tilespmem:s0+$0x8050] =	vst v10;
	v10 =	vmul.f32 v12, v14;
	v12 =	vld [tilespmem:s0+$0x80C0]  }
0x1dd: {  	[tilespmem:s0+$0x8060] =	vst v11;
	v11 =	vmul.f32 v17, v6;
	v14 =	vld [tilespmem:s0+$0x80D0]  }
0x1de: {  	[tilespmem:s0+$0x8070] =	vst v10;
	v10 =	vmul.f32 v15, v6;
	v15 =	vld [tilespmem:s0+$0x80E0]  }
0x1df: {  	[tilespmem:s0+$0x8080] =	vst v11;
	v11 =	vmul.f32 v13, v6;
	v13 =	vld [tilespmem:s0+$0x80F0]  }
0x1e0: {  	[tilespmem:s0+$0x8090] =	vst v10;
	v10 =	vmul.f32 v16, v6;
	v16 =	vld [tilespmem:s0+$0x8100]  }
0x1e1: {  	[tilespmem:s0+$0x80A0] =	vst v11;
	v11 =	vmul.f32 v12, v6;
	v12 =	vld [tilespmem:s0+$0x8110]  }
0x1e2: {  	[tilespmem:s0+$0x80B0] =	vst v10;
	v10 =	vmul.f32 v14, v6;
	v14 =	vld [tilespmem:s0+$0x8120]  }
0x1e3: {  	[tilespmem:s0+$0x80C0] =	vst v11;
	v11 =	vmul.f32 v15, v6;
	v15 =	vld [tilespmem:s0+$0x8130]  }
0x1e4: {  	[tilespmem:s0+$0x8040] =	vst v8;
	v6 =	vmul.f32 v13, v6;
	v8 =	vld [tilespmem:s0+$0x8140]  }
0x1e5: {  	[tilespmem:s0+$0x80E0] =	vst v11;
	v11 =	vmul.f32 v16, v9;
	v13 =	vld [tilespmem:s0+$0x8160]  }
0x1e6: {  	[tilespmem:s0+$0x80F0] =	vst v6;
	v6 =	vmul.f32 v12, v9;
	v12 =	vld [tilespmem:s0+$0x8170]  }
0x1e7: {  	[tilespmem:s0+$0x8100] =	vst v11;
	v11 =	vmul.f32 v14, v9  }
0x1e8: {  	[tilespmem:s0+$0x8110] =	vst v6;
	v6 =	vmul.f32 v15, v9  }
0x1e9: {  	v14 =	vmul.f32 v20, v19;
	[tilespmem:s0+$0x8120] =	vst v11  }
0x1ea: {  	[tilespmem:s0+$0x8130] =	vst v6;
	v6 =	vmul.f32 v8, v9  }
.Ltmp3:
0x1eb: {  	[tilespmem:s0+$0x7FB0] =	vst v14;
	v8 =	vmul.f32 v12, v9;
	(pc) =	sbr.rel @p0 .LBB2_9-.Ltmp3, $4  }
0x1ec: {  	[tilespmem:s0+$0x8140] =	vst v6  }
0x1ed: {  	v6 =	vmul.f32 v13, v9;
	[tilespmem:s0+$0x8170] =	vst v8  }
0x1ee: {  	[tilespmem:s0+$0x80D0] =	vst v10  }
0x1ef: {  	[tilespmem:s0+$0x8160] =	vst v6  }
0x1f0: {  	s31 =	sadd.s32 $0x1, s31  }
0x1f1: {  	p0 =	sne.s32 s31, $0x51  }
.Ltmp4:
0x1f2: {  	[tilespmem:s0+$0x7FA0] =	vst v7;
	(pc) =	sbr.rel @p0 .LBB2_8-.Ltmp4, $4  }
0x1f3: {  	[spmem:s1] =	stream.indirect.scatter.add.f32 [tilespmem:s20], [sflag:$0x2], $0x80, s23, s25, $0xb8;
	[tilespmem:$0x1F980] =	vst v63  }
0x1f4: {  	_ =	swait.ge [sflag:s28], $0x4000  }
0x1f5: {  	[sflag:s28] =	ssyncset.done $0x0  }
0x1f6: {  	[sflag:s28] =	ssyncadd.s32 $0xFFFFC000  }
0x1f7: {  	[bflag:$0x0] =	sbarrier.arrive $0xFFFF;
	s0 =	stileid.u32  }
0x1f8: {  	[hbm4b:s11+s2] =	stream.linear.scatter [tilespmem:s24], [sflag:$0x3], $0x2800, $0x38;
	[tilespmem:$0x1F980] =	vst v63  }
0x1f9: {  	s3 =	sshrl.u32 s9, $0x3;
	s29 =	sadd.s32 $0x1, s29;
	_ =	swait.ge [sflag:s18], $0x2800  }
0x1fa: {  	s0 =	sshll.u32 s0, $0x6;
	p0 =	sne.s32 s29, s13;
	[sflag:s18] =	ssyncset.done $0x0  }
.Ltmp5:
0x1fb: {  	s0 =	sor.u32 $0x1C03, s0;
	[sflag:s18] =	ssyncadd.s32 $0xFFFFD800;
	(pc) =	sbr.rel @p0 .LBB2_1-.Ltmp5, $4  }
0x1fc: {  	[hbm:s12], [sflag:s0] =	dma.local [spmem:s3], $0x2800  }
0x1fd: {  	_ =	swait.ge [sflag:s18], $0x2800  }
0x1fe: {  	[sflag:s18] =	ssyncset.done $0x0  }
0x1ff: {  	[sflag:s18] =	ssyncadd.s32 $0xFFFFD800  }
0x200: {  	_ =	sfence.sel $0x180000  }
0x201: {  	[bflag:$0x0] =	sbarrier.arrive $0xFFFF  }
0x202: {  	_ =	strace $0x9000004A  }
0x203: {  	s0 =	stileid.u32;
	[bflag:$0x2] =	sbarrier.arrive $0xFFFF  }
0x204: {  	p0 =	sne.s32 s0, $0x0;
	s0 =	rddreg [dreg:$0x2]  }
0x205: {  	s0 =	sadd.s32 @!p0 $0x100000, s0  }
0x206: {  	[sflag:s0] =	ssyncadd.tile.s32 @!p0 $0x1;
	_ =	shalt  }
.Lfunc_end2:
_tile_overlayer_lowered:
.L_overlay_start_2:
0x207: {  	(tag) =	ssettag $0x2  }
0x208: {  	s0 =	rddreg [dreg:$0x0];
	s2 =	stileid.u32  }
0x209: {  	s1 =	rddreg [dreg:$0x1];
	p0 =	sne.s32 s2, $0x0  }
0x20a: {  	s3 =	rddreg [dreg:$0x2];
	[bflag:$0x3] =	sbarrier.arrive $0xFFFF;
	s2 =	simm.s32 @!p0 $0x1C03  }
0x20b: {  	[timem:s3], [sflag:s2] =	dma.local @!p0 [hbm:s0], s1  }
0x20c: {  	s0 =	simm.s32 @!p0 $0x3  }
0x20d: {  	_ =	swait.ge @!p0 [sflag:s0], s1  }
0x20e: {  	s1 =	ssub.s32 @!p0 $0x0, s1;
	[sflag:s0] =	ssyncset.done @!p0 $0x0  }
0x20f: {  	[sflag:s0] =	ssyncadd.s32 @!p0 s1  }
0x210: {  	[bflag:$0x3] =	sbarrier.arrive $0xFFFF  }
0x211: {  	_ =	shalt  }

// kernel: kernel.7.cloned.1.call-start
scs
__scs_entry_jumppad:
0x0: {  	(pc) =	sbr.rel $0x88, $3  }
0x1: {  	(tag) =	ssettag $0x0;
	lr =	simm.s32 $0x1  }
0x2: {  	[smem:$0x3F95] =	sst lr;
	_ =	strace $0xD0000000  }
0x3: {  	_ = 	snop  }
0x4: {  	_ = 	snop  }
0x5: {  	_ = 	snop  }
0x6: {  	_ = 	snop  }
0x7: {  	_ = 	snop  }
__scs_overlays_trampoline_lowered:
0x8: {  	[smem:$0x3FA4] =	sst s0  }
0x9: {  	[smem:$0x3FA5] =	sst s1  }
0xa: {  	[smem:$0x3FA6] =	sst s2  }
0xb: {  	[smem:$0x3FA7] =	sst s3  }
0xc: {  	[smem:$0x3FA8] =	sst s4  }
0xd: {  	[smem:$0x3FA9] =	sst s5  }
0xe: {  	[smem:$0x3FAA] =	sst s6  }
0xf: {  	[smem:$0x3FAB] =	sst s7  }
0x10: {  	[smem:$0x3FAC] =	sst s8  }
0x11: {  	[smem:$0x3FAD] =	sst s9;
	s0 =	simm.s32 @!p0 $0x0  }
0x12: {  	s1 =	sld [smem:$0x3F93];
	s0 =	simm.s32 @p0 $0x1  }
0x13: {  	[smem:$0x3FAE] =	sst s0;
	s0 =	simm.s32 @!p1 $0x0  }
0x14: {  	s2 =	sld [smem:$0x3F92];
	s0 =	simm.s32 @p1 $0x1  }
0x15: {  	[smem:$0x3FAF] =	sst s0;
	s0 =	simm.s32 @!p2 $0x0  }
0x16: {  	s3 =	sld [smem:$0x3FDB];
	s0 =	simm.s32 @p2 $0x1  }
0x17: {  	s4 =	simm.s32 $0x1BF5;
	[smem:$0x3FB1] =	sst s0  }
0x18: {  	s0 =	sld [smem:$0x3F94];
	_ =	swait.ge [sflag:s4], $0x0  }
0x19: {  	s7 =	sld [smem:$0x3F95]  }
0x1a: {  	s8 =	sadd.s32 $0xFFFFE003, lr  }
0x1b: {  	s9 =	sadd.s32 $0xFFFFFEF7, lr;
	s5 =	simm.s32 $0xFFFFFFFF;
	p2 =	slt.u32 s8, $0xFFFFF086  }
0x1c: {  	p1 =	slt.u32 s9, $0xF7A;
	s5 =	simm.s32 @!p2 $0x0  }
0x1d: {  	s5 =	simm.s32 @p1 $0x1;
	p0 =	seq.s32 s7, s2  }
0x1e: {  	s7 =	smul.u32 @!p0 $0xF7A, s2;
	p2 =	seq.s32 @!p0 s5, $0x0  }
0x1f: {  	s9 =	smul.u32 $0xF7A, s1;
	s8 =	simm.s32 @!p0 $0x1BF5;
	p2 =	por !p2, p0  }
0x20: {  	[sflag:s8] =	ssyncset.s32 @!p0 $0xFFFFF086;
	s6 =	sadd.s32 @!p0 s3, s7;
	s7 =	simm.s32 @!p0 $0x108  }
0x21: {  	s3 =	sadd.s32 s3, s9;
	s6 =	sadd.s32 @!p0 $0x88, s6;
	s7 =	simm.s32 @p2 $0x1082  }
0x22: {  	[simem:s7], [sflag:s8] =	dma.local @!p0 [hbm:s6], $0xF7A  }
0x23: {  	s9 =	sor.u32 $0xD0000000, s2;
	s6 =	simm.s32 $0x108;
	_ =	swait.ge @!p0 [sflag:s8], $0x0  }
0x24: {  	s3 =	sadd.s32 $0x88, s3;
	s6 =	simm.s32 @!p1 $0x1082;
	[sflag:s4] =	ssyncset.s32 $0xFFFFF086  }
0x25: {  	[simem:s6], [sflag:s4] =	dma.local [hbm:s3], $0xF7A  }
0x26: {  	[smem:$0x3F95] =	sst s1;
	(tag) =	ssettag s2;
	_ =	strace s9  }
0x27: {  	s1 =	sld [smem:$0x3FA5]  }
0x28: {  	s2 =	sld [smem:$0x3FA6]  }
0x29: {  	s4 =	sld [smem:$0x3FA8]  }
0x2a: {  	p0 =	seq.s32 s5, $0x0;
	s5 =	sld [smem:$0x3FA9]  }
0x2b: {  	s6 =	sld [smem:$0x3FAA]  }
0x2c: {  	s7 =	sld [smem:$0x3FAB]  }
0x2d: {  	s3 =	simm.s32 $0x108;
	s8 =	sld [smem:$0x3FAC]  }
0x2e: {  	s3 =	simm.s32 @!p0 $0x1082;
	s9 =	sld [smem:$0x3FAD]  }
0x2f: {  	lr =	sadd.s32 s0, s3;
	s0 =	sld [smem:$0x3FA4]  }
0x30: {  	s3 =	sld [smem:$0x3FA7]  }
0x31: {  	[smem:$0x3FB0] =	sst s10  }
0x32: {  	s10 =	sld [smem:$0x3FAE];
	_ =	sdelay $0x3  }
0x33: {  	p0 =	seq.s32 s10, $0x1;
	s10 =	sld [smem:$0x3FB0];
	_ =	sdelay $0x3  }
0x34: {  	[smem:$0x3FB0] =	sst s10  }
0x35: {  	s10 =	sld [smem:$0x3FAF];
	_ =	sdelay $0x3  }
0x36: {  	p1 =	seq.s32 s10, $0x1;
	s10 =	sld [smem:$0x3FB0];
	_ =	sdelay $0x3  }
0x37: {  	[smem:$0x3FB0] =	sst s10  }
0x38: {  	s10 =	sld [smem:$0x3FB1]  }
0x39: {  	_ = 	snop;
	(pc) =	sbr.ind lr, $3  }
0x3a: {  	_ = 	snop  }
0x3b: {  	_ = 	snop  }
0x3c: {  	p2 =	seq.s32 s10, $0x1;
	s10 =	sld [smem:$0x3FB0]  }
0x3d: {  	_ =	shalt  }
0x3e: {  	_ =	shalt  }
0x3f: {  	_ =	shalt  }
0x40: {  	_ =	shalt  }
0x41: {  	_ =	shalt  }
0x42: {  	_ =	shalt  }
0x43: {  	_ =	shalt  }
0x44: {  	_ =	shalt  }
0x45: {  	_ =	shalt  }
0x46: {  	_ =	shalt  }
0x47: {  	_ =	shalt  }
0x48: {  	_ =	shalt  }
0x49: {  	_ =	shalt  }
0x4a: {  	_ =	shalt  }
0x4b: {  	_ =	shalt  }
0x4c: {  	_ =	shalt  }
0x4d: {  	_ =	shalt  }
0x4e: {  	_ =	shalt  }
0x4f: {  	_ =	shalt  }
0x50: {  	_ =	shalt  }
0x51: {  	_ =	shalt  }
0x52: {  	_ =	shalt  }
0x53: {  	_ =	shalt  }
0x54: {  	_ =	shalt  }
0x55: {  	_ =	shalt  }
0x56: {  	_ =	shalt  }
0x57: {  	_ =	shalt  }
0x58: {  	_ =	shalt  }
0x59: {  	_ =	shalt  }
0x5a: {  	_ =	shalt  }
0x5b: {  	_ =	shalt  }
0x5c: {  	_ =	shalt  }
0x5d: {  	_ =	shalt  }
0x5e: {  	_ =	shalt  }
0x5f: {  	_ =	shalt  }
0x60: {  	_ =	shalt  }
0x61: {  	_ =	shalt  }
0x62: {  	_ =	shalt  }
0x63: {  	_ =	shalt  }
0x64: {  	_ =	shalt  }
0x65: {  	_ =	shalt  }
0x66: {  	_ =	shalt  }
0x67: {  	_ =	shalt  }
0x68: {  	_ =	shalt  }
0x69: {  	_ =	shalt  }
0x6a: {  	_ =	shalt  }
0x6b: {  	_ =	shalt  }
0x6c: {  	_ =	shalt  }
0x6d: {  	_ =	shalt  }
0x6e: {  	_ =	shalt  }
0x6f: {  	_ =	shalt  }
0x70: {  	_ =	shalt  }
0x71: {  	_ =	shalt  }
0x72: {  	_ =	shalt  }
0x73: {  	_ =	shalt  }
0x74: {  	_ =	shalt  }
0x75: {  	_ =	shalt  }
0x76: {  	_ =	shalt  }
0x77: {  	_ =	shalt  }
0x78: {  	_ =	shalt  }
0x79: {  	_ =	shalt  }
0x7a: {  	_ =	shalt  }
0x7b: {  	_ =	shalt  }
0x7c: {  	_ =	shalt  }
0x7d: {  	_ =	shalt  }
0x7e: {  	_ =	shalt  }
0x7f: {  	_ =	shalt  }
0x80: {  	_ =	shalt  }
0x81: {  	_ =	shalt  }
0x82: {  	_ =	shalt  }
0x83: {  	_ =	shalt  }
0x84: {  	_ =	shalt  }
0x85: {  	_ =	shalt  }
0x86: {  	_ =	shalt  }
0x87: {  	_ =	shalt  }
.Lfunc_end0:
.L_simem_size_0:
called_computation_lowered:
.L_overlay_start_0:
0x88: {  	s2 =	sld [smem:$0x3FD9]  }
0x89: {  	s3 =	sld [smem:$0x3FFE];
	_ =	sdelay $0x1  }
0x8a: {  	s1 =	srdreg.scid  }
0x8b: {  	s0 =	sand.u32 $0x1, s1  }
0x8c: {  	s16 =	sshll.u32 s0, $0xA;
	s2 =	sadd.s32 s3, s2  }
0x8d: {  	s2 =	sadd.s32 s2, s16  }
0x8e: {  	[smem:$0x3FBC] =	sst s2  }
0x8f: {  	_ = 	snop  }
0x90: {  	(tm) =	ssettm $0x1  }
0x91: {  	s17 =	sld [smem:$0x3FFB];
	_ =	sdelay $0x3  }
0x92: {  	_ =	strace s17  }
0x93: {  	s2 =	sld [smem:$0x3FFC];
	_ =	sdelay $0x3  }
0x94: {  	_ =	strace s2  }
0x95: {  	s2 =	sld [smem:$0x3FFD];
	_ =	sdelay $0x3  }
0x96: {  	_ =	strace s2  }
0x97: {  	_ =	strace $0x8FFFFFFF  }
0x98: {  	s18 =	sld [smem:$0x3FDB];
	_ =	sdelay $0x1  }
0x99: {  	s19 =	simm.s32 $_scs_section_size  }
0x9a: {  	s4 =	simm.s32 $_size__tile_overlayer_lowered;
	s5 =	simm.s32 $_tile_overlayer_lowered  }
0x9b: {  	s22 =	simm.s32 $0x1BFF;
	s21 =	sshll.u32 s5, $0x1;
	s2 =	sadd.s32 s19, s18  }
0x9c: {  	s6 =	simm.s32 $0x0;
	s20 =	sshll.u32 s4, $0x1;
	s4 =	sadd.s32 s21, s2  }
0x9d: {  	[timem:s6], [sflag:s22] =	dma.local [hbm:s4], s20  }
0x9e: {  	_ =	swait.ge [sflag:s22], s20  }
0x9f: {  	s3 =	ssub.s32 $0x0, s20;
	[sflag:s22] =	ssyncset.done $0x0  }
0xa0: {  	[sflag:s22] =	ssyncadd.s32 s3;
	_ =	sdelay $0x1  }
0xa1: {  	s23 =	simm.s32 $0x1B8B  }
0xa2: {  	_ =	swait.ge [sflag:s23], $0x1  }
0xa3: {  	[sflag:s23] =	ssyncset.done $0x0  }
0xa4: {  	s25 =	simm.s32 $0x1B8E;
	s24 =	sld [smem:$0x3FFE];
	[sflag:s23] =	ssyncadd.s32 $0xFFFFFFFF  }
0xa5: {  	s26 =	simm.s32 $execute0_lowered;
	[smem:$0x3FD2] =	sst s25  }
0xa6: {  	s4 =	sshll.u32 s26, $0x1;
	_ =	strace $0x80000046;
	[dreg:$0x1] =	wrdreg $0xFFFFFFFF  }
0xa7: {  	s28 =	simm.s32 $_size_execute0_lowered;
	s2 =	sadd.s32 s2, s4;
	[dreg:$0x0] =	wrdreg $0x0  }
0xa8: {  	s4 =	sshll.u32 s28, $0x1;
	[dreg:$0x2] =	wrdreg s2  }
0xa9: {  	[dreg:$0x3] =	wrdreg s4  }
0xaa: {  	[dreg:$0x4] =	wrdreg $0xC0  }
0xab: {  	_ =	task [dreg:s6], $0x5FFFF  }
0xac: {  	[dreg:$0x1] =	wrdreg $0xFFFFFFFF  }
0xad: {  	[dreg:$0x0] =	wrdreg $0x60  }
0xae: {  	[dreg:$0x2] =	wrdreg s24  }
0xaf: {  	[dreg:$0x3] =	wrdreg $0xBA000  }
0xb0: {  	[dreg:$0x4] =	wrdreg $0x9  }
0xb1: {  	_ =	task.clear_ibuf [dreg:s6], $0x5FFFF;
	_ =	strace $0x90000046  }
0xb2: {  	s29 =	simm.s32 $0x9;
	_ =	strace $0x80000048  }
0xb3: {  	_ =	swait.ge [sflag:s29], $0x1  }
0xb4: {  	[sflag:s29] =	ssyncadd.s32 $0xFFFFFFFF  }
0xb5: {  	_ =	strace $0x90000048  }
0xb6: {  	_ =	sfence  }
0xb7: {  	s30 =	sld [smem:$0x0];
	_ =	sdelay $0x2  }
0xb8: {  	s31 =	sshll.u32 s1, $0xD;
	s1 =	sshrl.u32 s1, $0x2  }
0xb9: {  	s3 =	sand.u32 $0x4000, s31;
	s1 =	sadd.s32 s1, s30  }
0xba: {  	s0 =	sor.u32 s3, s0;
	s1 =	sshll.u32 s1, $0x11  }
0xbb: {  	s0 =	sor.u32 s1, s0  }
0xbc: {  	s0 =	sadd.s32 $0x8F2B, s0  }
0xbd: {  	[sflag:s0] =	ssyncadd.remote.s32 $0x1  }
0xbe: {  	_ =	sfence.sel $0xFFFF  }
0xbf: {  	[dreg:$0x0] =	wrdreg $0xFFFFFFFF;
	(pc) =	sbr.abs _section_cstart, $3  }
0xc0: {  	[dreg:$0x1] =	wrdreg $0xFFFFFFFF  }
0xc1: {  	_ =	task.clear_ibuf [dreg:s6], $0x2FFFF;
	_ =	strace $0x9FFFFFFF  }
0xc2: {  	(tm) =	ssettm $0x7FFFFFFF  }
0xc3: {  	_ =	shalt  }
tec
execute0_lowered:
.L_overlay_start_1:
0x0: {  	(tag) =	ssettag $0x1  }
0x1: {  	s0 =	rddreg [dreg:$0x0]  }
0x2: {  	s1 =	rddreg [dreg:$0x1]  }
0x3: {  	s3 =	srdreg.scid;
	s2 =	simm.s32 $0x0;
	s14 =	stileid.u32  }
0x4: {  	s18 =	simm.s32 $0x3;
	s19 =	simm.s32 $0x2800;
	s20 =	simm.s32 $0x7A00  }
0x5: {  	s21 =	simm.s32 $0x7980;
	s22 =	simm.s32 $0x7800;
	s23 =	simm.s32 $0x7880  }
0x6: {  	s24 =	simm.s32 $0x5000;
	s28 =	simm.s32 $0x1;
	s29 =	simm.s32 $0x2  }
0x7: {  	v0 =	vimm.s32 $0xEFCDAB89;
	v1 =	vimm.s32 $0x67452301;
	s30 =	simm.s32 $0x0;
	s31 =	simm.s32 $0x0;
	s9 =	smul.u32 $0x280, s14  }
0x8: {  	v2 =	vimm.s32 $0xDCFE98BA;
	v3 =	vimm.s32 $0x54761032;
	s3 =	sand.u32 $0x1, s3;
	[smem:$0x7FF] =	sst s2;
	s12 =	smul.u32 $0x50000, s14  }
0x9: {  	v4 =	vimm.s32 $0xBA98FEDC;
	s4 =	sadd.s32 $0x2E00, s0;
	s6 =	sadd.s32 $0x54200, s0;
	s7 =	smul.u32 $0x2800, s3  }
0xa: {  	v5 =	vimm.s32 $0x32107654;
	v6 =	vimm.s32 $0xFEDCBA98;
	_ =	strace $0x80000047;
	s10 =	sshll.u32 s3, $0x4;
	s3 =	ssub.s32 $0x2, s3  }
0xb: {  	v7 =	vimm.s32 $0x76543210;
	v0 =	vunpack.c.l.s4.s8 v0;
	v1 =	vunpack.c.l.s4.s8 v1;
	s10 =	sor.u32 s14, s10;
	s11 =	sshrl.u32 s3, $0x1;
	s26 =	sshrl.u32 s12, $0x2  }
0xc: {  	v2 =	vunpack.c.l.s4.s8 v2;
	v3 =	vunpack.c.l.s4.s8 v3;
	v4 =	vunpack.c.l.s4.s8 v4;
	s5 =	sshrl.u32 s7, $0x3;
	s9 =	sadd.s32 s9, s7;
	s10 =	smul.u32 $0x500, s10  }
0xd: {  	v5 =	vunpack.c.l.s4.s8 v5;
	v6 =	vunpack.c.l.s4.s8 v6;
	v0 =	vunpack.c.0.s8.s32 v0;
	s3 =	ssub.s32 s3, s11;
	s8 =	sadd.s32 s5, s0;
	s9 =	sshll.u32 s9, $0x4  }
0xe: {  	v1 =	vunpack.c.0.s8.s32 v1;
	v2 =	vunpack.c.0.s8.s32 v2;
	v3 =	vunpack.c.0.s8.s32 v3;
	s5 =	sadd.s32 $0x5E400, s0;
	s13 =	sadd.s32 s9, s0;
	s0 =	sadd.s32 s10, s0  }
0xf: {  	v7 =	vunpack.c.l.s4.s8 v7;
	v4 =	vunpack.c.0.s8.s32 v4;
	v5 =	vunpack.c.0.s8.s32 v5;
	s25 =	sadd.s32 $0x52E00, s8;
	s8 =	sadd.s32 $0x53800, s8;
	s9 =	sadd.s32 s26, s1  }
0x10: {  	v6 =	vunpack.c.0.s8.s32 v6;
	v8 =	vcombine.low v1, v0;
	v3 =	vcombine.low v3, v2;
	s10 =	smul.u32 $0xA2, s14;
	s26 =	simm.s32 $0x7900;
	[dreg:$0x3] =	wrdreg s25  }
0x11: {  	v0 =	vmov s7;
	v4 =	vcombine.low v5, v4;
	v5 =	vunpack.c.0.s8.s32 v7;
	[dreg:$0x4] =	wrdreg s8;
	s11 =	sadd.s32 $0x68600, s0;
	s12 =	sadd.s32 $0x72600, s13  }
0x12: {  	v1 =	vimm.f32 $0.0e+00;
	v6 =	vand.u32 $0xF, v6;
	s13 =	smax.u32 s3, $0x1;
	s14 =	sadd.s32 $0x4000, s9;
	s15 =	sadd.s32 $0x8000, s9;
	v2 =	vand.u32 $0xF, v8  }
0x13: {  	s16 =	sadd.s32 $0xC000, s9;
	s17 =	sadd.s32 $0x10000, s9;
	s25 =	simm.s32 $0x80;
	v3 =	vand.u32 $0xF, v3;
	v4 =	vand.u32 $0xF, v4;
	v5 =	vcombine.low v6, v5  }
.LBB2_1:
0x14: {  	s0 =	rddreg [dreg:$0x3]  }
0x15: {  	[tilespmem:s2], [sflag:$0x3] =	stream.linear.gather [hbm4b:s0+s2], $0x2800, $0x38;
	[tilespmem:$0x1FA00] =	vst v63  }
0x16: {  	_ =	swait.ge [sflag:s18], $0x2800  }
0x17: {  	[sflag:s18] =	ssyncset.done $0x0  }
0x18: {  	s8 =	rddreg [dreg:$0x4];
	[sflag:s18] =	ssyncadd.s32 $0xFFFFD800  }
0x19: {  	[tilespmem:s19], [sflag:$0x3] =	stream.linear.gather [hbm4b:s8+s2], $0x2800, $0x38;
	[tilespmem:$0x1FA00] =	vst v63  }
0x1a: {  	_ =	swait.ge [sflag:s18], $0x2800  }
0x1b: {  	[sflag:s18] =	ssyncset.done $0x0  }
0x1c: {  	s0 =	simm.s32 $0x0;
	[sflag:s18] =	ssyncadd.s32 $0xFFFFD800  }
.LBB2_2:
0x1d: {  	p0 =	sne.s32 s0, $0x9FC0  }
.Ltmp0:
0x1e: {  	_ = 	snop;
	(pc) =	sbr.rel @p0 .LBB2_2-.Ltmp0, $3  }
0x1f: {  	_ =	sdelay $0x1  }
0x20: {  	s3 =	sshra.s32 s0, $0x2  }
0x21: {  	s0 =	sadd.s32 $0x40, s0;
	[tilespmem:s3+$0x5000] =	vst v1  }
0x22: {  	s0 =	simm.s32 $0x0;
	s3 =	simm.s32 $0x200  }
.LBB2_4:
0x23: {  	p0 =	sne.s32 s3, $0xFE00;
	[tilespmem:s0+$0x7A70] =	vst v1  }
0x24: {  	[tilespmem:s0+$0x7A00] =	vst v1  }
0x25: {  	[tilespmem:s0+$0x7A10] =	vst v1  }
.Ltmp1:
0x26: {  	[tilespmem:s0+$0x7A20] =	vst v1;
	(pc) =	sbr.rel @p0 .LBB2_4-.Ltmp1, $4  }
0x27: {  	[tilespmem:s0+$0x7A30] =	vst v1  }
0x28: {  	[tilespmem:s0+$0x7A40] =	vst v1  }
0x29: {  	[tilespmem:s0+$0x7A50] =	vst v1  }
0x2a: {  	[tilespmem:s0+$0x7A60] =	vst v1;
	s0 =	sshra.s32 s3, $0x2;
	s3 =	sadd.s32 $0x200, s3  }
0x2b: {  	[tilespmem:s0+$0x7A70] =	vst v1  }
0x2c: {  	[tilespmem:s0+$0x7A00] =	vst v1  }
0x2d: {  	[tilespmem:s0+$0x7A10] =	vst v1  }
0x2e: {  	[tilespmem:s0+$0x7A20] =	vst v1  }
0x2f: {  	[tilespmem:s0+$0x7A30] =	vst v1  }
0x30: {  	[tilespmem:s0+$0x7A40] =	vst v1  }
0x31: {  	[tilespmem:s0+$0x7A50] =	vst v1  }
0x32: {  	[tilespmem:s0+$0x7A60] =	vst v1  }
0x33: {  	[spmem:s9] =	stream.linear.scatter [tilespmem:s20], [sflag:$0x3], $0x4000, $0x38;
	[tilespmem:$0x1FA00] =	vst v63  }
0x34: {  	_ =	swait.ge [sflag:s18], $0x4000  }
0x35: {  	[sflag:s18] =	ssyncset.done $0x0  }
0x36: {  	[sflag:s18] =	ssyncadd.s32 $0xFFFFC000  }
0x37: {  	[spmem:s14] =	stream.linear.scatter [tilespmem:s20], [sflag:$0x3], $0x4000, $0x38;
	[tilespmem:$0x1FA00] =	vst v63  }
0x38: {  	_ =	swait.ge [sflag:s18], $0x4000  }
0x39: {  	[sflag:s18] =	ssyncset.done $0x0  }
0x3a: {  	[sflag:s18] =	ssyncadd.s32 $0xFFFFC000  }
0x3b: {  	[spmem:s15] =	stream.linear.scatter [tilespmem:s20], [sflag:$0x3], $0x4000, $0x38;
	[tilespmem:$0x1FA00] =	vst v63  }
0x3c: {  	_ =	swait.ge [sflag:s18], $0x4000  }
0x3d: {  	[sflag:s18] =	ssyncset.done $0x0  }
0x3e: {  	[sflag:s18] =	ssyncadd.s32 $0xFFFFC000  }
0x3f: {  	[spmem:s16] =	stream.linear.scatter [tilespmem:s20], [sflag:$0x3], $0x4000, $0x38;
	[tilespmem:$0x1FA00] =	vst v63  }
0x40: {  	_ =	swait.ge [sflag:s18], $0x4000  }
0x41: {  	[sflag:s18] =	ssyncset.done $0x0  }
0x42: {  	[sflag:s18] =	ssyncadd.s32 $0xFFFFC000  }
0x43: {  	[spmem:s17] =	stream.linear.scatter [tilespmem:s20], [sflag:$0x3], $0x4000, $0x38;
	[tilespmem:$0x1FA00] =	vst v63  }
0x44: {  	_ =	swait.ge [sflag:s18], $0x4000  }
0x45: {  	[sflag:s18] =	ssyncset.done $0x0  }
0x46: {  	[sflag:s18] =	ssyncadd.s32 $0xFFFFC000  }
0x47: {  	s3 =	simm.s32 $0x0;
	[bflag:$0x0] =	sbarrier.arrive $0xFFFF  }
0x48: {  	v6 =	vimm.f32 $-1.000000020e+30;
	s0 =	simm.s32 $0x40;
	v7 =	vld [tilespmem:s3+$0x0]  }
.LBB2_6:
0x49: {  	p0 =	sne.s32 s0, $0x9FC0  }
.Ltmp2:
0x4a: {  	_ = 	snop;
	(pc) =	sbr.rel @p0 .LBB2_6-.Ltmp2, $3  }
0x4b: {  	_ =	sdelay $0x1  }
0x4c: {  	s3 =	sshra.s32 s0, $0x2;
	s0 =	sadd.s32 $0x40, s0;
	v6 =	vmax.f32 v6, v7  }
0x4d: {  	v7 =	vld [tilespmem:s3+$0x0]  }
0x4e: {  	_ =	sdelay $0x3  }
0x4f: {  	v6 =	vmax.f32 v6, v7  }
0x50: {  	[tilespmem:$0x7980] =	vst v6  }
0x51: {  	v7 =	vld.idx.msk [tilespmem:v2+s21+$0x0], $0xffff;
	_ =	sdelay $0x4  }
0x52: {  	v6 =	vmax.f32 v6, v7  }
0x53: {  	[tilespmem:$0x7980] =	vst v6  }
0x54: {  	v7 =	vld.idx.msk [tilespmem:v3+s21+$0x0], $0xffff;
	_ =	sdelay $0x4  }
0x55: {  	v6 =	vmax.f32 v6, v7  }
0x56: {  	[tilespmem:$0x7980] =	vst v6  }
0x57: {  	v7 =	vld.idx.msk [tilespmem:v4+s21+$0x0], $0xffff;
	_ =	sdelay $0x4  }
0x58: {  	v6 =	vmax.f32 v6, v7  }
0x59: {  	[tilespmem:$0x7980] =	vst v6  }
0x5a: {  	v7 =	vld.idx.msk [tilespmem:v5+s21+$0x0], $0xffff;
	_ =	sdelay $0x4  }
0x5b: {  	v6 =	vmax.f32 v6, v7  }
0x5c: {  	s0 =	simm.s32 $0x0;
	[tilespmem:$0x7980] =	vst v6  }
.LBB2_8:
0x5d: {  	s3 =	sadd.s32 s10, s0  }
0x5e: {  	s3 =	sshll.u32 s3, $0x4  }
0x5f: {  	s7 =	sadd.s32 s5, s3  }
0x60: {  	[tilespmem:s22], [sflag:$0x3] =	stream.linear.gather [hbm4b:s7+s31], $0x80, $0x38;
	[tilespmem:$0x1FA00] =	vst v63  }
0x61: {  	_ =	swait.ge [sflag:s18], $0x80  }
0x62: {  	[sflag:s18] =	ssyncset.done $0x0  }
0x63: {  	s3 =	sadd.s32 s6, s3;
	[sflag:s18] =	ssyncadd.s32 $0xFFFFFF80  }
0x64: {  	[tilespmem:s23], [sflag:$0x3] =	stream.linear.gather [hbm4b:s3+s31], $0x80, $0x38;
	[tilespmem:$0x1FA00] =	vst v63  }
0x65: {  	_ =	swait.ge [sflag:s18], $0x80  }
0x66: {  	[sflag:s18] =	ssyncset.done $0x0  }
0x67: {  	[sflag:s18] =	ssyncadd.s32 $0xFFFFFF80  }
0x68: {  	v7 =	vld [tilespmem:$0x7800]  }
0x69: {  	v8 =	vld [tilespmem:$0x7880];
	_ =	sdelay $0x6  }
0x6a: {  	v9 =	vld.idx.msk [tilespmem:v7+s31+$0x0], $0xffff  }
0x6b: {  	v10 =	vld.idx.msk [tilespmem:v8+s19+$0x0], $0xffff;
	_ =	sdelay $0x4  }
0x6c: {  	v9 =	vadd.f32 v10, v9;
	v10 =	vadd.f32 v10, v6;
	_ =	sdelay $0x1  }
0x6d: {  	v11 =	vmul.f32 $2.000000030e-01, v9;
	v12 =	vmul.f32 $2.000000030e-01, v10  }
0x6e: {  	vm0 =	vge.f32 v9, $0.0e+00;
	vm1 =	vge.f32 v10, $0.0e+00  }
0x6f: {  	v9 =	vsel vm0, v9, v11;
	v10 =	vsel vm1, v10, v12  }
0x70: {  	v9 =	vsub.f32 v9, v10;
	_ =	sdelay $0x1  }
0x71: {  	v9 =	vmul.f32 $1.442695020e+00, v9;
	_ =	sdelay $0x1  }
0x72: {  	(erf) = vpow2.f32 v9;
	_ =	sdelay $0x8  }
0x73: {  	v9 =	vpop (erf)  }
0x74: {  	[tilespmem:v8+s24+$0x0] =	vst.idx.add.f32.msk $0xffff, v9  }
0x75: {  	v8 =	vld [tilespmem:$0x7810]  }
0x76: {  	v10 =	vld [tilespmem:$0x7890];
	_ =	sdelay $0x4  }
0x77: {  	v7 =	vadd.s32 v0, v7;
	[tilespmem:$0x7980] =	vst v9  }
0x78: {  	[tilespmem:$0x7900] =	vst v7  }
0x79: {  	v7 =	vld.idx.msk [tilespmem:v8+s31+$0x0], $0xffff  }
0x7a: {  	v9 =	vld.idx.msk [tilespmem:v10+s19+$0x0], $0xffff;
	_ =	sdelay $0x4  }
0x7b: {  	v7 =	vadd.f32 v9, v7;
	v9 =	vadd.f32 v9, v6;
	_ =	sdelay $0x1  }
0x7c: {  	v11 =	vmul.f32 $2.000000030e-01, v7;
	v50 =	vmul.f32 $2.000000030e-01, v9  }
0x7d: {  	vm14 =	vge.f32 v7, $0.0e+00;
	vm15 =	vge.f32 v9, $0.0e+00  }
0x7e: {  	v7 =	vsel vm14, v7, v11;
	v9 =	vsel vm15, v9, v50  }
0x7f: {  	v7 =	vsub.f32 v7, v9;
	_ =	sdelay $0x1  }
0x80: {  	v7 =	vmul.f32 $1.442695020e+00, v7;
	_ =	sdelay $0x1  }
0x81: {  	(erf) = vpow2.f32 v7;
	_ =	sdelay $0x8  }
0x82: {  	v7 =	vpop (erf)  }
0x83: {  	[tilespmem:v10+s24+$0x0] =	vst.idx.add.f32.msk $0xffff, v7  }
0x84: {  	v9 =	vld [tilespmem:$0x7820]  }
0x85: {  	v10 =	vld [tilespmem:$0x78A0];
	_ =	sdelay $0x4  }
0x86: {  	[tilespmem:$0x7990] =	vst v7;
	v7 =	vadd.s32 v0, v8  }
0x87: {  	[tilespmem:$0x7910] =	vst v7  }
0x88: {  	v7 =	vld.idx.msk [tilespmem:v9+s31+$0x0], $0xffff  }
0x89: {  	v8 =	vld.idx.msk [tilespmem:v10+s19+$0x0], $0xffff;
	_ =	sdelay $0x4  }
0x8a: {  	v7 =	vadd.f32 v8, v7;
	v8 =	vadd.f32 v8, v6;
	_ =	sdelay $0x1  }
0x8b: {  	v11 =	vmul.f32 $2.000000030e-01, v7;
	v51 =	vmul.f32 $2.000000030e-01, v8  }
0x8c: {  	vm4 =	vge.f32 v7, $0.0e+00;
	vm5 =	vge.f32 v8, $0.0e+00  }
0x8d: {  	v7 =	vsel vm4, v7, v11;
	v8 =	vsel vm5, v8, v51  }
0x8e: {  	v7 =	vsub.f32 v7, v8;
	_ =	sdelay $0x1  }
0x8f: {  	v7 =	vmul.f32 $1.442695020e+00, v7;
	_ =	sdelay $0x1  }
0x90: {  	(erf) = vpow2.f32 v7;
	_ =	sdelay $0x8  }
0x91: {  	v7 =	vpop (erf)  }
0x92: {  	[tilespmem:v10+s24+$0x0] =	vst.idx.add.f32.msk $0xffff, v7  }
0x93: {  	v8 =	vld [tilespmem:$0x7830]  }
0x94: {  	v10 =	vld [tilespmem:$0x78B0];
	_ =	sdelay $0x4  }
0x95: {  	[tilespmem:$0x79A0] =	vst v7;
	v7 =	vadd.s32 v0, v9  }
0x96: {  	[tilespmem:$0x7920] =	vst v7  }
0x97: {  	v7 =	vld.idx.msk [tilespmem:v8+s31+$0x0], $0xffff  }
0x98: {  	v9 =	vld.idx.msk [tilespmem:v10+s19+$0x0], $0xffff;
	_ =	sdelay $0x4  }
0x99: {  	v7 =	vadd.f32 v9, v7;
	v9 =	vadd.f32 v9, v6;
	_ =	sdelay $0x1  }
0x9a: {  	v11 =	vmul.f32 $2.000000030e-01, v7;
	v52 =	vmul.f32 $2.000000030e-01, v9  }
0x9b: {  	vm6 =	vge.f32 v7, $0.0e+00;
	vm7 =	vge.f32 v9, $0.0e+00  }
0x9c: {  	v7 =	vsel vm6, v7, v11;
	v9 =	vsel vm7, v9, v52  }
0x9d: {  	v7 =	vsub.f32 v7, v9;
	_ =	sdelay $0x1  }
0x9e: {  	v7 =	vmul.f32 $1.442695020e+00, v7;
	_ =	sdelay $0x1  }
0x9f: {  	(erf) = vpow2.f32 v7;
	_ =	sdelay $0x8  }
0xa0: {  	v7 =	vpop (erf)  }
0xa1: {  	[tilespmem:v10+s24+$0x0] =	vst.idx.add.f32.msk $0xffff, v7  }
0xa2: {  	v9 =	vld [tilespmem:$0x7840]  }
0xa3: {  	v10 =	vld [tilespmem:$0x78C0];
	_ =	sdelay $0x4  }
0xa4: {  	[tilespmem:$0x79B0] =	vst v7;
	v7 =	vadd.s32 v0, v8  }
0xa5: {  	[tilespmem:$0x7930] =	vst v7  }
0xa6: {  	v7 =	vld.idx.msk [tilespmem:v9+s31+$0x0], $0xffff  }
0xa7: {  	v8 =	vld.idx.msk [tilespmem:v10+s19+$0x0], $0xffff;
	_ =	sdelay $0x4  }
0xa8: {  	v7 =	vadd.f32 v8, v7;
	v8 =	vadd.f32 v8, v6;
	_ =	sdelay $0x1  }
0xa9: {  	v11 =	vmul.f32 $2.000000030e-01, v7;
	v53 =	vmul.f32 $2.000000030e-01, v8  }
0xaa: {  	vm8 =	vge.f32 v7, $0.0e+00;
	vm9 =	vge.f32 v8, $0.0e+00  }
0xab: {  	v7 =	vsel vm8, v7, v11;
	v8 =	vsel vm9, v8, v53  }
0xac: {  	v7 =	vsub.f32 v7, v8;
	_ =	sdelay $0x1  }
0xad: {  	v7 =	vmul.f32 $1.442695020e+00, v7;
	_ =	sdelay $0x1  }
0xae: {  	(erf) = vpow2.f32 v7;
	_ =	sdelay $0x8  }
0xaf: {  	v7 =	vpop (erf)  }
0xb0: {  	[tilespmem:v10+s24+$0x0] =	vst.idx.add.f32.msk $0xffff, v7  }
0xb1: {  	v8 =	vld [tilespmem:$0x7850]  }
0xb2: {  	v10 =	vld [tilespmem:$0x78D0];
	_ =	sdelay $0x4  }
0xb3: {  	[tilespmem:$0x79C0] =	vst v7;
	v7 =	vadd.s32 v0, v9  }
0xb4: {  	[tilespmem:$0x7940] =	vst v7  }
0xb5: {  	v7 =	vld.idx.msk [tilespmem:v8+s31+$0x0], $0xffff  }
0xb6: {  	v9 =	vld.idx.msk [tilespmem:v10+s19+$0x0], $0xffff;
	_ =	sdelay $0x4  }
0xb7: {  	v7 =	vadd.f32 v9, v7;
	v9 =	vadd.f32 v9, v6;
	_ =	sdelay $0x1  }
0xb8: {  	v11 =	vmul.f32 $2.000000030e-01, v7;
	v54 =	vmul.f32 $2.000000030e-01, v9  }
0xb9: {  	vm10 =	vge.f32 v7, $0.0e+00;
	vm11 =	vge.f32 v9, $0.0e+00  }
0xba: {  	v7 =	vsel vm10, v7, v11;
	v9 =	vsel vm11, v9, v54  }
0xbb: {  	v7 =	vsub.f32 v7, v9;
	_ =	sdelay $0x1  }
0xbc: {  	v7 =	vmul.f32 $1.442695020e+00, v7;
	_ =	sdelay $0x1  }
0xbd: {  	(erf) = vpow2.f32 v7;
	_ =	sdelay $0x8  }
0xbe: {  	v7 =	vpop (erf)  }
0xbf: {  	[tilespmem:v10+s24+$0x0] =	vst.idx.add.f32.msk $0xffff, v7  }
0xc0: {  	v9 =	vld [tilespmem:$0x7860]  }
0xc1: {  	v10 =	vld [tilespmem:$0x78E0];
	_ =	sdelay $0x4  }
0xc2: {  	[tilespmem:$0x79D0] =	vst v7;
	v7 =	vadd.s32 v0, v8  }
0xc3: {  	[tilespmem:$0x7950] =	vst v7  }
0xc4: {  	v7 =	vld.idx.msk [tilespmem:v9+s31+$0x0], $0xffff  }
0xc5: {  	v8 =	vld.idx.msk [tilespmem:v10+s19+$0x0], $0xffff;
	_ =	sdelay $0x4  }
0xc6: {  	v7 =	vadd.f32 v8, v7;
	v8 =	vadd.f32 v8, v6;
	_ =	sdelay $0x1  }
0xc7: {  	v11 =	vmul.f32 $2.000000030e-01, v7;
	v55 =	vmul.f32 $2.000000030e-01, v8  }
0xc8: {  	vm12 =	vge.f32 v7, $0.0e+00;
	vm13 =	vge.f32 v8, $0.0e+00  }
0xc9: {  	v7 =	vsel vm12, v7, v11;
	v8 =	vsel vm13, v8, v55  }
0xca: {  	v7 =	vsub.f32 v7, v8;
	_ =	sdelay $0x1  }
0xcb: {  	v7 =	vmul.f32 $1.442695020e+00, v7;
	_ =	sdelay $0x1  }
0xcc: {  	(erf) = vpow2.f32 v7;
	_ =	sdelay $0x8  }
0xcd: {  	v7 =	vpop (erf)  }
0xce: {  	[tilespmem:v10+s24+$0x0] =	vst.idx.add.f32.msk $0xffff, v7  }
0xcf: {  	v8 =	vld [tilespmem:$0x7870]  }
0xd0: {  	v10 =	vld [tilespmem:$0x78F0];
	_ =	sdelay $0x4  }
0xd1: {  	[tilespmem:$0x79E0] =	vst v7;
	v7 =	vadd.s32 v0, v9  }
0xd2: {  	[tilespmem:$0x7960] =	vst v7  }
0xd3: {  	v7 =	vld.idx.msk [tilespmem:v8+s31+$0x0], $0xffff  }
0xd4: {  	v9 =	vld.idx.msk [tilespmem:v10+s19+$0x0], $0xffff;
	_ =	sdelay $0x4  }
0xd5: {  	v7 =	vadd.f32 v9, v7;
	v9 =	vadd.f32 v9, v6;
	_ =	sdelay $0x1  }
0xd6: {  	v11 =	vmul.f32 $2.000000030e-01, v7;
	v56 =	vmul.f32 $2.000000030e-01, v9  }
0xd7: {  	vm14 =	vge.f32 v7, $0.0e+00;
	vm15 =	vge.f32 v9, $0.0e+00  }
0xd8: {  	v7 =	vsel vm14, v7, v11;
	v9 =	vsel vm15, v9, v56  }
0xd9: {  	v7 =	vsub.f32 v7, v9;
	_ =	sdelay $0x1  }
0xda: {  	v7 =	vmul.f32 $1.442695020e+00, v7;
	_ =	sdelay $0x1  }
0xdb: {  	(erf) = vpow2.f32 v7;
	_ =	sdelay $0x8  }
0xdc: {  	v7 =	vpop (erf)  }
0xdd: {  	[tilespmem:v10+s24+$0x0] =	vst.idx.add.f32.msk $0xffff, v7  }
0xde: {  	[tilespmem:$0x79F0] =	vst v7;
	v7 =	vadd.s32 v0, v8  }
0xdf: {  	[tilespmem:$0x7970] =	vst v7  }
0xe0: {  	[tilespmem:s20], [sflag:$0x1] =	stream.indirect.gather [hbm4b:s4+s25], $0x80, s26, s25, $0xb8;
	[tilespmem:$0x1FA00] =	vst v63  }
0xe1: {  	_ =	swait.ge [sflag:s28], $0x4000  }
0xe2: {  	s7 =	simm.s32 $0x0;
	[sflag:s28] =	ssyncset.done $0x0  }
0xe3: {  	s8 =	simm.s32 $0x0;
	s3 =	sand.u32 $0x3FFFFFF0, s7;
	[sflag:s28] =	ssyncadd.s32 $0xFFFFC000  }
0xe4: {  	v7 =	vld [tilespmem:s3+$0x7980];
	s3 =	sand.u32 $0x3FFFF800, s8  }
0xe5: {  	v13 =	vld [tilespmem:s3+$0x7AC0]  }
0xe6: {  	v14 =	vld [tilespmem:s3+$0x7AD0]  }
0xe7: {  	v9 =	vld [tilespmem:s3+$0x7A20]  }
0xe8: {  	v10 =	vld [tilespmem:s3+$0x7A30]  }
0xe9: {  	v16 =	vld [tilespmem:s3+$0x7A60]  }
0xea: {  	v17 =	vld [tilespmem:s3+$0x7A70];
	v8 =	vbroadcast v7, $0x0  }
0xeb: {  	v18 =	vld [tilespmem:s3+$0x7A80]  }
0xec: {  	v19 =	vld [tilespmem:s3+$0x7A90];
	v9 =	vmul.f32 v9, v8  }
0xed: {  	v20 =	vld [tilespmem:s3+$0x7AA0];
	v10 =	vmul.f32 v10, v8  }
0xee: {  	v15 =	vld [tilespmem:s3+$0x7AB0];
	v59 =	vbroadcast v7, $0x1;
	v58 =	vmul.f32 v16, v8;
	[tilespmem:s3+$0x7A20] =	vst v9  }
0xef: {  	v57 =	vld [tilespmem:s3+$0x7F70];
	v17 =	vmul.f32 v17, v8;
	[tilespmem:s3+$0x7A30] =	vst v10  }
0xf0: {  	v12 =	vld [tilespmem:s3+$0x7F90];
	v18 =	vmul.f32 v18, v59;
	[tilespmem:s3+$0x7A60] =	vst v58  }
0xf1: {  	v61 =	vld [tilespmem:s3+$0x7AF0];
	v19 =	vmul.f32 v19, v59;
	[tilespmem:s3+$0x7A70] =	vst v17  }
0xf2: {  	v62 =	vld [tilespmem:s3+$0x7B00];
	v20 =	vmul.f32 v20, v59;
	[tilespmem:s3+$0x7A80] =	vst v18  }
0xf3: {  	v63 =	vld [tilespmem:s3+$0x7B10];
	v15 =	vmul.f32 v15, v59;
	[tilespmem:s3+$0x7A90] =	vst v19  }
0xf4: {  	v60 =	vld [tilespmem:s3+$0x7AE0];
	v13 =	vmul.f32 v13, v59;
	[tilespmem:s3+$0x7AA0] =	vst v20  }
0xf5: {  	v24 =	vld [tilespmem:s3+$0x7B20];
	v21 =	vbroadcast v7, $0x2;
	v14 =	vmul.f32 v14, v59;
	[tilespmem:s3+$0x7AB0] =	vst v15  }
0xf6: {  	v25 =	vld [tilespmem:s3+$0x7B30];
	v16 =	vmul.f32 v61, v59;
	[tilespmem:s3+$0x7AC0] =	vst v13  }
0xf7: {  	v26 =	vld [tilespmem:s3+$0x7B40];
	v11 =	vbroadcast v7, $0xA;
	v28 =	vmul.f32 v62, v21;
	[tilespmem:s3+$0x7AD0] =	vst v14  }
0xf8: {  	v27 =	vld [tilespmem:s3+$0x7B50];
	v30 =	vmul.f32 v63, v21;
	[tilespmem:s3+$0x7AF0] =	vst v16  }
0xf9: {  	v29 =	vld [tilespmem:s3+$0x7B60];
	v9 =	vmul.f32 v57, v11;
	[tilespmem:s3+$0x7B00] =	vst v28  }
0xfa: {  	v31 =	vld [tilespmem:s3+$0x7B70];
	v17 =	vmul.f32 v60, v59;
	[tilespmem:s3+$0x7B10] =	vst v30  }
0xfb: {  	v32 =	vld [tilespmem:s3+$0x7B80];
	v15 =	vmul.f32 v24, v21;
	[tilespmem:s3+$0x7F70] =	vst v9  }
0xfc: {  	v33 =	vld [tilespmem:s3+$0x7B90];
	v13 =	vmul.f32 v25, v21;
	[tilespmem:s3+$0x7AE0] =	vst v17  }
0xfd: {  	v34 =	vld [tilespmem:s3+$0x7BA0];
	v14 =	vmul.f32 v26, v21;
	[tilespmem:s3+$0x7B20] =	vst v15  }
0xfe: {  	v35 =	vld [tilespmem:s3+$0x7BB0];
	v37 =	vbroadcast v7, $0x3;
	v16 =	vmul.f32 v29, v21;
	[tilespmem:s3+$0x7B30] =	vst v13  }
0xff: {  	v36 =	vld [tilespmem:s3+$0x7BC0];
	v18 =	vmul.f32 v31, v21;
	[tilespmem:s3+$0x7B40] =	vst v14  }
0x100: {  	v38 =	vld [tilespmem:s3+$0x7BD0];
	v19 =	vmul.f32 v32, v37;
	[tilespmem:s3+$0x7B60] =	vst v16  }
0x101: {  	v39 =	vld [tilespmem:s3+$0x7BE0];
	v17 =	vmul.f32 v27, v21;
	[tilespmem:s3+$0x7B70] =	vst v18  }
0x102: {  	v40 =	vld [tilespmem:s3+$0x7BF0];
	v15 =	vmul.f32 v33, v37;
	[tilespmem:s3+$0x7B80] =	vst v19  }
0x103: {  	v41 =	vld [tilespmem:s3+$0x7C00];
	v13 =	vmul.f32 v34, v37;
	[tilespmem:s3+$0x7B50] =	vst v17  }
0x104: {  	v42 =	vld [tilespmem:s3+$0x7C10];
	v14 =	vmul.f32 v35, v37;
	[tilespmem:s3+$0x7B90] =	vst v15  }
0x105: {  	v43 =	vld [tilespmem:s3+$0x7C20];
	v16 =	vmul.f32 v38, v37;
	[tilespmem:s3+$0x7BA0] =	vst v13  }
0x106: {  	v44 =	vld [tilespmem:s3+$0x7C30];
	v18 =	vmul.f32 v39, v37;
	[tilespmem:s3+$0x7BB0] =	vst v14  }
0x107: {  	v45 =	vld [tilespmem:s3+$0x7C40];
	v46 =	vbroadcast v7, $0x4;
	v19 =	vmul.f32 v40, v37;
	[tilespmem:s3+$0x7BD0] =	vst v16  }
0x108: {  	v47 =	vld [tilespmem:s3+$0x7C50];
	v17 =	vmul.f32 v36, v37;
	[tilespmem:s3+$0x7BE0] =	vst v18  }
0x109: {  	v48 =	vld [tilespmem:s3+$0x7C60];
	v15 =	vmul.f32 v41, v46;
	[tilespmem:s3+$0x7BF0] =	vst v19  }
0x10a: {  	v49 =	vld [tilespmem:s3+$0x7C70];
	v13 =	vmul.f32 v42, v46;
	[tilespmem:s3+$0x7BC0] =	vst v17  }
0x10b: {  	v50 =	vld [tilespmem:s3+$0x7C80];
	v14 =	vmul.f32 v43, v46;
	[tilespmem:s3+$0x7C00] =	vst v15  }
0x10c: {  	v51 =	vld [tilespmem:s3+$0x7C90];
	v16 =	vmul.f32 v45, v46;
	[tilespmem:s3+$0x7C10] =	vst v13  }
0x10d: {  	v52 =	vld [tilespmem:s3+$0x7CA0];
	v18 =	vmul.f32 v47, v46;
	[tilespmem:s3+$0x7C20] =	vst v14  }
0x10e: {  	v53 =	vld [tilespmem:s3+$0x7CB0];
	v19 =	vmul.f32 v48, v46;
	[tilespmem:s3+$0x7C40] =	vst v16  }
0x10f: {  	v54 =	vld [tilespmem:s3+$0x7CC0];
	v55 =	vbroadcast v7, $0x5;
	v17 =	vmul.f32 v44, v46;
	[tilespmem:s3+$0x7C50] =	vst v18  }
0x110: {  	v56 =	vld [tilespmem:s3+$0x7CD0];
	v15 =	vmul.f32 v49, v46;
	[tilespmem:s3+$0x7C60] =	vst v19  }
0x111: {  	v61 =	vld [tilespmem:s3+$0x7D20];
	v13 =	vmul.f32 v50, v55;
	[tilespmem:s3+$0x7C30] =	vst v17  }
0x112: {  	v57 =	vld [tilespmem:s3+$0x7CE0];
	v14 =	vmul.f32 v51, v55;
	[tilespmem:s3+$0x7C70] =	vst v15  }
0x113: {  	v58 =	vld [tilespmem:s3+$0x7CF0];
	v16 =	vmul.f32 v53, v55;
	[tilespmem:s3+$0x7C80] =	vst v13  }
0x114: {  	v59 =	vld [tilespmem:s3+$0x7D00];
	v18 =	vmul.f32 v54, v55;
	[tilespmem:s3+$0x7C90] =	vst v14  }
0x115: {  	v62 =	vld [tilespmem:s3+$0x7D30];
	v19 =	vmul.f32 v56, v55;
	[tilespmem:s3+$0x7CB0] =	vst v16  }
0x116: {  	v63 =	vld [tilespmem:s3+$0x7D40];
	v17 =	vmul.f32 v52, v55;
	[tilespmem:s3+$0x7CC0] =	vst v18  }
0x117: {  	v10 =	vld [tilespmem:s3+$0x7F80];
	v24 =	vbroadcast v7, $0x6;
	v15 =	vmul.f32 v57, v55;
	[tilespmem:s3+$0x7CD0] =	vst v19  }
0x118: {  	v60 =	vld [tilespmem:s3+$0x7D10];
	v13 =	vmul.f32 v58, v55;
	[tilespmem:s3+$0x7CA0] =	vst v17  }
0x119: {  	v25 =	vld [tilespmem:s3+$0x7D50];
	v14 =	vmul.f32 v59, v24;
	[tilespmem:s3+$0x7CE0] =	vst v15  }
0x11a: {  	v26 =	vld [tilespmem:s3+$0x7D60];
	v16 =	vmul.f32 v61, v24;
	[tilespmem:s3+$0x7CF0] =	vst v13  }
0x11b: {  	v27 =	vld [tilespmem:s3+$0x7D70];
	v18 =	vmul.f32 v62, v24;
	[tilespmem:s3+$0x7D00] =	vst v14  }
0x11c: {  	v29 =	vld [tilespmem:s3+$0x7D90];
	v19 =	vmul.f32 v63, v24;
	[tilespmem:s3+$0x7D20] =	vst v16  }
0x11d: {  	v30 =	vld [tilespmem:s3+$0x7DA0];
	v17 =	vmul.f32 v60, v24;
	[tilespmem:s3+$0x7D30] =	vst v18  }
0x11e: {  	v31 =	vld [tilespmem:s3+$0x7DB0];
	v15 =	vmul.f32 v25, v24;
	[tilespmem:s3+$0x7D40] =	vst v19  }
0x11f: {  	v28 =	vld [tilespmem:s3+$0x7D80];
	v33 =	vbroadcast v7, $0x7;
	v13 =	vmul.f32 v26, v24;
	[tilespmem:s3+$0x7D10] =	vst v17  }
0x120: {  	v32 =	vld [tilespmem:s3+$0x7DC0];
	v14 =	vmul.f32 v27, v24;
	[tilespmem:s3+$0x7D50] =	vst v15  }
0x121: {  	v34 =	vld [tilespmem:s3+$0x7DD0];
	v16 =	vmul.f32 v29, v33;
	[tilespmem:s3+$0x7D60] =	vst v13  }
0x122: {  	v35 =	vld [tilespmem:s3+$0x7DE0];
	v18 =	vmul.f32 v30, v33;
	[tilespmem:s3+$0x7D70] =	vst v14  }
0x123: {  	v37 =	vld [tilespmem:s3+$0x7E00];
	v19 =	vmul.f32 v31, v33;
	[tilespmem:s3+$0x7D90] =	vst v16  }
0x124: {  	v38 =	vld [tilespmem:s3+$0x7E10];
	v17 =	vmul.f32 v28, v33;
	[tilespmem:s3+$0x7DA0] =	vst v18  }
0x125: {  	v39 =	vld [tilespmem:s3+$0x7E20];
	v15 =	vmul.f32 v32, v33;
	[tilespmem:s3+$0x7DB0] =	vst v19  }
0x126: {  	v9 =	vld [tilespmem:s3+$0x81D0];
	v42 =	vbroadcast v7, $0x8;
	v13 =	vmul.f32 v34, v33;
	[tilespmem:s3+$0x7D80] =	vst v17  }
0x127: {  	v40 =	vld [tilespmem:s3+$0x7E30];
	v14 =	vmul.f32 v35, v33;
	[tilespmem:s3+$0x7DC0] =	vst v15  }
0x128: {  	v55 =	vld [tilespmem:s3+$0x7F00];
	v16 =	vmul.f32 v37, v42;
	[tilespmem:s3+$0x7DD0] =	vst v13  }
0x129: {  	v59 =	vld [tilespmem:s3+$0x7F40];
	v31 =	vbroadcast v7, $0xB;
	v18 =	vmul.f32 v38, v42;
	[tilespmem:s3+$0x7DE0] =	vst v14  }
0x12a: {  	v63 =	vld [tilespmem:s3+$0x7A00];
	v19 =	vmul.f32 v39, v42;
	[tilespmem:s3+$0x7E00] =	vst v16  }
0x12b: {  	v36 =	vld [tilespmem:s3+$0x7DF0];
	v10 =	vmul.f32 v10, v31;
	[tilespmem:s3+$0x7E10] =	vst v18  }
0x12c: {  	v41 =	vld [tilespmem:s3+$0x7E40];
	v12 =	vmul.f32 v12, v31;
	[tilespmem:s3+$0x7E20] =	vst v19  }
0x12d: {  	v43 =	vld [tilespmem:s3+$0x7E50];
	v61 =	vmul.f32 v55, v11;
	[tilespmem:s3+$0x7F80] =	vst v10  }
0x12e: {  	v45 =	vld [tilespmem:s3+$0x7E70];
	v26 =	vmul.f32 v59, v11;
	[tilespmem:s3+$0x7F90] =	vst v12  }
0x12f: {  	v47 =	vld [tilespmem:s3+$0x7E90];
	v32 =	vmul.f32 v8, v63;
	[tilespmem:s3+$0x7F00] =	vst v61  }
0x130: {  	v46 =	vld [tilespmem:s3+$0x7E80];
	v17 =	vmul.f32 v36, v33;
	[tilespmem:s3+$0x7F40] =	vst v26  }
0x131: {  	v48 =	vld [tilespmem:s3+$0x7EA0];
	v15 =	vmul.f32 v40, v42;
	[tilespmem:s3+$0x7A00] =	vst v32  }
0x132: {  	v60 =	vld [tilespmem:s3+$0x7F50];
	v13 =	vmul.f32 v41, v42;
	[tilespmem:s3+$0x7DF0] =	vst v17  }
0x133: {  	v44 =	vld [tilespmem:s3+$0x7E60];
	v51 =	vbroadcast v7, $0x9;
	v14 =	vmul.f32 v43, v42;
	[tilespmem:s3+$0x7E30] =	vst v15  }
0x134: {  	v49 =	vld [tilespmem:s3+$0x7EB0];
	v16 =	vmul.f32 v45, v42;
	[tilespmem:s3+$0x7E40] =	vst v13  }
0x135: {  	v50 =	vld [tilespmem:s3+$0x7EC0];
	v18 =	vmul.f32 v46, v51;
	[tilespmem:s3+$0x7E50] =	vst v14  }
0x136: {  	v53 =	vld [tilespmem:s3+$0x7EE0];
	v19 =	vmul.f32 v47, v51;
	[tilespmem:s3+$0x7E70] =	vst v16  }
0x137: {  	v54 =	vld [tilespmem:s3+$0x7EF0];
	v28 =	vmul.f32 v60, v11;
	[tilespmem:s3+$0x7E80] =	vst v18  }
0x138: {  	v56 =	vld [tilespmem:s3+$0x7F10];
	v17 =	vmul.f32 v44, v42;
	[tilespmem:s3+$0x7E90] =	vst v19  }
0x139: {  	v52 =	vld [tilespmem:s3+$0x7ED0];
	v15 =	vmul.f32 v48, v51;
	[tilespmem:s3+$0x7F50] =	vst v28  }
0x13a: {  	v34 =	vld [tilespmem:s3+$0x7FE0];
	v13 =	vmul.f32 v49, v51;
	[tilespmem:s3+$0x7E60] =	vst v17  }
0x13b: {  	v35 =	vld [tilespmem:s3+$0x7FF0];
	v14 =	vmul.f32 v50, v51;
	[tilespmem:s3+$0x7EA0] =	vst v15  }
0x13c: {  	v57 =	vld [tilespmem:s3+$0x7F20];
	v10 =	vbroadcast v7, $0xF;
	v16 =	vmul.f32 v53, v51;
	[tilespmem:s3+$0x7EB0] =	vst v13  }
0x13d: {  	v58 =	vld [tilespmem:s3+$0x7F30];
	v18 =	vmul.f32 v54, v51;
	[tilespmem:s3+$0x7EC0] =	vst v14  }
0x13e: {  	v62 =	vld [tilespmem:s3+$0x7F60];
	v9 =	vmul.f32 v9, v10;
	[tilespmem:s3+$0x7EE0] =	vst v16  }
0x13f: {  	v45 =	vmul.f32 v34, v31;
	[tilespmem:s3+$0x7EF0] =	vst v18  }
0x140: {  	v12 =	vmul.f32 v35, v31;
	[tilespmem:s3+$0x81D0] =	vst v9  }
0x141: {  	v24 =	vld [tilespmem:s3+$0x7A10];
	v17 =	vmul.f32 v52, v51;
	[tilespmem:s3+$0x7FE0] =	vst v45  }
0x142: {  	v25 =	vld [tilespmem:s3+$0x7A40];
	v15 =	vmul.f32 v56, v11;
	v13 =	vmul.f32 v57, v11;
	[tilespmem:s3+$0x7FF0] =	vst v12  }
0x143: {  	v27 =	vld [tilespmem:s3+$0x7A50];
	v14 =	vmul.f32 v58, v11;
	v11 =	vmul.f32 v62, v11;
	[tilespmem:s3+$0x7ED0] =	vst v17  }
0x144: {  	v33 =	vld [tilespmem:s3+$0x7FD0];
	[tilespmem:s3+$0x7F10] =	vst v15  }
0x145: {  	[tilespmem:s3+$0x7F60] =	vst v11;
	v11 =	vld [tilespmem:s3+$0x7FC0]  }
0x146: {  	v36 =	vld [tilespmem:s3+$0x8000];
	v18 =	vmul.f32 v24, v8;
	[tilespmem:s3+$0x7F20] =	vst v13  }
0x147: {  	v29 =	vld [tilespmem:s3+$0x7FA0];
	v9 =	vmul.f32 v25, v8;
	[tilespmem:s3+$0x7F30] =	vst v14  }
0x148: {  	v30 =	vld [tilespmem:s3+$0x7FB0];
	v8 =	vmul.f32 v27, v8;
	[tilespmem:s3+$0x7A10] =	vst v18  }
0x149: {  	v37 =	vld [tilespmem:s3+$0x8010];
	v41 =	vbroadcast v7, $0xC;
	v38 =	vmul.f32 v33, v31;
	[tilespmem:s3+$0x7A40] =	vst v9  }
0x14a: {  	v40 =	vld [tilespmem:s3+$0x8040];
	[tilespmem:s3+$0x7A50] =	vst v8;
	v11 =	vmul.f32 v11, v31  }
0x14b: {  	v46 =	vld [tilespmem:s3+$0x80A0];
	v21 =	vmul.f32 v36, v41;
	[tilespmem:s3+$0x7FD0] =	vst v38  }
0x14c: {  	v13 =	vmul.f32 v29, v31;
	[tilespmem:s3+$0x7FC0] =	vst v11;
	v11 =	vld [tilespmem:s3+$0x8060]  }
0x14d: {  	v43 =	vld [tilespmem:s3+$0x8070];
	v14 =	vmul.f32 v30, v31;
	[tilespmem:s3+$0x8000] =	vst v21  }
0x14e: {  	v49 =	vbroadcast v7, $0xD;
	v50 =	vld [tilespmem:s3+$0x80E0];
	v15 =	vmul.f32 v37, v41;
	[tilespmem:s3+$0x7FA0] =	vst v13  }
0x14f: {  	v8 =	vld [tilespmem:s3+$0x8090];
	v18 =	vmul.f32 v40, v41;
	[tilespmem:s3+$0x7FB0] =	vst v14  }
0x150: {  	v53 =	vld [tilespmem:s3+$0x8120];
	v17 =	vmul.f32 v46, v49;
	[tilespmem:s3+$0x8010] =	vst v15  }
0x151: {  	v54 =	vld [tilespmem:s3+$0x8130];
	[tilespmem:s3+$0x8040] =	vst v18;
	v11 =	vmul.f32 v11, v41  }
0x152: {  	v42 =	vld [tilespmem:s3+$0x8050];
	v21 =	vmul.f32 v43, v41;
	[tilespmem:s3+$0x80A0] =	vst v17  }
0x153: {  	v7 =	vbroadcast v7, $0xE;
	v55 =	vmul.f32 v50, v49;
	[tilespmem:s3+$0x8060] =	vst v11;
	v11 =	vld [tilespmem:s3+$0x80D0]  }
0x154: {  	v44 =	vld [tilespmem:s3+$0x8080];
	[tilespmem:s3+$0x8070] =	vst v21;
	v8 =	vmul.f32 v8, v49  }
0x155: {  	v47 =	vld [tilespmem:s3+$0x80B0];
	v16 =	vmul.f32 v53, v7;
	[tilespmem:s3+$0x80E0] =	vst v55  }
0x156: {  	v12 =	vmul.f32 v54, v7;
	[tilespmem:s3+$0x8090] =	vst v8;
	v8 =	vld [tilespmem:s3+$0x8100]  }
0x157: {  	v52 =	vld [tilespmem:s3+$0x8110];
	v14 =	vmul.f32 v42, v41;
	[tilespmem:s3+$0x8120] =	vst v16  }
0x158: {  	v60 =	vld [tilespmem:s3+$0x81A0];
	[tilespmem:s3+$0x8130] =	vst v12;
	v11 =	vmul.f32 v11, v49  }
0x159: {  	v51 =	vld [tilespmem:s3+$0x80F0];
	v15 =	vmul.f32 v44, v49;
	[tilespmem:s3+$0x8050] =	vst v14  }
0x15a: {  	v18 =	vmul.f32 v47, v49;
	[tilespmem:s3+$0x80D0] =	vst v11;
	v11 =	vld [tilespmem:s3+$0x8140]  }
0x15b: {  	v48 =	vld [tilespmem:s3+$0x80C0];
	[tilespmem:s3+$0x8080] =	vst v15;
	v8 =	vmul.f32 v8, v7  }
0x15c: {  	v58 =	vld [tilespmem:s3+$0x8180];
	v17 =	vmul.f32 v52, v7;
	[tilespmem:s3+$0x80B0] =	vst v18  }
0x15d: {  	v12 =	vmul.f32 v60, v10;
	[tilespmem:s3+$0x8100] =	vst v8;
	v8 =	vld [tilespmem:s3+$0x8170]  }
0x15e: {  	v57 =	vld [tilespmem:s3+$0x8160];
	v15 =	vmul.f32 v51, v49;
	[tilespmem:s3+$0x8110] =	vst v17  }
0x15f: {  	v59 =	vld [tilespmem:s3+$0x8190];
	[tilespmem:s3+$0x81A0] =	vst v12;
	v11 =	vmul.f32 v11, v7  }
0x160: {  	v56 =	vld [tilespmem:s3+$0x8150];
	v14 =	vmul.f32 v48, v49;
	[tilespmem:s3+$0x80F0] =	vst v15  }
0x161: {  	v17 =	vmul.f32 v58, v10;
	[tilespmem:s3+$0x8140] =	vst v11;
	v11 =	vld [tilespmem:s3+$0x81B0]  }
0x162: {  	v39 =	vld [tilespmem:s3+$0x8030];
	[tilespmem:s3+$0x80C0] =	vst v14;
	v8 =	vmul.f32 v8, v7  }
0x163: {  	v61 =	vld [tilespmem:s3+$0x81C0];
	v15 =	vmul.f32 v57, v7;
	[tilespmem:s3+$0x8180] =	vst v17  }
0x164: {  	v63 =	vld [tilespmem:s3+$0x81F0];
	[tilespmem:s3+$0x8170] =	vst v8;
	v8 =	vmul.f32 v59, v10  }
0x165: {  	v62 =	vld [tilespmem:s3+$0x81E0];
	[tilespmem:s3+$0x8160] =	vst v15;
	v7 =	vmul.f32 v56, v7  }
0x166: {  	[tilespmem:s3+$0x8190] =	vst v8;
	v8 =	vmul.f32 v11, v10  }
0x167: {  	v9 =	vld [tilespmem:s3+$0x8020];
	[tilespmem:s3+$0x8150] =	vst v7;
	v11 =	vmul.f32 v39, v41  }
0x168: {  	[tilespmem:s3+$0x81B0] =	vst v8;
	v8 =	vmul.f32 v61, v10  }
0x169: {  	[tilespmem:s3+$0x8030] =	vst v11;
	v11 =	vmul.f32 v63, v10  }
0x16a: {  	v10 =	vmul.f32 v62, v10;
	[tilespmem:s3+$0x81C0] =	vst v8  }
0x16b: {  	[tilespmem:s3+$0x81F0] =	vst v11  }
0x16c: {  	s7 =	simm.s32 $0x1;
	v8 =	vmul.f32 v9, v41;
	[tilespmem:s3+$0x81E0] =	vst v10  }
.LBB2_9:
0x16d: {  	s8 =	sshll.u32 s7, $0x4  }
0x16e: {  	p0 =	sne.s32 s7, $0x7;
	[tilespmem:s3+$0x8020] =	vst v8;
	s3 =	smov.u32 s7;
	s7 =	sadd.s32 $0x1, s7  }
0x16f: {  	s8 =	sand.u32 $0x3FFFFFF0, s8  }
0x170: {  	s3 =	sshll.u32 s3, $0xB;
	v7 =	vld [tilespmem:s8+$0x7980]  }
0x171: {  	s3 =	sand.u32 $0x3FFFF800, s3  }
0x172: {  	v14 =	vld [tilespmem:s3+$0x7AC0]  }
0x173: {  	v15 =	vld [tilespmem:s3+$0x7AD0]  }
0x174: {  	v16 =	vld [tilespmem:s3+$0x7AB0]  }
0x175: {  	v8 =	vbroadcast v7, $0x0;
	v9 =	vld [tilespmem:s3+$0x7A20];
	v13 =	vbroadcast v7, $0x4  }
0x176: {  	v11 =	vld [tilespmem:s3+$0x7A30]  }
0x177: {  	v12 =	vld [tilespmem:s3+$0x7F70]  }
0x178: {  	v17 =	vld [tilespmem:s3+$0x7A60]  }
0x179: {  	v18 =	vld [tilespmem:s3+$0x7A70]  }
0x17a: {  	v10 =	vbroadcast v7, $0xA;
	v9 =	vmul.f32 v9, v8;
	v19 =	vld [tilespmem:s3+$0x7A80]  }
0x17b: {  	v11 =	vmul.f32 v11, v8;
	v20 =	vld [tilespmem:s3+$0x7A90]  }
0x17c: {  	[tilespmem:s3+$0x7A20] =	vst v9;
	v21 =	vld [tilespmem:s3+$0x7AA0];
	v9 =	vmul.f32 v12, v10  }
0x17d: {  	[tilespmem:s3+$0x7A30] =	vst v11;
	v12 =	vmul.f32 v17, v8;
	v17 =	vbroadcast v7, $0x1;
	v11 =	vld [tilespmem:s3+$0x7F80]  }
0x17e: {  	v18 =	vmul.f32 v18, v8;
	[tilespmem:s3+$0x7F70] =	vst v9;
	v9 =	vld [tilespmem:s3+$0x81D0]  }
0x17f: {  	[tilespmem:s3+$0x7A60] =	vst v12;
	v19 =	vmul.f32 v19, v17;
	v12 =	vld [tilespmem:s3+$0x7F90]  }
0x180: {  	[tilespmem:s3+$0x7A70] =	vst v18;
	v18 =	vmul.f32 v20, v17;
	v20 =	vld [tilespmem:s3+$0x7AE0]  }
0x181: {  	[tilespmem:s3+$0x7A80] =	vst v19;
	v19 =	vmul.f32 v21, v17;
	v21 =	vld [tilespmem:s3+$0x7AF0]  }
0x182: {  	v16 =	vmul.f32 v16, v17;
	[tilespmem:s3+$0x7A90] =	vst v18;
	v18 =	vld [tilespmem:s3+$0x7B00]  }
0x183: {  	v14 =	vmul.f32 v14, v17;
	[tilespmem:s3+$0x7AA0] =	vst v19;
	v19 =	vld [tilespmem:s3+$0x7B10]  }
0x184: {  	v15 =	vmul.f32 v15, v17;
	[tilespmem:s3+$0x7AB0] =	vst v16;
	v16 =	vld [tilespmem:s3+$0x7B20]  }
0x185: {  	[tilespmem:s3+$0x7AC0] =	vst v14;
	v14 =	vmul.f32 v20, v17;
	v20 =	vbroadcast v7, $0x2;
	v22 =	vld [tilespmem:s3+$0x7B30]  }
0x186: {  	[tilespmem:s3+$0x7AD0] =	vst v15;
	v15 =	vmul.f32 v21, v17;
	v17 =	vld [tilespmem:s3+$0x7B40]  }
0x187: {  	[tilespmem:s3+$0x7AE0] =	vst v14;
	v14 =	vmul.f32 v18, v20;
	v18 =	vld [tilespmem:s3+$0x7B50]  }
0x188: {  	[tilespmem:s3+$0x7AF0] =	vst v15;
	v15 =	vmul.f32 v19, v20;
	v19 =	vld [tilespmem:s3+$0x7B60]  }
0x189: {  	[tilespmem:s3+$0x7B00] =	vst v14;
	v14 =	vmul.f32 v16, v20;
	v16 =	vld [tilespmem:s3+$0x7B70]  }
0x18a: {  	[tilespmem:s3+$0x7B10] =	vst v15;
	v15 =	vmul.f32 v22, v20;
	v21 =	vld [tilespmem:s3+$0x7B80]  }
0x18b: {  	[tilespmem:s3+$0x7B20] =	vst v14;
	v14 =	vmul.f32 v17, v20;
	v17 =	vld [tilespmem:s3+$0x7B90]  }
0x18c: {  	[tilespmem:s3+$0x7B30] =	vst v15;
	v15 =	vmul.f32 v18, v20;
	v18 =	vld [tilespmem:s3+$0x7BA0]  }
0x18d: {  	[tilespmem:s3+$0x7B40] =	vst v14;
	v14 =	vmul.f32 v19, v20;
	v19 =	vbroadcast v7, $0x3;
	v22 =	vld [tilespmem:s3+$0x7BB0]  }
0x18e: {  	[tilespmem:s3+$0x7B50] =	vst v15;
	v15 =	vmul.f32 v16, v20;
	v16 =	vld [tilespmem:s3+$0x7BC0]  }
0x18f: {  	[tilespmem:s3+$0x7B60] =	vst v14;
	v14 =	vmul.f32 v21, v19;
	v20 =	vld [tilespmem:s3+$0x7BD0]  }
0x190: {  	[tilespmem:s3+$0x7B70] =	vst v15;
	v15 =	vmul.f32 v17, v19;
	v17 =	vld [tilespmem:s3+$0x7BE0]  }
0x191: {  	[tilespmem:s3+$0x7B80] =	vst v14;
	v14 =	vmul.f32 v18, v19;
	v18 =	vld [tilespmem:s3+$0x7BF0]  }
0x192: {  	[tilespmem:s3+$0x7B90] =	vst v15;
	v15 =	vmul.f32 v22, v19;
	v21 =	vld [tilespmem:s3+$0x7C00]  }
0x193: {  	[tilespmem:s3+$0x7BA0] =	vst v14;
	v14 =	vmul.f32 v16, v19;
	v16 =	vld [tilespmem:s3+$0x7C10]  }
0x194: {  	[tilespmem:s3+$0x7BB0] =	vst v15;
	v15 =	vmul.f32 v20, v19;
	v20 =	vld [tilespmem:s3+$0x7C20]  }
0x195: {  	[tilespmem:s3+$0x7BC0] =	vst v14;
	v14 =	vmul.f32 v17, v19;
	v17 =	vld [tilespmem:s3+$0x7C30]  }
0x196: {  	[tilespmem:s3+$0x7BD0] =	vst v15;
	v15 =	vmul.f32 v18, v19;
	v18 =	vld [tilespmem:s3+$0x7C40]  }
0x197: {  	[tilespmem:s3+$0x7BE0] =	vst v14;
	v14 =	vmul.f32 v21, v13;
	v19 =	vld [tilespmem:s3+$0x7C50]  }
0x198: {  	[tilespmem:s3+$0x7BF0] =	vst v15;
	v15 =	vmul.f32 v16, v13;
	v16 =	vld [tilespmem:s3+$0x7C60]  }
0x199: {  	[tilespmem:s3+$0x7C00] =	vst v14;
	v14 =	vmul.f32 v20, v13;
	v20 =	vld [tilespmem:s3+$0x7C70]  }
0x19a: {  	[tilespmem:s3+$0x7C10] =	vst v15;
	v15 =	vmul.f32 v17, v13;
	v17 =	vld [tilespmem:s3+$0x7C80]  }
0x19b: {  	[tilespmem:s3+$0x7C20] =	vst v14;
	v14 =	vmul.f32 v18, v13;
	v18 =	vld [tilespmem:s3+$0x7C90]  }
0x19c: {  	[tilespmem:s3+$0x7C30] =	vst v15;
	v15 =	vmul.f32 v19, v13;
	v19 =	vld [tilespmem:s3+$0x7CA0]  }
0x19d: {  	[tilespmem:s3+$0x7C40] =	vst v14;
	v14 =	vmul.f32 v16, v13;
	v16 =	vbroadcast v7, $0x5;
	v21 =	vld [tilespmem:s3+$0x7CB0]  }
0x19e: {  	[tilespmem:s3+$0x7C50] =	vst v15;
	v13 =	vmul.f32 v20, v13;
	v15 =	vld [tilespmem:s3+$0x7CC0]  }
0x19f: {  	[tilespmem:s3+$0x7C60] =	vst v14;
	v14 =	vmul.f32 v17, v16;
	v17 =	vld [tilespmem:s3+$0x7CD0]  }
0x1a0: {  	[tilespmem:s3+$0x7C70] =	vst v13;
	v13 =	vmul.f32 v18, v16;
	v18 =	vld [tilespmem:s3+$0x7CE0]  }
0x1a1: {  	[tilespmem:s3+$0x7C80] =	vst v14;
	v14 =	vmul.f32 v19, v16;
	v19 =	vld [tilespmem:s3+$0x7CF0]  }
0x1a2: {  	[tilespmem:s3+$0x7C90] =	vst v13;
	v13 =	vmul.f32 v21, v16;
	v20 =	vld [tilespmem:s3+$0x7D00]  }
0x1a3: {  	[tilespmem:s3+$0x7CA0] =	vst v14;
	v14 =	vmul.f32 v15, v16;
	v15 =	vld [tilespmem:s3+$0x7D10]  }
0x1a4: {  	[tilespmem:s3+$0x7CB0] =	vst v13;
	v13 =	vmul.f32 v17, v16;
	v17 =	vld [tilespmem:s3+$0x7D20]  }
0x1a5: {  	[tilespmem:s3+$0x7CC0] =	vst v14;
	v14 =	vmul.f32 v18, v16;
	v18 =	vbroadcast v7, $0x6;
	v21 =	vld [tilespmem:s3+$0x7D30]  }
0x1a6: {  	[tilespmem:s3+$0x7CD0] =	vst v13;
	v13 =	vmul.f32 v19, v16;
	v16 =	vld [tilespmem:s3+$0x7D40]  }
0x1a7: {  	[tilespmem:s3+$0x7CE0] =	vst v14;
	v14 =	vmul.f32 v20, v18;
	v19 =	vld [tilespmem:s3+$0x7D50]  }
0x1a8: {  	[tilespmem:s3+$0x7CF0] =	vst v13;
	v13 =	vmul.f32 v15, v18;
	v15 =	vld [tilespmem:s3+$0x7D60]  }
0x1a9: {  	[tilespmem:s3+$0x7D00] =	vst v14;
	v14 =	vmul.f32 v17, v18;
	v17 =	vld [tilespmem:s3+$0x7D70]  }
0x1aa: {  	[tilespmem:s3+$0x7D10] =	vst v13;
	v13 =	vmul.f32 v21, v18;
	v20 =	vld [tilespmem:s3+$0x7D80]  }
0x1ab: {  	[tilespmem:s3+$0x7D20] =	vst v14;
	v14 =	vmul.f32 v16, v18;
	v16 =	vld [tilespmem:s3+$0x7D90]  }
0x1ac: {  	[tilespmem:s3+$0x7D30] =	vst v13;
	v13 =	vmul.f32 v19, v18;
	v19 =	vld [tilespmem:s3+$0x7DA0]  }
0x1ad: {  	[tilespmem:s3+$0x7D40] =	vst v14;
	v14 =	vmul.f32 v15, v18;
	v15 =	vbroadcast v7, $0x7;
	v21 =	vld [tilespmem:s3+$0x7DB0]  }
0x1ae: {  	[tilespmem:s3+$0x7D50] =	vst v13;
	v13 =	vmul.f32 v17, v18;
	v17 =	vld [tilespmem:s3+$0x7DC0]  }
0x1af: {  	[tilespmem:s3+$0x7D60] =	vst v14;
	v14 =	vmul.f32 v20, v15;
	v18 =	vld [tilespmem:s3+$0x7DD0]  }
0x1b0: {  	[tilespmem:s3+$0x7D70] =	vst v13;
	v13 =	vmul.f32 v16, v15;
	v16 =	vld [tilespmem:s3+$0x7DE0]  }
0x1b1: {  	[tilespmem:s3+$0x7D80] =	vst v14;
	v14 =	vmul.f32 v19, v15;
	v19 =	vld [tilespmem:s3+$0x7DF0]  }
0x1b2: {  	[tilespmem:s3+$0x7D90] =	vst v13;
	v13 =	vmul.f32 v21, v15;
	v20 =	vld [tilespmem:s3+$0x7E00]  }
0x1b3: {  	[tilespmem:s3+$0x7DA0] =	vst v14;
	v14 =	vmul.f32 v17, v15;
	v17 =	vld [tilespmem:s3+$0x7E10]  }
0x1b4: {  	[tilespmem:s3+$0x7DB0] =	vst v13;
	v13 =	vmul.f32 v18, v15;
	v18 =	vld [tilespmem:s3+$0x7E20]  }
0x1b5: {  	[tilespmem:s3+$0x7DC0] =	vst v14;
	v14 =	vmul.f32 v16, v15;
	v16 =	vbroadcast v7, $0x8;
	v21 =	vld [tilespmem:s3+$0x7E30]  }
0x1b6: {  	[tilespmem:s3+$0x7DD0] =	vst v13;
	v13 =	vmul.f32 v19, v15;
	v15 =	vld [tilespmem:s3+$0x7E40]  }
0x1b7: {  	[tilespmem:s3+$0x7DE0] =	vst v14;
	v14 =	vmul.f32 v20, v16;
	v19 =	vld [tilespmem:s3+$0x7E50]  }
0x1b8: {  	[tilespmem:s3+$0x7DF0] =	vst v13;
	v13 =	vmul.f32 v17, v16;
	v17 =	vld [tilespmem:s3+$0x7E60]  }
0x1b9: {  	[tilespmem:s3+$0x7E00] =	vst v14;
	v14 =	vmul.f32 v18, v16;
	v18 =	vld [tilespmem:s3+$0x7E70]  }
0x1ba: {  	[tilespmem:s3+$0x7E10] =	vst v13;
	v13 =	vmul.f32 v21, v16;
	v20 =	vld [tilespmem:s3+$0x7E80]  }
0x1bb: {  	[tilespmem:s3+$0x7E20] =	vst v14;
	v14 =	vmul.f32 v15, v16;
	v15 =	vld [tilespmem:s3+$0x7E90]  }
0x1bc: {  	[tilespmem:s3+$0x7E30] =	vst v13;
	v13 =	vmul.f32 v19, v16;
	v19 =	vld [tilespmem:s3+$0x7EA0]  }
0x1bd: {  	[tilespmem:s3+$0x7E40] =	vst v14;
	v14 =	vmul.f32 v17, v16;
	v17 =	vbroadcast v7, $0x9;
	v21 =	vld [tilespmem:s3+$0x7EB0]  }
0x1be: {  	[tilespmem:s3+$0x7E50] =	vst v13;
	v13 =	vmul.f32 v18, v16;
	v16 =	vld [tilespmem:s3+$0x7EC0]  }
0x1bf: {  	[tilespmem:s3+$0x7E60] =	vst v14;
	v14 =	vmul.f32 v20, v17;
	v18 =	vld [tilespmem:s3+$0x7ED0]  }
0x1c0: {  	[tilespmem:s3+$0x7E70] =	vst v13;
	v13 =	vmul.f32 v15, v17;
	v15 =	vld [tilespmem:s3+$0x7EE0]  }
0x1c1: {  	[tilespmem:s3+$0x7E80] =	vst v14;
	v14 =	vmul.f32 v19, v17;
	v19 =	vld [tilespmem:s3+$0x7EF0]  }
0x1c2: {  	[tilespmem:s3+$0x7E90] =	vst v13;
	v13 =	vmul.f32 v21, v17;
	v20 =	vld [tilespmem:s3+$0x7F00]  }
0x1c3: {  	[tilespmem:s3+$0x7EA0] =	vst v14;
	v14 =	vmul.f32 v16, v17;
	v16 =	vld [tilespmem:s3+$0x7F10]  }
0x1c4: {  	[tilespmem:s3+$0x7EB0] =	vst v13;
	v13 =	vmul.f32 v18, v17;
	v18 =	vld [tilespmem:s3+$0x7F20]  }
0x1c5: {  	[tilespmem:s3+$0x7EC0] =	vst v14;
	v14 =	vmul.f32 v15, v17;
	v15 =	vld [tilespmem:s3+$0x7F30]  }
0x1c6: {  	[tilespmem:s3+$0x7ED0] =	vst v13;
	v13 =	vmul.f32 v19, v17;
	v17 =	vld [tilespmem:s3+$0x7F40]  }
0x1c7: {  	[tilespmem:s3+$0x7EE0] =	vst v14;
	v14 =	vmul.f32 v20, v10;
	v19 =	vld [tilespmem:s3+$0x7F50]  }
0x1c8: {  	[tilespmem:s3+$0x7EF0] =	vst v13;
	v13 =	vmul.f32 v16, v10;
	v16 =	vld [tilespmem:s3+$0x7F60]  }
0x1c9: {  	v20 =	vld [tilespmem:s3+$0x7A00];
	[tilespmem:s3+$0x7F00] =	vst v14;
	v14 =	vmul.f32 v18, v10  }
0x1ca: {  	v18 =	vld [tilespmem:s3+$0x7A10];
	[tilespmem:s3+$0x7F10] =	vst v13;
	v13 =	vmul.f32 v15, v10  }
0x1cb: {  	v15 =	vld [tilespmem:s3+$0x7A40];
	[tilespmem:s3+$0x7F20] =	vst v14;
	v14 =	vmul.f32 v17, v10  }
0x1cc: {  	v17 =	vld [tilespmem:s3+$0x7A50];
	[tilespmem:s3+$0x7F30] =	vst v13;
	v13 =	vmul.f32 v19, v10  }
0x1cd: {  	[tilespmem:s3+$0x7F40] =	vst v14;
	v14 =	vmul.f32 v16, v10;
	v16 =	vbroadcast v7, $0xB;
	v19 =	vld [tilespmem:s3+$0x7FA0]  }
0x1ce: {  	v10 =	vbroadcast v7, $0xF;
	v20 =	vmul.f32 v8, v20;
	[tilespmem:s3+$0x7F50] =	vst v13;
	v13 =	vld [tilespmem:s3+$0x7FB0]  }
0x1cf: {  	v18 =	vmul.f32 v18, v8;
	[tilespmem:s3+$0x7F60] =	vst v14;
	v11 =	vmul.f32 v11, v16;
	v14 =	vld [tilespmem:s3+$0x7FC0]  }
0x1d0: {  	v12 =	vmul.f32 v12, v16;
	[tilespmem:s3+$0x7A00] =	vst v20;
	v15 =	vmul.f32 v15, v8;
	v20 =	vld [tilespmem:s3+$0x7FD0]  }
0x1d1: {  	v9 =	vmul.f32 v9, v10;
	v17 =	vmul.f32 v17, v8;
	[tilespmem:s3+$0x7F80] =	vst v11;
	v8 =	vld [tilespmem:s3+$0x7FE0]  }
0x1d2: {  	[tilespmem:s3+$0x7F90] =	vst v12;
	v11 =	vmul.f32 v19, v16;
	v12 =	vld [tilespmem:s3+$0x7FF0]  }
0x1d3: {  	v13 =	vmul.f32 v13, v16;
	v19 =	vld [tilespmem:s3+$0x8000];
	[tilespmem:s3+$0x81D0] =	vst v9  }
0x1d4: {  	[tilespmem:s3+$0x7A10] =	vst v18;
	v9 =	vmul.f32 v14, v16;
	v14 =	vld [tilespmem:s3+$0x8010]  }
0x1d5: {  	[tilespmem:s3+$0x7A40] =	vst v15;
	v15 =	vmul.f32 v20, v16;
	v18 =	vld [tilespmem:s3+$0x8020]  }
0x1d6: {  	v20 =	vbroadcast v7, $0xC;
	[tilespmem:s3+$0x7FA0] =	vst v11;
	v11 =	vmul.f32 v8, v16;
	v21 =	vld [tilespmem:s3+$0x8030]  }
0x1d7: {  	[tilespmem:s3+$0x7FD0] =	vst v15;
	v12 =	vmul.f32 v12, v16;
	v15 =	vld [tilespmem:s3+$0x8040]  }
0x1d8: {  	[tilespmem:s3+$0x7FB0] =	vst v13;
	v8 =	vmul.f32 v19, v20;
	v13 =	vld [tilespmem:s3+$0x8050]  }
0x1d9: {  	[tilespmem:s3+$0x7FC0] =	vst v9;
	v9 =	vmul.f32 v14, v20;
	v14 =	vld [tilespmem:s3+$0x8060]  }
0x1da: {  	[tilespmem:s3+$0x8000] =	vst v8;
	v8 =	vmul.f32 v18, v20;
	v16 =	vld [tilespmem:s3+$0x8070]  }
0x1db: {  	[tilespmem:s3+$0x8010] =	vst v9;
	v9 =	vld [tilespmem:s3+$0x8080]  }
0x1dc: {  	[tilespmem:s3+$0x7A50] =	vst v17;
	v15 =	vmul.f32 v15, v20;
	v17 =	vld [tilespmem:s3+$0x8090]  }
0x1dd: {  	[tilespmem:s3+$0x7FE0] =	vst v11;
	v11 =	vmul.f32 v13, v20;
	v13 =	vld [tilespmem:s3+$0x80A0]  }
0x1de: {  	[tilespmem:s3+$0x8040] =	vst v15;
	v14 =	vmul.f32 v14, v20;
	v15 =	vbroadcast v7, $0xD;
	v18 =	vld [tilespmem:s3+$0x80B0]  }
0x1df: {  	[tilespmem:s3+$0x8050] =	vst v11;
	v11 =	vmul.f32 v16, v20;
	v16 =	vld [tilespmem:s3+$0x80C0]  }
0x1e0: {  	[tilespmem:s3+$0x8060] =	vst v14;
	v9 =	vmul.f32 v9, v15;
	v14 =	vld [tilespmem:s3+$0x80D0]  }
0x1e1: {  	[tilespmem:s3+$0x8070] =	vst v11;
	v11 =	vmul.f32 v17, v15;
	v17 =	vld [tilespmem:s3+$0x80E0]  }
0x1e2: {  	[tilespmem:s3+$0x8080] =	vst v9;
	v9 =	vmul.f32 v13, v15;
	v13 =	vld [tilespmem:s3+$0x80F0]  }
0x1e3: {  	[tilespmem:s3+$0x8090] =	vst v11;
	v11 =	vmul.f32 v18, v15;
	v18 =	vld [tilespmem:s3+$0x8100]  }
0x1e4: {  	[tilespmem:s3+$0x80A0] =	vst v9;
	v9 =	vmul.f32 v16, v15;
	v16 =	vld [tilespmem:s3+$0x8110]  }
0x1e5: {  	[tilespmem:s3+$0x80B0] =	vst v11;
	v11 =	vmul.f32 v14, v15;
	v14 =	vld [tilespmem:s3+$0x8120]  }
0x1e6: {  	v7 =	vbroadcast v7, $0xE;
	[tilespmem:s3+$0x7FF0] =	vst v12;
	v12 =	vmul.f32 v17, v15;
	v17 =	vld [tilespmem:s3+$0x8130]  }
0x1e7: {  	[tilespmem:s3+$0x80D0] =	vst v11;
	v11 =	vmul.f32 v13, v15;
	v13 =	vld [tilespmem:s3+$0x8140]  }
0x1e8: {  	[tilespmem:s3+$0x80E0] =	vst v12;
	v12 =	vmul.f32 v18, v7;
	v15 =	vld [tilespmem:s3+$0x8150]  }
0x1e9: {  	[tilespmem:s3+$0x80F0] =	vst v11;
	v11 =	vmul.f32 v16, v7;
	v16 =	vld [tilespmem:s3+$0x8160]  }
0x1ea: {  	[tilespmem:s3+$0x8100] =	vst v12;
	v12 =	vmul.f32 v14, v7;
	v14 =	vld [tilespmem:s3+$0x8170]  }
0x1eb: {  	[tilespmem:s3+$0x8110] =	vst v11;
	v11 =	vmul.f32 v17, v7;
	v17 =	vld [tilespmem:s3+$0x8180]  }
0x1ec: {  	[tilespmem:s3+$0x8120] =	vst v12;
	v12 =	vmul.f32 v13, v7;
	v13 =	vld [tilespmem:s3+$0x8190]  }
0x1ed: {  	[tilespmem:s3+$0x8130] =	vst v11;
	v11 =	vmul.f32 v15, v7;
	v15 =	vld [tilespmem:s3+$0x81A0]  }
0x1ee: {  	[tilespmem:s3+$0x8140] =	vst v12;
	v12 =	vmul.f32 v16, v7;
	v16 =	vld [tilespmem:s3+$0x81B0]  }
0x1ef: {  	[tilespmem:s3+$0x80C0] =	vst v9;
	v7 =	vmul.f32 v14, v7;
	v9 =	vld [tilespmem:s3+$0x81C0]  }
0x1f0: {  	[tilespmem:s3+$0x8160] =	vst v12;
	v12 =	vmul.f32 v17, v10;
	v14 =	vld [tilespmem:s3+$0x81E0]  }
0x1f1: {  	[tilespmem:s3+$0x8170] =	vst v7;
	v7 =	vmul.f32 v13, v10;
	v13 =	vld [tilespmem:s3+$0x81F0]  }
0x1f2: {  	[tilespmem:s3+$0x8180] =	vst v12;
	v12 =	vmul.f32 v15, v10  }
0x1f3: {  	[tilespmem:s3+$0x8190] =	vst v7;
	v7 =	vmul.f32 v16, v10  }
0x1f4: {  	v15 =	vmul.f32 v21, v20;
	[tilespmem:s3+$0x81A0] =	vst v12  }
0x1f5: {  	[tilespmem:s3+$0x81B0] =	vst v7;
	v7 =	vmul.f32 v9, v10  }
.Ltmp3:
0x1f6: {  	[tilespmem:s3+$0x8030] =	vst v15;
	v9 =	vmul.f32 v13, v10;
	(pc) =	sbr.rel @p0 .LBB2_9-.Ltmp3, $4  }
0x1f7: {  	[tilespmem:s3+$0x81C0] =	vst v7  }
0x1f8: {  	v7 =	vmul.f32 v14, v10;
	[tilespmem:s3+$0x81F0] =	vst v9  }
0x1f9: {  	[tilespmem:s3+$0x8150] =	vst v11  }
0x1fa: {  	[tilespmem:s3+$0x81E0] =	vst v7  }
0x1fb: {  	s0 =	sadd.s32 $0x1, s0  }
0x1fc: {  	p0 =	sne.s32 s0, $0xA2  }
.Ltmp4:
0x1fd: {  	[tilespmem:s3+$0x8020] =	vst v8;
	(pc) =	sbr.rel @p0 .LBB2_8-.Ltmp4, $4  }
0x1fe: {  	[spmem:s1] =	stream.indirect.scatter.add.f32 [tilespmem:s20], [sflag:$0x2], $0x80, s23, s25, $0xb8;
	[tilespmem:$0x1FA00] =	vst v63  }
0x1ff: {  	_ =	swait.ge [sflag:s29], $0x4000  }
0x200: {  	[sflag:s29] =	ssyncset.done $0x0  }
0x201: {  	[sflag:s29] =	ssyncadd.s32 $0xFFFFC000  }
0x202: {  	[bflag:$0x0] =	sbarrier.arrive $0xFFFF;
	s0 =	stileid.u32  }
0x203: {  	[hbm4b:s11+s2] =	stream.linear.scatter [tilespmem:s24], [sflag:$0x3], $0x2800, $0x38;
	[tilespmem:$0x1FA00] =	vst v63  }
0x204: {  	s3 =	sshrl.u32 s9, $0x3;
	s30 =	sadd.s32 $0x1, s30;
	_ =	swait.ge [sflag:s18], $0x2800  }
0x205: {  	s0 =	sshll.u32 s0, $0x6;
	p0 =	sne.s32 s30, s13;
	[sflag:s18] =	ssyncset.done $0x0  }
.Ltmp5:
0x206: {  	s0 =	sor.u32 $0x1C03, s0;
	[sflag:s18] =	ssyncadd.s32 $0xFFFFD800;
	(pc) =	sbr.rel @p0 .LBB2_1-.Ltmp5, $4  }
0x207: {  	[hbm:s12], [sflag:s0] =	dma.local [spmem:s3], $0x2800  }
0x208: {  	_ =	swait.ge [sflag:s18], $0x2800  }
0x209: {  	[sflag:s18] =	ssyncset.done $0x0  }
0x20a: {  	[sflag:s18] =	ssyncadd.s32 $0xFFFFD800  }
0x20b: {  	_ =	sfence.sel $0x180000  }
0x20c: {  	[bflag:$0x0] =	sbarrier.arrive $0xFFFF  }
0x20d: {  	_ =	strace $0x90000047  }
0x20e: {  	s0 =	stileid.u32;
	[bflag:$0x2] =	sbarrier.arrive $0xFFFF  }
0x20f: {  	p0 =	sne.s32 s0, $0x0;
	s0 =	rddreg [dreg:$0x2]  }
0x210: {  	s0 =	sadd.s32 @!p0 $0x100000, s0  }
0x211: {  	[sflag:s0] =	ssyncadd.tile.s32 @!p0 $0x1;
	_ =	shalt  }
.Lfunc_end2:
_tile_overlayer_lowered:
.L_overlay_start_2:
0x212: {  	(tag) =	ssettag $0x2  }
0x213: {  	s0 =	rddreg [dreg:$0x0];
	s2 =	stileid.u32  }
0x214: {  	s1 =	rddreg [dreg:$0x1];
	p0 =	sne.s32 s2, $0x0  }
0x215: {  	s3 =	rddreg [dreg:$0x2];
	[bflag:$0x3] =	sbarrier.arrive $0xFFFF;
	s2 =	simm.s32 @!p0 $0x1C03  }
0x216: {  	[timem:s3], [sflag:s2] =	dma.local @!p0 [hbm:s0], s1  }
0x217: {  	s0 =	simm.s32 @!p0 $0x3  }
0x218: {  	_ =	swait.ge @!p0 [sflag:s0], s1  }
0x219: {  	s1 =	ssub.s32 @!p0 $0x0, s1;
	[sflag:s0] =	ssyncset.done @!p0 $0x0  }
0x21a: {  	[sflag:s0] =	ssyncadd.s32 @!p0 s1  }
0x21b: {  	[bflag:$0x3] =	sbarrier.arrive $0xFFFF  }
0x21c: {  	_ =	shalt  }

</sc_bundles>
